<compile_context>
chip_gen: v7x
topology: tpu7x:2x2x1
jax: 0.10.2.dev20260603
libtpu: 0.0.44.dev20260713+nightly
codegen_flags: <defaults>
</compile_context>

<pallas_src>
import functools

import jax
import jax.numpy as jnp
from jax import lax
from jax.experimental import pallas as pl
from jax.experimental.pallas import tpu as pltpu
from jax.experimental.pallas import tpu_sc as plsc

_NC = 2
_NS = 16
_NW = _NC * _NS
_C = 4
_L = 16


def _make_sc_kernel(n, k_nb, f_feat, chunks_per_worker):
    nf = f_feat // _L
    inv_k = 1.0 / float(k_nb)
    cw = _C * k_nb
    rpt = ((n + _NS * 8 - 1) // (_NS * 8)) * 8
    tail = n - (_NS - 1) * rpt
    assert 0 < tail <= rpt and tail % 8 == 0
    n_chunks = n // _C
    mesh = plsc.VectorSubcoreMesh(core_axis_name="c", subcore_axis_name="s")

    @functools.partial(
        pl.kernel,
        mesh=mesh,
        out_type=jax.ShapeDtypeStruct((n, 2 * f_feat), jnp.float32),
        scratch_types=[
            pltpu.VMEM_SHARED((n, f_feat), jnp.float32),
            pltpu.VMEM((chunks_per_worker * cw,), jnp.int32),
            pltpu.VMEM((cw, f_feat), jnp.float32),
            pltpu.VMEM((cw, f_feat), jnp.float32),
            pltpu.VMEM((_C, 2 * f_feat), jnp.float32),
            pltpu.VMEM((_C, 2 * f_feat), jnp.float32),
            pltpu.SemaphoreType.DMA,
            pltpu.SemaphoreType.DMA,
            pltpu.SemaphoreType.DMA,
            pltpu.SemaphoreType.DMA,
        ],
    )
    def sc_kernel(x_hbm, idxs_hbm, out_hbm, xs_shared, idx_all, rows0, rows1,
                  out_v0, out_v1, sem_g0, sem_g1, sem_o0, sem_o1):
        sid = lax.axis_index("s")
        wid = sid * _NC + lax.axis_index("c")
        chunk0 = jnp.minimum(wid * chunks_per_worker,
                             n_chunks - chunks_per_worker)

        pltpu.async_copy(
            idxs_hbm.at[pl.ds(chunk0 * cw, chunks_per_worker * cw)],
            idx_all, sem_g1)

        @pl.when(sid < _NS - 1)
        def _():
            pltpu.sync_copy(x_hbm.at[pl.ds(sid * rpt, rpt)],
                            xs_shared.at[pl.ds(sid * rpt, rpt)])

        @pl.when(sid == _NS - 1)
        def _():
            pltpu.sync_copy(x_hbm.at[pl.ds((_NS - 1) * rpt, tail)],
                            xs_shared.at[pl.ds((_NS - 1) * rpt, tail)])

        pltpu.make_async_copy(
            idxs_hbm.at[pl.ds(chunk0 * cw, chunks_per_worker * cw)],
            idx_all, sem_g1).wait()
        plsc.subcore_barrier()

        def start_gather(ci, rows, sem):
            pltpu.async_copy(xs_shared.at[idx_all.at[pl.ds(ci * cw, cw)]],
                             rows, sem)

        def compute_chunk(ci, rows, out_v, sem_o):
            zero = jnp.zeros((_L,), jnp.float32)
            ninf = jnp.full((_L,), -jnp.inf, jnp.float32)
            for v in range(_C):
                r0 = v * k_nb

                def k_body(kq, acc, r0=r0):
                    sums, maxs = acc
                    for dk in range(4):
                        r = r0 + kq * 4 + dk
                        vals = [rows[r, pl.ds(f * _L, _L)] for f in range(nf)]
                        sums = tuple(s + x for s, x in zip(sums, vals))
                        maxs = tuple(jnp.maximum(m, x)
                                     for m, x in zip(maxs, vals))
                    return sums, maxs

                sums, maxs = lax.fori_loop(
                    0, k_nb // 4, k_body, ((zero,) * nf, (ninf,) * nf))
                for f in range(nf):
                    out_v[v, pl.ds(f * _L, _L)] = sums[f] * inv_k
                    out_v[v, pl.ds(f_feat + f * _L, _L)] = maxs[f]
            base = (chunk0 + ci) * _C
            pltpu.async_copy(out_v, out_hbm.at[pl.ds(base, _C)], sem_o)

        start_gather(0, rows0, sem_g0)

        def pair_body(i, carry):
            ci0 = i * 2
            start_gather(ci0 + 1, rows1, sem_g1)
            pltpu.make_async_copy(
                xs_shared.at[idx_all.at[pl.ds(0, cw)]], rows0, sem_g0).wait()

            @pl.when(i > 0)
            def _():
                pltpu.make_async_copy(out_v0, out_hbm.at[pl.ds(0, _C)],
                                      sem_o0).wait()
            compute_chunk(ci0, rows0, out_v0, sem_o0)

            @pl.when(ci0 + 2 < chunks_per_worker)
            def _():
                start_gather(ci0 + 2, rows0, sem_g0)
            pltpu.make_async_copy(
                xs_shared.at[idx_all.at[pl.ds(0, cw)]], rows1, sem_g1).wait()

            @pl.when(i > 0)
            def _():
                pltpu.make_async_copy(out_v1, out_hbm.at[pl.ds(0, _C)],
                                      sem_o1).wait()
            compute_chunk(ci0 + 1, rows1, out_v1, sem_o1)
            return carry

        lax.fori_loop(0, chunks_per_worker // 2, pair_body, 0)

        if chunks_per_worker % 2:
            last = chunks_per_worker - 1
            pltpu.make_async_copy(
                xs_shared.at[idx_all.at[pl.ds(0, cw)]], rows0, sem_g0).wait()
            pltpu.make_async_copy(out_v0, out_hbm.at[pl.ds(0, _C)],
                                  sem_o0).wait()
            compute_chunk(last, rows0, out_v0, sem_o0)

        pltpu.make_async_copy(out_v0, out_hbm.at[pl.ds(0, _C)], sem_o0).wait()
        pltpu.make_async_copy(out_v1, out_hbm.at[pl.ds(0, _C)], sem_o1).wait()

    return sc_kernel


def kernel(x, idxs):
    n, f_feat = x.shape
    k_nb = idxs.shape[1]
    assert k_nb % 4 == 0 and f_feat % _L == 0 and n % _C == 0
    n_chunks = n // _C
    chunks_per_worker = (n_chunks + _NW - 1) // _NW
    assert n_chunks >= chunks_per_worker and chunks_per_worker >= 2

    sc_kernel = _make_sc_kernel(n, k_nb, f_feat, chunks_per_worker)
    return sc_kernel(x, idxs.reshape(-1))

# --- scband reference (transcript-rebuilt; emitter-appended) ---
"""Pipeline reference for scband-collect-neighbour-average-and-max-36094905155953 (READ-ONLY COPY).

The authoritative reference and input builder live on the scoring server;
editing this copy changes nothing except your own understanding.
"""

import jax, jax.numpy as jnp
import numpy as np

N = 10000
K = 32
F = 128

def setup_inputs(seed: int = 0) -> dict:
    key = jax.random.key(seed)
    kx, ki = jax.random.split(key)
    x = jax.random.normal(kx, (N, F), dtype=jnp.float32)
    idxs = jax.random.randint(ki, (N, K), 0, N, dtype=jnp.int32)
    return {"x": x, "idxs": idxs}

def reference(x, idxs):
    # Faithful translation of AccumulateKnn(distances=0, x, idxs) with mean_and_max:
    # weights w = exp(-10 * d); here d = idxs*0 -> w = 1 for all neighbours.
    # mean: sum over K weighted neighbour features, divided by K (not by actual count)
    # max:  elementwise max over the K weighted neighbour features
    distances = jnp.asarray(idxs * 0, dtype=jnp.float32)  # [N, K]
    w = jnp.exp(-10.0 * distances)                        # [N, K] == 1.0
    gathered = jnp.take(x, idxs, axis=0)                  # [N, K, F] gather
    weighted = gathered * w[:, :, None]                   # [N, K, F]
    mean_part = jnp.sum(weighted, axis=1) / float(K)      # [N, F]
    max_part = jnp.max(weighted, axis=1)                  # [N, F]
    f = jnp.concatenate([mean_part, max_part], axis=-1)   # [N, 2F]
    return jnp.reshape(f, (-1, 2 * x.shape[-1]))

if __name__ == "__main__":
    import jax
    _d = setup_inputs()
    print(jax.jit(kernel)(*tuple(_d.values())))

</pallas_src>

<mosaic_0001>
#map = affine_map<(d0, d1) -> (0, 0)>
#map1 = affine_map<(d0, d1) -> (0)>
module attributes {stable_mosaic.version = 14 : i64} {
  func.func @sc_kernel(%arg0: i32, %arg1: i32, %arg2: memref<10000x128xf32, #tpu.memory_space<hbm>>, %arg3: memref<320000xi32, #tpu.memory_space<hbm>>, %arg4: memref<10000x256xf32, #tpu.memory_space<hbm>>, %arg5: memref<10000x128xf32, #tpu.memory_space<vmem_shared>>, %arg6: memref<10112xi32, #tpu.memory_space<vmem>>, %arg7: memref<128x128xf32, #tpu.memory_space<vmem>>, %arg8: memref<128x128xf32, #tpu.memory_space<vmem>>, %arg9: memref<4x256xf32, #tpu.memory_space<vmem>>, %arg10: memref<4x256xf32, #tpu.memory_space<vmem>>, %arg11: memref<!tpu.dma_semaphore, #tpu.memory_space<semaphore_mem>>, %arg12: memref<!tpu.dma_semaphore, #tpu.memory_space<semaphore_mem>>, %arg13: memref<!tpu.dma_semaphore, #tpu.memory_space<semaphore_mem>>, %arg14: memref<!tpu.dma_semaphore, #tpu.memory_space<semaphore_mem>>) attributes {dimension_semantics = [#tpu.dimension_semantics<core_parallel>, #tpu.dimension_semantics<subcore_parallel>], iteration_bounds = array<i64: 2, 16>, scalar_prefetch = 0 : i64, scratch_operands = 10 : i64, tpu.core_type = #tpu.core_type<sc_vector_subcore>, window_params = [{transform_indices = #map}, {transform_indices = #map1}, {transform_indices = #map}]} {
    %mul3A = arith.constant 2 : i32
    %mul3A_0 = arith.muli %arg1, %mul3A : i32
    %add3A = arith.addi %mul3A_0, %arg0 : i32
    %mul3A_1 = arith.constant 79 : i32
    %mul3A_2 = arith.muli %add3A, %mul3A_1 : i32
    %min3A = arith.constant 2421 : i32
    %min3A_3 = arith.minsi %mul3A_2, %min3A : i32
    %mul3A_4 = arith.constant 128 : i32
    %mul3A_5 = arith.muli %min3A_3, %mul3A_4 : i32
    %dma_start3A = tpu.memref_slice %arg3[%mul3A_5] : memref<320000xi32, #tpu.memory_space<hbm>> -> memref<10112xi32, #tpu.memory_space<hbm>>
    %dma_start3A_6 = tpu.memref_slice %arg3[%mul3A_5] : memref<320000xi32, #tpu.memory_space<hbm>> -> memref<10112xi32, #tpu.memory_space<hbm>>
    tpu.enqueue_dma source(%dma_start3A_6 : memref<10112xi32, #tpu.memory_space<hbm>>) target(%arg6 : memref<10112xi32, #tpu.memory_space<vmem>>) target_semaphore(%arg12 : memref<!tpu.dma_semaphore, #tpu.memory_space<semaphore_mem>>)
    %lt3A = arith.constant 15 : i32
    %lt3A_7 = arith.cmpi slt, %arg1, %lt3A : i32
    %convert_element_type3A = arith.extui %lt3A_7 : i1 to i32
    %cond3A = arith.constant 0 : i32
    %cond3A_8 = arith.cmpi ne, %convert_element_type3A, %cond3A : i32
    scf.if %cond3A_8 {
      %mul3A_563 = arith.constant 632 : i32
      %mul3A_564 = arith.muli %arg1, %mul3A_563 : i32
      %mul3A_565 = arith.constant 632 : i32
      %mul3A_566 = arith.muli %arg1, %mul3A_565 : i32
      "tpu.region"() ({
        %run_scoped3A = tpu.sem_alloc : memref<!tpu.dma_semaphore, #tpu.memory_space<semaphore_mem>>
        %dma_start3A_567 = arith.constant 0 : i32
        %dma_start3A_568 = tpu.memref_slice %arg5[%mul3A_566, %dma_start3A_567] : memref<10000x128xf32, #tpu.memory_space<vmem_shared>> -> memref<632x128xf32, #tpu.memory_space<vmem_shared>>
        %dma_start3A_569 = arith.constant 0 : i32
        %dma_start3A_570 = tpu.memref_slice %arg2[%mul3A_564, %dma_start3A_569] : memref<10000x128xf32, #tpu.memory_space<hbm>> -> memref<632x128xf32, #tpu.memory_space<hbm>>
        tpu.enqueue_dma source(%dma_start3A_570 : memref<632x128xf32, #tpu.memory_space<hbm>>) target(%dma_start3A_568 : memref<632x128xf32, #tpu.memory_space<vmem_shared>>) target_semaphore(%run_scoped3A : memref<!tpu.dma_semaphore, #tpu.memory_space<semaphore_mem>>)
        %dma_wait3A_571 = arith.constant 0 : i32
        %dma_wait3A_572 = tpu.memref_slice %arg5[%mul3A_566, %dma_wait3A_571] : memref<10000x128xf32, #tpu.memory_space<vmem_shared>> -> memref<632x128xf32, #tpu.memory_space<vmem_shared>>
        %dma_wait3A_573 = arith.constant 0 : i32
        %dma_wait3A_574 = tpu.memref_slice %arg2[%mul3A_564, %dma_wait3A_573] : memref<10000x128xf32, #tpu.memory_space<hbm>> -> memref<632x128xf32, #tpu.memory_space<hbm>>
        tpu.wait_dma2 semaphore(%run_scoped3A : memref<!tpu.dma_semaphore, #tpu.memory_space<semaphore_mem>>) src(%dma_wait3A_574 : memref<632x128xf32, #tpu.memory_space<hbm>>) dst(%dma_wait3A_572 : memref<632x128xf32, #tpu.memory_space<vmem_shared>>)
        tpu.yield
      }) : () -> ()
    } else {
    }
    %eq3A = arith.constant 15 : i32
    %eq3A_9 = arith.cmpi eq, %arg1, %eq3A : i32
    %convert_element_type3A_10 = arith.extui %eq3A_9 : i1 to i32
    %cond3A_11 = arith.constant 0 : i32
    %cond3A_12 = arith.cmpi ne, %convert_element_type3A_10, %cond3A_11 : i32
    scf.if %cond3A_12 {
      "tpu.region"() ({
        %run_scoped3A = tpu.sem_alloc : memref<!tpu.dma_semaphore, #tpu.memory_space<semaphore_mem>>
        %dma_start3A_563 = arith.constant 9480 : i32
        %dma_start3A_564 = arith.constant 0 : i32
        %dma_start3A_565 = tpu.memref_slice %arg5[%dma_start3A_563, %dma_start3A_564] : memref<10000x128xf32, #tpu.memory_space<vmem_shared>> -> memref<520x128xf32, #tpu.memory_space<vmem_shared>>
        %dma_start3A_566 = arith.constant 9480 : i32
        %dma_start3A_567 = arith.constant 0 : i32
        %dma_start3A_568 = tpu.memref_slice %arg2[%dma_start3A_566, %dma_start3A_567] : memref<10000x128xf32, #tpu.memory_space<hbm>> -> memref<520x128xf32, #tpu.memory_space<hbm>>
        tpu.enqueue_dma source(%dma_start3A_568 : memref<520x128xf32, #tpu.memory_space<hbm>>) target(%dma_start3A_565 : memref<520x128xf32, #tpu.memory_space<vmem_shared>>) target_semaphore(%run_scoped3A : memref<!tpu.dma_semaphore, #tpu.memory_space<semaphore_mem>>)
        %dma_wait3A_569 = arith.constant 9480 : i32
        %dma_wait3A_570 = arith.constant 0 : i32
        %dma_wait3A_571 = tpu.memref_slice %arg5[%dma_wait3A_569, %dma_wait3A_570] : memref<10000x128xf32, #tpu.memory_space<vmem_shared>> -> memref<520x128xf32, #tpu.memory_space<vmem_shared>>
        %dma_wait3A_572 = arith.constant 9480 : i32
        %dma_wait3A_573 = arith.constant 0 : i32
        %dma_wait3A_574 = tpu.memref_slice %arg2[%dma_wait3A_572, %dma_wait3A_573] : memref<10000x128xf32, #tpu.memory_space<hbm>> -> memref<520x128xf32, #tpu.memory_space<hbm>>
        tpu.wait_dma2 semaphore(%run_scoped3A : memref<!tpu.dma_semaphore, #tpu.memory_space<semaphore_mem>>) src(%dma_wait3A_574 : memref<520x128xf32, #tpu.memory_space<hbm>>) dst(%dma_wait3A_571 : memref<520x128xf32, #tpu.memory_space<vmem_shared>>)
        tpu.yield
      }) : () -> ()
    } else {
    }
    %mul3A_13 = arith.constant 128 : i32
    %mul3A_14 = arith.muli %min3A_3, %mul3A_13 : i32
    %dma_wait3A = tpu.memref_slice %arg3[%mul3A_14] : memref<320000xi32, #tpu.memory_space<hbm>> -> memref<10112xi32, #tpu.memory_space<hbm>>
    %dma_wait3A_15 = tpu.memref_slice %arg3[%mul3A_14] : memref<320000xi32, #tpu.memory_space<hbm>> -> memref<10112xi32, #tpu.memory_space<hbm>>
    tpu.wait_dma2 semaphore(%arg12 : memref<!tpu.dma_semaphore, #tpu.memory_space<semaphore_mem>>) src(%dma_wait3A_15 : memref<10112xi32, #tpu.memory_space<hbm>>) dst(%arg6 : memref<10112xi32, #tpu.memory_space<vmem>>)
    %barrier3A = arith.constant 0 : index
    tpu.barrier barrier_id(%barrier3A)
    %dma_start3A_16 = arith.constant 0 : i32
    %dma_start3A_17 = tpu.memref_slice %arg6[%dma_start3A_16] : memref<10112xi32, #tpu.memory_space<vmem>> -> memref<128xi32, #tpu.memory_space<vmem>>
    %dma_start3A_18 = arith.constant 0 : i32
    %dma_start3A_19 = arith.constant 0 : i32
    %dma_start3A_20 = tpu.memref_slice %arg5[%dma_start3A_18, %dma_start3A_19] : memref<10000x128xf32, #tpu.memory_space<vmem_shared>> -> memref<10000x128xf32, #tpu.memory_space<vmem_shared>>
    tpu.enqueue_indirect_dma source(%dma_start3A_20 : memref<10000x128xf32, #tpu.memory_space<vmem_shared>>) target(%arg7 : memref<128x128xf32, #tpu.memory_space<vmem>>) offsets(%dma_start3A_17 : memref<128xi32, #tpu.memory_space<vmem>>) semaphore(%arg11 : memref<!tpu.dma_semaphore, #tpu.memory_space<semaphore_mem>>)
    %scan3A = arith.constant 0 : i32
    %scan3A_21 = arith.constant 0 : i32
    %scan3A_22 = arith.constant 39 : i32
    %scan3A_23 = arith.addi %scan3A_21, %scan3A_22 : i32
    %scan3A_24 = arith.constant 1 : i32
    scf.for %scan3A_563 = %scan3A_21 to %scan3A_23 step %scan3A_24  : i32 {
      %mul3A_564 = arith.constant 2 : i32
      %mul3A_565 = arith.muli %scan3A_563, %mul3A_564 : i32
      %add3A_566 = arith.constant 1 : i32
      %add3A_567 = arith.addi %mul3A_565, %add3A_566 : i32
      %mul3A_568 = arith.constant 128 : i32
      %mul3A_569 = arith.muli %add3A_567, %mul3A_568 : i32
      %dma_start3A_570 = tpu.memref_slice %arg6[%mul3A_569] : memref<10112xi32, #tpu.memory_space<vmem>> -> memref<128xi32, #tpu.memory_space<vmem>>
      %dma_start3A_571 = arith.constant 0 : i32
      %dma_start3A_572 = arith.constant 0 : i32
      %dma_start3A_573 = tpu.memref_slice %arg5[%dma_start3A_571, %dma_start3A_572] : memref<10000x128xf32, #tpu.memory_space<vmem_shared>> -> memref<10000x128xf32, #tpu.memory_space<vmem_shared>>
      tpu.enqueue_indirect_dma source(%dma_start3A_573 : memref<10000x128xf32, #tpu.memory_space<vmem_shared>>) target(%arg8 : memref<128x128xf32, #tpu.memory_space<vmem>>) offsets(%dma_start3A_570 : memref<128xi32, #tpu.memory_space<vmem>>) semaphore(%arg12 : memref<!tpu.dma_semaphore, #tpu.memory_space<semaphore_mem>>)
      %dma_wait3A_574 = arith.constant 0 : i32
      %dma_wait3A_575 = tpu.memref_slice %arg6[%dma_wait3A_574] : memref<10112xi32, #tpu.memory_space<vmem>> -> memref<128xi32, #tpu.memory_space<vmem>>
      %dma_wait3A_576 = arith.constant 0 : i32
      %dma_wait3A_577 = arith.constant 0 : i32
      %dma_wait3A_578 = tpu.memref_slice %arg5[%dma_wait3A_576, %dma_wait3A_577] : memref<10000x128xf32, #tpu.memory_space<vmem_shared>> -> memref<10000x128xf32, #tpu.memory_space<vmem_shared>>
      tpu.wait_indirect_dma semaphore(%arg11 : memref<!tpu.dma_semaphore, #tpu.memory_space<semaphore_mem>>) src(%dma_wait3A_578 : memref<10000x128xf32, #tpu.memory_space<vmem_shared>>) dst(%arg7 : memref<128x128xf32, #tpu.memory_space<vmem>>)
      %gt3A = arith.constant 0 : i32
      %gt3A_579 = arith.cmpi sgt, %scan3A_563, %gt3A : i32
      %convert_element_type3A_580 = arith.extui %gt3A_579 : i1 to i32
      %cond3A_581 = arith.constant 0 : i32
      %cond3A_582 = arith.cmpi ne, %convert_element_type3A_580, %cond3A_581 : i32
      scf.if %cond3A_582 {
        %dma_wait3A_1632 = arith.constant 0 : i32
        %dma_wait3A_1633 = arith.constant 0 : i32
        %dma_wait3A_1634 = tpu.memref_slice %arg4[%dma_wait3A_1632, %dma_wait3A_1633] : memref<10000x256xf32, #tpu.memory_space<hbm>> -> memref<4x256xf32, #tpu.memory_space<hbm>>
        %dma_wait3A_1635 = arith.constant 0 : i32
        %dma_wait3A_1636 = arith.constant 0 : i32
        %dma_wait3A_1637 = tpu.memref_slice %arg4[%dma_wait3A_1635, %dma_wait3A_1636] : memref<10000x256xf32, #tpu.memory_space<hbm>> -> memref<4x256xf32, #tpu.memory_space<hbm>>
        tpu.wait_dma2 semaphore(%arg13 : memref<!tpu.dma_semaphore, #tpu.memory_space<semaphore_mem>>) src(%arg9 : memref<4x256xf32, #tpu.memory_space<vmem>>) dst(%dma_wait3A_1637 : memref<4x256xf32, #tpu.memory_space<hbm>>)
      } else {
      }
      %broadcast_in_dim3A_583 = arith.constant 0.000000e+00 : f32
      %broadcast_in_dim3A_584 = vector.broadcast %broadcast_in_dim3A_583 : f32 to vector<16xf32>
      %broadcast_in_dim3A_585 = arith.constant 0xFF800000 : f32
      %broadcast_in_dim3A_586 = vector.broadcast %broadcast_in_dim3A_585 : f32 to vector<16xf32>
      %scan3A_587 = arith.constant 0 : i32
      %scan3A_588 = arith.constant 8 : i32
      %scan3A_589 = arith.addi %scan3A_587, %scan3A_588 : i32
      %scan3A_590 = arith.constant 1 : i32
      %scan3A_591:16 = scf.for %scan3A_1632 = %scan3A_587 to %scan3A_589 step %scan3A_590 iter_args(%scan3A_1633 = %broadcast_in_dim3A_584, %scan3A_1634 = %broadcast_in_dim3A_584, %scan3A_1635 = %broadcast_in_dim3A_584, %scan3A_1636 = %broadcast_in_dim3A_584, %scan3A_1637 = %broadcast_in_dim3A_584, %scan3A_1638 = %broadcast_in_dim3A_584, %scan3A_1639 = %broadcast_in_dim3A_584, %scan3A_1640 = %broadcast_in_dim3A_584, %scan3A_1641 = %broadcast_in_dim3A_586, %scan3A_1642 = %broadcast_in_dim3A_586, %scan3A_1643 = %broadcast_in_dim3A_586, %scan3A_1644 = %broadcast_in_dim3A_586, %scan3A_1645 = %broadcast_in_dim3A_586, %scan3A_1646 = %broadcast_in_dim3A_586, %scan3A_1647 = %broadcast_in_dim3A_586, %scan3A_1648 = %broadcast_in_dim3A_586) -> (vector<16xf32>, vector<16xf32>, vector<16xf32>, vector<16xf32>, vector<16xf32>, vector<16xf32>, vector<16xf32>, vector<16xf32>, vector<16xf32>, vector<16xf32>, vector<16xf32>, vector<16xf32>, vector<16xf32>, vector<16xf32>, vector<16xf32>, vector<16xf32>)  : i32 {
        %mul3A_1649 = arith.constant 4 : i32
        %mul3A_1650 = arith.muli %scan3A_1632, %mul3A_1649 : i32
        %add3A_1651 = arith.constant 0 : i32
        %add3A_1652 = arith.addi %add3A_1651, %mul3A_1650 : i32
        %add3A_1653 = arith.constant 0 : i32
        %add3A_1654 = arith.addi %add3A_1652, %add3A_1653 : i32
        %get3A = arith.index_cast %add3A_1654 : i32 to index
        %get3A_1655 = arith.constant 0 : index
        %get3A_1656 = tpu.vector_load %arg7[%get3A, %get3A_1655] {strides = array<i32>} : memref<128x128xf32, #tpu.memory_space<vmem>>, vector<1x16xf32>,
        %get3A_1657 = vector.shape_cast %get3A_1656 : vector<1x16xf32> to vector<16xf32>
        %get3A_1658 = arith.index_cast %add3A_1654 : i32 to index
        %get3A_1659 = arith.constant 16 : index
        %get3A_1660 = tpu.vector_load %arg7[%get3A_1658, %get3A_1659] {strides = array<i32>} : memref<128x128xf32, #tpu.memory_space<vmem>>, vector<1x16xf32>,
        %get3A_1661 = vector.shape_cast %get3A_1660 : vector<1x16xf32> to vector<16xf32>
        %get3A_1662 = arith.index_cast %add3A_1654 : i32 to index
        %get3A_1663 = arith.constant 32 : index
        %get3A_1664 = tpu.vector_load %arg7[%get3A_1662, %get3A_1663] {strides = array<i32>} : memref<128x128xf32, #tpu.memory_space<vmem>>, vector<1x16xf32>,
        %get3A_1665 = vector.shape_cast %get3A_1664 : vector<1x16xf32> to vector<16xf32>
        %get3A_1666 = arith.index_cast %add3A_1654 : i32 to index
        %get3A_1667 = arith.constant 48 : index
        %get3A_1668 = tpu.vector_load %arg7[%get3A_1666, %get3A_1667] {strides = array<i32>} : memref<128x128xf32, #tpu.memory_space<vmem>>, vector<1x16xf32>,
        %get3A_1669 = vector.shape_cast %get3A_1668 : vector<1x16xf32> to vector<16xf32>
        %get3A_1670 = arith.index_cast %add3A_1654 : i32 to index
        %get3A_1671 = arith.constant 64 : index
        %get3A_1672 = tpu.vector_load %arg7[%get3A_1670, %get3A_1671] {strides = array<i32>} : memref<128x128xf32, #tpu.memory_space<vmem>>, vector<1x16xf32>,
        %get3A_1673 = vector.shape_cast %get3A_1672 : vector<1x16xf32> to vector<16xf32>
        %get3A_1674 = arith.index_cast %add3A_1654 : i32 to index
        %get3A_1675 = arith.constant 80 : index
        %get3A_1676 = tpu.vector_load %arg7[%get3A_1674, %get3A_1675] {strides = array<i32>} : memref<128x128xf32, #tpu.memory_space<vmem>>, vector<1x16xf32>,
        %get3A_1677 = vector.shape_cast %get3A_1676 : vector<1x16xf32> to vector<16xf32>
        %get3A_1678 = arith.index_cast %add3A_1654 : i32 to index
        %get3A_1679 = arith.constant 96 : index
        %get3A_1680 = tpu.vector_load %arg7[%get3A_1678, %get3A_1679] {strides = array<i32>} : memref<128x128xf32, #tpu.memory_space<vmem>>, vector<1x16xf32>,
        %get3A_1681 = vector.shape_cast %get3A_1680 : vector<1x16xf32> to vector<16xf32>
        %get3A_1682 = arith.index_cast %add3A_1654 : i32 to index
        %get3A_1683 = arith.constant 112 : index
        %get3A_1684 = tpu.vector_load %arg7[%get3A_1682, %get3A_1683] {strides = array<i32>} : memref<128x128xf32, #tpu.memory_space<vmem>>, vector<1x16xf32>,
        %get3A_1685 = vector.shape_cast %get3A_1684 : vector<1x16xf32> to vector<16xf32>
        %add3A_1686 = arith.addf %scan3A_1633, %get3A_1657 : vector<16xf32>
        %add3A_1687 = arith.addf %scan3A_1634, %get3A_1661 : vector<16xf32>
        %add3A_1688 = arith.addf %scan3A_1635, %get3A_1665 : vector<16xf32>
        %add3A_1689 = arith.addf %scan3A_1636, %get3A_1669 : vector<16xf32>
        %add3A_1690 = arith.addf %scan3A_1637, %get3A_1673 : vector<16xf32>
        %add3A_1691 = arith.addf %scan3A_1638, %get3A_1677 : vector<16xf32>
        %add3A_1692 = arith.addf %scan3A_1639, %get3A_1681 : vector<16xf32>
        %add3A_1693 = arith.addf %scan3A_1640, %get3A_1685 : vector<16xf32>
        %max3A = arith.maximumf %scan3A_1641, %get3A_1657 : vector<16xf32>
        %max3A_1694 = arith.maximumf %scan3A_1642, %get3A_1661 : vector<16xf32>
        %max3A_1695 = arith.maximumf %scan3A_1643, %get3A_1665 : vector<16xf32>
        %max3A_1696 = arith.maximumf %scan3A_1644, %get3A_1669 : vector<16xf32>
        %max3A_1697 = arith.maximumf %scan3A_1645, %get3A_1673 : vector<16xf32>
        %max3A_1698 = arith.maximumf %scan3A_1646, %get3A_1677 : vector<16xf32>
        %max3A_1699 = arith.maximumf %scan3A_1647, %get3A_1681 : vector<16xf32>
        %max3A_1700 = arith.maximumf %scan3A_1648, %get3A_1685 : vector<16xf32>
        %mul3A_1701 = arith.constant 4 : i32
        %mul3A_1702 = arith.muli %scan3A_1632, %mul3A_1701 : i32
        %add3A_1703 = arith.constant 0 : i32
        %add3A_1704 = arith.addi %add3A_1703, %mul3A_1702 : i32
        %add3A_1705 = arith.constant 1 : i32
        %add3A_1706 = arith.addi %add3A_1704, %add3A_1705 : i32
        %get3A_1707 = arith.index_cast %add3A_1706 : i32 to index
        %get3A_1708 = arith.constant 0 : index
        %get3A_1709 = tpu.vector_load %arg7[%get3A_1707, %get3A_1708] {strides = array<i32>} : memref<128x128xf32, #tpu.memory_space<vmem>>, vector<1x16xf32>,
        %get3A_1710 = vector.shape_cast %get3A_1709 : vector<1x16xf32> to vector<16xf32>
        %get3A_1711 = arith.index_cast %add3A_1706 : i32 to index
        %get3A_1712 = arith.constant 16 : index
        %get3A_1713 = tpu.vector_load %arg7[%get3A_1711, %get3A_1712] {strides = array<i32>} : memref<128x128xf32, #tpu.memory_space<vmem>>, vector<1x16xf32>,
        %get3A_1714 = vector.shape_cast %get3A_1713 : vector<1x16xf32> to vector<16xf32>
        %get3A_1715 = arith.index_cast %add3A_1706 : i32 to index
        %get3A_1716 = arith.constant 32 : index
        %get3A_1717 = tpu.vector_load %arg7[%get3A_1715, %get3A_1716] {strides = array<i32>} : memref<128x128xf32, #tpu.memory_space<vmem>>, vector<1x16xf32>,
        %get3A_1718 = vector.shape_cast %get3A_1717 : vector<1x16xf32> to vector<16xf32>
        %get3A_1719 = arith.index_cast %add3A_1706 : i32 to index
        %get3A_1720 = arith.constant 48 : index
        %get3A_1721 = tpu.vector_load %arg7[%get3A_1719, %get3A_1720] {strides = array<i32>} : memref<128x128xf32, #tpu.memory_space<vmem>>, vector<1x16xf32>,
        %get3A_1722 = vector.shape_cast %get3A_1721 : vector<1x16xf32> to vector<16xf32>
        %get3A_1723 = arith.index_cast %add3A_1706 : i32 to index
        %get3A_1724 = arith.constant 64 : index
        %get3A_1725 = tpu.vector_load %arg7[%get3A_1723, %get3A_1724] {strides = array<i32>} : memref<128x128xf32, #tpu.memory_space<vmem>>, vector<1x16xf32>,
        %get3A_1726 = vector.shape_cast %get3A_1725 : vector<1x16xf32> to vector<16xf32>
        %get3A_1727 = arith.index_cast %add3A_1706 : i32 to index
        %get3A_1728 = arith.constant 80 : index
        %get3A_1729 = tpu.vector_load %arg7[%get3A_1727, %get3A_1728] {strides = array<i32>} : memref<128x128xf32, #tpu.memory_space<vmem>>, vector<1x16xf32>,
        %get3A_1730 = vector.shape_cast %get3A_1729 : vector<1x16xf32> to vector<16xf32>
        %get3A_1731 = arith.index_cast %add3A_1706 : i32 to index
        %get3A_1732 = arith.constant 96 : index
        %get3A_1733 = tpu.vector_load %arg7[%get3A_1731, %get3A_1732] {strides = array<i32>} : memref<128x128xf32, #tpu.memory_space<vmem>>, vector<1x16xf32>,
        %get3A_1734 = vector.shape_cast %get3A_1733 : vector<1x16xf32> to vector<16xf32>
        %get3A_1735 = arith.index_cast %add3A_1706 : i32 to index
        %get3A_1736 = arith.constant 112 : index
        %get3A_1737 = tpu.vector_load %arg7[%get3A_1735, %get3A_1736] {strides = array<i32>} : memref<128x128xf32, #tpu.memory_space<vmem>>, vector<1x16xf32>,
        %get3A_1738 = vector.shape_cast %get3A_1737 : vector<1x16xf32> to vector<16xf32>
        %add3A_1739 = arith.addf %add3A_1686, %get3A_1710 : vector<16xf32>
        %add3A_1740 = arith.addf %add3A_1687, %get3A_1714 : vector<16xf32>
        %add3A_1741 = arith.addf %add3A_1688, %get3A_1718 : vector<16xf32>
        %add3A_1742 = arith.addf %add3A_1689, %get3A_1722 : vector<16xf32>
        %add3A_1743 = arith.addf %add3A_1690, %get3A_1726 : vector<16xf32>
        %add3A_1744 = arith.addf %add3A_1691, %get3A_1730 : vector<16xf32>
        %add3A_1745 = arith.addf %add3A_1692, %get3A_1734 : vector<16xf32>
        %add3A_1746 = arith.addf %add3A_1693, %get3A_1738 : vector<16xf32>
        %max3A_1747 = arith.maximumf %max3A, %get3A_1710 : vector<16xf32>
        %max3A_1748 = arith.maximumf %max3A_1694, %get3A_1714 : vector<16xf32>
        %max3A_1749 = arith.maximumf %max3A_1695, %get3A_1718 : vector<16xf32>
        %max3A_1750 = arith.maximumf %max3A_1696, %get3A_1722 : vector<16xf32>
        %max3A_1751 = arith.maximumf %max3A_1697, %get3A_1726 : vector<16xf32>
        %max3A_1752 = arith.maximumf %max3A_1698, %get3A_1730 : vector<16xf32>
        %max3A_1753 = arith.maximumf %max3A_1699, %get3A_1734 : vector<16xf32>
        %max3A_1754 = arith.maximumf %max3A_1700, %get3A_1738 : vector<16xf32>
        %mul3A_1755 = arith.constant 4 : i32
        %mul3A_1756 = arith.muli %scan3A_1632, %mul3A_1755 : i32
        %add3A_1757 = arith.constant 0 : i32
        %add3A_1758 = arith.addi %add3A_1757, %mul3A_1756 : i32
        %add3A_1759 = arith.constant 2 : i32
        %add3A_1760 = arith.addi %add3A_1758, %add3A_1759 : i32
        %get3A_1761 = arith.index_cast %add3A_1760 : i32 to index
        %get3A_1762 = arith.constant 0 : index
        %get3A_1763 = tpu.vector_load %arg7[%get3A_1761, %get3A_1762] {strides = array<i32>} : memref<128x128xf32, #tpu.memory_space<vmem>>, vector<1x16xf32>,
        %get3A_1764 = vector.shape_cast %get3A_1763 : vector<1x16xf32> to vector<16xf32>
        %get3A_1765 = arith.index_cast %add3A_1760 : i32 to index
        %get3A_1766 = arith.constant 16 : index
        %get3A_1767 = tpu.vector_load %arg7[%get3A_1765, %get3A_1766] {strides = array<i32>} : memref<128x128xf32, #tpu.memory_space<vmem>>, vector<1x16xf32>,
        %get3A_1768 = vector.shape_cast %get3A_1767 : vector<1x16xf32> to vector<16xf32>
        %get3A_1769 = arith.index_cast %add3A_1760 : i32 to index
        %get3A_1770 = arith.constant 32 : index
        %get3A_1771 = tpu.vector_load %arg7[%get3A_1769, %get3A_1770] {strides = array<i32>} : memref<128x128xf32, #tpu.memory_space<vmem>>, vector<1x16xf32>,
        %get3A_1772 = vector.shape_cast %get3A_1771 : vector<1x16xf32> to vector<16xf32>
        %get3A_1773 = arith.index_cast %add3A_1760 : i32 to index
        %get3A_1774 = arith.constant 48 : index
        %get3A_1775 = tpu.vector_load %arg7[%get3A_1773, %get3A_1774] {strides = array<i32>} : memref<128x128xf32, #tpu.memory_space<vmem>>, vector<1x16xf32>,
        %get3A_1776 = vector.shape_cast %get3A_1775 : vector<1x16xf32> to vector<16xf32>
        %get3A_1777 = arith.index_cast %add3A_1760 : i32 to index
        %get3A_1778 = arith.constant 64 : index
        %get3A_1779 = tpu.vector_load %arg7[%get3A_1777, %get3A_1778] {strides = array<i32>} : memref<128x128xf32, #tpu.memory_space<vmem>>, vector<1x16xf32>,
        %get3A_1780 = vector.shape_cast %get3A_1779 : vector<1x16xf32> to vector<16xf32>
        %get3A_1781 = arith.index_cast %add3A_1760 : i32 to index
        %get3A_1782 = arith.constant 80 : index
        %get3A_1783 = tpu.vector_load %arg7[%get3A_1781, %get3A_1782] {strides = array<i32>} : memref<128x128xf32, #tpu.memory_space<vmem>>, vector<1x16xf32>,
        %get3A_1784 = vector.shape_cast %get3A_1783 : vector<1x16xf32> to vector<16xf32>
        %get3A_1785 = arith.index_cast %add3A_1760 : i32 to index
        %get3A_1786 = arith.constant 96 : index
        %get3A_1787 = tpu.vector_load %arg7[%get3A_1785, %get3A_1786] {strides = array<i32>} : memref<128x128xf32, #tpu.memory_space<vmem>>, vector<1x16xf32>,
        %get3A_1788 = vector.shape_cast %get3A_1787 : vector<1x16xf32> to vector<16xf32>
        %get3A_1789 = arith.index_cast %add3A_1760 : i32 to index
        %get3A_1790 = arith.constant 112 : index
        %get3A_1791 = tpu.vector_load %arg7[%get3A_1789, %get3A_1790] {strides = array<i32>} : memref<128x128xf32, #tpu.memory_space<vmem>>, vector<1x16xf32>,
        %get3A_1792 = vector.shape_cast %get3A_1791 : vector<1x16xf32> to vector<16xf32>
        %add3A_1793 = arith.addf %add3A_1739, %get3A_1764 : vector<16xf32>
        %add3A_1794 = arith.addf %add3A_1740, %get3A_1768 : vector<16xf32>
        %add3A_1795 = arith.addf %add3A_1741, %get3A_1772 : vector<16xf32>
        %add3A_1796 = arith.addf %add3A_1742, %get3A_1776 : vector<16xf32>
        %add3A_1797 = arith.addf %add3A_1743, %get3A_1780 : vector<16xf32>
        %add3A_1798 = arith.addf %add3A_1744, %get3A_1784 : vector<16xf32>
        %add3A_1799 = arith.addf %add3A_1745, %get3A_1788 : vector<16xf32>
        %add3A_1800 = arith.addf %add3A_1746, %get3A_1792 : vector<16xf32>
        %max3A_1801 = arith.maximumf %max3A_1747, %get3A_1764 : vector<16xf32>
        %max3A_1802 = arith.maximumf %max3A_1748, %get3A_1768 : vector<16xf32>
        %max3A_1803 = arith.maximumf %max3A_1749, %get3A_1772 : vector<16xf32>
        %max3A_1804 = arith.maximumf %max3A_1750, %get3A_1776 : vector<16xf32>
        %max3A_1805 = arith.maximumf %max3A_1751, %get3A_1780 : vector<16xf32>
        %max3A_1806 = arith.maximumf %max3A_1752, %get3A_1784 : vector<16xf32>
        %max3A_1807 = arith.maximumf %max3A_1753, %get3A_1788 : vector<16xf32>
        %max3A_1808 = arith.maximumf %max3A_1754, %get3A_1792 : vector<16xf32>
        %mul3A_1809 = arith.constant 4 : i32
        %mul3A_1810 = arith.muli %scan3A_1632, %mul3A_1809 : i32
        %add3A_1811 = arith.constant 0 : i32
        %add3A_1812 = arith.addi %add3A_1811, %mul3A_1810 : i32
        %add3A_1813 = arith.constant 3 : i32
        %add3A_1814 = arith.addi %add3A_1812, %add3A_1813 : i32
        %get3A_1815 = arith.index_cast %add3A_1814 : i32 to index
        %get3A_1816 = arith.constant 0 : index
        %get3A_1817 = tpu.vector_load %arg7[%get3A_1815, %get3A_1816] {strides = array<i32>} : memref<128x128xf32, #tpu.memory_space<vmem>>, vector<1x16xf32>,
        %get3A_1818 = vector.shape_cast %get3A_1817 : vector<1x16xf32> to vector<16xf32>
        %get3A_1819 = arith.index_cast %add3A_1814 : i32 to index
        %get3A_1820 = arith.constant 16 : index
        %get3A_1821 = tpu.vector_load %arg7[%get3A_1819, %get3A_1820] {strides = array<i32>} : memref<128x128xf32, #tpu.memory_space<vmem>>, vector<1x16xf32>,
        %get3A_1822 = vector.shape_cast %get3A_1821 : vector<1x16xf32> to vector<16xf32>
        %get3A_1823 = arith.index_cast %add3A_1814 : i32 to index
        %get3A_1824 = arith.constant 32 : index
        %get3A_1825 = tpu.vector_load %arg7[%get3A_1823, %get3A_1824] {strides = array<i32>} : memref<128x128xf32, #tpu.memory_space<vmem>>, vector<1x16xf32>,
        %get3A_1826 = vector.shape_cast %get3A_1825 : vector<1x16xf32> to vector<16xf32>
        %get3A_1827 = arith.index_cast %add3A_1814 : i32 to index
        %get3A_1828 = arith.constant 48 : index
        %get3A_1829 = tpu.vector_load %arg7[%get3A_1827, %get3A_1828] {strides = array<i32>} : memref<128x128xf32, #tpu.memory_space<vmem>>, vector<1x16xf32>,
        %get3A_1830 = vector.shape_cast %get3A_1829 : vector<1x16xf32> to vector<16xf32>
        %get3A_1831 = arith.index_cast %add3A_1814 : i32 to index
        %get3A_1832 = arith.constant 64 : index
        %get3A_1833 = tpu.vector_load %arg7[%get3A_1831, %get3A_1832] {strides = array<i32>} : memref<128x128xf32, #tpu.memory_space<vmem>>, vector<1x16xf32>,
        %get3A_1834 = vector.shape_cast %get3A_1833 : vector<1x16xf32> to vector<16xf32>
        %get3A_1835 = arith.index_cast %add3A_1814 : i32 to index
        %get3A_1836 = arith.constant 80 : index
        %get3A_1837 = tpu.vector_load %arg7[%get3A_1835, %get3A_1836] {strides = array<i32>} : memref<128x128xf32, #tpu.memory_space<vmem>>, vector<1x16xf32>,
        %get3A_1838 = vector.shape_cast %get3A_1837 : vector<1x16xf32> to vector<16xf32>
        %get3A_1839 = arith.index_cast %add3A_1814 : i32 to index
        %get3A_1840 = arith.constant 96 : index
        %get3A_1841 = tpu.vector_load %arg7[%get3A_1839, %get3A_1840] {strides = array<i32>} : memref<128x128xf32, #tpu.memory_space<vmem>>, vector<1x16xf32>,
        %get3A_1842 = vector.shape_cast %get3A_1841 : vector<1x16xf32> to vector<16xf32>
        %get3A_1843 = arith.index_cast %add3A_1814 : i32 to index
        %get3A_1844 = arith.constant 112 : index
        %get3A_1845 = tpu.vector_load %arg7[%get3A_1843, %get3A_1844] {strides = array<i32>} : memref<128x128xf32, #tpu.memory_space<vmem>>, vector<1x16xf32>,
        %get3A_1846 = vector.shape_cast %get3A_1845 : vector<1x16xf32> to vector<16xf32>
        %add3A_1847 = arith.addf %add3A_1793, %get3A_1818 : vector<16xf32>
        %add3A_1848 = arith.addf %add3A_1794, %get3A_1822 : vector<16xf32>
        %add3A_1849 = arith.addf %add3A_1795, %get3A_1826 : vector<16xf32>
        %add3A_1850 = arith.addf %add3A_1796, %get3A_1830 : vector<16xf32>
        %add3A_1851 = arith.addf %add3A_1797, %get3A_1834 : vector<16xf32>
        %add3A_1852 = arith.addf %add3A_1798, %get3A_1838 : vector<16xf32>
        %add3A_1853 = arith.addf %add3A_1799, %get3A_1842 : vector<16xf32>
        %add3A_1854 = arith.addf %add3A_1800, %get3A_1846 : vector<16xf32>
        %max3A_1855 = arith.maximumf %max3A_1801, %get3A_1818 : vector<16xf32>
        %max3A_1856 = arith.maximumf %max3A_1802, %get3A_1822 : vector<16xf32>
        %max3A_1857 = arith.maximumf %max3A_1803, %get3A_1826 : vector<16xf32>
        %max3A_1858 = arith.maximumf %max3A_1804, %get3A_1830 : vector<16xf32>
        %max3A_1859 = arith.maximumf %max3A_1805, %get3A_1834 : vector<16xf32>
        %max3A_1860 = arith.maximumf %max3A_1806, %get3A_1838 : vector<16xf32>
        %max3A_1861 = arith.maximumf %max3A_1807, %get3A_1842 : vector<16xf32>
        %max3A_1862 = arith.maximumf %max3A_1808, %get3A_1846 : vector<16xf32>
        scf.yield %add3A_1847, %add3A_1848, %add3A_1849, %add3A_1850, %add3A_1851, %add3A_1852, %add3A_1853, %add3A_1854, %max3A_1855, %max3A_1856, %max3A_1857, %max3A_1858, %max3A_1859, %max3A_1860, %max3A_1861, %max3A_1862 : vector<16xf32>, vector<16xf32>, vector<16xf32>, vector<16xf32>, vector<16xf32>, vector<16xf32>, vector<16xf32>, vector<16xf32>, vector<16xf32>, vector<16xf32>, vector<16xf32>, vector<16xf32>, vector<16xf32>, vector<16xf32>, vector<16xf32>, vector<16xf32>
      }
      %scan3A_592 = arith.constant 8 : i32
      %mul3A_593 = arith.constant 3.125000e-02 : f32
      %mul3A_594 = vector.broadcast %mul3A_593 : f32 to vector<16xf32>
      %mul3A_595 = arith.mulf %scan3A_591#0, %mul3A_594 : vector<16xf32>
      %swap3A_596 = arith.constant 0 : i32
      %swap3A_597 = arith.index_cast %swap3A_596 : i32 to index
      %swap3A_598 = arith.constant 0 : index
      %swap3A_599 = tpu.vector_load %arg9[%swap3A_597, %swap3A_598] {strides = array<i32>} : memref<4x256xf32, #tpu.memory_space<vmem>>, vector<1x16xf32>,
      %swap3A_600 = vector.shape_cast %swap3A_599 : vector<1x16xf32> to vector<16xf32>
      %swap3A_601 = vector.shape_cast %mul3A_595 : vector<16xf32> to vector<1x16xf32>
      tpu.vector_store %arg9[%swap3A_597, %swap3A_598], %swap3A_601 {strides = array<i32>} : memref<4x256xf32, #tpu.memory_space<vmem>>, vector<1x16xf32>,
      %swap3A_602 = arith.constant 0 : i32
      %swap3A_603 = arith.index_cast %swap3A_602 : i32 to index
      %swap3A_604 = arith.constant 128 : index
      %swap3A_605 = tpu.vector_load %arg9[%swap3A_603, %swap3A_604] {strides = array<i32>} : memref<4x256xf32, #tpu.memory_space<vmem>>, vector<1x16xf32>,
      %swap3A_606 = vector.shape_cast %swap3A_605 : vector<1x16xf32> to vector<16xf32>
      %swap3A_607 = vector.shape_cast %scan3A_591#8 : vector<16xf32> to vector<1x16xf32>
      tpu.vector_store %arg9[%swap3A_603, %swap3A_604], %swap3A_607 {strides = array<i32>} : memref<4x256xf32, #tpu.memory_space<vmem>>, vector<1x16xf32>,
      %mul3A_608 = arith.constant 3.125000e-02 : f32
      %mul3A_609 = vector.broadcast %mul3A_608 : f32 to vector<16xf32>
      %mul3A_610 = arith.mulf %scan3A_591#1, %mul3A_609 : vector<16xf32>
      %swap3A_611 = arith.constant 0 : i32
      %swap3A_612 = arith.index_cast %swap3A_611 : i32 to index
      %swap3A_613 = arith.constant 16 : index
      %swap3A_614 = tpu.vector_load %arg9[%swap3A_612, %swap3A_613] {strides = array<i32>} : memref<4x256xf32, #tpu.memory_space<vmem>>, vector<1x16xf32>,
      %swap3A_615 = vector.shape_cast %swap3A_614 : vector<1x16xf32> to vector<16xf32>
      %swap3A_616 = vector.shape_cast %mul3A_610 : vector<16xf32> to vector<1x16xf32>
      tpu.vector_store %arg9[%swap3A_612, %swap3A_613], %swap3A_616 {strides = array<i32>} : memref<4x256xf32, #tpu.memory_space<vmem>>, vector<1x16xf32>,
      %swap3A_617 = arith.constant 0 : i32
      %swap3A_618 = arith.index_cast %swap3A_617 : i32 to index
      %swap3A_619 = arith.constant 144 : index
      %swap3A_620 = tpu.vector_load %arg9[%swap3A_618, %swap3A_619] {strides = array<i32>} : memref<4x256xf32, #tpu.memory_space<vmem>>, vector<1x16xf32>,
      %swap3A_621 = vector.shape_cast %swap3A_620 : vector<1x16xf32> to vector<16xf32>
      %swap3A_622 = vector.shape_cast %scan3A_591#9 : vector<16xf32> to vector<1x16xf32>
      tpu.vector_store %arg9[%swap3A_618, %swap3A_619], %swap3A_622 {strides = array<i32>} : memref<4x256xf32, #tpu.memory_space<vmem>>, vector<1x16xf32>,
      %mul3A_623 = arith.constant 3.125000e-02 : f32
      %mul3A_624 = vector.broadcast %mul3A_623 : f32 to vector<16xf32>
      %mul3A_625 = arith.mulf %scan3A_591#2, %mul3A_624 : vector<16xf32>
      %swap3A_626 = arith.constant 0 : i32
      %swap3A_627 = arith.index_cast %swap3A_626 : i32 to index
      %swap3A_628 = arith.constant 32 : index
      %swap3A_629 = tpu.vector_load %arg9[%swap3A_627, %swap3A_628] {strides = array<i32>} : memref<4x256xf32, #tpu.memory_space<vmem>>, vector<1x16xf32>,
      %swap3A_630 = vector.shape_cast %swap3A_629 : vector<1x16xf32> to vector<16xf32>
      %swap3A_631 = vector.shape_cast %mul3A_625 : vector<16xf32> to vector<1x16xf32>
      tpu.vector_store %arg9[%swap3A_627, %swap3A_628], %swap3A_631 {strides = array<i32>} : memref<4x256xf32, #tpu.memory_space<vmem>>, vector<1x16xf32>,
      %swap3A_632 = arith.constant 0 : i32
      %swap3A_633 = arith.index_cast %swap3A_632 : i32 to index
      %swap3A_634 = arith.constant 160 : index
      %swap3A_635 = tpu.vector_load %arg9[%swap3A_633, %swap3A_634] {strides = array<i32>} : memref<4x256xf32, #tpu.memory_space<vmem>>, vector<1x16xf32>,
      %swap3A_636 = vector.shape_cast %swap3A_635 : vector<1x16xf32> to vector<16xf32>
      %swap3A_637 = vector.shape_cast %scan3A_591#10 : vector<16xf32> to vector<1x16xf32>
      tpu.vector_store %arg9[%swap3A_633, %swap3A_634], %swap3A_637 {strides = array<i32>} : memref<4x256xf32, #tpu.memory_space<vmem>>, vector<1x16xf32>,
      %mul3A_638 = arith.constant 3.125000e-02 : f32
      %mul3A_639 = vector.broadcast %mul3A_638 : f32 to vector<16xf32>
      %mul3A_640 = arith.mulf %scan3A_591#3, %mul3A_639 : vector<16xf32>
      %swap3A_641 = arith.constant 0 : i32
      %swap3A_642 = arith.index_cast %swap3A_641 : i32 to index
      %swap3A_643 = arith.constant 48 : index
      %swap3A_644 = tpu.vector_load %arg9[%swap3A_642, %swap3A_643] {strides = array<i32>} : memref<4x256xf32, #tpu.memory_space<vmem>>, vector<1x16xf32>,
      %swap3A_645 = vector.shape_cast %swap3A_644 : vector<1x16xf32> to vector<16xf32>
      %swap3A_646 = vector.shape_cast %mul3A_640 : vector<16xf32> to vector<1x16xf32>
      tpu.vector_store %arg9[%swap3A_642, %swap3A_643], %swap3A_646 {strides = array<i32>} : memref<4x256xf32, #tpu.memory_space<vmem>>, vector<1x16xf32>,
      %swap3A_647 = arith.constant 0 : i32
      %swap3A_648 = arith.index_cast %swap3A_647 : i32 to index
      %swap3A_649 = arith.constant 176 : index
      %swap3A_650 = tpu.vector_load %arg9[%swap3A_648, %swap3A_649] {strides = array<i32>} : memref<4x256xf32, #tpu.memory_space<vmem>>, vector<1x16xf32>,
      %swap3A_651 = vector.shape_cast %swap3A_650 : vector<1x16xf32> to vector<16xf32>
      %swap3A_652 = vector.shape_cast %scan3A_591#11 : vector<16xf32> to vector<1x16xf32>
      tpu.vector_store %arg9[%swap3A_648, %swap3A_649], %swap3A_652 {strides = array<i32>} : memref<4x256xf32, #tpu.memory_space<vmem>>, vector<1x16xf32>,
      %mul3A_653 = arith.constant 3.125000e-02 : f32
      %mul3A_654 = vector.broadcast %mul3A_653 : f32 to vector<16xf32>
      %mul3A_655 = arith.mulf %scan3A_591#4, %mul3A_654 : vector<16xf32>
      %swap3A_656 = arith.constant 0 : i32
      %swap3A_657 = arith.index_cast %swap3A_656 : i32 to index
      %swap3A_658 = arith.constant 64 : index
      %swap3A_659 = tpu.vector_load %arg9[%swap3A_657, %swap3A_658] {strides = array<i32>} : memref<4x256xf32, #tpu.memory_space<vmem>>, vector<1x16xf32>,
      %swap3A_660 = vector.shape_cast %swap3A_659 : vector<1x16xf32> to vector<16xf32>
      %swap3A_661 = vector.shape_cast %mul3A_655 : vector<16xf32> to vector<1x16xf32>
      tpu.vector_store %arg9[%swap3A_657, %swap3A_658], %swap3A_661 {strides = array<i32>} : memref<4x256xf32, #tpu.memory_space<vmem>>, vector<1x16xf32>,
      %swap3A_662 = arith.constant 0 : i32
      %swap3A_663 = arith.index_cast %swap3A_662 : i32 to index
      %swap3A_664 = arith.constant 192 : index
      %swap3A_665 = tpu.vector_load %arg9[%swap3A_663, %swap3A_664] {strides = array<i32>} : memref<4x256xf32, #tpu.memory_space<vmem>>, vector<1x16xf32>,
      %swap3A_666 = vector.shape_cast %swap3A_665 : vector<1x16xf32> to vector<16xf32>
      %swap3A_667 = vector.shape_cast %scan3A_591#12 : vector<16xf32> to vector<1x16xf32>
      tpu.vector_store %arg9[%swap3A_663, %swap3A_664], %swap3A_667 {strides = array<i32>} : memref<4x256xf32, #tpu.memory_space<vmem>>, vector<1x16xf32>,
      %mul3A_668 = arith.constant 3.125000e-02 : f32
      %mul3A_669 = vector.broadcast %mul3A_668 : f32 to vector<16xf32>
      %mul3A_670 = arith.mulf %scan3A_591#5, %mul3A_669 : vector<16xf32>
      %swap3A_671 = arith.constant 0 : i32
      %swap3A_672 = arith.index_cast %swap3A_671 : i32 to index
      %swap3A_673 = arith.constant 80 : index
      %swap3A_674 = tpu.vector_load %arg9[%swap3A_672, %swap3A_673] {strides = array<i32>} : memref<4x256xf32, #tpu.memory_space<vmem>>, vector<1x16xf32>,
      %swap3A_675 = vector.shape_cast %swap3A_674 : vector<1x16xf32> to vector<16xf32>
      %swap3A_676 = vector.shape_cast %mul3A_670 : vector<16xf32> to vector<1x16xf32>
      tpu.vector_store %arg9[%swap3A_672, %swap3A_673], %swap3A_676 {strides = array<i32>} : memref<4x256xf32, #tpu.memory_space<vmem>>, vector<1x16xf32>,
      %swap3A_677 = arith.constant 0 : i32
      %swap3A_678 = arith.index_cast %swap3A_677 : i32 to index
      %swap3A_679 = arith.constant 208 : index
      %swap3A_680 = tpu.vector_load %arg9[%swap3A_678, %swap3A_679] {strides = array<i32>} : memref<4x256xf32, #tpu.memory_space<vmem>>, vector<1x16xf32>,
      %swap3A_681 = vector.shape_cast %swap3A_680 : vector<1x16xf32> to vector<16xf32>
      %swap3A_682 = vector.shape_cast %scan3A_591#13 : vector<16xf32> to vector<1x16xf32>
      tpu.vector_store %arg9[%swap3A_678, %swap3A_679], %swap3A_682 {strides = array<i32>} : memref<4x256xf32, #tpu.memory_space<vmem>>, vector<1x16xf32>,
      %mul3A_683 = arith.constant 3.125000e-02 : f32
      %mul3A_684 = vector.broadcast %mul3A_683 : f32 to vector<16xf32>
      %mul3A_685 = arith.mulf %scan3A_591#6, %mul3A_684 : vector<16xf32>
      %swap3A_686 = arith.constant 0 : i32
      %swap3A_687 = arith.index_cast %swap3A_686 : i32 to index
      %swap3A_688 = arith.constant 96 : index
      %swap3A_689 = tpu.vector_load %arg9[%swap3A_687, %swap3A_688] {strides = array<i32>} : memref<4x256xf32, #tpu.memory_space<vmem>>, vector<1x16xf32>,
      %swap3A_690 = vector.shape_cast %swap3A_689 : vector<1x16xf32> to vector<16xf32>
      %swap3A_691 = vector.shape_cast %mul3A_685 : vector<16xf32> to vector<1x16xf32>
      tpu.vector_store %arg9[%swap3A_687, %swap3A_688], %swap3A_691 {strides = array<i32>} : memref<4x256xf32, #tpu.memory_space<vmem>>, vector<1x16xf32>,
      %swap3A_692 = arith.constant 0 : i32
      %swap3A_693 = arith.index_cast %swap3A_692 : i32 to index
      %swap3A_694 = arith.constant 224 : index
      %swap3A_695 = tpu.vector_load %arg9[%swap3A_693, %swap3A_694] {strides = array<i32>} : memref<4x256xf32, #tpu.memory_space<vmem>>, vector<1x16xf32>,
      %swap3A_696 = vector.shape_cast %swap3A_695 : vector<1x16xf32> to vector<16xf32>
      %swap3A_697 = vector.shape_cast %scan3A_591#14 : vector<16xf32> to vector<1x16xf32>
      tpu.vector_store %arg9[%swap3A_693, %swap3A_694], %swap3A_697 {strides = array<i32>} : memref<4x256xf32, #tpu.memory_space<vmem>>, vector<1x16xf32>,
      %mul3A_698 = arith.constant 3.125000e-02 : f32
      %mul3A_699 = vector.broadcast %mul3A_698 : f32 to vector<16xf32>
      %mul3A_700 = arith.mulf %scan3A_591#7, %mul3A_699 : vector<16xf32>
      %swap3A_701 = arith.constant 0 : i32
      %swap3A_702 = arith.index_cast %swap3A_701 : i32 to index
      %swap3A_703 = arith.constant 112 : index
      %swap3A_704 = tpu.vector_load %arg9[%swap3A_702, %swap3A_703] {strides = array<i32>} : memref<4x256xf32, #tpu.memory_space<vmem>>, vector<1x16xf32>,
      %swap3A_705 = vector.shape_cast %swap3A_704 : vector<1x16xf32> to vector<16xf32>
      %swap3A_706 = vector.shape_cast %mul3A_700 : vector<16xf32> to vector<1x16xf32>
      tpu.vector_store %arg9[%swap3A_702, %swap3A_703], %swap3A_706 {strides = array<i32>} : memref<4x256xf32, #tpu.memory_space<vmem>>, vector<1x16xf32>,
      %swap3A_707 = arith.constant 0 : i32
      %swap3A_708 = arith.index_cast %swap3A_707 : i32 to index
      %swap3A_709 = arith.constant 240 : index
      %swap3A_710 = tpu.vector_load %arg9[%swap3A_708, %swap3A_709] {strides = array<i32>} : memref<4x256xf32, #tpu.memory_space<vmem>>, vector<1x16xf32>,
      %swap3A_711 = vector.shape_cast %swap3A_710 : vector<1x16xf32> to vector<16xf32>
      %swap3A_712 = vector.shape_cast %scan3A_591#15 : vector<16xf32> to vector<1x16xf32>
      tpu.vector_store %arg9[%swap3A_708, %swap3A_709], %swap3A_712 {strides = array<i32>} : memref<4x256xf32, #tpu.memory_space<vmem>>, vector<1x16xf32>,
      %scan3A_713 = arith.constant 0 : i32
      %scan3A_714 = arith.constant 8 : i32
      %scan3A_715 = arith.addi %scan3A_713, %scan3A_714 : i32
      %scan3A_716 = arith.constant 1 : i32
      %scan3A_717:16 = scf.for %scan3A_1632 = %scan3A_713 to %scan3A_715 step %scan3A_716 iter_args(%scan3A_1633 = %broadcast_in_dim3A_584, %scan3A_1634 = %broadcast_in_dim3A_584, %scan3A_1635 = %broadcast_in_dim3A_584, %scan3A_1636 = %broadcast_in_dim3A_584, %scan3A_1637 = %broadcast_in_dim3A_584, %scan3A_1638 = %broadcast_in_dim3A_584, %scan3A_1639 = %broadcast_in_dim3A_584, %scan3A_1640 = %broadcast_in_dim3A_584, %scan3A_1641 = %broadcast_in_dim3A_586, %scan3A_1642 = %broadcast_in_dim3A_586, %scan3A_1643 = %broadcast_in_dim3A_586, %scan3A_1644 = %broadcast_in_dim3A_586, %scan3A_1645 = %broadcast_in_dim3A_586, %scan3A_1646 = %broadcast_in_dim3A_586, %scan3A_1647 = %broadcast_in_dim3A_586, %scan3A_1648 = %broadcast_in_dim3A_586) -> (vector<16xf32>, vector<16xf32>, vector<16xf32>, vector<16xf32>, vector<16xf32>, vector<16xf32>, vector<16xf32>, vector<16xf32>, vector<16xf32>, vector<16xf32>, vector<16xf32>, vector<16xf32>, vector<16xf32>, vector<16xf32>, vector<16xf32>, vector<16xf32>)  : i32 {
        %mul3A_1649 = arith.constant 4 : i32
        %mul3A_1650 = arith.muli %scan3A_1632, %mul3A_1649 : i32
        %add3A_1651 = arith.constant 32 : i32
        %add3A_1652 = arith.addi %add3A_1651, %mul3A_1650 : i32
        %add3A_1653 = arith.constant 0 : i32
        %add3A_1654 = arith.addi %add3A_1652, %add3A_1653 : i32
        %get3A = arith.index_cast %add3A_1654 : i32 to index
        %get3A_1655 = arith.constant 0 : index
        %get3A_1656 = tpu.vector_load %arg7[%get3A, %get3A_1655] {strides = array<i32>} : memref<128x128xf32, #tpu.memory_space<vmem>>, vector<1x16xf32>,
        %get3A_1657 = vector.shape_cast %get3A_1656 : vector<1x16xf32> to vector<16xf32>
        %get3A_1658 = arith.index_cast %add3A_1654 : i32 to index
        %get3A_1659 = arith.constant 16 : index
        %get3A_1660 = tpu.vector_load %arg7[%get3A_1658, %get3A_1659] {strides = array<i32>} : memref<128x128xf32, #tpu.memory_space<vmem>>, vector<1x16xf32>,
        %get3A_1661 = vector.shape_cast %get3A_1660 : vector<1x16xf32> to vector<16xf32>
        %get3A_1662 = arith.index_cast %add3A_1654 : i32 to index
        %get3A_1663 = arith.constant 32 : index
        %get3A_1664 = tpu.vector_load %arg7[%get3A_1662, %get3A_1663] {strides = array<i32>} : memref<128x128xf32, #tpu.memory_space<vmem>>, vector<1x16xf32>,
        %get3A_1665 = vector.shape_cast %get3A_1664 : vector<1x16xf32> to vector<16xf32>
        %get3A_1666 = arith.index_cast %add3A_1654 : i32 to index
        %get3A_1667 = arith.constant 48 : index
        %get3A_1668 = tpu.vector_load %arg7[%get3A_1666, %get3A_1667] {strides = array<i32>} : memref<128x128xf32, #tpu.memory_space<vmem>>, vector<1x16xf32>,
        %get3A_1669 = vector.shape_cast %get3A_1668 : vector<1x16xf32> to vector<16xf32>
        %get3A_1670 = arith.index_cast %add3A_1654 : i32 to index
        %get3A_1671 = arith.constant 64 : index
        %get3A_1672 = tpu.vector_load %arg7[%get3A_1670, %get3A_1671] {strides = array<i32>} : memref<128x128xf32, #tpu.memory_space<vmem>>, vector<1x16xf32>,
        %get3A_1673 = vector.shape_cast %get3A_1672 : vector<1x16xf32> to vector<16xf32>
        %get3A_1674 = arith.index_cast %add3A_1654 : i32 to index
        %get3A_1675 = arith.constant 80 : index
        %get3A_1676 = tpu.vector_load %arg7[%get3A_1674, %get3A_1675] {strides = array<i32>} : memref<128x128xf32, #tpu.memory_space<vmem>>, vector<1x16xf32>,
        %get3A_1677 = vector.shape_cast %get3A_1676 : vector<1x16xf32> to vector<16xf32>
        %get3A_1678 = arith.index_cast %add3A_1654 : i32 to index
        %get3A_1679 = arith.constant 96 : index
        %get3A_1680 = tpu.vector_load %arg7[%get3A_1678, %get3A_1679] {strides = array<i32>} : memref<128x128xf32, #tpu.memory_space<vmem>>, vector<1x16xf32>,
        %get3A_1681 = vector.shape_cast %get3A_1680 : vector<1x16xf32> to vector<16xf32>
        %get3A_1682 = arith.index_cast %add3A_1654 : i32 to index
        %get3A_1683 = arith.constant 112 : index
        %get3A_1684 = tpu.vector_load %arg7[%get3A_1682, %get3A_1683] {strides = array<i32>} : memref<128x128xf32, #tpu.memory_space<vmem>>, vector<1x16xf32>,
        %get3A_1685 = vector.shape_cast %get3A_1684 : vector<1x16xf32> to vector<16xf32>
        %add3A_1686 = arith.addf %scan3A_1633, %get3A_1657 : vector<16xf32>
        %add3A_1687 = arith.addf %scan3A_1634, %get3A_1661 : vector<16xf32>
        %add3A_1688 = arith.addf %scan3A_1635, %get3A_1665 : vector<16xf32>
        %add3A_1689 = arith.addf %scan3A_1636, %get3A_1669 : vector<16xf32>
        %add3A_1690 = arith.addf %scan3A_1637, %get3A_1673 : vector<16xf32>
        %add3A_1691 = arith.addf %scan3A_1638, %get3A_1677 : vector<16xf32>
        %add3A_1692 = arith.addf %scan3A_1639, %get3A_1681 : vector<16xf32>
        %add3A_1693 = arith.addf %scan3A_1640, %get3A_1685 : vector<16xf32>
        %max3A = arith.maximumf %scan3A_1641, %get3A_1657 : vector<16xf32>
        %max3A_1694 = arith.maximumf %scan3A_1642, %get3A_1661 : vector<16xf32>
        %max3A_1695 = arith.maximumf %scan3A_1643, %get3A_1665 : vector<16xf32>
        %max3A_1696 = arith.maximumf %scan3A_1644, %get3A_1669 : vector<16xf32>
        %max3A_1697 = arith.maximumf %scan3A_1645, %get3A_1673 : vector<16xf32>
        %max3A_1698 = arith.maximumf %scan3A_1646, %get3A_1677 : vector<16xf32>
        %max3A_1699 = arith.maximumf %scan3A_1647, %get3A_1681 : vector<16xf32>
        %max3A_1700 = arith.maximumf %scan3A_1648, %get3A_1685 : vector<16xf32>
        %mul3A_1701 = arith.constant 4 : i32
        %mul3A_1702 = arith.muli %scan3A_1632, %mul3A_1701 : i32
        %add3A_1703 = arith.constant 32 : i32
        %add3A_1704 = arith.addi %add3A_1703, %mul3A_1702 : i32
        %add3A_1705 = arith.constant 1 : i32
        %add3A_1706 = arith.addi %add3A_1704, %add3A_1705 : i32
        %get3A_1707 = arith.index_cast %add3A_1706 : i32 to index
        %get3A_1708 = arith.constant 0 : index
        %get3A_1709 = tpu.vector_load %arg7[%get3A_1707, %get3A_1708] {strides = array<i32>} : memref<128x128xf32, #tpu.memory_space<vmem>>, vector<1x16xf32>,
        %get3A_1710 = vector.shape_cast %get3A_1709 : vector<1x16xf32> to vector<16xf32>
        %get3A_1711 = arith.index_cast %add3A_1706 : i32 to index
        %get3A_1712 = arith.constant 16 : index
        %get3A_1713 = tpu.vector_load %arg7[%get3A_1711, %get3A_1712] {strides = array<i32>} : memref<128x128xf32, #tpu.memory_space<vmem>>, vector<1x16xf32>,
        %get3A_1714 = vector.shape_cast %get3A_1713 : vector<1x16xf32> to vector<16xf32>
        %get3A_1715 = arith.index_cast %add3A_1706 : i32 to index
        %get3A_1716 = arith.constant 32 : index
        %get3A_1717 = tpu.vector_load %arg7[%get3A_1715, %get3A_1716] {strides = array<i32>} : memref<128x128xf32, #tpu.memory_space<vmem>>, vector<1x16xf32>,
        %get3A_1718 = vector.shape_cast %get3A_1717 : vector<1x16xf32> to vector<16xf32>
        %get3A_1719 = arith.index_cast %add3A_1706 : i32 to index
        %get3A_1720 = arith.constant 48 : index
        %get3A_1721 = tpu.vector_load %arg7[%get3A_1719, %get3A_1720] {strides = array<i32>} : memref<128x128xf32, #tpu.memory_space<vmem>>, vector<1x16xf32>,
        %get3A_1722 = vector.shape_cast %get3A_1721 : vector<1x16xf32> to vector<16xf32>
        %get3A_1723 = arith.index_cast %add3A_1706 : i32 to index
        %get3A_1724 = arith.constant 64 : index
        %get3A_1725 = tpu.vector_load %arg7[%get3A_1723, %get3A_1724] {strides = array<i32>} : memref<128x128xf32, #tpu.memory_space<vmem>>, vector<1x16xf32>,
        %get3A_1726 = vector.shape_cast %get3A_1725 : vector<1x16xf32> to vector<16xf32>
        %get3A_1727 = arith.index_cast %add3A_1706 : i32 to index
        %get3A_1728 = arith.constant 80 : index
        %get3A_1729 = tpu.vector_load %arg7[%get3A_1727, %get3A_1728] {strides = array<i32>} : memref<128x128xf32, #tpu.memory_space<vmem>>, vector<1x16xf32>,
        %get3A_1730 = vector.shape_cast %get3A_1729 : vector<1x16xf32> to vector<16xf32>
        %get3A_1731 = arith.index_cast %add3A_1706 : i32 to index
        %get3A_1732 = arith.constant 96 : index
        %get3A_1733 = tpu.vector_load %arg7[%get3A_1731, %get3A_1732] {strides = array<i32>} : memref<128x128xf32, #tpu.memory_space<vmem>>, vector<1x16xf32>,
        %get3A_1734 = vector.shape_cast %get3A_1733 : vector<1x16xf32> to vector<16xf32>
        %get3A_1735 = arith.index_cast %add3A_1706 : i32 to index
        %get3A_1736 = arith.constant 112 : index
        %get3A_1737 = tpu.vector_load %arg7[%get3A_1735, %get3A_1736] {strides = array<i32>} : memref<128x128xf32, #tpu.memory_space<vmem>>, vector<1x16xf32>,
        %get3A_1738 = vector.shape_cast %get3A_1737 : vector<1x16xf32> to vector<16xf32>
        %add3A_1739 = arith.addf %add3A_1686, %get3A_1710 : vector<16xf32>
        %add3A_1740 = arith.addf %add3A_1687, %get3A_1714 : vector<16xf32>
        %add3A_1741 = arith.addf %add3A_1688, %get3A_1718 : vector<16xf32>
        %add3A_1742 = arith.addf %add3A_1689, %get3A_1722 : vector<16xf32>
        %add3A_1743 = arith.addf %add3A_1690, %get3A_1726 : vector<16xf32>
        %add3A_1744 = arith.addf %add3A_1691, %get3A_1730 : vector<16xf32>
        %add3A_1745 = arith.addf %add3A_1692, %get3A_1734 : vector<16xf32>
        %add3A_1746 = arith.addf %add3A_1693, %get3A_1738 : vector<16xf32>
        %max3A_1747 = arith.maximumf %max3A, %get3A_1710 : vector<16xf32>
        %max3A_1748 = arith.maximumf %max3A_1694, %get3A_1714 : vector<16xf32>
        %max3A_1749 = arith.maximumf %max3A_1695, %get3A_1718 : vector<16xf32>
        %max3A_1750 = arith.maximumf %max3A_1696, %get3A_1722 : vector<16xf32>
        %max3A_1751 = arith.maximumf %max3A_1697, %get3A_1726 : vector<16xf32>
        %max3A_1752 = arith.maximumf %max3A_1698, %get3A_1730 : vector<16xf32>
        %max3A_1753 = arith.maximumf %max3A_1699, %get3A_1734 : vector<16xf32>
        %max3A_1754 = arith.maximumf %max3A_1700, %get3A_1738 : vector<16xf32>
        %mul3A_1755 = arith.constant 4 : i32
        %mul3A_1756 = arith.muli %scan3A_1632, %mul3A_1755 : i32
        %add3A_1757 = arith.constant 32 : i32
        %add3A_1758 = arith.addi %add3A_1757, %mul3A_1756 : i32
        %add3A_1759 = arith.constant 2 : i32
        %add3A_1760 = arith.addi %add3A_1758, %add3A_1759 : i32
        %get3A_1761 = arith.index_cast %add3A_1760 : i32 to index
        %get3A_1762 = arith.constant 0 : index
        %get3A_1763 = tpu.vector_load %arg7[%get3A_1761, %get3A_1762] {strides = array<i32>} : memref<128x128xf32, #tpu.memory_space<vmem>>, vector<1x16xf32>,
        %get3A_1764 = vector.shape_cast %get3A_1763 : vector<1x16xf32> to vector<16xf32>
        %get3A_1765 = arith.index_cast %add3A_1760 : i32 to index
        %get3A_1766 = arith.constant 16 : index
        %get3A_1767 = tpu.vector_load %arg7[%get3A_1765, %get3A_1766] {strides = array<i32>} : memref<128x128xf32, #tpu.memory_space<vmem>>, vector<1x16xf32>,
        %get3A_1768 = vector.shape_cast %get3A_1767 : vector<1x16xf32> to vector<16xf32>
        %get3A_1769 = arith.index_cast %add3A_1760 : i32 to index
        %get3A_1770 = arith.constant 32 : index
        %get3A_1771 = tpu.vector_load %arg7[%get3A_1769, %get3A_1770] {strides = array<i32>} : memref<128x128xf32, #tpu.memory_space<vmem>>, vector<1x16xf32>,
        %get3A_1772 = vector.shape_cast %get3A_1771 : vector<1x16xf32> to vector<16xf32>
        %get3A_1773 = arith.index_cast %add3A_1760 : i32 to index
        %get3A_1774 = arith.constant 48 : index
        %get3A_1775 = tpu.vector_load %arg7[%get3A_1773, %get3A_1774] {strides = array<i32>} : memref<128x128xf32, #tpu.memory_space<vmem>>, vector<1x16xf32>,
        %get3A_1776 = vector.shape_cast %get3A_1775 : vector<1x16xf32> to vector<16xf32>
        %get3A_1777 = arith.index_cast %add3A_1760 : i32 to index
        %get3A_1778 = arith.constant 64 : index
        %get3A_1779 = tpu.vector_load %arg7[%get3A_1777, %get3A_1778] {strides = array<i32>} : memref<128x128xf32, #tpu.memory_space<vmem>>, vector<1x16xf32>,
        %get3A_1780 = vector.shape_cast %get3A_1779 : vector<1x16xf32> to vector<16xf32>
        %get3A_1781 = arith.index_cast %add3A_1760 : i32 to index
        %get3A_1782 = arith.constant 80 : index
        %get3A_1783 = tpu.vector_load %arg7[%get3A_1781, %get3A_1782] {strides = array<i32>} : memref<128x128xf32, #tpu.memory_space<vmem>>, vector<1x16xf32>,
        %get3A_1784 = vector.shape_cast %get3A_1783 : vector<1x16xf32> to vector<16xf32>
        %get3A_1785 = arith.index_cast %add3A_1760 : i32 to index
        %get3A_1786 = arith.constant 96 : index
        %get3A_1787 = tpu.vector_load %arg7[%get3A_1785, %get3A_1786] {strides = array<i32>} : memref<128x128xf32, #tpu.memory_space<vmem>>, vector<1x16xf32>,
        %get3A_1788 = vector.shape_cast %get3A_1787 : vector<1x16xf32> to vector<16xf32>
        %get3A_1789 = arith.index_cast %add3A_1760 : i32 to index
        %get3A_1790 = arith.constant 112 : index
        %get3A_1791 = tpu.vector_load %arg7[%get3A_1789, %get3A_1790] {strides = array<i32>} : memref<128x128xf32, #tpu.memory_space<vmem>>, vector<1x16xf32>,
        %get3A_1792 = vector.shape_cast %get3A_1791 : vector<1x16xf32> to vector<16xf32>
        %add3A_1793 = arith.addf %add3A_1739, %get3A_1764 : vector<16xf32>
        %add3A_1794 = arith.addf %add3A_1740, %get3A_1768 : vector<16xf32>
        %add3A_1795 = arith.addf %add3A_1741, %get3A_1772 : vector<16xf32>
        %add3A_1796 = arith.addf %add3A_1742, %get3A_1776 : vector<16xf32>
        %add3A_1797 = arith.addf %add3A_1743, %get3A_1780 : vector<16xf32>
        %add3A_1798 = arith.addf %add3A_1744, %get3A_1784 : vector<16xf32>
        %add3A_1799 = arith.addf %add3A_1745, %get3A_1788 : vector<16xf32>
        %add3A_1800 = arith.addf %add3A_1746, %get3A_1792 : vector<16xf32>
        %max3A_1801 = arith.maximumf %max3A_1747, %get3A_1764 : vector<16xf32>
        %max3A_1802 = arith.maximumf %max3A_1748, %get3A_1768 : vector<16xf32>
        %max3A_1803 = arith.maximumf %max3A_1749, %get3A_1772 : vector<16xf32>
        %max3A_1804 = arith.maximumf %max3A_1750, %get3A_1776 : vector<16xf32>
        %max3A_1805 = arith.maximumf %max3A_1751, %get3A_1780 : vector<16xf32>
        %max3A_1806 = arith.maximumf %max3A_1752, %get3A_1784 : vector<16xf32>
        %max3A_1807 = arith.maximumf %max3A_1753, %get3A_1788 : vector<16xf32>
        %max3A_1808 = arith.maximumf %max3A_1754, %get3A_1792 : vector<16xf32>
        %mul3A_1809 = arith.constant 4 : i32
        %mul3A_1810 = arith.muli %scan3A_1632, %mul3A_1809 : i32
        %add3A_1811 = arith.constant 32 : i32
        %add3A_1812 = arith.addi %add3A_1811, %mul3A_1810 : i32
        %add3A_1813 = arith.constant 3 : i32
        %add3A_1814 = arith.addi %add3A_1812, %add3A_1813 : i32
        %get3A_1815 = arith.index_cast %add3A_1814 : i32 to index
        %get3A_1816 = arith.constant 0 : index
        %get3A_1817 = tpu.vector_load %arg7[%get3A_1815, %get3A_1816] {strides = array<i32>} : memref<128x128xf32, #tpu.memory_space<vmem>>, vector<1x16xf32>,
        %get3A_1818 = vector.shape_cast %get3A_1817 : vector<1x16xf32> to vector<16xf32>
        %get3A_1819 = arith.index_cast %add3A_1814 : i32 to index
        %get3A_1820 = arith.constant 16 : index
        %get3A_1821 = tpu.vector_load %arg7[%get3A_1819, %get3A_1820] {strides = array<i32>} : memref<128x128xf32, #tpu.memory_space<vmem>>, vector<1x16xf32>,
        %get3A_1822 = vector.shape_cast %get3A_1821 : vector<1x16xf32> to vector<16xf32>
        %get3A_1823 = arith.index_cast %add3A_1814 : i32 to index
        %get3A_1824 = arith.constant 32 : index
        %get3A_1825 = tpu.vector_load %arg7[%get3A_1823, %get3A_1824] {strides = array<i32>} : memref<128x128xf32, #tpu.memory_space<vmem>>, vector<1x16xf32>,
        %get3A_1826 = vector.shape_cast %get3A_1825 : vector<1x16xf32> to vector<16xf32>
        %get3A_1827 = arith.index_cast %add3A_1814 : i32 to index
        %get3A_1828 = arith.constant 48 : index
        %get3A_1829 = tpu.vector_load %arg7[%get3A_1827, %get3A_1828] {strides = array<i32>} : memref<128x128xf32, #tpu.memory_space<vmem>>, vector<1x16xf32>,
        %get3A_1830 = vector.shape_cast %get3A_1829 : vector<1x16xf32> to vector<16xf32>
        %get3A_1831 = arith.index_cast %add3A_1814 : i32 to index
        %get3A_1832 = arith.constant 64 : index
        %get3A_1833 = tpu.vector_load %arg7[%get3A_1831, %get3A_1832] {strides = array<i32>} : memref<128x128xf32, #tpu.memory_space<vmem>>, vector<1x16xf32>,
        %get3A_1834 = vector.shape_cast %get3A_1833 : vector<1x16xf32> to vector<16xf32>
        %get3A_1835 = arith.index_cast %add3A_1814 : i32 to index
        %get3A_1836 = arith.constant 80 : index
        %get3A_1837 = tpu.vector_load %arg7[%get3A_1835, %get3A_1836] {strides = array<i32>} : memref<128x128xf32, #tpu.memory_space<vmem>>, vector<1x16xf32>,
        %get3A_1838 = vector.shape_cast %get3A_1837 : vector<1x16xf32> to vector<16xf32>
        %get3A_1839 = arith.index_cast %add3A_1814 : i32 to index
        %get3A_1840 = arith.constant 96 : index
        %get3A_1841 = tpu.vector_load %arg7[%get3A_1839, %get3A_1840] {strides = array<i32>} : memref<128x128xf32, #tpu.memory_space<vmem>>, vector<1x16xf32>,
        %get3A_1842 = vector.shape_cast %get3A_1841 : vector<1x16xf32> to vector<16xf32>
        %get3A_1843 = arith.index_cast %add3A_1814 : i32 to index
        %get3A_1844 = arith.constant 112 : index
        %get3A_1845 = tpu.vector_load %arg7[%get3A_1843, %get3A_1844] {strides = array<i32>} : memref<128x128xf32, #tpu.memory_space<vmem>>, vector<1x16xf32>,
        %get3A_1846 = vector.shape_cast %get3A_1845 : vector<1x16xf32> to vector<16xf32>
        %add3A_1847 = arith.addf %add3A_1793, %get3A_1818 : vector<16xf32>
        %add3A_1848 = arith.addf %add3A_1794, %get3A_1822 : vector<16xf32>
        %add3A_1849 = arith.addf %add3A_1795, %get3A_1826 : vector<16xf32>
        %add3A_1850 = arith.addf %add3A_1796, %get3A_1830 : vector<16xf32>
        %add3A_1851 = arith.addf %add3A_1797, %get3A_1834 : vector<16xf32>
        %add3A_1852 = arith.addf %add3A_1798, %get3A_1838 : vector<16xf32>
        %add3A_1853 = arith.addf %add3A_1799, %get3A_1842 : vector<16xf32>
        %add3A_1854 = arith.addf %add3A_1800, %get3A_1846 : vector<16xf32>
        %max3A_1855 = arith.maximumf %max3A_1801, %get3A_1818 : vector<16xf32>
        %max3A_1856 = arith.maximumf %max3A_1802, %get3A_1822 : vector<16xf32>
        %max3A_1857 = arith.maximumf %max3A_1803, %get3A_1826 : vector<16xf32>
        %max3A_1858 = arith.maximumf %max3A_1804, %get3A_1830 : vector<16xf32>
        %max3A_1859 = arith.maximumf %max3A_1805, %get3A_1834 : vector<16xf32>
        %max3A_1860 = arith.maximumf %max3A_1806, %get3A_1838 : vector<16xf32>
        %max3A_1861 = arith.maximumf %max3A_1807, %get3A_1842 : vector<16xf32>
        %max3A_1862 = arith.maximumf %max3A_1808, %get3A_1846 : vector<16xf32>
        scf.yield %add3A_1847, %add3A_1848, %add3A_1849, %add3A_1850, %add3A_1851, %add3A_1852, %add3A_1853, %add3A_1854, %max3A_1855, %max3A_1856, %max3A_1857, %max3A_1858, %max3A_1859, %max3A_1860, %max3A_1861, %max3A_1862 : vector<16xf32>, vector<16xf32>, vector<16xf32>, vector<16xf32>, vector<16xf32>, vector<16xf32>, vector<16xf32>, vector<16xf32>, vector<16xf32>, vector<16xf32>, vector<16xf32>, vector<16xf32>, vector<16xf32>, vector<16xf32>, vector<16xf32>, vector<16xf32>
      }
      %scan3A_718 = arith.constant 8 : i32
      %mul3A_719 = arith.constant 3.125000e-02 : f32
      %mul3A_720 = vector.broadcast %mul3A_719 : f32 to vector<16xf32>
      %mul3A_721 = arith.mulf %scan3A_717#0, %mul3A_720 : vector<16xf32>
      %swap3A_722 = arith.constant 1 : i32
      %swap3A_723 = arith.index_cast %swap3A_722 : i32 to index
      %swap3A_724 = arith.constant 0 : index
      %swap3A_725 = tpu.vector_load %arg9[%swap3A_723, %swap3A_724] {strides = array<i32>} : memref<4x256xf32, #tpu.memory_space<vmem>>, vector<1x16xf32>,
      %swap3A_726 = vector.shape_cast %swap3A_725 : vector<1x16xf32> to vector<16xf32>
      %swap3A_727 = vector.shape_cast %mul3A_721 : vector<16xf32> to vector<1x16xf32>
      tpu.vector_store %arg9[%swap3A_723, %swap3A_724], %swap3A_727 {strides = array<i32>} : memref<4x256xf32, #tpu.memory_space<vmem>>, vector<1x16xf32>,
      %swap3A_728 = arith.constant 1 : i32
      %swap3A_729 = arith.index_cast %swap3A_728 : i32 to index
      %swap3A_730 = arith.constant 128 : index
      %swap3A_731 = tpu.vector_load %arg9[%swap3A_729, %swap3A_730] {strides = array<i32>} : memref<4x256xf32, #tpu.memory_space<vmem>>, vector<1x16xf32>,
      %swap3A_732 = vector.shape_cast %swap3A_731 : vector<1x16xf32> to vector<16xf32>
      %swap3A_733 = vector.shape_cast %scan3A_717#8 : vector<16xf32> to vector<1x16xf32>
      tpu.vector_store %arg9[%swap3A_729, %swap3A_730], %swap3A_733 {strides = array<i32>} : memref<4x256xf32, #tpu.memory_space<vmem>>, vector<1x16xf32>,
      %mul3A_734 = arith.constant 3.125000e-02 : f32
      %mul3A_735 = vector.broadcast %mul3A_734 : f32 to vector<16xf32>
      %mul3A_736 = arith.mulf %scan3A_717#1, %mul3A_735 : vector<16xf32>
      %swap3A_737 = arith.constant 1 : i32
      %swap3A_738 = arith.index_cast %swap3A_737 : i32 to index
      %swap3A_739 = arith.constant 16 : index
      %swap3A_740 = tpu.vector_load %arg9[%swap3A_738, %swap3A_739] {strides = array<i32>} : memref<4x256xf32, #tpu.memory_space<vmem>>, vector<1x16xf32>,
      %swap3A_741 = vector.shape_cast %swap3A_740 : vector<1x16xf32> to vector<16xf32>
      %swap3A_742 = vector.shape_cast %mul3A_736 : vector<16xf32> to vector<1x16xf32>
      tpu.vector_store %arg9[%swap3A_738, %swap3A_739], %swap3A_742 {strides = array<i32>} : memref<4x256xf32, #tpu.memory_space<vmem>>, vector<1x16xf32>,
      %swap3A_743 = arith.constant 1 : i32
      %swap3A_744 = arith.index_cast %swap3A_743 : i32 to index
      %swap3A_745 = arith.constant 144 : index
      %swap3A_746 = tpu.vector_load %arg9[%swap3A_744, %swap3A_745] {strides = array<i32>} : memref<4x256xf32, #tpu.memory_space<vmem>>, vector<1x16xf32>,
      %swap3A_747 = vector.shape_cast %swap3A_746 : vector<1x16xf32> to vector<16xf32>
      %swap3A_748 = vector.shape_cast %scan3A_717#9 : vector<16xf32> to vector<1x16xf32>
      tpu.vector_store %arg9[%swap3A_744, %swap3A_745], %swap3A_748 {strides = array<i32>} : memref<4x256xf32, #tpu.memory_space<vmem>>, vector<1x16xf32>,
      %mul3A_749 = arith.constant 3.125000e-02 : f32
      %mul3A_750 = vector.broadcast %mul3A_749 : f32 to vector<16xf32>
      %mul3A_751 = arith.mulf %scan3A_717#2, %mul3A_750 : vector<16xf32>
      %swap3A_752 = arith.constant 1 : i32
      %swap3A_753 = arith.index_cast %swap3A_752 : i32 to index
      %swap3A_754 = arith.constant 32 : index
      %swap3A_755 = tpu.vector_load %arg9[%swap3A_753, %swap3A_754] {strides = array<i32>} : memref<4x256xf32, #tpu.memory_space<vmem>>, vector<1x16xf32>,
      %swap3A_756 = vector.shape_cast %swap3A_755 : vector<1x16xf32> to vector<16xf32>
      %swap3A_757 = vector.shape_cast %mul3A_751 : vector<16xf32> to vector<1x16xf32>
      tpu.vector_store %arg9[%swap3A_753, %swap3A_754], %swap3A_757 {strides = array<i32>} : memref<4x256xf32, #tpu.memory_space<vmem>>, vector<1x16xf32>,
      %swap3A_758 = arith.constant 1 : i32
      %swap3A_759 = arith.index_cast %swap3A_758 : i32 to index
      %swap3A_760 = arith.constant 160 : index
      %swap3A_761 = tpu.vector_load %arg9[%swap3A_759, %swap3A_760] {strides = array<i32>} : memref<4x256xf32, #tpu.memory_space<vmem>>, vector<1x16xf32>,
      %swap3A_762 = vector.shape_cast %swap3A_761 : vector<1x16xf32> to vector<16xf32>
      %swap3A_763 = vector.shape_cast %scan3A_717#10 : vector<16xf32> to vector<1x16xf32>
      tpu.vector_store %arg9[%swap3A_759, %swap3A_760], %swap3A_763 {strides = array<i32>} : memref<4x256xf32, #tpu.memory_space<vmem>>, vector<1x16xf32>,
      %mul3A_764 = arith.constant 3.125000e-02 : f32
      %mul3A_765 = vector.broadcast %mul3A_764 : f32 to vector<16xf32>
      %mul3A_766 = arith.mulf %scan3A_717#3, %mul3A_765 : vector<16xf32>
      %swap3A_767 = arith.constant 1 : i32
      %swap3A_768 = arith.index_cast %swap3A_767 : i32 to index
      %swap3A_769 = arith.constant 48 : index
      %swap3A_770 = tpu.vector_load %arg9[%swap3A_768, %swap3A_769] {strides = array<i32>} : memref<4x256xf32, #tpu.memory_space<vmem>>, vector<1x16xf32>,
      %swap3A_771 = vector.shape_cast %swap3A_770 : vector<1x16xf32> to vector<16xf32>
      %swap3A_772 = vector.shape_cast %mul3A_766 : vector<16xf32> to vector<1x16xf32>
      tpu.vector_store %arg9[%swap3A_768, %swap3A_769], %swap3A_772 {strides = array<i32>} : memref<4x256xf32, #tpu.memory_space<vmem>>, vector<1x16xf32>,
      %swap3A_773 = arith.constant 1 : i32
      %swap3A_774 = arith.index_cast %swap3A_773 : i32 to index
      %swap3A_775 = arith.constant 176 : index
      %swap3A_776 = tpu.vector_load %arg9[%swap3A_774, %swap3A_775] {strides = array<i32>} : memref<4x256xf32, #tpu.memory_space<vmem>>, vector<1x16xf32>,
      %swap3A_777 = vector.shape_cast %swap3A_776 : vector<1x16xf32> to vector<16xf32>
      %swap3A_778 = vector.shape_cast %scan3A_717#11 : vector<16xf32> to vector<1x16xf32>
      tpu.vector_store %arg9[%swap3A_774, %swap3A_775], %swap3A_778 {strides = array<i32>} : memref<4x256xf32, #tpu.memory_space<vmem>>, vector<1x16xf32>,
      %mul3A_779 = arith.constant 3.125000e-02 : f32
      %mul3A_780 = vector.broadcast %mul3A_779 : f32 to vector<16xf32>
      %mul3A_781 = arith.mulf %scan3A_717#4, %mul3A_780 : vector<16xf32>
      %swap3A_782 = arith.constant 1 : i32
      %swap3A_783 = arith.index_cast %swap3A_782 : i32 to index
      %swap3A_784 = arith.constant 64 : index
      %swap3A_785 = tpu.vector_load %arg9[%swap3A_783, %swap3A_784] {strides = array<i32>} : memref<4x256xf32, #tpu.memory_space<vmem>>, vector<1x16xf32>,
      %swap3A_786 = vector.shape_cast %swap3A_785 : vector<1x16xf32> to vector<16xf32>
      %swap3A_787 = vector.shape_cast %mul3A_781 : vector<16xf32> to vector<1x16xf32>
      tpu.vector_store %arg9[%swap3A_783, %swap3A_784], %swap3A_787 {strides = array<i32>} : memref<4x256xf32, #tpu.memory_space<vmem>>, vector<1x16xf32>,
      %swap3A_788 = arith.constant 1 : i32
      %swap3A_789 = arith.index_cast %swap3A_788 : i32 to index
      %swap3A_790 = arith.constant 192 : index
      %swap3A_791 = tpu.vector_load %arg9[%swap3A_789, %swap3A_790] {strides = array<i32>} : memref<4x256xf32, #tpu.memory_space<vmem>>, vector<1x16xf32>,
      %swap3A_792 = vector.shape_cast %swap3A_791 : vector<1x16xf32> to vector<16xf32>
      %swap3A_793 = vector.shape_cast %scan3A_717#12 : vector<16xf32> to vector<1x16xf32>
      tpu.vector_store %arg9[%swap3A_789, %swap3A_790], %swap3A_793 {strides = array<i32>} : memref<4x256xf32, #tpu.memory_space<vmem>>, vector<1x16xf32>,
      %mul3A_794 = arith.constant 3.125000e-02 : f32
      %mul3A_795 = vector.broadcast %mul3A_794 : f32 to vector<16xf32>
      %mul3A_796 = arith.mulf %scan3A_717#5, %mul3A_795 : vector<16xf32>
      %swap3A_797 = arith.constant 1 : i32
      %swap3A_798 = arith.index_cast %swap3A_797 : i32 to index
      %swap3A_799 = arith.constant 80 : index
      %swap3A_800 = tpu.vector_load %arg9[%swap3A_798, %swap3A_799] {strides = array<i32>} : memref<4x256xf32, #tpu.memory_space<vmem>>, vector<1x16xf32>,
      %swap3A_801 = vector.shape_cast %swap3A_800 : vector<1x16xf32> to vector<16xf32>
      %swap3A_802 = vector.shape_cast %mul3A_796 : vector<16xf32> to vector<1x16xf32>
      tpu.vector_store %arg9[%swap3A_798, %swap3A_799], %swap3A_802 {strides = array<i32>} : memref<4x256xf32, #tpu.memory_space<vmem>>, vector<1x16xf32>,
      %swap3A_803 = arith.constant 1 : i32
      %swap3A_804 = arith.index_cast %swap3A_803 : i32 to index
      %swap3A_805 = arith.constant 208 : index
      %swap3A_806 = tpu.vector_load %arg9[%swap3A_804, %swap3A_805] {strides = array<i32>} : memref<4x256xf32, #tpu.memory_space<vmem>>, vector<1x16xf32>,
      %swap3A_807 = vector.shape_cast %swap3A_806 : vector<1x16xf32> to vector<16xf32>
      %swap3A_808 = vector.shape_cast %scan3A_717#13 : vector<16xf32> to vector<1x16xf32>
      tpu.vector_store %arg9[%swap3A_804, %swap3A_805], %swap3A_808 {strides = array<i32>} : memref<4x256xf32, #tpu.memory_space<vmem>>, vector<1x16xf32>,
      %mul3A_809 = arith.constant 3.125000e-02 : f32
      %mul3A_810 = vector.broadcast %mul3A_809 : f32 to vector<16xf32>
      %mul3A_811 = arith.mulf %scan3A_717#6, %mul3A_810 : vector<16xf32>
      %swap3A_812 = arith.constant 1 : i32
      %swap3A_813 = arith.index_cast %swap3A_812 : i32 to index
      %swap3A_814 = arith.constant 96 : index
      %swap3A_815 = tpu.vector_load %arg9[%swap3A_813, %swap3A_814] {strides = array<i32>} : memref<4x256xf32, #tpu.memory_space<vmem>>, vector<1x16xf32>,
      %swap3A_816 = vector.shape_cast %swap3A_815 : vector<1x16xf32> to vector<16xf32>
      %swap3A_817 = vector.shape_cast %mul3A_811 : vector<16xf32> to vector<1x16xf32>
      tpu.vector_store %arg9[%swap3A_813, %swap3A_814], %swap3A_817 {strides = array<i32>} : memref<4x256xf32, #tpu.memory_space<vmem>>, vector<1x16xf32>,
      %swap3A_818 = arith.constant 1 : i32
      %swap3A_819 = arith.index_cast %swap3A_818 : i32 to index
      %swap3A_820 = arith.constant 224 : index
      %swap3A_821 = tpu.vector_load %arg9[%swap3A_819, %swap3A_820] {strides = array<i32>} : memref<4x256xf32, #tpu.memory_space<vmem>>, vector<1x16xf32>,
      %swap3A_822 = vector.shape_cast %swap3A_821 : vector<1x16xf32> to vector<16xf32>
      %swap3A_823 = vector.shape_cast %scan3A_717#14 : vector<16xf32> to vector<1x16xf32>
      tpu.vector_store %arg9[%swap3A_819, %swap3A_820], %swap3A_823 {strides = array<i32>} : memref<4x256xf32, #tpu.memory_space<vmem>>, vector<1x16xf32>,
      %mul3A_824 = arith.constant 3.125000e-02 : f32
      %mul3A_825 = vector.broadcast %mul3A_824 : f32 to vector<16xf32>
      %mul3A_826 = arith.mulf %scan3A_717#7, %mul3A_825 : vector<16xf32>
      %swap3A_827 = arith.constant 1 : i32
      %swap3A_828 = arith.index_cast %swap3A_827 : i32 to index
      %swap3A_829 = arith.constant 112 : index
      %swap3A_830 = tpu.vector_load %arg9[%swap3A_828, %swap3A_829] {strides = array<i32>} : memref<4x256xf32, #tpu.memory_space<vmem>>, vector<1x16xf32>,
      %swap3A_831 = vector.shape_cast %swap3A_830 : vector<1x16xf32> to vector<16xf32>
      %swap3A_832 = vector.shape_cast %mul3A_826 : vector<16xf32> to vector<1x16xf32>
      tpu.vector_store %arg9[%swap3A_828, %swap3A_829], %swap3A_832 {strides = array<i32>} : memref<4x256xf32, #tpu.memory_space<vmem>>, vector<1x16xf32>,
      %swap3A_833 = arith.constant 1 : i32
      %swap3A_834 = arith.index_cast %swap3A_833 : i32 to index
      %swap3A_835 = arith.constant 240 : index
      %swap3A_836 = tpu.vector_load %arg9[%swap3A_834, %swap3A_835] {strides = array<i32>} : memref<4x256xf32, #tpu.memory_space<vmem>>, vector<1x16xf32>,
      %swap3A_837 = vector.shape_cast %swap3A_836 : vector<1x16xf32> to vector<16xf32>
      %swap3A_838 = vector.shape_cast %scan3A_717#15 : vector<16xf32> to vector<1x16xf32>
      tpu.vector_store %arg9[%swap3A_834, %swap3A_835], %swap3A_838 {strides = array<i32>} : memref<4x256xf32, #tpu.memory_space<vmem>>, vector<1x16xf32>,
      %scan3A_839 = arith.constant 0 : i32
      %scan3A_840 = arith.constant 8 : i32
      %scan3A_841 = arith.addi %scan3A_839, %scan3A_840 : i32
      %scan3A_842 = arith.constant 1 : i32
      %scan3A_843:16 = scf.for %scan3A_1632 = %scan3A_839 to %scan3A_841 step %scan3A_842 iter_args(%scan3A_1633 = %broadcast_in_dim3A_584, %scan3A_1634 = %broadcast_in_dim3A_584, %scan3A_1635 = %broadcast_in_dim3A_584, %scan3A_1636 = %broadcast_in_dim3A_584, %scan3A_1637 = %broadcast_in_dim3A_584, %scan3A_1638 = %broadcast_in_dim3A_584, %scan3A_1639 = %broadcast_in_dim3A_584, %scan3A_1640 = %broadcast_in_dim3A_584, %scan3A_1641 = %broadcast_in_dim3A_586, %scan3A_1642 = %broadcast_in_dim3A_586, %scan3A_1643 = %broadcast_in_dim3A_586, %scan3A_1644 = %broadcast_in_dim3A_586, %scan3A_1645 = %broadcast_in_dim3A_586, %scan3A_1646 = %broadcast_in_dim3A_586, %scan3A_1647 = %broadcast_in_dim3A_586, %scan3A_1648 = %broadcast_in_dim3A_586) -> (vector<16xf32>, vector<16xf32>, vector<16xf32>, vector<16xf32>, vector<16xf32>, vector<16xf32>, vector<16xf32>, vector<16xf32>, vector<16xf32>, vector<16xf32>, vector<16xf32>, vector<16xf32>, vector<16xf32>, vector<16xf32>, vector<16xf32>, vector<16xf32>)  : i32 {
        %mul3A_1649 = arith.constant 4 : i32
        %mul3A_1650 = arith.muli %scan3A_1632, %mul3A_1649 : i32
        %add3A_1651 = arith.constant 64 : i32
        %add3A_1652 = arith.addi %add3A_1651, %mul3A_1650 : i32
        %add3A_1653 = arith.constant 0 : i32
        %add3A_1654 = arith.addi %add3A_1652, %add3A_1653 : i32
        %get3A = arith.index_cast %add3A_1654 : i32 to index
        %get3A_1655 = arith.constant 0 : index
        %get3A_1656 = tpu.vector_load %arg7[%get3A, %get3A_1655] {strides = array<i32>} : memref<128x128xf32, #tpu.memory_space<vmem>>, vector<1x16xf32>,
        %get3A_1657 = vector.shape_cast %get3A_1656 : vector<1x16xf32> to vector<16xf32>
        %get3A_1658 = arith.index_cast %add3A_1654 : i32 to index
        %get3A_1659 = arith.constant 16 : index
        %get3A_1660 = tpu.vector_load %arg7[%get3A_1658, %get3A_1659] {strides = array<i32>} : memref<128x128xf32, #tpu.memory_space<vmem>>, vector<1x16xf32>,
        %get3A_1661 = vector.shape_cast %get3A_1660 : vector<1x16xf32> to vector<16xf32>
        %get3A_1662 = arith.index_cast %add3A_1654 : i32 to index
        %get3A_1663 = arith.constant 32 : index
        %get3A_1664 = tpu.vector_load %arg7[%get3A_1662, %get3A_1663] {strides = array<i32>} : memref<128x128xf32, #tpu.memory_space<vmem>>, vector<1x16xf32>,
        %get3A_1665 = vector.shape_cast %get3A_1664 : vector<1x16xf32> to vector<16xf32>
        %get3A_1666 = arith.index_cast %add3A_1654 : i32 to index
        %get3A_1667 = arith.constant 48 : index
        %get3A_1668 = tpu.vector_load %arg7[%get3A_1666, %get3A_1667] {strides = array<i32>} : memref<128x128xf32, #tpu.memory_space<vmem>>, vector<1x16xf32>,
        %get3A_1669 = vector.shape_cast %get3A_1668 : vector<1x16xf32> to vector<16xf32>
        %get3A_1670 = arith.index_cast %add3A_1654 : i32 to index
        %get3A_1671 = arith.constant 64 : index
        %get3A_1672 = tpu.vector_load %arg7[%get3A_1670, %get3A_1671] {strides = array<i32>} : memref<128x128xf32, #tpu.memory_space<vmem>>, vector<1x16xf32>,
        %get3A_1673 = vector.shape_cast %get3A_1672 : vector<1x16xf32> to vector<16xf32>
        %get3A_1674 = arith.index_cast %add3A_1654 : i32 to index
        %get3A_1675 = arith.constant 80 : index
        %get3A_1676 = tpu.vector_load %arg7[%get3A_1674, %get3A_1675] {strides = array<i32>} : memref<128x128xf32, #tpu.memory_space<vmem>>, vector<1x16xf32>,
        %get3A_1677 = vector.shape_cast %get3A_1676 : vector<1x16xf32> to vector<16xf32>
        %get3A_1678 = arith.index_cast %add3A_1654 : i32 to index
        %get3A_1679 = arith.constant 96 : index
        %get3A_1680 = tpu.vector_load %arg7[%get3A_1678, %get3A_1679] {strides = array<i32>} : memref<128x128xf32, #tpu.memory_space<vmem>>, vector<1x16xf32>,
        %get3A_1681 = vector.shape_cast %get3A_1680 : vector<1x16xf32> to vector<16xf32>
        %get3A_1682 = arith.index_cast %add3A_1654 : i32 to index
        %get3A_1683 = arith.constant 112 : index
        %get3A_1684 = tpu.vector_load %arg7[%get3A_1682, %get3A_1683] {strides = array<i32>} : memref<128x128xf32, #tpu.memory_space<vmem>>, vector<1x16xf32>,
        %get3A_1685 = vector.shape_cast %get3A_1684 : vector<1x16xf32> to vector<16xf32>
        %add3A_1686 = arith.addf %scan3A_1633, %get3A_1657 : vector<16xf32>
        %add3A_1687 = arith.addf %scan3A_1634, %get3A_1661 : vector<16xf32>
        %add3A_1688 = arith.addf %scan3A_1635, %get3A_1665 : vector<16xf32>
        %add3A_1689 = arith.addf %scan3A_1636, %get3A_1669 : vector<16xf32>
        %add3A_1690 = arith.addf %scan3A_1637, %get3A_1673 : vector<16xf32>
        %add3A_1691 = arith.addf %scan3A_1638, %get3A_1677 : vector<16xf32>
        %add3A_1692 = arith.addf %scan3A_1639, %get3A_1681 : vector<16xf32>
        %add3A_1693 = arith.addf %scan3A_1640, %get3A_1685 : vector<16xf32>
        %max3A = arith.maximumf %scan3A_1641, %get3A_1657 : vector<16xf32>
        %max3A_1694 = arith.maximumf %scan3A_1642, %get3A_1661 : vector<16xf32>
        %max3A_1695 = arith.maximumf %scan3A_1643, %get3A_1665 : vector<16xf32>
        %max3A_1696 = arith.maximumf %scan3A_1644, %get3A_1669 : vector<16xf32>
        %max3A_1697 = arith.maximumf %scan3A_1645, %get3A_1673 : vector<16xf32>
        %max3A_1698 = arith.maximumf %scan3A_1646, %get3A_1677 : vector<16xf32>
        %max3A_1699 = arith.maximumf %scan3A_1647, %get3A_1681 : vector<16xf32>
        %max3A_1700 = arith.maximumf %scan3A_1648, %get3A_1685 : vector<16xf32>
        %mul3A_1701 = arith.constant 4 : i32
        %mul3A_1702 = arith.muli %scan3A_1632, %mul3A_1701 : i32
        %add3A_1703 = arith.constant 64 : i32
        %add3A_1704 = arith.addi %add3A_1703, %mul3A_1702 : i32
        %add3A_1705 = arith.constant 1 : i32
        %add3A_1706 = arith.addi %add3A_1704, %add3A_1705 : i32
        %get3A_1707 = arith.index_cast %add3A_1706 : i32 to index
        %get3A_1708 = arith.constant 0 : index
        %get3A_1709 = tpu.vector_load %arg7[%get3A_1707, %get3A_1708] {strides = array<i32>} : memref<128x128xf32, #tpu.memory_space<vmem>>, vector<1x16xf32>,
        %get3A_1710 = vector.shape_cast %get3A_1709 : vector<1x16xf32> to vector<16xf32>
        %get3A_1711 = arith.index_cast %add3A_1706 : i32 to index
        %get3A_1712 = arith.constant 16 : index
        %get3A_1713 = tpu.vector_load %arg7[%get3A_1711, %get3A_1712] {strides = array<i32>} : memref<128x128xf32, #tpu.memory_space<vmem>>, vector<1x16xf32>,
        %get3A_1714 = vector.shape_cast %get3A_1713 : vector<1x16xf32> to vector<16xf32>
        %get3A_1715 = arith.index_cast %add3A_1706 : i32 to index
        %get3A_1716 = arith.constant 32 : index
        %get3A_1717 = tpu.vector_load %arg7[%get3A_1715, %get3A_1716] {strides = array<i32>} : memref<128x128xf32, #tpu.memory_space<vmem>>, vector<1x16xf32>,
        %get3A_1718 = vector.shape_cast %get3A_1717 : vector<1x16xf32> to vector<16xf32>
        %get3A_1719 = arith.index_cast %add3A_1706 : i32 to index
        %get3A_1720 = arith.constant 48 : index
        %get3A_1721 = tpu.vector_load %arg7[%get3A_1719, %get3A_1720] {strides = array<i32>} : memref<128x128xf32, #tpu.memory_space<vmem>>, vector<1x16xf32>,
        %get3A_1722 = vector.shape_cast %get3A_1721 : vector<1x16xf32> to vector<16xf32>
        %get3A_1723 = arith.index_cast %add3A_1706 : i32 to index
        %get3A_1724 = arith.constant 64 : index
        %get3A_1725 = tpu.vector_load %arg7[%get3A_1723, %get3A_1724] {strides = array<i32>} : memref<128x128xf32, #tpu.memory_space<vmem>>, vector<1x16xf32>,
        %get3A_1726 = vector.shape_cast %get3A_1725 : vector<1x16xf32> to vector<16xf32>
        %get3A_1727 = arith.index_cast %add3A_1706 : i32 to index
        %get3A_1728 = arith.constant 80 : index
        %get3A_1729 = tpu.vector_load %arg7[%get3A_1727, %get3A_1728] {strides = array<i32>} : memref<128x128xf32, #tpu.memory_space<vmem>>, vector<1x16xf32>,
        %get3A_1730 = vector.shape_cast %get3A_1729 : vector<1x16xf32> to vector<16xf32>
        %get3A_1731 = arith.index_cast %add3A_1706 : i32 to index
        %get3A_1732 = arith.constant 96 : index
        %get3A_1733 = tpu.vector_load %arg7[%get3A_1731, %get3A_1732] {strides = array<i32>} : memref<128x128xf32, #tpu.memory_space<vmem>>, vector<1x16xf32>,
        %get3A_1734 = vector.shape_cast %get3A_1733 : vector<1x16xf32> to vector<16xf32>
        %get3A_1735 = arith.index_cast %add3A_1706 : i32 to index
        %get3A_1736 = arith.constant 112 : index
        %get3A_1737 = tpu.vector_load %arg7[%get3A_1735, %get3A_1736] {strides = array<i32>} : memref<128x128xf32, #tpu.memory_space<vmem>>, vector<1x16xf32>,
        %get3A_1738 = vector.shape_cast %get3A_1737 : vector<1x16xf32> to vector<16xf32>
        %add3A_1739 = arith.addf %add3A_1686, %get3A_1710 : vector<16xf32>
        %add3A_1740 = arith.addf %add3A_1687, %get3A_1714 : vector<16xf32>
        %add3A_1741 = arith.addf %add3A_1688, %get3A_1718 : vector<16xf32>
        %add3A_1742 = arith.addf %add3A_1689, %get3A_1722 : vector<16xf32>
        %add3A_1743 = arith.addf %add3A_1690, %get3A_1726 : vector<16xf32>
        %add3A_1744 = arith.addf %add3A_1691, %get3A_1730 : vector<16xf32>
        %add3A_1745 = arith.addf %add3A_1692, %get3A_1734 : vector<16xf32>
        %add3A_1746 = arith.addf %add3A_1693, %get3A_1738 : vector<16xf32>
        %max3A_1747 = arith.maximumf %max3A, %get3A_1710 : vector<16xf32>
        %max3A_1748 = arith.maximumf %max3A_1694, %get3A_1714 : vector<16xf32>
        %max3A_1749 = arith.maximumf %max3A_1695, %get3A_1718 : vector<16xf32>
        %max3A_1750 = arith.maximumf %max3A_1696, %get3A_1722 : vector<16xf32>
        %max3A_1751 = arith.maximumf %max3A_1697, %get3A_1726 : vector<16xf32>
        %max3A_1752 = arith.maximumf %max3A_1698, %get3A_1730 : vector<16xf32>
        %max3A_1753 = arith.maximumf %max3A_1699, %get3A_1734 : vector<16xf32>
        %max3A_1754 = arith.maximumf %max3A_1700, %get3A_1738 : vector<16xf32>
        %mul3A_1755 = arith.constant 4 : i32
        %mul3A_1756 = arith.muli %scan3A_1632, %mul3A_1755 : i32
        %add3A_1757 = arith.constant 64 : i32
        %add3A_1758 = arith.addi %add3A_1757, %mul3A_1756 : i32
        %add3A_1759 = arith.constant 2 : i32
        %add3A_1760 = arith.addi %add3A_1758, %add3A_1759 : i32
        %get3A_1761 = arith.index_cast %add3A_1760 : i32 to index
        %get3A_1762 = arith.constant 0 : index
        %get3A_1763 = tpu.vector_load %arg7[%get3A_1761, %get3A_1762] {strides = array<i32>} : memref<128x128xf32, #tpu.memory_space<vmem>>, vector<1x16xf32>,
        %get3A_1764 = vector.shape_cast %get3A_1763 : vector<1x16xf32> to vector<16xf32>
        %get3A_1765 = arith.index_cast %add3A_1760 : i32 to index
        %get3A_1766 = arith.constant 16 : index
        %get3A_1767 = tpu.vector_load %arg7[%get3A_1765, %get3A_1766] {strides = array<i32>} : memref<128x128xf32, #tpu.memory_space<vmem>>, vector<1x16xf32>,
        %get3A_1768 = vector.shape_cast %get3A_1767 : vector<1x16xf32> to vector<16xf32>
        %get3A_1769 = arith.index_cast %add3A_1760 : i32 to index
        %get3A_1770 = arith.constant 32 : index
        %get3A_1771 = tpu.vector_load %arg7[%get3A_1769, %get3A_1770] {strides = array<i32>} : memref<128x128xf32, #tpu.memory_space<vmem>>, vector<1x16xf32>,
        %get3A_1772 = vector.shape_cast %get3A_1771 : vector<1x16xf32> to vector<16xf32>
        %get3A_1773 = arith.index_cast %add3A_1760 : i32 to index
        %get3A_1774 = arith.constant 48 : index
        %get3A_1775 = tpu.vector_load %arg7[%get3A_1773, %get3A_1774] {strides = array<i32>} : memref<128x128xf32, #tpu.memory_space<vmem>>, vector<1x16xf32>,
        %get3A_1776 = vector.shape_cast %get3A_1775 : vector<1x16xf32> to vector<16xf32>
        %get3A_1777 = arith.index_cast %add3A_1760 : i32 to index
        %get3A_1778 = arith.constant 64 : index
        %get3A_1779 = tpu.vector_load %arg7[%get3A_1777, %get3A_1778] {strides = array<i32>} : memref<128x128xf32, #tpu.memory_space<vmem>>, vector<1x16xf32>,
        %get3A_1780 = vector.shape_cast %get3A_1779 : vector<1x16xf32> to vector<16xf32>
        %get3A_1781 = arith.index_cast %add3A_1760 : i32 to index
        %get3A_1782 = arith.constant 80 : index
        %get3A_1783 = tpu.vector_load %arg7[%get3A_1781, %get3A_1782] {strides = array<i32>} : memref<128x128xf32, #tpu.memory_space<vmem>>, vector<1x16xf32>,
        %get3A_1784 = vector.shape_cast %get3A_1783 : vector<1x16xf32> to vector<16xf32>
        %get3A_1785 = arith.index_cast %add3A_1760 : i32 to index
        %get3A_1786 = arith.constant 96 : index
        %get3A_1787 = tpu.vector_load %arg7[%get3A_1785, %get3A_1786] {strides = array<i32>} : memref<128x128xf32, #tpu.memory_space<vmem>>, vector<1x16xf32>,
        %get3A_1788 = vector.shape_cast %get3A_1787 : vector<1x16xf32> to vector<16xf32>
        %get3A_1789 = arith.index_cast %add3A_1760 : i32 to index
        %get3A_1790 = arith.constant 112 : index
        %get3A_1791 = tpu.vector_load %arg7[%get3A_1789, %get3A_1790] {strides = array<i32>} : memref<128x128xf32, #tpu.memory_space<vmem>>, vector<1x16xf32>,
        %get3A_1792 = vector.shape_cast %get3A_1791 : vector<1x16xf32> to vector<16xf32>
        %add3A_1793 = arith.addf %add3A_1739, %get3A_1764 : vector<16xf32>
        %add3A_1794 = arith.addf %add3A_1740, %get3A_1768 : vector<16xf32>
        %add3A_1795 = arith.addf %add3A_1741, %get3A_1772 : vector<16xf32>
        %add3A_1796 = arith.addf %add3A_1742, %get3A_1776 : vector<16xf32>
        %add3A_1797 = arith.addf %add3A_1743, %get3A_1780 : vector<16xf32>
        %add3A_1798 = arith.addf %add3A_1744, %get3A_1784 : vector<16xf32>
        %add3A_1799 = arith.addf %add3A_1745, %get3A_1788 : vector<16xf32>
        %add3A_1800 = arith.addf %add3A_1746, %get3A_1792 : vector<16xf32>
        %max3A_1801 = arith.maximumf %max3A_1747, %get3A_1764 : vector<16xf32>
        %max3A_1802 = arith.maximumf %max3A_1748, %get3A_1768 : vector<16xf32>
        %max3A_1803 = arith.maximumf %max3A_1749, %get3A_1772 : vector<16xf32>
        %max3A_1804 = arith.maximumf %max3A_1750, %get3A_1776 : vector<16xf32>
        %max3A_1805 = arith.maximumf %max3A_1751, %get3A_1780 : vector<16xf32>
        %max3A_1806 = arith.maximumf %max3A_1752, %get3A_1784 : vector<16xf32>
        %max3A_1807 = arith.maximumf %max3A_1753, %get3A_1788 : vector<16xf32>
        %max3A_1808 = arith.maximumf %max3A_1754, %get3A_1792 : vector<16xf32>
        %mul3A_1809 = arith.constant 4 : i32
        %mul3A_1810 = arith.muli %scan3A_1632, %mul3A_1809 : i32
        %add3A_1811 = arith.constant 64 : i32
        %add3A_1812 = arith.addi %add3A_1811, %mul3A_1810 : i32
        %add3A_1813 = arith.constant 3 : i32
        %add3A_1814 = arith.addi %add3A_1812, %add3A_1813 : i32
        %get3A_1815 = arith.index_cast %add3A_1814 : i32 to index
        %get3A_1816 = arith.constant 0 : index
        %get3A_1817 = tpu.vector_load %arg7[%get3A_1815, %get3A_1816] {strides = array<i32>} : memref<128x128xf32, #tpu.memory_space<vmem>>, vector<1x16xf32>,
        %get3A_1818 = vector.shape_cast %get3A_1817 : vector<1x16xf32> to vector<16xf32>
        %get3A_1819 = arith.index_cast %add3A_1814 : i32 to index
        %get3A_1820 = arith.constant 16 : index
        %get3A_1821 = tpu.vector_load %arg7[%get3A_1819, %get3A_1820] {strides = array<i32>} : memref<128x128xf32, #tpu.memory_space<vmem>>, vector<1x16xf32>,
        %get3A_1822 = vector.shape_cast %get3A_1821 : vector<1x16xf32> to vector<16xf32>
        %get3A_1823 = arith.index_cast %add3A_1814 : i32 to index
        %get3A_1824 = arith.constant 32 : index
        %get3A_1825 = tpu.vector_load %arg7[%get3A_1823, %get3A_1824] {strides = array<i32>} : memref<128x128xf32, #tpu.memory_space<vmem>>, vector<1x16xf32>,
        %get3A_1826 = vector.shape_cast %get3A_1825 : vector<1x16xf32> to vector<16xf32>
        %get3A_1827 = arith.index_cast %add3A_1814 : i32 to index
        %get3A_1828 = arith.constant 48 : index
        %get3A_1829 = tpu.vector_load %arg7[%get3A_1827, %get3A_1828] {strides = array<i32>} : memref<128x128xf32, #tpu.memory_space<vmem>>, vector<1x16xf32>,
        %get3A_1830 = vector.shape_cast %get3A_1829 : vector<1x16xf32> to vector<16xf32>
        %get3A_1831 = arith.index_cast %add3A_1814 : i32 to index
        %get3A_1832 = arith.constant 64 : index
        %get3A_1833 = tpu.vector_load %arg7[%get3A_1831, %get3A_1832] {strides = array<i32>} : memref<128x128xf32, #tpu.memory_space<vmem>>, vector<1x16xf32>,
        %get3A_1834 = vector.shape_cast %get3A_1833 : vector<1x16xf32> to vector<16xf32>
        %get3A_1835 = arith.index_cast %add3A_1814 : i32 to index
        %get3A_1836 = arith.constant 80 : index
        %get3A_1837 = tpu.vector_load %arg7[%get3A_1835, %get3A_1836] {strides = array<i32>} : memref<128x128xf32, #tpu.memory_space<vmem>>, vector<1x16xf32>,
        %get3A_1838 = vector.shape_cast %get3A_1837 : vector<1x16xf32> to vector<16xf32>
        %get3A_1839 = arith.index_cast %add3A_1814 : i32 to index
        %get3A_1840 = arith.constant 96 : index
        %get3A_1841 = tpu.vector_load %arg7[%get3A_1839, %get3A_1840] {strides = array<i32>} : memref<128x128xf32, #tpu.memory_space<vmem>>, vector<1x16xf32>,
        %get3A_1842 = vector.shape_cast %get3A_1841 : vector<1x16xf32> to vector<16xf32>
        %get3A_1843 = arith.index_cast %add3A_1814 : i32 to index
        %get3A_1844 = arith.constant 112 : index
        %get3A_1845 = tpu.vector_load %arg7[%get3A_1843, %get3A_1844] {strides = array<i32>} : memref<128x128xf32, #tpu.memory_space<vmem>>, vector<1x16xf32>,
        %get3A_1846 = vector.shape_cast %get3A_1845 : vector<1x16xf32> to vector<16xf32>
        %add3A_1847 = arith.addf %add3A_1793, %get3A_1818 : vector<16xf32>
        %add3A_1848 = arith.addf %add3A_1794, %get3A_1822 : vector<16xf32>
        %add3A_1849 = arith.addf %add3A_1795, %get3A_1826 : vector<16xf32>
        %add3A_1850 = arith.addf %add3A_1796, %get3A_1830 : vector<16xf32>
        %add3A_1851 = arith.addf %add3A_1797, %get3A_1834 : vector<16xf32>
        %add3A_1852 = arith.addf %add3A_1798, %get3A_1838 : vector<16xf32>
        %add3A_1853 = arith.addf %add3A_1799, %get3A_1842 : vector<16xf32>
        %add3A_1854 = arith.addf %add3A_1800, %get3A_1846 : vector<16xf32>
        %max3A_1855 = arith.maximumf %max3A_1801, %get3A_1818 : vector<16xf32>
        %max3A_1856 = arith.maximumf %max3A_1802, %get3A_1822 : vector<16xf32>
        %max3A_1857 = arith.maximumf %max3A_1803, %get3A_1826 : vector<16xf32>
        %max3A_1858 = arith.maximumf %max3A_1804, %get3A_1830 : vector<16xf32>
        %max3A_1859 = arith.maximumf %max3A_1805, %get3A_1834 : vector<16xf32>
        %max3A_1860 = arith.maximumf %max3A_1806, %get3A_1838 : vector<16xf32>
        %max3A_1861 = arith.maximumf %max3A_1807, %get3A_1842 : vector<16xf32>
        %max3A_1862 = arith.maximumf %max3A_1808, %get3A_1846 : vector<16xf32>
        scf.yield %add3A_1847, %add3A_1848, %add3A_1849, %add3A_1850, %add3A_1851, %add3A_1852, %add3A_1853, %add3A_1854, %max3A_1855, %max3A_1856, %max3A_1857, %max3A_1858, %max3A_1859, %max3A_1860, %max3A_1861, %max3A_1862 : vector<16xf32>, vector<16xf32>, vector<16xf32>, vector<16xf32>, vector<16xf32>, vector<16xf32>, vector<16xf32>, vector<16xf32>, vector<16xf32>, vector<16xf32>, vector<16xf32>, vector<16xf32>, vector<16xf32>, vector<16xf32>, vector<16xf32>, vector<16xf32>
      }
      %scan3A_844 = arith.constant 8 : i32
      %mul3A_845 = arith.constant 3.125000e-02 : f32
      %mul3A_846 = vector.broadcast %mul3A_845 : f32 to vector<16xf32>
      %mul3A_847 = arith.mulf %scan3A_843#0, %mul3A_846 : vector<16xf32>
      %swap3A_848 = arith.constant 2 : i32
      %swap3A_849 = arith.index_cast %swap3A_848 : i32 to index
      %swap3A_850 = arith.constant 0 : index
      %swap3A_851 = tpu.vector_load %arg9[%swap3A_849, %swap3A_850] {strides = array<i32>} : memref<4x256xf32, #tpu.memory_space<vmem>>, vector<1x16xf32>,
      %swap3A_852 = vector.shape_cast %swap3A_851 : vector<1x16xf32> to vector<16xf32>
      %swap3A_853 = vector.shape_cast %mul3A_847 : vector<16xf32> to vector<1x16xf32>
      tpu.vector_store %arg9[%swap3A_849, %swap3A_850], %swap3A_853 {strides = array<i32>} : memref<4x256xf32, #tpu.memory_space<vmem>>, vector<1x16xf32>,
      %swap3A_854 = arith.constant 2 : i32
      %swap3A_855 = arith.index_cast %swap3A_854 : i32 to index
      %swap3A_856 = arith.constant 128 : index
      %swap3A_857 = tpu.vector_load %arg9[%swap3A_855, %swap3A_856] {strides = array<i32>} : memref<4x256xf32, #tpu.memory_space<vmem>>, vector<1x16xf32>,
      %swap3A_858 = vector.shape_cast %swap3A_857 : vector<1x16xf32> to vector<16xf32>
      %swap3A_859 = vector.shape_cast %scan3A_843#8 : vector<16xf32> to vector<1x16xf32>
      tpu.vector_store %arg9[%swap3A_855, %swap3A_856], %swap3A_859 {strides = array<i32>} : memref<4x256xf32, #tpu.memory_space<vmem>>, vector<1x16xf32>,
      %mul3A_860 = arith.constant 3.125000e-02 : f32
      %mul3A_861 = vector.broadcast %mul3A_860 : f32 to vector<16xf32>
      %mul3A_862 = arith.mulf %scan3A_843#1, %mul3A_861 : vector<16xf32>
      %swap3A_863 = arith.constant 2 : i32
      %swap3A_864 = arith.index_cast %swap3A_863 : i32 to index
      %swap3A_865 = arith.constant 16 : index
      %swap3A_866 = tpu.vector_load %arg9[%swap3A_864, %swap3A_865] {strides = array<i32>} : memref<4x256xf32, #tpu.memory_space<vmem>>, vector<1x16xf32>,
      %swap3A_867 = vector.shape_cast %swap3A_866 : vector<1x16xf32> to vector<16xf32>
      %swap3A_868 = vector.shape_cast %mul3A_862 : vector<16xf32> to vector<1x16xf32>
      tpu.vector_store %arg9[%swap3A_864, %swap3A_865], %swap3A_868 {strides = array<i32>} : memref<4x256xf32, #tpu.memory_space<vmem>>, vector<1x16xf32>,
      %swap3A_869 = arith.constant 2 : i32
      %swap3A_870 = arith.index_cast %swap3A_869 : i32 to index
      %swap3A_871 = arith.constant 144 : index
      %swap3A_872 = tpu.vector_load %arg9[%swap3A_870, %swap3A_871] {strides = array<i32>} : memref<4x256xf32, #tpu.memory_space<vmem>>, vector<1x16xf32>,
      %swap3A_873 = vector.shape_cast %swap3A_872 : vector<1x16xf32> to vector<16xf32>
      %swap3A_874 = vector.shape_cast %scan3A_843#9 : vector<16xf32> to vector<1x16xf32>
      tpu.vector_store %arg9[%swap3A_870, %swap3A_871], %swap3A_874 {strides = array<i32>} : memref<4x256xf32, #tpu.memory_space<vmem>>, vector<1x16xf32>,
      %mul3A_875 = arith.constant 3.125000e-02 : f32
      %mul3A_876 = vector.broadcast %mul3A_875 : f32 to vector<16xf32>
      %mul3A_877 = arith.mulf %scan3A_843#2, %mul3A_876 : vector<16xf32>
      %swap3A_878 = arith.constant 2 : i32
      %swap3A_879 = arith.index_cast %swap3A_878 : i32 to index
      %swap3A_880 = arith.constant 32 : index
      %swap3A_881 = tpu.vector_load %arg9[%swap3A_879, %swap3A_880] {strides = array<i32>} : memref<4x256xf32, #tpu.memory_space<vmem>>, vector<1x16xf32>,
      %swap3A_882 = vector.shape_cast %swap3A_881 : vector<1x16xf32> to vector<16xf32>
      %swap3A_883 = vector.shape_cast %mul3A_877 : vector<16xf32> to vector<1x16xf32>
      tpu.vector_store %arg9[%swap3A_879, %swap3A_880], %swap3A_883 {strides = array<i32>} : memref<4x256xf32, #tpu.memory_space<vmem>>, vector<1x16xf32>,
      %swap3A_884 = arith.constant 2 : i32
      %swap3A_885 = arith.index_cast %swap3A_884 : i32 to index
      %swap3A_886 = arith.constant 160 : index
      %swap3A_887 = tpu.vector_load %arg9[%swap3A_885, %swap3A_886] {strides = array<i32>} : memref<4x256xf32, #tpu.memory_space<vmem>>, vector<1x16xf32>,
      %swap3A_888 = vector.shape_cast %swap3A_887 : vector<1x16xf32> to vector<16xf32>
      %swap3A_889 = vector.shape_cast %scan3A_843#10 : vector<16xf32> to vector<1x16xf32>
      tpu.vector_store %arg9[%swap3A_885, %swap3A_886], %swap3A_889 {strides = array<i32>} : memref<4x256xf32, #tpu.memory_space<vmem>>, vector<1x16xf32>,
      %mul3A_890 = arith.constant 3.125000e-02 : f32
      %mul3A_891 = vector.broadcast %mul3A_890 : f32 to vector<16xf32>
      %mul3A_892 = arith.mulf %scan3A_843#3, %mul3A_891 : vector<16xf32>
      %swap3A_893 = arith.constant 2 : i32
      %swap3A_894 = arith.index_cast %swap3A_893 : i32 to index
      %swap3A_895 = arith.constant 48 : index
      %swap3A_896 = tpu.vector_load %arg9[%swap3A_894, %swap3A_895] {strides = array<i32>} : memref<4x256xf32, #tpu.memory_space<vmem>>, vector<1x16xf32>,
      %swap3A_897 = vector.shape_cast %swap3A_896 : vector<1x16xf32> to vector<16xf32>
      %swap3A_898 = vector.shape_cast %mul3A_892 : vector<16xf32> to vector<1x16xf32>
      tpu.vector_store %arg9[%swap3A_894, %swap3A_895], %swap3A_898 {strides = array<i32>} : memref<4x256xf32, #tpu.memory_space<vmem>>, vector<1x16xf32>,
      %swap3A_899 = arith.constant 2 : i32
      %swap3A_900 = arith.index_cast %swap3A_899 : i32 to index
      %swap3A_901 = arith.constant 176 : index
      %swap3A_902 = tpu.vector_load %arg9[%swap3A_900, %swap3A_901] {strides = array<i32>} : memref<4x256xf32, #tpu.memory_space<vmem>>, vector<1x16xf32>,
      %swap3A_903 = vector.shape_cast %swap3A_902 : vector<1x16xf32> to vector<16xf32>
      %swap3A_904 = vector.shape_cast %scan3A_843#11 : vector<16xf32> to vector<1x16xf32>
      tpu.vector_store %arg9[%swap3A_900, %swap3A_901], %swap3A_904 {strides = array<i32>} : memref<4x256xf32, #tpu.memory_space<vmem>>, vector<1x16xf32>,
      %mul3A_905 = arith.constant 3.125000e-02 : f32
      %mul3A_906 = vector.broadcast %mul3A_905 : f32 to vector<16xf32>
      %mul3A_907 = arith.mulf %scan3A_843#4, %mul3A_906 : vector<16xf32>
      %swap3A_908 = arith.constant 2 : i32
      %swap3A_909 = arith.index_cast %swap3A_908 : i32 to index
      %swap3A_910 = arith.constant 64 : index
      %swap3A_911 = tpu.vector_load %arg9[%swap3A_909, %swap3A_910] {strides = array<i32>} : memref<4x256xf32, #tpu.memory_space<vmem>>, vector<1x16xf32>,
      %swap3A_912 = vector.shape_cast %swap3A_911 : vector<1x16xf32> to vector<16xf32>
      %swap3A_913 = vector.shape_cast %mul3A_907 : vector<16xf32> to vector<1x16xf32>
      tpu.vector_store %arg9[%swap3A_909, %swap3A_910], %swap3A_913 {strides = array<i32>} : memref<4x256xf32, #tpu.memory_space<vmem>>, vector<1x16xf32>,
      %swap3A_914 = arith.constant 2 : i32
      %swap3A_915 = arith.index_cast %swap3A_914 : i32 to index
      %swap3A_916 = arith.constant 192 : index
      %swap3A_917 = tpu.vector_load %arg9[%swap3A_915, %swap3A_916] {strides = array<i32>} : memref<4x256xf32, #tpu.memory_space<vmem>>, vector<1x16xf32>,
      %swap3A_918 = vector.shape_cast %swap3A_917 : vector<1x16xf32> to vector<16xf32>
      %swap3A_919 = vector.shape_cast %scan3A_843#12 : vector<16xf32> to vector<1x16xf32>
      tpu.vector_store %arg9[%swap3A_915, %swap3A_916], %swap3A_919 {strides = array<i32>} : memref<4x256xf32, #tpu.memory_space<vmem>>, vector<1x16xf32>,
      %mul3A_920 = arith.constant 3.125000e-02 : f32
      %mul3A_921 = vector.broadcast %mul3A_920 : f32 to vector<16xf32>
      %mul3A_922 = arith.mulf %scan3A_843#5, %mul3A_921 : vector<16xf32>
      %swap3A_923 = arith.constant 2 : i32
      %swap3A_924 = arith.index_cast %swap3A_923 : i32 to index
      %swap3A_925 = arith.constant 80 : index
      %swap3A_926 = tpu.vector_load %arg9[%swap3A_924, %swap3A_925] {strides = array<i32>} : memref<4x256xf32, #tpu.memory_space<vmem>>, vector<1x16xf32>,
      %swap3A_927 = vector.shape_cast %swap3A_926 : vector<1x16xf32> to vector<16xf32>
      %swap3A_928 = vector.shape_cast %mul3A_922 : vector<16xf32> to vector<1x16xf32>
      tpu.vector_store %arg9[%swap3A_924, %swap3A_925], %swap3A_928 {strides = array<i32>} : memref<4x256xf32, #tpu.memory_space<vmem>>, vector<1x16xf32>,
      %swap3A_929 = arith.constant 2 : i32
      %swap3A_930 = arith.index_cast %swap3A_929 : i32 to index
      %swap3A_931 = arith.constant 208 : index
      %swap3A_932 = tpu.vector_load %arg9[%swap3A_930, %swap3A_931] {strides = array<i32>} : memref<4x256xf32, #tpu.memory_space<vmem>>, vector<1x16xf32>,
      %swap3A_933 = vector.shape_cast %swap3A_932 : vector<1x16xf32> to vector<16xf32>
      %swap3A_934 = vector.shape_cast %scan3A_843#13 : vector<16xf32> to vector<1x16xf32>
      tpu.vector_store %arg9[%swap3A_930, %swap3A_931], %swap3A_934 {strides = array<i32>} : memref<4x256xf32, #tpu.memory_space<vmem>>, vector<1x16xf32>,
      %mul3A_935 = arith.constant 3.125000e-02 : f32
      %mul3A_936 = vector.broadcast %mul3A_935 : f32 to vector<16xf32>
      %mul3A_937 = arith.mulf %scan3A_843#6, %mul3A_936 : vector<16xf32>
      %swap3A_938 = arith.constant 2 : i32
      %swap3A_939 = arith.index_cast %swap3A_938 : i32 to index
      %swap3A_940 = arith.constant 96 : index
      %swap3A_941 = tpu.vector_load %arg9[%swap3A_939, %swap3A_940] {strides = array<i32>} : memref<4x256xf32, #tpu.memory_space<vmem>>, vector<1x16xf32>,
      %swap3A_942 = vector.shape_cast %swap3A_941 : vector<1x16xf32> to vector<16xf32>
      %swap3A_943 = vector.shape_cast %mul3A_937 : vector<16xf32> to vector<1x16xf32>
      tpu.vector_store %arg9[%swap3A_939, %swap3A_940], %swap3A_943 {strides = array<i32>} : memref<4x256xf32, #tpu.memory_space<vmem>>, vector<1x16xf32>,
      %swap3A_944 = arith.constant 2 : i32
      %swap3A_945 = arith.index_cast %swap3A_944 : i32 to index
      %swap3A_946 = arith.constant 224 : index
      %swap3A_947 = tpu.vector_load %arg9[%swap3A_945, %swap3A_946] {strides = array<i32>} : memref<4x256xf32, #tpu.memory_space<vmem>>, vector<1x16xf32>,
      %swap3A_948 = vector.shape_cast %swap3A_947 : vector<1x16xf32> to vector<16xf32>
      %swap3A_949 = vector.shape_cast %scan3A_843#14 : vector<16xf32> to vector<1x16xf32>
      tpu.vector_store %arg9[%swap3A_945, %swap3A_946], %swap3A_949 {strides = array<i32>} : memref<4x256xf32, #tpu.memory_space<vmem>>, vector<1x16xf32>,
      %mul3A_950 = arith.constant 3.125000e-02 : f32
      %mul3A_951 = vector.broadcast %mul3A_950 : f32 to vector<16xf32>
      %mul3A_952 = arith.mulf %scan3A_843#7, %mul3A_951 : vector<16xf32>
      %swap3A_953 = arith.constant 2 : i32
      %swap3A_954 = arith.index_cast %swap3A_953 : i32 to index
      %swap3A_955 = arith.constant 112 : index
      %swap3A_956 = tpu.vector_load %arg9[%swap3A_954, %swap3A_955] {strides = array<i32>} : memref<4x256xf32, #tpu.memory_space<vmem>>, vector<1x16xf32>,
      %swap3A_957 = vector.shape_cast %swap3A_956 : vector<1x16xf32> to vector<16xf32>
      %swap3A_958 = vector.shape_cast %mul3A_952 : vector<16xf32> to vector<1x16xf32>
      tpu.vector_store %arg9[%swap3A_954, %swap3A_955], %swap3A_958 {strides = array<i32>} : memref<4x256xf32, #tpu.memory_space<vmem>>, vector<1x16xf32>,
      %swap3A_959 = arith.constant 2 : i32
      %swap3A_960 = arith.index_cast %swap3A_959 : i32 to index
      %swap3A_961 = arith.constant 240 : index
      %swap3A_962 = tpu.vector_load %arg9[%swap3A_960, %swap3A_961] {strides = array<i32>} : memref<4x256xf32, #tpu.memory_space<vmem>>, vector<1x16xf32>,
      %swap3A_963 = vector.shape_cast %swap3A_962 : vector<1x16xf32> to vector<16xf32>
      %swap3A_964 = vector.shape_cast %scan3A_843#15 : vector<16xf32> to vector<1x16xf32>
      tpu.vector_store %arg9[%swap3A_960, %swap3A_961], %swap3A_964 {strides = array<i32>} : memref<4x256xf32, #tpu.memory_space<vmem>>, vector<1x16xf32>,
      %scan3A_965 = arith.constant 0 : i32
      %scan3A_966 = arith.constant 8 : i32
      %scan3A_967 = arith.addi %scan3A_965, %scan3A_966 : i32
      %scan3A_968 = arith.constant 1 : i32
      %scan3A_969:16 = scf.for %scan3A_1632 = %scan3A_965 to %scan3A_967 step %scan3A_968 iter_args(%scan3A_1633 = %broadcast_in_dim3A_584, %scan3A_1634 = %broadcast_in_dim3A_584, %scan3A_1635 = %broadcast_in_dim3A_584, %scan3A_1636 = %broadcast_in_dim3A_584, %scan3A_1637 = %broadcast_in_dim3A_584, %scan3A_1638 = %broadcast_in_dim3A_584, %scan3A_1639 = %broadcast_in_dim3A_584, %scan3A_1640 = %broadcast_in_dim3A_584, %scan3A_1641 = %broadcast_in_dim3A_586, %scan3A_1642 = %broadcast_in_dim3A_586, %scan3A_1643 = %broadcast_in_dim3A_586, %scan3A_1644 = %broadcast_in_dim3A_586, %scan3A_1645 = %broadcast_in_dim3A_586, %scan3A_1646 = %broadcast_in_dim3A_586, %scan3A_1647 = %broadcast_in_dim3A_586, %scan3A_1648 = %broadcast_in_dim3A_586) -> (vector<16xf32>, vector<16xf32>, vector<16xf32>, vector<16xf32>, vector<16xf32>, vector<16xf32>, vector<16xf32>, vector<16xf32>, vector<16xf32>, vector<16xf32>, vector<16xf32>, vector<16xf32>, vector<16xf32>, vector<16xf32>, vector<16xf32>, vector<16xf32>)  : i32 {
        %mul3A_1649 = arith.constant 4 : i32
        %mul3A_1650 = arith.muli %scan3A_1632, %mul3A_1649 : i32
        %add3A_1651 = arith.constant 96 : i32
        %add3A_1652 = arith.addi %add3A_1651, %mul3A_1650 : i32
        %add3A_1653 = arith.constant 0 : i32
        %add3A_1654 = arith.addi %add3A_1652, %add3A_1653 : i32
        %get3A = arith.index_cast %add3A_1654 : i32 to index
        %get3A_1655 = arith.constant 0 : index
        %get3A_1656 = tpu.vector_load %arg7[%get3A, %get3A_1655] {strides = array<i32>} : memref<128x128xf32, #tpu.memory_space<vmem>>, vector<1x16xf32>,
        %get3A_1657 = vector.shape_cast %get3A_1656 : vector<1x16xf32> to vector<16xf32>
        %get3A_1658 = arith.index_cast %add3A_1654 : i32 to index
        %get3A_1659 = arith.constant 16 : index
        %get3A_1660 = tpu.vector_load %arg7[%get3A_1658, %get3A_1659] {strides = array<i32>} : memref<128x128xf32, #tpu.memory_space<vmem>>, vector<1x16xf32>,
        %get3A_1661 = vector.shape_cast %get3A_1660 : vector<1x16xf32> to vector<16xf32>
        %get3A_1662 = arith.index_cast %add3A_1654 : i32 to index
        %get3A_1663 = arith.constant 32 : index
        %get3A_1664 = tpu.vector_load %arg7[%get3A_1662, %get3A_1663] {strides = array<i32>} : memref<128x128xf32, #tpu.memory_space<vmem>>, vector<1x16xf32>,
        %get3A_1665 = vector.shape_cast %get3A_1664 : vector<1x16xf32> to vector<16xf32>
        %get3A_1666 = arith.index_cast %add3A_1654 : i32 to index
        %get3A_1667 = arith.constant 48 : index
        %get3A_1668 = tpu.vector_load %arg7[%get3A_1666, %get3A_1667] {strides = array<i32>} : memref<128x128xf32, #tpu.memory_space<vmem>>, vector<1x16xf32>,
        %get3A_1669 = vector.shape_cast %get3A_1668 : vector<1x16xf32> to vector<16xf32>
        %get3A_1670 = arith.index_cast %add3A_1654 : i32 to index
        %get3A_1671 = arith.constant 64 : index
        %get3A_1672 = tpu.vector_load %arg7[%get3A_1670, %get3A_1671] {strides = array<i32>} : memref<128x128xf32, #tpu.memory_space<vmem>>, vector<1x16xf32>,
        %get3A_1673 = vector.shape_cast %get3A_1672 : vector<1x16xf32> to vector<16xf32>
        %get3A_1674 = arith.index_cast %add3A_1654 : i32 to index
        %get3A_1675 = arith.constant 80 : index
        %get3A_1676 = tpu.vector_load %arg7[%get3A_1674, %get3A_1675] {strides = array<i32>} : memref<128x128xf32, #tpu.memory_space<vmem>>, vector<1x16xf32>,
        %get3A_1677 = vector.shape_cast %get3A_1676 : vector<1x16xf32> to vector<16xf32>
        %get3A_1678 = arith.index_cast %add3A_1654 : i32 to index
        %get3A_1679 = arith.constant 96 : index
        %get3A_1680 = tpu.vector_load %arg7[%get3A_1678, %get3A_1679] {strides = array<i32>} : memref<128x128xf32, #tpu.memory_space<vmem>>, vector<1x16xf32>,
        %get3A_1681 = vector.shape_cast %get3A_1680 : vector<1x16xf32> to vector<16xf32>
        %get3A_1682 = arith.index_cast %add3A_1654 : i32 to index
        %get3A_1683 = arith.constant 112 : index
        %get3A_1684 = tpu.vector_load %arg7[%get3A_1682, %get3A_1683] {strides = array<i32>} : memref<128x128xf32, #tpu.memory_space<vmem>>, vector<1x16xf32>,
        %get3A_1685 = vector.shape_cast %get3A_1684 : vector<1x16xf32> to vector<16xf32>
        %add3A_1686 = arith.addf %scan3A_1633, %get3A_1657 : vector<16xf32>
        %add3A_1687 = arith.addf %scan3A_1634, %get3A_1661 : vector<16xf32>
        %add3A_1688 = arith.addf %scan3A_1635, %get3A_1665 : vector<16xf32>
        %add3A_1689 = arith.addf %scan3A_1636, %get3A_1669 : vector<16xf32>
        %add3A_1690 = arith.addf %scan3A_1637, %get3A_1673 : vector<16xf32>
        %add3A_1691 = arith.addf %scan3A_1638, %get3A_1677 : vector<16xf32>
        %add3A_1692 = arith.addf %scan3A_1639, %get3A_1681 : vector<16xf32>
        %add3A_1693 = arith.addf %scan3A_1640, %get3A_1685 : vector<16xf32>
        %max3A = arith.maximumf %scan3A_1641, %get3A_1657 : vector<16xf32>
        %max3A_1694 = arith.maximumf %scan3A_1642, %get3A_1661 : vector<16xf32>
        %max3A_1695 = arith.maximumf %scan3A_1643, %get3A_1665 : vector<16xf32>
        %max3A_1696 = arith.maximumf %scan3A_1644, %get3A_1669 : vector<16xf32>
        %max3A_1697 = arith.maximumf %scan3A_1645, %get3A_1673 : vector<16xf32>
        %max3A_1698 = arith.maximumf %scan3A_1646, %get3A_1677 : vector<16xf32>
        %max3A_1699 = arith.maximumf %scan3A_1647, %get3A_1681 : vector<16xf32>
        %max3A_1700 = arith.maximumf %scan3A_1648, %get3A_1685 : vector<16xf32>
        %mul3A_1701 = arith.constant 4 : i32
        %mul3A_1702 = arith.muli %scan3A_1632, %mul3A_1701 : i32
        %add3A_1703 = arith.constant 96 : i32
        %add3A_1704 = arith.addi %add3A_1703, %mul3A_1702 : i32
        %add3A_1705 = arith.constant 1 : i32
        %add3A_1706 = arith.addi %add3A_1704, %add3A_1705 : i32
        %get3A_1707 = arith.index_cast %add3A_1706 : i32 to index
        %get3A_1708 = arith.constant 0 : index
        %get3A_1709 = tpu.vector_load %arg7[%get3A_1707, %get3A_1708] {strides = array<i32>} : memref<128x128xf32, #tpu.memory_space<vmem>>, vector<1x16xf32>,
        %get3A_1710 = vector.shape_cast %get3A_1709 : vector<1x16xf32> to vector<16xf32>
        %get3A_1711 = arith.index_cast %add3A_1706 : i32 to index
        %get3A_1712 = arith.constant 16 : index
        %get3A_1713 = tpu.vector_load %arg7[%get3A_1711, %get3A_1712] {strides = array<i32>} : memref<128x128xf32, #tpu.memory_space<vmem>>, vector<1x16xf32>,
        %get3A_1714 = vector.shape_cast %get3A_1713 : vector<1x16xf32> to vector<16xf32>
        %get3A_1715 = arith.index_cast %add3A_1706 : i32 to index
        %get3A_1716 = arith.constant 32 : index
        %get3A_1717 = tpu.vector_load %arg7[%get3A_1715, %get3A_1716] {strides = array<i32>} : memref<128x128xf32, #tpu.memory_space<vmem>>, vector<1x16xf32>,
        %get3A_1718 = vector.shape_cast %get3A_1717 : vector<1x16xf32> to vector<16xf32>
        %get3A_1719 = arith.index_cast %add3A_1706 : i32 to index
        %get3A_1720 = arith.constant 48 : index
        %get3A_1721 = tpu.vector_load %arg7[%get3A_1719, %get3A_1720] {strides = array<i32>} : memref<128x128xf32, #tpu.memory_space<vmem>>, vector<1x16xf32>,
        %get3A_1722 = vector.shape_cast %get3A_1721 : vector<1x16xf32> to vector<16xf32>
        %get3A_1723 = arith.index_cast %add3A_1706 : i32 to index
        %get3A_1724 = arith.constant 64 : index
        %get3A_1725 = tpu.vector_load %arg7[%get3A_1723, %get3A_1724] {strides = array<i32>} : memref<128x128xf32, #tpu.memory_space<vmem>>, vector<1x16xf32>,
        %get3A_1726 = vector.shape_cast %get3A_1725 : vector<1x16xf32> to vector<16xf32>
        %get3A_1727 = arith.index_cast %add3A_1706 : i32 to index
        %get3A_1728 = arith.constant 80 : index
        %get3A_1729 = tpu.vector_load %arg7[%get3A_1727, %get3A_1728] {strides = array<i32>} : memref<128x128xf32, #tpu.memory_space<vmem>>, vector<1x16xf32>,
        %get3A_1730 = vector.shape_cast %get3A_1729 : vector<1x16xf32> to vector<16xf32>
        %get3A_1731 = arith.index_cast %add3A_1706 : i32 to index
        %get3A_1732 = arith.constant 96 : index
        %get3A_1733 = tpu.vector_load %arg7[%get3A_1731, %get3A_1732] {strides = array<i32>} : memref<128x128xf32, #tpu.memory_space<vmem>>, vector<1x16xf32>,
        %get3A_1734 = vector.shape_cast %get3A_1733 : vector<1x16xf32> to vector<16xf32>
        %get3A_1735 = arith.index_cast %add3A_1706 : i32 to index
        %get3A_1736 = arith.constant 112 : index
        %get3A_1737 = tpu.vector_load %arg7[%get3A_1735, %get3A_1736] {strides = array<i32>} : memref<128x128xf32, #tpu.memory_space<vmem>>, vector<1x16xf32>,
        %get3A_1738 = vector.shape_cast %get3A_1737 : vector<1x16xf32> to vector<16xf32>
        %add3A_1739 = arith.addf %add3A_1686, %get3A_1710 : vector<16xf32>
        %add3A_1740 = arith.addf %add3A_1687, %get3A_1714 : vector<16xf32>
        %add3A_1741 = arith.addf %add3A_1688, %get3A_1718 : vector<16xf32>
        %add3A_1742 = arith.addf %add3A_1689, %get3A_1722 : vector<16xf32>
        %add3A_1743 = arith.addf %add3A_1690, %get3A_1726 : vector<16xf32>
        %add3A_1744 = arith.addf %add3A_1691, %get3A_1730 : vector<16xf32>
        %add3A_1745 = arith.addf %add3A_1692, %get3A_1734 : vector<16xf32>
        %add3A_1746 = arith.addf %add3A_1693, %get3A_1738 : vector<16xf32>
        %max3A_1747 = arith.maximumf %max3A, %get3A_1710 : vector<16xf32>
        %max3A_1748 = arith.maximumf %max3A_1694, %get3A_1714 : vector<16xf32>
        %max3A_1749 = arith.maximumf %max3A_1695, %get3A_1718 : vector<16xf32>
        %max3A_1750 = arith.maximumf %max3A_1696, %get3A_1722 : vector<16xf32>
        %max3A_1751 = arith.maximumf %max3A_1697, %get3A_1726 : vector<16xf32>
        %max3A_1752 = arith.maximumf %max3A_1698, %get3A_1730 : vector<16xf32>
        %max3A_1753 = arith.maximumf %max3A_1699, %get3A_1734 : vector<16xf32>
        %max3A_1754 = arith.maximumf %max3A_1700, %get3A_1738 : vector<16xf32>
        %mul3A_1755 = arith.constant 4 : i32
        %mul3A_1756 = arith.muli %scan3A_1632, %mul3A_1755 : i32
        %add3A_1757 = arith.constant 96 : i32
        %add3A_1758 = arith.addi %add3A_1757, %mul3A_1756 : i32
        %add3A_1759 = arith.constant 2 : i32
        %add3A_1760 = arith.addi %add3A_1758, %add3A_1759 : i32
        %get3A_1761 = arith.index_cast %add3A_1760 : i32 to index
        %get3A_1762 = arith.constant 0 : index
        %get3A_1763 = tpu.vector_load %arg7[%get3A_1761, %get3A_1762] {strides = array<i32>} : memref<128x128xf32, #tpu.memory_space<vmem>>, vector<1x16xf32>,
        %get3A_1764 = vector.shape_cast %get3A_1763 : vector<1x16xf32> to vector<16xf32>
        %get3A_1765 = arith.index_cast %add3A_1760 : i32 to index
        %get3A_1766 = arith.constant 16 : index
        %get3A_1767 = tpu.vector_load %arg7[%get3A_1765, %get3A_1766] {strides = array<i32>} : memref<128x128xf32, #tpu.memory_space<vmem>>, vector<1x16xf32>,
        %get3A_1768 = vector.shape_cast %get3A_1767 : vector<1x16xf32> to vector<16xf32>
        %get3A_1769 = arith.index_cast %add3A_1760 : i32 to index
        %get3A_1770 = arith.constant 32 : index
        %get3A_1771 = tpu.vector_load %arg7[%get3A_1769, %get3A_1770] {strides = array<i32>} : memref<128x128xf32, #tpu.memory_space<vmem>>, vector<1x16xf32>,
        %get3A_1772 = vector.shape_cast %get3A_1771 : vector<1x16xf32> to vector<16xf32>
        %get3A_1773 = arith.index_cast %add3A_1760 : i32 to index
        %get3A_1774 = arith.constant 48 : index
        %get3A_1775 = tpu.vector_load %arg7[%get3A_1773, %get3A_1774] {strides = array<i32>} : memref<128x128xf32, #tpu.memory_space<vmem>>, vector<1x16xf32>,
        %get3A_1776 = vector.shape_cast %get3A_1775 : vector<1x16xf32> to vector<16xf32>
        %get3A_1777 = arith.index_cast %add3A_1760 : i32 to index
        %get3A_1778 = arith.constant 64 : index
        %get3A_1779 = tpu.vector_load %arg7[%get3A_1777, %get3A_1778] {strides = array<i32>} : memref<128x128xf32, #tpu.memory_space<vmem>>, vector<1x16xf32>,
        %get3A_1780 = vector.shape_cast %get3A_1779 : vector<1x16xf32> to vector<16xf32>
        %get3A_1781 = arith.index_cast %add3A_1760 : i32 to index
        %get3A_1782 = arith.constant 80 : index
        %get3A_1783 = tpu.vector_load %arg7[%get3A_1781, %get3A_1782] {strides = array<i32>} : memref<128x128xf32, #tpu.memory_space<vmem>>, vector<1x16xf32>,
        %get3A_1784 = vector.shape_cast %get3A_1783 : vector<1x16xf32> to vector<16xf32>
        %get3A_1785 = arith.index_cast %add3A_1760 : i32 to index
        %get3A_1786 = arith.constant 96 : index
        %get3A_1787 = tpu.vector_load %arg7[%get3A_1785, %get3A_1786] {strides = array<i32>} : memref<128x128xf32, #tpu.memory_space<vmem>>, vector<1x16xf32>,
        %get3A_1788 = vector.shape_cast %get3A_1787 : vector<1x16xf32> to vector<16xf32>
        %get3A_1789 = arith.index_cast %add3A_1760 : i32 to index
        %get3A_1790 = arith.constant 112 : index
        %get3A_1791 = tpu.vector_load %arg7[%get3A_1789, %get3A_1790] {strides = array<i32>} : memref<128x128xf32, #tpu.memory_space<vmem>>, vector<1x16xf32>,
        %get3A_1792 = vector.shape_cast %get3A_1791 : vector<1x16xf32> to vector<16xf32>
        %add3A_1793 = arith.addf %add3A_1739, %get3A_1764 : vector<16xf32>
        %add3A_1794 = arith.addf %add3A_1740, %get3A_1768 : vector<16xf32>
        %add3A_1795 = arith.addf %add3A_1741, %get3A_1772 : vector<16xf32>
        %add3A_1796 = arith.addf %add3A_1742, %get3A_1776 : vector<16xf32>
        %add3A_1797 = arith.addf %add3A_1743, %get3A_1780 : vector<16xf32>
        %add3A_1798 = arith.addf %add3A_1744, %get3A_1784 : vector<16xf32>
        %add3A_1799 = arith.addf %add3A_1745, %get3A_1788 : vector<16xf32>
        %add3A_1800 = arith.addf %add3A_1746, %get3A_1792 : vector<16xf32>
        %max3A_1801 = arith.maximumf %max3A_1747, %get3A_1764 : vector<16xf32>
        %max3A_1802 = arith.maximumf %max3A_1748, %get3A_1768 : vector<16xf32>
        %max3A_1803 = arith.maximumf %max3A_1749, %get3A_1772 : vector<16xf32>
        %max3A_1804 = arith.maximumf %max3A_1750, %get3A_1776 : vector<16xf32>
        %max3A_1805 = arith.maximumf %max3A_1751, %get3A_1780 : vector<16xf32>
        %max3A_1806 = arith.maximumf %max3A_1752, %get3A_1784 : vector<16xf32>
        %max3A_1807 = arith.maximumf %max3A_1753, %get3A_1788 : vector<16xf32>
        %max3A_1808 = arith.maximumf %max3A_1754, %get3A_1792 : vector<16xf32>
        %mul3A_1809 = arith.constant 4 : i32
        %mul3A_1810 = arith.muli %scan3A_1632, %mul3A_1809 : i32
        %add3A_1811 = arith.constant 96 : i32
        %add3A_1812 = arith.addi %add3A_1811, %mul3A_1810 : i32
        %add3A_1813 = arith.constant 3 : i32
        %add3A_1814 = arith.addi %add3A_1812, %add3A_1813 : i32
        %get3A_1815 = arith.index_cast %add3A_1814 : i32 to index
        %get3A_1816 = arith.constant 0 : index
        %get3A_1817 = tpu.vector_load %arg7[%get3A_1815, %get3A_1816] {strides = array<i32>} : memref<128x128xf32, #tpu.memory_space<vmem>>, vector<1x16xf32>,
        %get3A_1818 = vector.shape_cast %get3A_1817 : vector<1x16xf32> to vector<16xf32>
        %get3A_1819 = arith.index_cast %add3A_1814 : i32 to index
        %get3A_1820 = arith.constant 16 : index
        %get3A_1821 = tpu.vector_load %arg7[%get3A_1819, %get3A_1820] {strides = array<i32>} : memref<128x128xf32, #tpu.memory_space<vmem>>, vector<1x16xf32>,
        %get3A_1822 = vector.shape_cast %get3A_1821 : vector<1x16xf32> to vector<16xf32>
        %get3A_1823 = arith.index_cast %add3A_1814 : i32 to index
        %get3A_1824 = arith.constant 32 : index
        %get3A_1825 = tpu.vector_load %arg7[%get3A_1823, %get3A_1824] {strides = array<i32>} : memref<128x128xf32, #tpu.memory_space<vmem>>, vector<1x16xf32>,
        %get3A_1826 = vector.shape_cast %get3A_1825 : vector<1x16xf32> to vector<16xf32>
        %get3A_1827 = arith.index_cast %add3A_1814 : i32 to index
        %get3A_1828 = arith.constant 48 : index
        %get3A_1829 = tpu.vector_load %arg7[%get3A_1827, %get3A_1828] {strides = array<i32>} : memref<128x128xf32, #tpu.memory_space<vmem>>, vector<1x16xf32>,
        %get3A_1830 = vector.shape_cast %get3A_1829 : vector<1x16xf32> to vector<16xf32>
        %get3A_1831 = arith.index_cast %add3A_1814 : i32 to index
        %get3A_1832 = arith.constant 64 : index
        %get3A_1833 = tpu.vector_load %arg7[%get3A_1831, %get3A_1832] {strides = array<i32>} : memref<128x128xf32, #tpu.memory_space<vmem>>, vector<1x16xf32>,
        %get3A_1834 = vector.shape_cast %get3A_1833 : vector<1x16xf32> to vector<16xf32>
        %get3A_1835 = arith.index_cast %add3A_1814 : i32 to index
        %get3A_1836 = arith.constant 80 : index
        %get3A_1837 = tpu.vector_load %arg7[%get3A_1835, %get3A_1836] {strides = array<i32>} : memref<128x128xf32, #tpu.memory_space<vmem>>, vector<1x16xf32>,
        %get3A_1838 = vector.shape_cast %get3A_1837 : vector<1x16xf32> to vector<16xf32>
        %get3A_1839 = arith.index_cast %add3A_1814 : i32 to index
        %get3A_1840 = arith.constant 96 : index
        %get3A_1841 = tpu.vector_load %arg7[%get3A_1839, %get3A_1840] {strides = array<i32>} : memref<128x128xf32, #tpu.memory_space<vmem>>, vector<1x16xf32>,
        %get3A_1842 = vector.shape_cast %get3A_1841 : vector<1x16xf32> to vector<16xf32>
        %get3A_1843 = arith.index_cast %add3A_1814 : i32 to index
        %get3A_1844 = arith.constant 112 : index
        %get3A_1845 = tpu.vector_load %arg7[%get3A_1843, %get3A_1844] {strides = array<i32>} : memref<128x128xf32, #tpu.memory_space<vmem>>, vector<1x16xf32>,
        %get3A_1846 = vector.shape_cast %get3A_1845 : vector<1x16xf32> to vector<16xf32>
        %add3A_1847 = arith.addf %add3A_1793, %get3A_1818 : vector<16xf32>
        %add3A_1848 = arith.addf %add3A_1794, %get3A_1822 : vector<16xf32>
        %add3A_1849 = arith.addf %add3A_1795, %get3A_1826 : vector<16xf32>
        %add3A_1850 = arith.addf %add3A_1796, %get3A_1830 : vector<16xf32>
        %add3A_1851 = arith.addf %add3A_1797, %get3A_1834 : vector<16xf32>
        %add3A_1852 = arith.addf %add3A_1798, %get3A_1838 : vector<16xf32>
        %add3A_1853 = arith.addf %add3A_1799, %get3A_1842 : vector<16xf32>
        %add3A_1854 = arith.addf %add3A_1800, %get3A_1846 : vector<16xf32>
        %max3A_1855 = arith.maximumf %max3A_1801, %get3A_1818 : vector<16xf32>
        %max3A_1856 = arith.maximumf %max3A_1802, %get3A_1822 : vector<16xf32>
        %max3A_1857 = arith.maximumf %max3A_1803, %get3A_1826 : vector<16xf32>
        %max3A_1858 = arith.maximumf %max3A_1804, %get3A_1830 : vector<16xf32>
        %max3A_1859 = arith.maximumf %max3A_1805, %get3A_1834 : vector<16xf32>
        %max3A_1860 = arith.maximumf %max3A_1806, %get3A_1838 : vector<16xf32>
        %max3A_1861 = arith.maximumf %max3A_1807, %get3A_1842 : vector<16xf32>
        %max3A_1862 = arith.maximumf %max3A_1808, %get3A_1846 : vector<16xf32>
        scf.yield %add3A_1847, %add3A_1848, %add3A_1849, %add3A_1850, %add3A_1851, %add3A_1852, %add3A_1853, %add3A_1854, %max3A_1855, %max3A_1856, %max3A_1857, %max3A_1858, %max3A_1859, %max3A_1860, %max3A_1861, %max3A_1862 : vector<16xf32>, vector<16xf32>, vector<16xf32>, vector<16xf32>, vector<16xf32>, vector<16xf32>, vector<16xf32>, vector<16xf32>, vector<16xf32>, vector<16xf32>, vector<16xf32>, vector<16xf32>, vector<16xf32>, vector<16xf32>, vector<16xf32>, vector<16xf32>
      }
      %scan3A_970 = arith.constant 8 : i32
      %mul3A_971 = arith.constant 3.125000e-02 : f32
      %mul3A_972 = vector.broadcast %mul3A_971 : f32 to vector<16xf32>
      %mul3A_973 = arith.mulf %scan3A_969#0, %mul3A_972 : vector<16xf32>
      %swap3A_974 = arith.constant 3 : i32
      %swap3A_975 = arith.index_cast %swap3A_974 : i32 to index
      %swap3A_976 = arith.constant 0 : index
      %swap3A_977 = tpu.vector_load %arg9[%swap3A_975, %swap3A_976] {strides = array<i32>} : memref<4x256xf32, #tpu.memory_space<vmem>>, vector<1x16xf32>,
      %swap3A_978 = vector.shape_cast %swap3A_977 : vector<1x16xf32> to vector<16xf32>
      %swap3A_979 = vector.shape_cast %mul3A_973 : vector<16xf32> to vector<1x16xf32>
      tpu.vector_store %arg9[%swap3A_975, %swap3A_976], %swap3A_979 {strides = array<i32>} : memref<4x256xf32, #tpu.memory_space<vmem>>, vector<1x16xf32>,
      %swap3A_980 = arith.constant 3 : i32
      %swap3A_981 = arith.index_cast %swap3A_980 : i32 to index
      %swap3A_982 = arith.constant 128 : index
      %swap3A_983 = tpu.vector_load %arg9[%swap3A_981, %swap3A_982] {strides = array<i32>} : memref<4x256xf32, #tpu.memory_space<vmem>>, vector<1x16xf32>,
      %swap3A_984 = vector.shape_cast %swap3A_983 : vector<1x16xf32> to vector<16xf32>
      %swap3A_985 = vector.shape_cast %scan3A_969#8 : vector<16xf32> to vector<1x16xf32>
      tpu.vector_store %arg9[%swap3A_981, %swap3A_982], %swap3A_985 {strides = array<i32>} : memref<4x256xf32, #tpu.memory_space<vmem>>, vector<1x16xf32>,
      %mul3A_986 = arith.constant 3.125000e-02 : f32
      %mul3A_987 = vector.broadcast %mul3A_986 : f32 to vector<16xf32>
      %mul3A_988 = arith.mulf %scan3A_969#1, %mul3A_987 : vector<16xf32>
      %swap3A_989 = arith.constant 3 : i32
      %swap3A_990 = arith.index_cast %swap3A_989 : i32 to index
      %swap3A_991 = arith.constant 16 : index
      %swap3A_992 = tpu.vector_load %arg9[%swap3A_990, %swap3A_991] {strides = array<i32>} : memref<4x256xf32, #tpu.memory_space<vmem>>, vector<1x16xf32>,
      %swap3A_993 = vector.shape_cast %swap3A_992 : vector<1x16xf32> to vector<16xf32>
      %swap3A_994 = vector.shape_cast %mul3A_988 : vector<16xf32> to vector<1x16xf32>
      tpu.vector_store %arg9[%swap3A_990, %swap3A_991], %swap3A_994 {strides = array<i32>} : memref<4x256xf32, #tpu.memory_space<vmem>>, vector<1x16xf32>,
      %swap3A_995 = arith.constant 3 : i32
      %swap3A_996 = arith.index_cast %swap3A_995 : i32 to index
      %swap3A_997 = arith.constant 144 : index
      %swap3A_998 = tpu.vector_load %arg9[%swap3A_996, %swap3A_997] {strides = array<i32>} : memref<4x256xf32, #tpu.memory_space<vmem>>, vector<1x16xf32>,
      %swap3A_999 = vector.shape_cast %swap3A_998 : vector<1x16xf32> to vector<16xf32>
      %swap3A_1000 = vector.shape_cast %scan3A_969#9 : vector<16xf32> to vector<1x16xf32>
      tpu.vector_store %arg9[%swap3A_996, %swap3A_997], %swap3A_1000 {strides = array<i32>} : memref<4x256xf32, #tpu.memory_space<vmem>>, vector<1x16xf32>,
      %mul3A_1001 = arith.constant 3.125000e-02 : f32
      %mul3A_1002 = vector.broadcast %mul3A_1001 : f32 to vector<16xf32>
      %mul3A_1003 = arith.mulf %scan3A_969#2, %mul3A_1002 : vector<16xf32>
      %swap3A_1004 = arith.constant 3 : i32
      %swap3A_1005 = arith.index_cast %swap3A_1004 : i32 to index
      %swap3A_1006 = arith.constant 32 : index
      %swap3A_1007 = tpu.vector_load %arg9[%swap3A_1005, %swap3A_1006] {strides = array<i32>} : memref<4x256xf32, #tpu.memory_space<vmem>>, vector<1x16xf32>,
      %swap3A_1008 = vector.shape_cast %swap3A_1007 : vector<1x16xf32> to vector<16xf32>
      %swap3A_1009 = vector.shape_cast %mul3A_1003 : vector<16xf32> to vector<1x16xf32>
      tpu.vector_store %arg9[%swap3A_1005, %swap3A_1006], %swap3A_1009 {strides = array<i32>} : memref<4x256xf32, #tpu.memory_space<vmem>>, vector<1x16xf32>,
      %swap3A_1010 = arith.constant 3 : i32
      %swap3A_1011 = arith.index_cast %swap3A_1010 : i32 to index
      %swap3A_1012 = arith.constant 160 : index
      %swap3A_1013 = tpu.vector_load %arg9[%swap3A_1011, %swap3A_1012] {strides = array<i32>} : memref<4x256xf32, #tpu.memory_space<vmem>>, vector<1x16xf32>,
      %swap3A_1014 = vector.shape_cast %swap3A_1013 : vector<1x16xf32> to vector<16xf32>
      %swap3A_1015 = vector.shape_cast %scan3A_969#10 : vector<16xf32> to vector<1x16xf32>
      tpu.vector_store %arg9[%swap3A_1011, %swap3A_1012], %swap3A_1015 {strides = array<i32>} : memref<4x256xf32, #tpu.memory_space<vmem>>, vector<1x16xf32>,
      %mul3A_1016 = arith.constant 3.125000e-02 : f32
      %mul3A_1017 = vector.broadcast %mul3A_1016 : f32 to vector<16xf32>
      %mul3A_1018 = arith.mulf %scan3A_969#3, %mul3A_1017 : vector<16xf32>
      %swap3A_1019 = arith.constant 3 : i32
      %swap3A_1020 = arith.index_cast %swap3A_1019 : i32 to index
      %swap3A_1021 = arith.constant 48 : index
      %swap3A_1022 = tpu.vector_load %arg9[%swap3A_1020, %swap3A_1021] {strides = array<i32>} : memref<4x256xf32, #tpu.memory_space<vmem>>, vector<1x16xf32>,
      %swap3A_1023 = vector.shape_cast %swap3A_1022 : vector<1x16xf32> to vector<16xf32>
      %swap3A_1024 = vector.shape_cast %mul3A_1018 : vector<16xf32> to vector<1x16xf32>
      tpu.vector_store %arg9[%swap3A_1020, %swap3A_1021], %swap3A_1024 {strides = array<i32>} : memref<4x256xf32, #tpu.memory_space<vmem>>, vector<1x16xf32>,
      %swap3A_1025 = arith.constant 3 : i32
      %swap3A_1026 = arith.index_cast %swap3A_1025 : i32 to index
      %swap3A_1027 = arith.constant 176 : index
      %swap3A_1028 = tpu.vector_load %arg9[%swap3A_1026, %swap3A_1027] {strides = array<i32>} : memref<4x256xf32, #tpu.memory_space<vmem>>, vector<1x16xf32>,
      %swap3A_1029 = vector.shape_cast %swap3A_1028 : vector<1x16xf32> to vector<16xf32>
      %swap3A_1030 = vector.shape_cast %scan3A_969#11 : vector<16xf32> to vector<1x16xf32>
      tpu.vector_store %arg9[%swap3A_1026, %swap3A_1027], %swap3A_1030 {strides = array<i32>} : memref<4x256xf32, #tpu.memory_space<vmem>>, vector<1x16xf32>,
      %mul3A_1031 = arith.constant 3.125000e-02 : f32
      %mul3A_1032 = vector.broadcast %mul3A_1031 : f32 to vector<16xf32>
      %mul3A_1033 = arith.mulf %scan3A_969#4, %mul3A_1032 : vector<16xf32>
      %swap3A_1034 = arith.constant 3 : i32
      %swap3A_1035 = arith.index_cast %swap3A_1034 : i32 to index
      %swap3A_1036 = arith.constant 64 : index
      %swap3A_1037 = tpu.vector_load %arg9[%swap3A_1035, %swap3A_1036] {strides = array<i32>} : memref<4x256xf32, #tpu.memory_space<vmem>>, vector<1x16xf32>,
      %swap3A_1038 = vector.shape_cast %swap3A_1037 : vector<1x16xf32> to vector<16xf32>
      %swap3A_1039 = vector.shape_cast %mul3A_1033 : vector<16xf32> to vector<1x16xf32>
      tpu.vector_store %arg9[%swap3A_1035, %swap3A_1036], %swap3A_1039 {strides = array<i32>} : memref<4x256xf32, #tpu.memory_space<vmem>>, vector<1x16xf32>,
      %swap3A_1040 = arith.constant 3 : i32
      %swap3A_1041 = arith.index_cast %swap3A_1040 : i32 to index
      %swap3A_1042 = arith.constant 192 : index
      %swap3A_1043 = tpu.vector_load %arg9[%swap3A_1041, %swap3A_1042] {strides = array<i32>} : memref<4x256xf32, #tpu.memory_space<vmem>>, vector<1x16xf32>,
      %swap3A_1044 = vector.shape_cast %swap3A_1043 : vector<1x16xf32> to vector<16xf32>
      %swap3A_1045 = vector.shape_cast %scan3A_969#12 : vector<16xf32> to vector<1x16xf32>
      tpu.vector_store %arg9[%swap3A_1041, %swap3A_1042], %swap3A_1045 {strides = array<i32>} : memref<4x256xf32, #tpu.memory_space<vmem>>, vector<1x16xf32>,
      %mul3A_1046 = arith.constant 3.125000e-02 : f32
      %mul3A_1047 = vector.broadcast %mul3A_1046 : f32 to vector<16xf32>
      %mul3A_1048 = arith.mulf %scan3A_969#5, %mul3A_1047 : vector<16xf32>
      %swap3A_1049 = arith.constant 3 : i32
      %swap3A_1050 = arith.index_cast %swap3A_1049 : i32 to index
      %swap3A_1051 = arith.constant 80 : index
      %swap3A_1052 = tpu.vector_load %arg9[%swap3A_1050, %swap3A_1051] {strides = array<i32>} : memref<4x256xf32, #tpu.memory_space<vmem>>, vector<1x16xf32>,
      %swap3A_1053 = vector.shape_cast %swap3A_1052 : vector<1x16xf32> to vector<16xf32>
      %swap3A_1054 = vector.shape_cast %mul3A_1048 : vector<16xf32> to vector<1x16xf32>
      tpu.vector_store %arg9[%swap3A_1050, %swap3A_1051], %swap3A_1054 {strides = array<i32>} : memref<4x256xf32, #tpu.memory_space<vmem>>, vector<1x16xf32>,
      %swap3A_1055 = arith.constant 3 : i32
      %swap3A_1056 = arith.index_cast %swap3A_1055 : i32 to index
      %swap3A_1057 = arith.constant 208 : index
      %swap3A_1058 = tpu.vector_load %arg9[%swap3A_1056, %swap3A_1057] {strides = array<i32>} : memref<4x256xf32, #tpu.memory_space<vmem>>, vector<1x16xf32>,
      %swap3A_1059 = vector.shape_cast %swap3A_1058 : vector<1x16xf32> to vector<16xf32>
      %swap3A_1060 = vector.shape_cast %scan3A_969#13 : vector<16xf32> to vector<1x16xf32>
      tpu.vector_store %arg9[%swap3A_1056, %swap3A_1057], %swap3A_1060 {strides = array<i32>} : memref<4x256xf32, #tpu.memory_space<vmem>>, vector<1x16xf32>,
      %mul3A_1061 = arith.constant 3.125000e-02 : f32
      %mul3A_1062 = vector.broadcast %mul3A_1061 : f32 to vector<16xf32>
      %mul3A_1063 = arith.mulf %scan3A_969#6, %mul3A_1062 : vector<16xf32>
      %swap3A_1064 = arith.constant 3 : i32
      %swap3A_1065 = arith.index_cast %swap3A_1064 : i32 to index
      %swap3A_1066 = arith.constant 96 : index
      %swap3A_1067 = tpu.vector_load %arg9[%swap3A_1065, %swap3A_1066] {strides = array<i32>} : memref<4x256xf32, #tpu.memory_space<vmem>>, vector<1x16xf32>,
      %swap3A_1068 = vector.shape_cast %swap3A_1067 : vector<1x16xf32> to vector<16xf32>
      %swap3A_1069 = vector.shape_cast %mul3A_1063 : vector<16xf32> to vector<1x16xf32>
      tpu.vector_store %arg9[%swap3A_1065, %swap3A_1066], %swap3A_1069 {strides = array<i32>} : memref<4x256xf32, #tpu.memory_space<vmem>>, vector<1x16xf32>,
      %swap3A_1070 = arith.constant 3 : i32
      %swap3A_1071 = arith.index_cast %swap3A_1070 : i32 to index
      %swap3A_1072 = arith.constant 224 : index
      %swap3A_1073 = tpu.vector_load %arg9[%swap3A_1071, %swap3A_1072] {strides = array<i32>} : memref<4x256xf32, #tpu.memory_space<vmem>>, vector<1x16xf32>,
      %swap3A_1074 = vector.shape_cast %swap3A_1073 : vector<1x16xf32> to vector<16xf32>
      %swap3A_1075 = vector.shape_cast %scan3A_969#14 : vector<16xf32> to vector<1x16xf32>
      tpu.vector_store %arg9[%swap3A_1071, %swap3A_1072], %swap3A_1075 {strides = array<i32>} : memref<4x256xf32, #tpu.memory_space<vmem>>, vector<1x16xf32>,
      %mul3A_1076 = arith.constant 3.125000e-02 : f32
      %mul3A_1077 = vector.broadcast %mul3A_1076 : f32 to vector<16xf32>
      %mul3A_1078 = arith.mulf %scan3A_969#7, %mul3A_1077 : vector<16xf32>
      %swap3A_1079 = arith.constant 3 : i32
      %swap3A_1080 = arith.index_cast %swap3A_1079 : i32 to index
      %swap3A_1081 = arith.constant 112 : index
      %swap3A_1082 = tpu.vector_load %arg9[%swap3A_1080, %swap3A_1081] {strides = array<i32>} : memref<4x256xf32, #tpu.memory_space<vmem>>, vector<1x16xf32>,
      %swap3A_1083 = vector.shape_cast %swap3A_1082 : vector<1x16xf32> to vector<16xf32>
      %swap3A_1084 = vector.shape_cast %mul3A_1078 : vector<16xf32> to vector<1x16xf32>
      tpu.vector_store %arg9[%swap3A_1080, %swap3A_1081], %swap3A_1084 {strides = array<i32>} : memref<4x256xf32, #tpu.memory_space<vmem>>, vector<1x16xf32>,
      %swap3A_1085 = arith.constant 3 : i32
      %swap3A_1086 = arith.index_cast %swap3A_1085 : i32 to index
      %swap3A_1087 = arith.constant 240 : index
      %swap3A_1088 = tpu.vector_load %arg9[%swap3A_1086, %swap3A_1087] {strides = array<i32>} : memref<4x256xf32, #tpu.memory_space<vmem>>, vector<1x16xf32>,
      %swap3A_1089 = vector.shape_cast %swap3A_1088 : vector<1x16xf32> to vector<16xf32>
      %swap3A_1090 = vector.shape_cast %scan3A_969#15 : vector<16xf32> to vector<1x16xf32>
      tpu.vector_store %arg9[%swap3A_1086, %swap3A_1087], %swap3A_1090 {strides = array<i32>} : memref<4x256xf32, #tpu.memory_space<vmem>>, vector<1x16xf32>,
      %add3A_1091 = arith.addi %min3A_3, %mul3A_565 : i32
      %mul3A_1092 = arith.constant 4 : i32
      %mul3A_1093 = arith.muli %add3A_1091, %mul3A_1092 : i32
      %dma_start3A_1094 = arith.constant 0 : i32
      %dma_start3A_1095 = tpu.memref_slice %arg4[%mul3A_1093, %dma_start3A_1094] : memref<10000x256xf32, #tpu.memory_space<hbm>> -> memref<4x256xf32, #tpu.memory_space<hbm>>
      %dma_start3A_1096 = arith.constant 0 : i32
      %dma_start3A_1097 = tpu.memref_slice %arg4[%mul3A_1093, %dma_start3A_1096] : memref<10000x256xf32, #tpu.memory_space<hbm>> -> memref<4x256xf32, #tpu.memory_space<hbm>>
      tpu.enqueue_dma source(%arg9 : memref<4x256xf32, #tpu.memory_space<vmem>>) target(%dma_start3A_1097 : memref<4x256xf32, #tpu.memory_space<hbm>>) target_semaphore(%arg13 : memref<!tpu.dma_semaphore, #tpu.memory_space<semaphore_mem>>)
      %add3A_1098 = arith.constant 2 : i32
      %add3A_1099 = arith.addi %mul3A_565, %add3A_1098 : i32
      %lt3A_1100 = arith.constant 79 : i32
      %lt3A_1101 = arith.cmpi slt, %add3A_1099, %lt3A_1100 : i32
      %convert_element_type3A_1102 = arith.extui %lt3A_1101 : i1 to i32
      %cond3A_1103 = arith.constant 0 : i32
      %cond3A_1104 = arith.cmpi ne, %convert_element_type3A_1102, %cond3A_1103 : i32
      scf.if %cond3A_1104 {
        %add3A_1632 = arith.constant 2 : i32
        %add3A_1633 = arith.addi %mul3A_565, %add3A_1632 : i32
        %mul3A_1634 = arith.constant 128 : i32
        %mul3A_1635 = arith.muli %add3A_1633, %mul3A_1634 : i32
        %dma_start3A_1636 = tpu.memref_slice %arg6[%mul3A_1635] : memref<10112xi32, #tpu.memory_space<vmem>> -> memref<128xi32, #tpu.memory_space<vmem>>
        %dma_start3A_1637 = arith.constant 0 : i32
        %dma_start3A_1638 = arith.constant 0 : i32
        %dma_start3A_1639 = tpu.memref_slice %arg5[%dma_start3A_1637, %dma_start3A_1638] : memref<10000x128xf32, #tpu.memory_space<vmem_shared>> -> memref<10000x128xf32, #tpu.memory_space<vmem_shared>>
        tpu.enqueue_indirect_dma source(%dma_start3A_1639 : memref<10000x128xf32, #tpu.memory_space<vmem_shared>>) target(%arg7 : memref<128x128xf32, #tpu.memory_space<vmem>>) offsets(%dma_start3A_1636 : memref<128xi32, #tpu.memory_space<vmem>>) semaphore(%arg11 : memref<!tpu.dma_semaphore, #tpu.memory_space<semaphore_mem>>)
      } else {
      }
      %dma_wait3A_1105 = arith.constant 0 : i32
      %dma_wait3A_1106 = tpu.memref_slice %arg6[%dma_wait3A_1105] : memref<10112xi32, #tpu.memory_space<vmem>> -> memref<128xi32, #tpu.memory_space<vmem>>
      %dma_wait3A_1107 = arith.constant 0 : i32
      %dma_wait3A_1108 = arith.constant 0 : i32
      %dma_wait3A_1109 = tpu.memref_slice %arg5[%dma_wait3A_1107, %dma_wait3A_1108] : memref<10000x128xf32, #tpu.memory_space<vmem_shared>> -> memref<10000x128xf32, #tpu.memory_space<vmem_shared>>
      tpu.wait_indirect_dma semaphore(%arg12 : memref<!tpu.dma_semaphore, #tpu.memory_space<semaphore_mem>>) src(%dma_wait3A_1109 : memref<10000x128xf32, #tpu.memory_space<vmem_shared>>) dst(%arg8 : memref<128x128xf32, #tpu.memory_space<vmem>>)
      %gt3A_1110 = arith.constant 0 : i32
      %gt3A_1111 = arith.cmpi sgt, %scan3A_563, %gt3A_1110 : i32
      %convert_element_type3A_1112 = arith.extui %gt3A_1111 : i1 to i32
      %cond3A_1113 = arith.constant 0 : i32
      %cond3A_1114 = arith.cmpi ne, %convert_element_type3A_1112, %cond3A_1113 : i32
      scf.if %cond3A_1114 {
        %dma_wait3A_1632 = arith.constant 0 : i32
        %dma_wait3A_1633 = arith.constant 0 : i32
        %dma_wait3A_1634 = tpu.memref_slice %arg4[%dma_wait3A_1632, %dma_wait3A_1633] : memref<10000x256xf32, #tpu.memory_space<hbm>> -> memref<4x256xf32, #tpu.memory_space<hbm>>
        %dma_wait3A_1635 = arith.constant 0 : i32
        %dma_wait3A_1636 = arith.constant 0 : i32
        %dma_wait3A_1637 = tpu.memref_slice %arg4[%dma_wait3A_1635, %dma_wait3A_1636] : memref<10000x256xf32, #tpu.memory_space<hbm>> -> memref<4x256xf32, #tpu.memory_space<hbm>>
        tpu.wait_dma2 semaphore(%arg14 : memref<!tpu.dma_semaphore, #tpu.memory_space<semaphore_mem>>) src(%arg10 : memref<4x256xf32, #tpu.memory_space<vmem>>) dst(%dma_wait3A_1637 : memref<4x256xf32, #tpu.memory_space<hbm>>)
      } else {
      }
      %add3A_1115 = arith.constant 1 : i32
      %add3A_1116 = arith.addi %mul3A_565, %add3A_1115 : i32
      %broadcast_in_dim3A_1117 = arith.constant 0.000000e+00 : f32
      %broadcast_in_dim3A_1118 = vector.broadcast %broadcast_in_dim3A_1117 : f32 to vector<16xf32>
      %broadcast_in_dim3A_1119 = arith.constant 0xFF800000 : f32
      %broadcast_in_dim3A_1120 = vector.broadcast %broadcast_in_dim3A_1119 : f32 to vector<16xf32>
      %scan3A_1121 = arith.constant 0 : i32
      %scan3A_1122 = arith.constant 8 : i32
      %scan3A_1123 = arith.addi %scan3A_1121, %scan3A_1122 : i32
      %scan3A_1124 = arith.constant 1 : i32
      %scan3A_1125:16 = scf.for %scan3A_1632 = %scan3A_1121 to %scan3A_1123 step %scan3A_1124 iter_args(%scan3A_1633 = %broadcast_in_dim3A_1118, %scan3A_1634 = %broadcast_in_dim3A_1118, %scan3A_1635 = %broadcast_in_dim3A_1118, %scan3A_1636 = %broadcast_in_dim3A_1118, %scan3A_1637 = %broadcast_in_dim3A_1118, %scan3A_1638 = %broadcast_in_dim3A_1118, %scan3A_1639 = %broadcast_in_dim3A_1118, %scan3A_1640 = %broadcast_in_dim3A_1118, %scan3A_1641 = %broadcast_in_dim3A_1120, %scan3A_1642 = %broadcast_in_dim3A_1120, %scan3A_1643 = %broadcast_in_dim3A_1120, %scan3A_1644 = %broadcast_in_dim3A_1120, %scan3A_1645 = %broadcast_in_dim3A_1120, %scan3A_1646 = %broadcast_in_dim3A_1120, %scan3A_1647 = %broadcast_in_dim3A_1120, %scan3A_1648 = %broadcast_in_dim3A_1120) -> (vector<16xf32>, vector<16xf32>, vector<16xf32>, vector<16xf32>, vector<16xf32>, vector<16xf32>, vector<16xf32>, vector<16xf32>, vector<16xf32>, vector<16xf32>, vector<16xf32>, vector<16xf32>, vector<16xf32>, vector<16xf32>, vector<16xf32>, vector<16xf32>)  : i32 {
        %mul3A_1649 = arith.constant 4 : i32
        %mul3A_1650 = arith.muli %scan3A_1632, %mul3A_1649 : i32
        %add3A_1651 = arith.constant 0 : i32
        %add3A_1652 = arith.addi %add3A_1651, %mul3A_1650 : i32
        %add3A_1653 = arith.constant 0 : i32
        %add3A_1654 = arith.addi %add3A_1652, %add3A_1653 : i32
        %get3A = arith.index_cast %add3A_1654 : i32 to index
        %get3A_1655 = arith.constant 0 : index
        %get3A_1656 = tpu.vector_load %arg8[%get3A, %get3A_1655] {strides = array<i32>} : memref<128x128xf32, #tpu.memory_space<vmem>>, vector<1x16xf32>,
        %get3A_1657 = vector.shape_cast %get3A_1656 : vector<1x16xf32> to vector<16xf32>
        %get3A_1658 = arith.index_cast %add3A_1654 : i32 to index
        %get3A_1659 = arith.constant 16 : index
        %get3A_1660 = tpu.vector_load %arg8[%get3A_1658, %get3A_1659] {strides = array<i32>} : memref<128x128xf32, #tpu.memory_space<vmem>>, vector<1x16xf32>,
        %get3A_1661 = vector.shape_cast %get3A_1660 : vector<1x16xf32> to vector<16xf32>
        %get3A_1662 = arith.index_cast %add3A_1654 : i32 to index
        %get3A_1663 = arith.constant 32 : index
        %get3A_1664 = tpu.vector_load %arg8[%get3A_1662, %get3A_1663] {strides = array<i32>} : memref<128x128xf32, #tpu.memory_space<vmem>>, vector<1x16xf32>,
        %get3A_1665 = vector.shape_cast %get3A_1664 : vector<1x16xf32> to vector<16xf32>
        %get3A_1666 = arith.index_cast %add3A_1654 : i32 to index
        %get3A_1667 = arith.constant 48 : index
        %get3A_1668 = tpu.vector_load %arg8[%get3A_1666, %get3A_1667] {strides = array<i32>} : memref<128x128xf32, #tpu.memory_space<vmem>>, vector<1x16xf32>,
        %get3A_1669 = vector.shape_cast %get3A_1668 : vector<1x16xf32> to vector<16xf32>
        %get3A_1670 = arith.index_cast %add3A_1654 : i32 to index
        %get3A_1671 = arith.constant 64 : index
        %get3A_1672 = tpu.vector_load %arg8[%get3A_1670, %get3A_1671] {strides = array<i32>} : memref<128x128xf32, #tpu.memory_space<vmem>>, vector<1x16xf32>,
        %get3A_1673 = vector.shape_cast %get3A_1672 : vector<1x16xf32> to vector<16xf32>
        %get3A_1674 = arith.index_cast %add3A_1654 : i32 to index
        %get3A_1675 = arith.constant 80 : index
        %get3A_1676 = tpu.vector_load %arg8[%get3A_1674, %get3A_1675] {strides = array<i32>} : memref<128x128xf32, #tpu.memory_space<vmem>>, vector<1x16xf32>,
        %get3A_1677 = vector.shape_cast %get3A_1676 : vector<1x16xf32> to vector<16xf32>
        %get3A_1678 = arith.index_cast %add3A_1654 : i32 to index
        %get3A_1679 = arith.constant 96 : index
        %get3A_1680 = tpu.vector_load %arg8[%get3A_1678, %get3A_1679] {strides = array<i32>} : memref<128x128xf32, #tpu.memory_space<vmem>>, vector<1x16xf32>,
        %get3A_1681 = vector.shape_cast %get3A_1680 : vector<1x16xf32> to vector<16xf32>
        %get3A_1682 = arith.index_cast %add3A_1654 : i32 to index
        %get3A_1683 = arith.constant 112 : index
        %get3A_1684 = tpu.vector_load %arg8[%get3A_1682, %get3A_1683] {strides = array<i32>} : memref<128x128xf32, #tpu.memory_space<vmem>>, vector<1x16xf32>,
        %get3A_1685 = vector.shape_cast %get3A_1684 : vector<1x16xf32> to vector<16xf32>
        %add3A_1686 = arith.addf %scan3A_1633, %get3A_1657 : vector<16xf32>
        %add3A_1687 = arith.addf %scan3A_1634, %get3A_1661 : vector<16xf32>
        %add3A_1688 = arith.addf %scan3A_1635, %get3A_1665 : vector<16xf32>
        %add3A_1689 = arith.addf %scan3A_1636, %get3A_1669 : vector<16xf32>
        %add3A_1690 = arith.addf %scan3A_1637, %get3A_1673 : vector<16xf32>
        %add3A_1691 = arith.addf %scan3A_1638, %get3A_1677 : vector<16xf32>
        %add3A_1692 = arith.addf %scan3A_1639, %get3A_1681 : vector<16xf32>
        %add3A_1693 = arith.addf %scan3A_1640, %get3A_1685 : vector<16xf32>
        %max3A = arith.maximumf %scan3A_1641, %get3A_1657 : vector<16xf32>
        %max3A_1694 = arith.maximumf %scan3A_1642, %get3A_1661 : vector<16xf32>
        %max3A_1695 = arith.maximumf %scan3A_1643, %get3A_1665 : vector<16xf32>
        %max3A_1696 = arith.maximumf %scan3A_1644, %get3A_1669 : vector<16xf32>
        %max3A_1697 = arith.maximumf %scan3A_1645, %get3A_1673 : vector<16xf32>
        %max3A_1698 = arith.maximumf %scan3A_1646, %get3A_1677 : vector<16xf32>
        %max3A_1699 = arith.maximumf %scan3A_1647, %get3A_1681 : vector<16xf32>
        %max3A_1700 = arith.maximumf %scan3A_1648, %get3A_1685 : vector<16xf32>
        %mul3A_1701 = arith.constant 4 : i32
        %mul3A_1702 = arith.muli %scan3A_1632, %mul3A_1701 : i32
        %add3A_1703 = arith.constant 0 : i32
        %add3A_1704 = arith.addi %add3A_1703, %mul3A_1702 : i32
        %add3A_1705 = arith.constant 1 : i32
        %add3A_1706 = arith.addi %add3A_1704, %add3A_1705 : i32
        %get3A_1707 = arith.index_cast %add3A_1706 : i32 to index
        %get3A_1708 = arith.constant 0 : index
        %get3A_1709 = tpu.vector_load %arg8[%get3A_1707, %get3A_1708] {strides = array<i32>} : memref<128x128xf32, #tpu.memory_space<vmem>>, vector<1x16xf32>,
        %get3A_1710 = vector.shape_cast %get3A_1709 : vector<1x16xf32> to vector<16xf32>
        %get3A_1711 = arith.index_cast %add3A_1706 : i32 to index
        %get3A_1712 = arith.constant 16 : index
        %get3A_1713 = tpu.vector_load %arg8[%get3A_1711, %get3A_1712] {strides = array<i32>} : memref<128x128xf32, #tpu.memory_space<vmem>>, vector<1x16xf32>,
        %get3A_1714 = vector.shape_cast %get3A_1713 : vector<1x16xf32> to vector<16xf32>
        %get3A_1715 = arith.index_cast %add3A_1706 : i32 to index
        %get3A_1716 = arith.constant 32 : index
        %get3A_1717 = tpu.vector_load %arg8[%get3A_1715, %get3A_1716] {strides = array<i32>} : memref<128x128xf32, #tpu.memory_space<vmem>>, vector<1x16xf32>,
        %get3A_1718 = vector.shape_cast %get3A_1717 : vector<1x16xf32> to vector<16xf32>
        %get3A_1719 = arith.index_cast %add3A_1706 : i32 to index
        %get3A_1720 = arith.constant 48 : index
        %get3A_1721 = tpu.vector_load %arg8[%get3A_1719, %get3A_1720] {strides = array<i32>} : memref<128x128xf32, #tpu.memory_space<vmem>>, vector<1x16xf32>,
        %get3A_1722 = vector.shape_cast %get3A_1721 : vector<1x16xf32> to vector<16xf32>
        %get3A_1723 = arith.index_cast %add3A_1706 : i32 to index
        %get3A_1724 = arith.constant 64 : index
        %get3A_1725 = tpu.vector_load %arg8[%get3A_1723, %get3A_1724] {strides = array<i32>} : memref<128x128xf32, #tpu.memory_space<vmem>>, vector<1x16xf32>,
        %get3A_1726 = vector.shape_cast %get3A_1725 : vector<1x16xf32> to vector<16xf32>
        %get3A_1727 = arith.index_cast %add3A_1706 : i32 to index
        %get3A_1728 = arith.constant 80 : index
        %get3A_1729 = tpu.vector_load %arg8[%get3A_1727, %get3A_1728] {strides = array<i32>} : memref<128x128xf32, #tpu.memory_space<vmem>>, vector<1x16xf32>,
        %get3A_1730 = vector.shape_cast %get3A_1729 : vector<1x16xf32> to vector<16xf32>
        %get3A_1731 = arith.index_cast %add3A_1706 : i32 to index
        %get3A_1732 = arith.constant 96 : index
        %get3A_1733 = tpu.vector_load %arg8[%get3A_1731, %get3A_1732] {strides = array<i32>} : memref<128x128xf32, #tpu.memory_space<vmem>>, vector<1x16xf32>,
        %get3A_1734 = vector.shape_cast %get3A_1733 : vector<1x16xf32> to vector<16xf32>
        %get3A_1735 = arith.index_cast %add3A_1706 : i32 to index
        %get3A_1736 = arith.constant 112 : index
        %get3A_1737 = tpu.vector_load %arg8[%get3A_1735, %get3A_1736] {strides = array<i32>} : memref<128x128xf32, #tpu.memory_space<vmem>>, vector<1x16xf32>,
        %get3A_1738 = vector.shape_cast %get3A_1737 : vector<1x16xf32> to vector<16xf32>
        %add3A_1739 = arith.addf %add3A_1686, %get3A_1710 : vector<16xf32>
        %add3A_1740 = arith.addf %add3A_1687, %get3A_1714 : vector<16xf32>
        %add3A_1741 = arith.addf %add3A_1688, %get3A_1718 : vector<16xf32>
        %add3A_1742 = arith.addf %add3A_1689, %get3A_1722 : vector<16xf32>
        %add3A_1743 = arith.addf %add3A_1690, %get3A_1726 : vector<16xf32>
        %add3A_1744 = arith.addf %add3A_1691, %get3A_1730 : vector<16xf32>
        %add3A_1745 = arith.addf %add3A_1692, %get3A_1734 : vector<16xf32>
        %add3A_1746 = arith.addf %add3A_1693, %get3A_1738 : vector<16xf32>
        %max3A_1747 = arith.maximumf %max3A, %get3A_1710 : vector<16xf32>
        %max3A_1748 = arith.maximumf %max3A_1694, %get3A_1714 : vector<16xf32>
        %max3A_1749 = arith.maximumf %max3A_1695, %get3A_1718 : vector<16xf32>
        %max3A_1750 = arith.maximumf %max3A_1696, %get3A_1722 : vector<16xf32>
        %max3A_1751 = arith.maximumf %max3A_1697, %get3A_1726 : vector<16xf32>
        %max3A_1752 = arith.maximumf %max3A_1698, %get3A_1730 : vector<16xf32>
        %max3A_1753 = arith.maximumf %max3A_1699, %get3A_1734 : vector<16xf32>
        %max3A_1754 = arith.maximumf %max3A_1700, %get3A_1738 : vector<16xf32>
        %mul3A_1755 = arith.constant 4 : i32
        %mul3A_1756 = arith.muli %scan3A_1632, %mul3A_1755 : i32
        %add3A_1757 = arith.constant 0 : i32
        %add3A_1758 = arith.addi %add3A_1757, %mul3A_1756 : i32
        %add3A_1759 = arith.constant 2 : i32
        %add3A_1760 = arith.addi %add3A_1758, %add3A_1759 : i32
        %get3A_1761 = arith.index_cast %add3A_1760 : i32 to index
        %get3A_1762 = arith.constant 0 : index
        %get3A_1763 = tpu.vector_load %arg8[%get3A_1761, %get3A_1762] {strides = array<i32>} : memref<128x128xf32, #tpu.memory_space<vmem>>, vector<1x16xf32>,
        %get3A_1764 = vector.shape_cast %get3A_1763 : vector<1x16xf32> to vector<16xf32>
        %get3A_1765 = arith.index_cast %add3A_1760 : i32 to index
        %get3A_1766 = arith.constant 16 : index
        %get3A_1767 = tpu.vector_load %arg8[%get3A_1765, %get3A_1766] {strides = array<i32>} : memref<128x128xf32, #tpu.memory_space<vmem>>, vector<1x16xf32>,
        %get3A_1768 = vector.shape_cast %get3A_1767 : vector<1x16xf32> to vector<16xf32>
        %get3A_1769 = arith.index_cast %add3A_1760 : i32 to index
        %get3A_1770 = arith.constant 32 : index
        %get3A_1771 = tpu.vector_load %arg8[%get3A_1769, %get3A_1770] {strides = array<i32>} : memref<128x128xf32, #tpu.memory_space<vmem>>, vector<1x16xf32>,
        %get3A_1772 = vector.shape_cast %get3A_1771 : vector<1x16xf32> to vector<16xf32>
        %get3A_1773 = arith.index_cast %add3A_1760 : i32 to index
        %get3A_1774 = arith.constant 48 : index
        %get3A_1775 = tpu.vector_load %arg8[%get3A_1773, %get3A_1774] {strides = array<i32>} : memref<128x128xf32, #tpu.memory_space<vmem>>, vector<1x16xf32>,
        %get3A_1776 = vector.shape_cast %get3A_1775 : vector<1x16xf32> to vector<16xf32>
        %get3A_1777 = arith.index_cast %add3A_1760 : i32 to index
        %get3A_1778 = arith.constant 64 : index
        %get3A_1779 = tpu.vector_load %arg8[%get3A_1777, %get3A_1778] {strides = array<i32>} : memref<128x128xf32, #tpu.memory_space<vmem>>, vector<1x16xf32>,
        %get3A_1780 = vector.shape_cast %get3A_1779 : vector<1x16xf32> to vector<16xf32>
        %get3A_1781 = arith.index_cast %add3A_1760 : i32 to index
        %get3A_1782 = arith.constant 80 : index
        %get3A_1783 = tpu.vector_load %arg8[%get3A_1781, %get3A_1782] {strides = array<i32>} : memref<128x128xf32, #tpu.memory_space<vmem>>, vector<1x16xf32>,
        %get3A_1784 = vector.shape_cast %get3A_1783 : vector<1x16xf32> to vector<16xf32>
        %get3A_1785 = arith.index_cast %add3A_1760 : i32 to index
        %get3A_1786 = arith.constant 96 : index
        %get3A_1787 = tpu.vector_load %arg8[%get3A_1785, %get3A_1786] {strides = array<i32>} : memref<128x128xf32, #tpu.memory_space<vmem>>, vector<1x16xf32>,
        %get3A_1788 = vector.shape_cast %get3A_1787 : vector<1x16xf32> to vector<16xf32>
        %get3A_1789 = arith.index_cast %add3A_1760 : i32 to index
        %get3A_1790 = arith.constant 112 : index
        %get3A_1791 = tpu.vector_load %arg8[%get3A_1789, %get3A_1790] {strides = array<i32>} : memref<128x128xf32, #tpu.memory_space<vmem>>, vector<1x16xf32>,
        %get3A_1792 = vector.shape_cast %get3A_1791 : vector<1x16xf32> to vector<16xf32>
        %add3A_1793 = arith.addf %add3A_1739, %get3A_1764 : vector<16xf32>
        %add3A_1794 = arith.addf %add3A_1740, %get3A_1768 : vector<16xf32>
        %add3A_1795 = arith.addf %add3A_1741, %get3A_1772 : vector<16xf32>
        %add3A_1796 = arith.addf %add3A_1742, %get3A_1776 : vector<16xf32>
        %add3A_1797 = arith.addf %add3A_1743, %get3A_1780 : vector<16xf32>
        %add3A_1798 = arith.addf %add3A_1744, %get3A_1784 : vector<16xf32>
        %add3A_1799 = arith.addf %add3A_1745, %get3A_1788 : vector<16xf32>
        %add3A_1800 = arith.addf %add3A_1746, %get3A_1792 : vector<16xf32>
        %max3A_1801 = arith.maximumf %max3A_1747, %get3A_1764 : vector<16xf32>
        %max3A_1802 = arith.maximumf %max3A_1748, %get3A_1768 : vector<16xf32>
        %max3A_1803 = arith.maximumf %max3A_1749, %get3A_1772 : vector<16xf32>
        %max3A_1804 = arith.maximumf %max3A_1750, %get3A_1776 : vector<16xf32>
        %max3A_1805 = arith.maximumf %max3A_1751, %get3A_1780 : vector<16xf32>
        %max3A_1806 = arith.maximumf %max3A_1752, %get3A_1784 : vector<16xf32>
        %max3A_1807 = arith.maximumf %max3A_1753, %get3A_1788 : vector<16xf32>
        %max3A_1808 = arith.maximumf %max3A_1754, %get3A_1792 : vector<16xf32>
        %mul3A_1809 = arith.constant 4 : i32
        %mul3A_1810 = arith.muli %scan3A_1632, %mul3A_1809 : i32
        %add3A_1811 = arith.constant 0 : i32
        %add3A_1812 = arith.addi %add3A_1811, %mul3A_1810 : i32
        %add3A_1813 = arith.constant 3 : i32
        %add3A_1814 = arith.addi %add3A_1812, %add3A_1813 : i32
        %get3A_1815 = arith.index_cast %add3A_1814 : i32 to index
        %get3A_1816 = arith.constant 0 : index
        %get3A_1817 = tpu.vector_load %arg8[%get3A_1815, %get3A_1816] {strides = array<i32>} : memref<128x128xf32, #tpu.memory_space<vmem>>, vector<1x16xf32>,
        %get3A_1818 = vector.shape_cast %get3A_1817 : vector<1x16xf32> to vector<16xf32>
        %get3A_1819 = arith.index_cast %add3A_1814 : i32 to index
        %get3A_1820 = arith.constant 16 : index
        %get3A_1821 = tpu.vector_load %arg8[%get3A_1819, %get3A_1820] {strides = array<i32>} : memref<128x128xf32, #tpu.memory_space<vmem>>, vector<1x16xf32>,
        %get3A_1822 = vector.shape_cast %get3A_1821 : vector<1x16xf32> to vector<16xf32>
        %get3A_1823 = arith.index_cast %add3A_1814 : i32 to index
        %get3A_1824 = arith.constant 32 : index
        %get3A_1825 = tpu.vector_load %arg8[%get3A_1823, %get3A_1824] {strides = array<i32>} : memref<128x128xf32, #tpu.memory_space<vmem>>, vector<1x16xf32>,
        %get3A_1826 = vector.shape_cast %get3A_1825 : vector<1x16xf32> to vector<16xf32>
        %get3A_1827 = arith.index_cast %add3A_1814 : i32 to index
        %get3A_1828 = arith.constant 48 : index
        %get3A_1829 = tpu.vector_load %arg8[%get3A_1827, %get3A_1828] {strides = array<i32>} : memref<128x128xf32, #tpu.memory_space<vmem>>, vector<1x16xf32>,
        %get3A_1830 = vector.shape_cast %get3A_1829 : vector<1x16xf32> to vector<16xf32>
        %get3A_1831 = arith.index_cast %add3A_1814 : i32 to index
        %get3A_1832 = arith.constant 64 : index
        %get3A_1833 = tpu.vector_load %arg8[%get3A_1831, %get3A_1832] {strides = array<i32>} : memref<128x128xf32, #tpu.memory_space<vmem>>, vector<1x16xf32>,
        %get3A_1834 = vector.shape_cast %get3A_1833 : vector<1x16xf32> to vector<16xf32>
        %get3A_1835 = arith.index_cast %add3A_1814 : i32 to index
        %get3A_1836 = arith.constant 80 : index
        %get3A_1837 = tpu.vector_load %arg8[%get3A_1835, %get3A_1836] {strides = array<i32>} : memref<128x128xf32, #tpu.memory_space<vmem>>, vector<1x16xf32>,
        %get3A_1838 = vector.shape_cast %get3A_1837 : vector<1x16xf32> to vector<16xf32>
        %get3A_1839 = arith.index_cast %add3A_1814 : i32 to index
        %get3A_1840 = arith.constant 96 : index
        %get3A_1841 = tpu.vector_load %arg8[%get3A_1839, %get3A_1840] {strides = array<i32>} : memref<128x128xf32, #tpu.memory_space<vmem>>, vector<1x16xf32>,
        %get3A_1842 = vector.shape_cast %get3A_1841 : vector<1x16xf32> to vector<16xf32>
        %get3A_1843 = arith.index_cast %add3A_1814 : i32 to index
        %get3A_1844 = arith.constant 112 : index
        %get3A_1845 = tpu.vector_load %arg8[%get3A_1843, %get3A_1844] {strides = array<i32>} : memref<128x128xf32, #tpu.memory_space<vmem>>, vector<1x16xf32>,
        %get3A_1846 = vector.shape_cast %get3A_1845 : vector<1x16xf32> to vector<16xf32>
        %add3A_1847 = arith.addf %add3A_1793, %get3A_1818 : vector<16xf32>
        %add3A_1848 = arith.addf %add3A_1794, %get3A_1822 : vector<16xf32>
        %add3A_1849 = arith.addf %add3A_1795, %get3A_1826 : vector<16xf32>
        %add3A_1850 = arith.addf %add3A_1796, %get3A_1830 : vector<16xf32>
        %add3A_1851 = arith.addf %add3A_1797, %get3A_1834 : vector<16xf32>
        %add3A_1852 = arith.addf %add3A_1798, %get3A_1838 : vector<16xf32>
        %add3A_1853 = arith.addf %add3A_1799, %get3A_1842 : vector<16xf32>
        %add3A_1854 = arith.addf %add3A_1800, %get3A_1846 : vector<16xf32>
        %max3A_1855 = arith.maximumf %max3A_1801, %get3A_1818 : vector<16xf32>
        %max3A_1856 = arith.maximumf %max3A_1802, %get3A_1822 : vector<16xf32>
        %max3A_1857 = arith.maximumf %max3A_1803, %get3A_1826 : vector<16xf32>
        %max3A_1858 = arith.maximumf %max3A_1804, %get3A_1830 : vector<16xf32>
        %max3A_1859 = arith.maximumf %max3A_1805, %get3A_1834 : vector<16xf32>
        %max3A_1860 = arith.maximumf %max3A_1806, %get3A_1838 : vector<16xf32>
        %max3A_1861 = arith.maximumf %max3A_1807, %get3A_1842 : vector<16xf32>
        %max3A_1862 = arith.maximumf %max3A_1808, %get3A_1846 : vector<16xf32>
        scf.yield %add3A_1847, %add3A_1848, %add3A_1849, %add3A_1850, %add3A_1851, %add3A_1852, %add3A_1853, %add3A_1854, %max3A_1855, %max3A_1856, %max3A_1857, %max3A_1858, %max3A_1859, %max3A_1860, %max3A_1861, %max3A_1862 : vector<16xf32>, vector<16xf32>, vector<16xf32>, vector<16xf32>, vector<16xf32>, vector<16xf32>, vector<16xf32>, vector<16xf32>, vector<16xf32>, vector<16xf32>, vector<16xf32>, vector<16xf32>, vector<16xf32>, vector<16xf32>, vector<16xf32>, vector<16xf32>
      }
      %scan3A_1126 = arith.constant 8 : i32
      %mul3A_1127 = arith.constant 3.125000e-02 : f32
      %mul3A_1128 = vector.broadcast %mul3A_1127 : f32 to vector<16xf32>
      %mul3A_1129 = arith.mulf %scan3A_1125#0, %mul3A_1128 : vector<16xf32>
      %swap3A_1130 = arith.constant 0 : i32
      %swap3A_1131 = arith.index_cast %swap3A_1130 : i32 to index
      %swap3A_1132 = arith.constant 0 : index
      %swap3A_1133 = tpu.vector_load %arg10[%swap3A_1131, %swap3A_1132] {strides = array<i32>} : memref<4x256xf32, #tpu.memory_space<vmem>>, vector<1x16xf32>,
      %swap3A_1134 = vector.shape_cast %swap3A_1133 : vector<1x16xf32> to vector<16xf32>
      %swap3A_1135 = vector.shape_cast %mul3A_1129 : vector<16xf32> to vector<1x16xf32>
      tpu.vector_store %arg10[%swap3A_1131, %swap3A_1132], %swap3A_1135 {strides = array<i32>} : memref<4x256xf32, #tpu.memory_space<vmem>>, vector<1x16xf32>,
      %swap3A_1136 = arith.constant 0 : i32
      %swap3A_1137 = arith.index_cast %swap3A_1136 : i32 to index
      %swap3A_1138 = arith.constant 128 : index
      %swap3A_1139 = tpu.vector_load %arg10[%swap3A_1137, %swap3A_1138] {strides = array<i32>} : memref<4x256xf32, #tpu.memory_space<vmem>>, vector<1x16xf32>,
      %swap3A_1140 = vector.shape_cast %swap3A_1139 : vector<1x16xf32> to vector<16xf32>
      %swap3A_1141 = vector.shape_cast %scan3A_1125#8 : vector<16xf32> to vector<1x16xf32>
      tpu.vector_store %arg10[%swap3A_1137, %swap3A_1138], %swap3A_1141 {strides = array<i32>} : memref<4x256xf32, #tpu.memory_space<vmem>>, vector<1x16xf32>,
      %mul3A_1142 = arith.constant 3.125000e-02 : f32
      %mul3A_1143 = vector.broadcast %mul3A_1142 : f32 to vector<16xf32>
      %mul3A_1144 = arith.mulf %scan3A_1125#1, %mul3A_1143 : vector<16xf32>
      %swap3A_1145 = arith.constant 0 : i32
      %swap3A_1146 = arith.index_cast %swap3A_1145 : i32 to index
      %swap3A_1147 = arith.constant 16 : index
      %swap3A_1148 = tpu.vector_load %arg10[%swap3A_1146, %swap3A_1147] {strides = array<i32>} : memref<4x256xf32, #tpu.memory_space<vmem>>, vector<1x16xf32>,
      %swap3A_1149 = vector.shape_cast %swap3A_1148 : vector<1x16xf32> to vector<16xf32>
      %swap3A_1150 = vector.shape_cast %mul3A_1144 : vector<16xf32> to vector<1x16xf32>
      tpu.vector_store %arg10[%swap3A_1146, %swap3A_1147], %swap3A_1150 {strides = array<i32>} : memref<4x256xf32, #tpu.memory_space<vmem>>, vector<1x16xf32>,
      %swap3A_1151 = arith.constant 0 : i32
      %swap3A_1152 = arith.index_cast %swap3A_1151 : i32 to index
      %swap3A_1153 = arith.constant 144 : index
      %swap3A_1154 = tpu.vector_load %arg10[%swap3A_1152, %swap3A_1153] {strides = array<i32>} : memref<4x256xf32, #tpu.memory_space<vmem>>, vector<1x16xf32>,
      %swap3A_1155 = vector.shape_cast %swap3A_1154 : vector<1x16xf32> to vector<16xf32>
      %swap3A_1156 = vector.shape_cast %scan3A_1125#9 : vector<16xf32> to vector<1x16xf32>
      tpu.vector_store %arg10[%swap3A_1152, %swap3A_1153], %swap3A_1156 {strides = array<i32>} : memref<4x256xf32, #tpu.memory_space<vmem>>, vector<1x16xf32>,
      %mul3A_1157 = arith.constant 3.125000e-02 : f32
      %mul3A_1158 = vector.broadcast %mul3A_1157 : f32 to vector<16xf32>
      %mul3A_1159 = arith.mulf %scan3A_1125#2, %mul3A_1158 : vector<16xf32>
      %swap3A_1160 = arith.constant 0 : i32
      %swap3A_1161 = arith.index_cast %swap3A_1160 : i32 to index
      %swap3A_1162 = arith.constant 32 : index
      %swap3A_1163 = tpu.vector_load %arg10[%swap3A_1161, %swap3A_1162] {strides = array<i32>} : memref<4x256xf32, #tpu.memory_space<vmem>>, vector<1x16xf32>,
      %swap3A_1164 = vector.shape_cast %swap3A_1163 : vector<1x16xf32> to vector<16xf32>
      %swap3A_1165 = vector.shape_cast %mul3A_1159 : vector<16xf32> to vector<1x16xf32>
      tpu.vector_store %arg10[%swap3A_1161, %swap3A_1162], %swap3A_1165 {strides = array<i32>} : memref<4x256xf32, #tpu.memory_space<vmem>>, vector<1x16xf32>,
      %swap3A_1166 = arith.constant 0 : i32
      %swap3A_1167 = arith.index_cast %swap3A_1166 : i32 to index
      %swap3A_1168 = arith.constant 160 : index
      %swap3A_1169 = tpu.vector_load %arg10[%swap3A_1167, %swap3A_1168] {strides = array<i32>} : memref<4x256xf32, #tpu.memory_space<vmem>>, vector<1x16xf32>,
      %swap3A_1170 = vector.shape_cast %swap3A_1169 : vector<1x16xf32> to vector<16xf32>
      %swap3A_1171 = vector.shape_cast %scan3A_1125#10 : vector<16xf32> to vector<1x16xf32>
      tpu.vector_store %arg10[%swap3A_1167, %swap3A_1168], %swap3A_1171 {strides = array<i32>} : memref<4x256xf32, #tpu.memory_space<vmem>>, vector<1x16xf32>,
      %mul3A_1172 = arith.constant 3.125000e-02 : f32
      %mul3A_1173 = vector.broadcast %mul3A_1172 : f32 to vector<16xf32>
      %mul3A_1174 = arith.mulf %scan3A_1125#3, %mul3A_1173 : vector<16xf32>
      %swap3A_1175 = arith.constant 0 : i32
      %swap3A_1176 = arith.index_cast %swap3A_1175 : i32 to index
      %swap3A_1177 = arith.constant 48 : index
      %swap3A_1178 = tpu.vector_load %arg10[%swap3A_1176, %swap3A_1177] {strides = array<i32>} : memref<4x256xf32, #tpu.memory_space<vmem>>, vector<1x16xf32>,
      %swap3A_1179 = vector.shape_cast %swap3A_1178 : vector<1x16xf32> to vector<16xf32>
      %swap3A_1180 = vector.shape_cast %mul3A_1174 : vector<16xf32> to vector<1x16xf32>
      tpu.vector_store %arg10[%swap3A_1176, %swap3A_1177], %swap3A_1180 {strides = array<i32>} : memref<4x256xf32, #tpu.memory_space<vmem>>, vector<1x16xf32>,
      %swap3A_1181 = arith.constant 0 : i32
      %swap3A_1182 = arith.index_cast %swap3A_1181 : i32 to index
      %swap3A_1183 = arith.constant 176 : index
      %swap3A_1184 = tpu.vector_load %arg10[%swap3A_1182, %swap3A_1183] {strides = array<i32>} : memref<4x256xf32, #tpu.memory_space<vmem>>, vector<1x16xf32>,
      %swap3A_1185 = vector.shape_cast %swap3A_1184 : vector<1x16xf32> to vector<16xf32>
      %swap3A_1186 = vector.shape_cast %scan3A_1125#11 : vector<16xf32> to vector<1x16xf32>
      tpu.vector_store %arg10[%swap3A_1182, %swap3A_1183], %swap3A_1186 {strides = array<i32>} : memref<4x256xf32, #tpu.memory_space<vmem>>, vector<1x16xf32>,
      %mul3A_1187 = arith.constant 3.125000e-02 : f32
      %mul3A_1188 = vector.broadcast %mul3A_1187 : f32 to vector<16xf32>
      %mul3A_1189 = arith.mulf %scan3A_1125#4, %mul3A_1188 : vector<16xf32>
      %swap3A_1190 = arith.constant 0 : i32
      %swap3A_1191 = arith.index_cast %swap3A_1190 : i32 to index
      %swap3A_1192 = arith.constant 64 : index
      %swap3A_1193 = tpu.vector_load %arg10[%swap3A_1191, %swap3A_1192] {strides = array<i32>} : memref<4x256xf32, #tpu.memory_space<vmem>>, vector<1x16xf32>,
      %swap3A_1194 = vector.shape_cast %swap3A_1193 : vector<1x16xf32> to vector<16xf32>
      %swap3A_1195 = vector.shape_cast %mul3A_1189 : vector<16xf32> to vector<1x16xf32>
      tpu.vector_store %arg10[%swap3A_1191, %swap3A_1192], %swap3A_1195 {strides = array<i32>} : memref<4x256xf32, #tpu.memory_space<vmem>>, vector<1x16xf32>,
      %swap3A_1196 = arith.constant 0 : i32
      %swap3A_1197 = arith.index_cast %swap3A_1196 : i32 to index
      %swap3A_1198 = arith.constant 192 : index
      %swap3A_1199 = tpu.vector_load %arg10[%swap3A_1197, %swap3A_1198] {strides = array<i32>} : memref<4x256xf32, #tpu.memory_space<vmem>>, vector<1x16xf32>,
      %swap3A_1200 = vector.shape_cast %swap3A_1199 : vector<1x16xf32> to vector<16xf32>
      %swap3A_1201 = vector.shape_cast %scan3A_1125#12 : vector<16xf32> to vector<1x16xf32>
      tpu.vector_store %arg10[%swap3A_1197, %swap3A_1198], %swap3A_1201 {strides = array<i32>} : memref<4x256xf32, #tpu.memory_space<vmem>>, vector<1x16xf32>,
      %mul3A_1202 = arith.constant 3.125000e-02 : f32
      %mul3A_1203 = vector.broadcast %mul3A_1202 : f32 to vector<16xf32>
      %mul3A_1204 = arith.mulf %scan3A_1125#5, %mul3A_1203 : vector<16xf32>
      %swap3A_1205 = arith.constant 0 : i32
      %swap3A_1206 = arith.index_cast %swap3A_1205 : i32 to index
      %swap3A_1207 = arith.constant 80 : index
      %swap3A_1208 = tpu.vector_load %arg10[%swap3A_1206, %swap3A_1207] {strides = array<i32>} : memref<4x256xf32, #tpu.memory_space<vmem>>, vector<1x16xf32>,
      %swap3A_1209 = vector.shape_cast %swap3A_1208 : vector<1x16xf32> to vector<16xf32>
      %swap3A_1210 = vector.shape_cast %mul3A_1204 : vector<16xf32> to vector<1x16xf32>
      tpu.vector_store %arg10[%swap3A_1206, %swap3A_1207], %swap3A_1210 {strides = array<i32>} : memref<4x256xf32, #tpu.memory_space<vmem>>, vector<1x16xf32>,
      %swap3A_1211 = arith.constant 0 : i32
      %swap3A_1212 = arith.index_cast %swap3A_1211 : i32 to index
      %swap3A_1213 = arith.constant 208 : index
      %swap3A_1214 = tpu.vector_load %arg10[%swap3A_1212, %swap3A_1213] {strides = array<i32>} : memref<4x256xf32, #tpu.memory_space<vmem>>, vector<1x16xf32>,
      %swap3A_1215 = vector.shape_cast %swap3A_1214 : vector<1x16xf32> to vector<16xf32>
      %swap3A_1216 = vector.shape_cast %scan3A_1125#13 : vector<16xf32> to vector<1x16xf32>
      tpu.vector_store %arg10[%swap3A_1212, %swap3A_1213], %swap3A_1216 {strides = array<i32>} : memref<4x256xf32, #tpu.memory_space<vmem>>, vector<1x16xf32>,
      %mul3A_1217 = arith.constant 3.125000e-02 : f32
      %mul3A_1218 = vector.broadcast %mul3A_1217 : f32 to vector<16xf32>
      %mul3A_1219 = arith.mulf %scan3A_1125#6, %mul3A_1218 : vector<16xf32>
      %swap3A_1220 = arith.constant 0 : i32
      %swap3A_1221 = arith.index_cast %swap3A_1220 : i32 to index
      %swap3A_1222 = arith.constant 96 : index
      %swap3A_1223 = tpu.vector_load %arg10[%swap3A_1221, %swap3A_1222] {strides = array<i32>} : memref<4x256xf32, #tpu.memory_space<vmem>>, vector<1x16xf32>,
      %swap3A_1224 = vector.shape_cast %swap3A_1223 : vector<1x16xf32> to vector<16xf32>
      %swap3A_1225 = vector.shape_cast %mul3A_1219 : vector<16xf32> to vector<1x16xf32>
      tpu.vector_store %arg10[%swap3A_1221, %swap3A_1222], %swap3A_1225 {strides = array<i32>} : memref<4x256xf32, #tpu.memory_space<vmem>>, vector<1x16xf32>,
      %swap3A_1226 = arith.constant 0 : i32
      %swap3A_1227 = arith.index_cast %swap3A_1226 : i32 to index
      %swap3A_1228 = arith.constant 224 : index
      %swap3A_1229 = tpu.vector_load %arg10[%swap3A_1227, %swap3A_1228] {strides = array<i32>} : memref<4x256xf32, #tpu.memory_space<vmem>>, vector<1x16xf32>,
      %swap3A_1230 = vector.shape_cast %swap3A_1229 : vector<1x16xf32> to vector<16xf32>
      %swap3A_1231 = vector.shape_cast %scan3A_1125#14 : vector<16xf32> to vector<1x16xf32>
      tpu.vector_store %arg10[%swap3A_1227, %swap3A_1228], %swap3A_1231 {strides = array<i32>} : memref<4x256xf32, #tpu.memory_space<vmem>>, vector<1x16xf32>,
      %mul3A_1232 = arith.constant 3.125000e-02 : f32
      %mul3A_1233 = vector.broadcast %mul3A_1232 : f32 to vector<16xf32>
      %mul3A_1234 = arith.mulf %scan3A_1125#7, %mul3A_1233 : vector<16xf32>
      %swap3A_1235 = arith.constant 0 : i32
      %swap3A_1236 = arith.index_cast %swap3A_1235 : i32 to index
      %swap3A_1237 = arith.constant 112 : index
      %swap3A_1238 = tpu.vector_load %arg10[%swap3A_1236, %swap3A_1237] {strides = array<i32>} : memref<4x256xf32, #tpu.memory_space<vmem>>, vector<1x16xf32>,
      %swap3A_1239 = vector.shape_cast %swap3A_1238 : vector<1x16xf32> to vector<16xf32>
      %swap3A_1240 = vector.shape_cast %mul3A_1234 : vector<16xf32> to vector<1x16xf32>
      tpu.vector_store %arg10[%swap3A_1236, %swap3A_1237], %swap3A_1240 {strides = array<i32>} : memref<4x256xf32, #tpu.memory_space<vmem>>, vector<1x16xf32>,
      %swap3A_1241 = arith.constant 0 : i32
      %swap3A_1242 = arith.index_cast %swap3A_1241 : i32 to index
      %swap3A_1243 = arith.constant 240 : index
      %swap3A_1244 = tpu.vector_load %arg10[%swap3A_1242, %swap3A_1243] {strides = array<i32>} : memref<4x256xf32, #tpu.memory_space<vmem>>, vector<1x16xf32>,
      %swap3A_1245 = vector.shape_cast %swap3A_1244 : vector<1x16xf32> to vector<16xf32>
      %swap3A_1246 = vector.shape_cast %scan3A_1125#15 : vector<16xf32> to vector<1x16xf32>
      tpu.vector_store %arg10[%swap3A_1242, %swap3A_1243], %swap3A_1246 {strides = array<i32>} : memref<4x256xf32, #tpu.memory_space<vmem>>, vector<1x16xf32>,
      %scan3A_1247 = arith.constant 0 : i32
      %scan3A_1248 = arith.constant 8 : i32
      %scan3A_1249 = arith.addi %scan3A_1247, %scan3A_1248 : i32
      %scan3A_1250 = arith.constant 1 : i32
      %scan3A_1251:16 = scf.for %scan3A_1632 = %scan3A_1247 to %scan3A_1249 step %scan3A_1250 iter_args(%scan3A_1633 = %broadcast_in_dim3A_1118, %scan3A_1634 = %broadcast_in_dim3A_1118, %scan3A_1635 = %broadcast_in_dim3A_1118, %scan3A_1636 = %broadcast_in_dim3A_1118, %scan3A_1637 = %broadcast_in_dim3A_1118, %scan3A_1638 = %broadcast_in_dim3A_1118, %scan3A_1639 = %broadcast_in_dim3A_1118, %scan3A_1640 = %broadcast_in_dim3A_1118, %scan3A_1641 = %broadcast_in_dim3A_1120, %scan3A_1642 = %broadcast_in_dim3A_1120, %scan3A_1643 = %broadcast_in_dim3A_1120, %scan3A_1644 = %broadcast_in_dim3A_1120, %scan3A_1645 = %broadcast_in_dim3A_1120, %scan3A_1646 = %broadcast_in_dim3A_1120, %scan3A_1647 = %broadcast_in_dim3A_1120, %scan3A_1648 = %broadcast_in_dim3A_1120) -> (vector<16xf32>, vector<16xf32>, vector<16xf32>, vector<16xf32>, vector<16xf32>, vector<16xf32>, vector<16xf32>, vector<16xf32>, vector<16xf32>, vector<16xf32>, vector<16xf32>, vector<16xf32>, vector<16xf32>, vector<16xf32>, vector<16xf32>, vector<16xf32>)  : i32 {
        %mul3A_1649 = arith.constant 4 : i32
        %mul3A_1650 = arith.muli %scan3A_1632, %mul3A_1649 : i32
        %add3A_1651 = arith.constant 32 : i32
        %add3A_1652 = arith.addi %add3A_1651, %mul3A_1650 : i32
        %add3A_1653 = arith.constant 0 : i32
        %add3A_1654 = arith.addi %add3A_1652, %add3A_1653 : i32
        %get3A = arith.index_cast %add3A_1654 : i32 to index
        %get3A_1655 = arith.constant 0 : index
        %get3A_1656 = tpu.vector_load %arg8[%get3A, %get3A_1655] {strides = array<i32>} : memref<128x128xf32, #tpu.memory_space<vmem>>, vector<1x16xf32>,
        %get3A_1657 = vector.shape_cast %get3A_1656 : vector<1x16xf32> to vector<16xf32>
        %get3A_1658 = arith.index_cast %add3A_1654 : i32 to index
        %get3A_1659 = arith.constant 16 : index
        %get3A_1660 = tpu.vector_load %arg8[%get3A_1658, %get3A_1659] {strides = array<i32>} : memref<128x128xf32, #tpu.memory_space<vmem>>, vector<1x16xf32>,
        %get3A_1661 = vector.shape_cast %get3A_1660 : vector<1x16xf32> to vector<16xf32>
        %get3A_1662 = arith.index_cast %add3A_1654 : i32 to index
        %get3A_1663 = arith.constant 32 : index
        %get3A_1664 = tpu.vector_load %arg8[%get3A_1662, %get3A_1663] {strides = array<i32>} : memref<128x128xf32, #tpu.memory_space<vmem>>, vector<1x16xf32>,
        %get3A_1665 = vector.shape_cast %get3A_1664 : vector<1x16xf32> to vector<16xf32>
        %get3A_1666 = arith.index_cast %add3A_1654 : i32 to index
        %get3A_1667 = arith.constant 48 : index
        %get3A_1668 = tpu.vector_load %arg8[%get3A_1666, %get3A_1667] {strides = array<i32>} : memref<128x128xf32, #tpu.memory_space<vmem>>, vector<1x16xf32>,
        %get3A_1669 = vector.shape_cast %get3A_1668 : vector<1x16xf32> to vector<16xf32>
        %get3A_1670 = arith.index_cast %add3A_1654 : i32 to index
        %get3A_1671 = arith.constant 64 : index
        %get3A_1672 = tpu.vector_load %arg8[%get3A_1670, %get3A_1671] {strides = array<i32>} : memref<128x128xf32, #tpu.memory_space<vmem>>, vector<1x16xf32>,
        %get3A_1673 = vector.shape_cast %get3A_1672 : vector<1x16xf32> to vector<16xf32>
        %get3A_1674 = arith.index_cast %add3A_1654 : i32 to index
        %get3A_1675 = arith.constant 80 : index
        %get3A_1676 = tpu.vector_load %arg8[%get3A_1674, %get3A_1675] {strides = array<i32>} : memref<128x128xf32, #tpu.memory_space<vmem>>, vector<1x16xf32>,
        %get3A_1677 = vector.shape_cast %get3A_1676 : vector<1x16xf32> to vector<16xf32>
        %get3A_1678 = arith.index_cast %add3A_1654 : i32 to index
        %get3A_1679 = arith.constant 96 : index
        %get3A_1680 = tpu.vector_load %arg8[%get3A_1678, %get3A_1679] {strides = array<i32>} : memref<128x128xf32, #tpu.memory_space<vmem>>, vector<1x16xf32>,
        %get3A_1681 = vector.shape_cast %get3A_1680 : vector<1x16xf32> to vector<16xf32>
        %get3A_1682 = arith.index_cast %add3A_1654 : i32 to index
        %get3A_1683 = arith.constant 112 : index
        %get3A_1684 = tpu.vector_load %arg8[%get3A_1682, %get3A_1683] {strides = array<i32>} : memref<128x128xf32, #tpu.memory_space<vmem>>, vector<1x16xf32>,
        %get3A_1685 = vector.shape_cast %get3A_1684 : vector<1x16xf32> to vector<16xf32>
        %add3A_1686 = arith.addf %scan3A_1633, %get3A_1657 : vector<16xf32>
        %add3A_1687 = arith.addf %scan3A_1634, %get3A_1661 : vector<16xf32>
        %add3A_1688 = arith.addf %scan3A_1635, %get3A_1665 : vector<16xf32>
        %add3A_1689 = arith.addf %scan3A_1636, %get3A_1669 : vector<16xf32>
        %add3A_1690 = arith.addf %scan3A_1637, %get3A_1673 : vector<16xf32>
        %add3A_1691 = arith.addf %scan3A_1638, %get3A_1677 : vector<16xf32>
        %add3A_1692 = arith.addf %scan3A_1639, %get3A_1681 : vector<16xf32>
        %add3A_1693 = arith.addf %scan3A_1640, %get3A_1685 : vector<16xf32>
        %max3A = arith.maximumf %scan3A_1641, %get3A_1657 : vector<16xf32>
        %max3A_1694 = arith.maximumf %scan3A_1642, %get3A_1661 : vector<16xf32>
        %max3A_1695 = arith.maximumf %scan3A_1643, %get3A_1665 : vector<16xf32>
        %max3A_1696 = arith.maximumf %scan3A_1644, %get3A_1669 : vector<16xf32>
        %max3A_1697 = arith.maximumf %scan3A_1645, %get3A_1673 : vector<16xf32>
        %max3A_1698 = arith.maximumf %scan3A_1646, %get3A_1677 : vector<16xf32>
        %max3A_1699 = arith.maximumf %scan3A_1647, %get3A_1681 : vector<16xf32>
        %max3A_1700 = arith.maximumf %scan3A_1648, %get3A_1685 : vector<16xf32>
        %mul3A_1701 = arith.constant 4 : i32
        %mul3A_1702 = arith.muli %scan3A_1632, %mul3A_1701 : i32
        %add3A_1703 = arith.constant 32 : i32
        %add3A_1704 = arith.addi %add3A_1703, %mul3A_1702 : i32
        %add3A_1705 = arith.constant 1 : i32
        %add3A_1706 = arith.addi %add3A_1704, %add3A_1705 : i32
        %get3A_1707 = arith.index_cast %add3A_1706 : i32 to index
        %get3A_1708 = arith.constant 0 : index
        %get3A_1709 = tpu.vector_load %arg8[%get3A_1707, %get3A_1708] {strides = array<i32>} : memref<128x128xf32, #tpu.memory_space<vmem>>, vector<1x16xf32>,
        %get3A_1710 = vector.shape_cast %get3A_1709 : vector<1x16xf32> to vector<16xf32>
        %get3A_1711 = arith.index_cast %add3A_1706 : i32 to index
        %get3A_1712 = arith.constant 16 : index
        %get3A_1713 = tpu.vector_load %arg8[%get3A_1711, %get3A_1712] {strides = array<i32>} : memref<128x128xf32, #tpu.memory_space<vmem>>, vector<1x16xf32>,
        %get3A_1714 = vector.shape_cast %get3A_1713 : vector<1x16xf32> to vector<16xf32>
        %get3A_1715 = arith.index_cast %add3A_1706 : i32 to index
        %get3A_1716 = arith.constant 32 : index
        %get3A_1717 = tpu.vector_load %arg8[%get3A_1715, %get3A_1716] {strides = array<i32>} : memref<128x128xf32, #tpu.memory_space<vmem>>, vector<1x16xf32>,
        %get3A_1718 = vector.shape_cast %get3A_1717 : vector<1x16xf32> to vector<16xf32>
        %get3A_1719 = arith.index_cast %add3A_1706 : i32 to index
        %get3A_1720 = arith.constant 48 : index
        %get3A_1721 = tpu.vector_load %arg8[%get3A_1719, %get3A_1720] {strides = array<i32>} : memref<128x128xf32, #tpu.memory_space<vmem>>, vector<1x16xf32>,
        %get3A_1722 = vector.shape_cast %get3A_1721 : vector<1x16xf32> to vector<16xf32>
        %get3A_1723 = arith.index_cast %add3A_1706 : i32 to index
        %get3A_1724 = arith.constant 64 : index
        %get3A_1725 = tpu.vector_load %arg8[%get3A_1723, %get3A_1724] {strides = array<i32>} : memref<128x128xf32, #tpu.memory_space<vmem>>, vector<1x16xf32>,
        %get3A_1726 = vector.shape_cast %get3A_1725 : vector<1x16xf32> to vector<16xf32>
        %get3A_1727 = arith.index_cast %add3A_1706 : i32 to index
        %get3A_1728 = arith.constant 80 : index
        %get3A_1729 = tpu.vector_load %arg8[%get3A_1727, %get3A_1728] {strides = array<i32>} : memref<128x128xf32, #tpu.memory_space<vmem>>, vector<1x16xf32>,
        %get3A_1730 = vector.shape_cast %get3A_1729 : vector<1x16xf32> to vector<16xf32>
        %get3A_1731 = arith.index_cast %add3A_1706 : i32 to index
        %get3A_1732 = arith.constant 96 : index
        %get3A_1733 = tpu.vector_load %arg8[%get3A_1731, %get3A_1732] {strides = array<i32>} : memref<128x128xf32, #tpu.memory_space<vmem>>, vector<1x16xf32>,
        %get3A_1734 = vector.shape_cast %get3A_1733 : vector<1x16xf32> to vector<16xf32>
        %get3A_1735 = arith.index_cast %add3A_1706 : i32 to index
        %get3A_1736 = arith.constant 112 : index
        %get3A_1737 = tpu.vector_load %arg8[%get3A_1735, %get3A_1736] {strides = array<i32>} : memref<128x128xf32, #tpu.memory_space<vmem>>, vector<1x16xf32>,
        %get3A_1738 = vector.shape_cast %get3A_1737 : vector<1x16xf32> to vector<16xf32>
        %add3A_1739 = arith.addf %add3A_1686, %get3A_1710 : vector<16xf32>
        %add3A_1740 = arith.addf %add3A_1687, %get3A_1714 : vector<16xf32>
        %add3A_1741 = arith.addf %add3A_1688, %get3A_1718 : vector<16xf32>
        %add3A_1742 = arith.addf %add3A_1689, %get3A_1722 : vector<16xf32>
        %add3A_1743 = arith.addf %add3A_1690, %get3A_1726 : vector<16xf32>
        %add3A_1744 = arith.addf %add3A_1691, %get3A_1730 : vector<16xf32>
        %add3A_1745 = arith.addf %add3A_1692, %get3A_1734 : vector<16xf32>
        %add3A_1746 = arith.addf %add3A_1693, %get3A_1738 : vector<16xf32>
        %max3A_1747 = arith.maximumf %max3A, %get3A_1710 : vector<16xf32>
        %max3A_1748 = arith.maximumf %max3A_1694, %get3A_1714 : vector<16xf32>
        %max3A_1749 = arith.maximumf %max3A_1695, %get3A_1718 : vector<16xf32>
        %max3A_1750 = arith.maximumf %max3A_1696, %get3A_1722 : vector<16xf32>
        %max3A_1751 = arith.maximumf %max3A_1697, %get3A_1726 : vector<16xf32>
        %max3A_1752 = arith.maximumf %max3A_1698, %get3A_1730 : vector<16xf32>
        %max3A_1753 = arith.maximumf %max3A_1699, %get3A_1734 : vector<16xf32>
        %max3A_1754 = arith.maximumf %max3A_1700, %get3A_1738 : vector<16xf32>
        %mul3A_1755 = arith.constant 4 : i32
        %mul3A_1756 = arith.muli %scan3A_1632, %mul3A_1755 : i32
        %add3A_1757 = arith.constant 32 : i32
        %add3A_1758 = arith.addi %add3A_1757, %mul3A_1756 : i32
        %add3A_1759 = arith.constant 2 : i32
        %add3A_1760 = arith.addi %add3A_1758, %add3A_1759 : i32
        %get3A_1761 = arith.index_cast %add3A_1760 : i32 to index
        %get3A_1762 = arith.constant 0 : index
        %get3A_1763 = tpu.vector_load %arg8[%get3A_1761, %get3A_1762] {strides = array<i32>} : memref<128x128xf32, #tpu.memory_space<vmem>>, vector<1x16xf32>,
        %get3A_1764 = vector.shape_cast %get3A_1763 : vector<1x16xf32> to vector<16xf32>
        %get3A_1765 = arith.index_cast %add3A_1760 : i32 to index
        %get3A_1766 = arith.constant 16 : index
        %get3A_1767 = tpu.vector_load %arg8[%get3A_1765, %get3A_1766] {strides = array<i32>} : memref<128x128xf32, #tpu.memory_space<vmem>>, vector<1x16xf32>,
        %get3A_1768 = vector.shape_cast %get3A_1767 : vector<1x16xf32> to vector<16xf32>
        %get3A_1769 = arith.index_cast %add3A_1760 : i32 to index
        %get3A_1770 = arith.constant 32 : index
        %get3A_1771 = tpu.vector_load %arg8[%get3A_1769, %get3A_1770] {strides = array<i32>} : memref<128x128xf32, #tpu.memory_space<vmem>>, vector<1x16xf32>,
        %get3A_1772 = vector.shape_cast %get3A_1771 : vector<1x16xf32> to vector<16xf32>
        %get3A_1773 = arith.index_cast %add3A_1760 : i32 to index
        %get3A_1774 = arith.constant 48 : index
        %get3A_1775 = tpu.vector_load %arg8[%get3A_1773, %get3A_1774] {strides = array<i32>} : memref<128x128xf32, #tpu.memory_space<vmem>>, vector<1x16xf32>,
        %get3A_1776 = vector.shape_cast %get3A_1775 : vector<1x16xf32> to vector<16xf32>
        %get3A_1777 = arith.index_cast %add3A_1760 : i32 to index
        %get3A_1778 = arith.constant 64 : index
        %get3A_1779 = tpu.vector_load %arg8[%get3A_1777, %get3A_1778] {strides = array<i32>} : memref<128x128xf32, #tpu.memory_space<vmem>>, vector<1x16xf32>,
        %get3A_1780 = vector.shape_cast %get3A_1779 : vector<1x16xf32> to vector<16xf32>
        %get3A_1781 = arith.index_cast %add3A_1760 : i32 to index
        %get3A_1782 = arith.constant 80 : index
        %get3A_1783 = tpu.vector_load %arg8[%get3A_1781, %get3A_1782] {strides = array<i32>} : memref<128x128xf32, #tpu.memory_space<vmem>>, vector<1x16xf32>,
        %get3A_1784 = vector.shape_cast %get3A_1783 : vector<1x16xf32> to vector<16xf32>
        %get3A_1785 = arith.index_cast %add3A_1760 : i32 to index
        %get3A_1786 = arith.constant 96 : index
        %get3A_1787 = tpu.vector_load %arg8[%get3A_1785, %get3A_1786] {strides = array<i32>} : memref<128x128xf32, #tpu.memory_space<vmem>>, vector<1x16xf32>,
        %get3A_1788 = vector.shape_cast %get3A_1787 : vector<1x16xf32> to vector<16xf32>
        %get3A_1789 = arith.index_cast %add3A_1760 : i32 to index
        %get3A_1790 = arith.constant 112 : index
        %get3A_1791 = tpu.vector_load %arg8[%get3A_1789, %get3A_1790] {strides = array<i32>} : memref<128x128xf32, #tpu.memory_space<vmem>>, vector<1x16xf32>,
        %get3A_1792 = vector.shape_cast %get3A_1791 : vector<1x16xf32> to vector<16xf32>
        %add3A_1793 = arith.addf %add3A_1739, %get3A_1764 : vector<16xf32>
        %add3A_1794 = arith.addf %add3A_1740, %get3A_1768 : vector<16xf32>
        %add3A_1795 = arith.addf %add3A_1741, %get3A_1772 : vector<16xf32>
        %add3A_1796 = arith.addf %add3A_1742, %get3A_1776 : vector<16xf32>
        %add3A_1797 = arith.addf %add3A_1743, %get3A_1780 : vector<16xf32>
        %add3A_1798 = arith.addf %add3A_1744, %get3A_1784 : vector<16xf32>
        %add3A_1799 = arith.addf %add3A_1745, %get3A_1788 : vector<16xf32>
        %add3A_1800 = arith.addf %add3A_1746, %get3A_1792 : vector<16xf32>
        %max3A_1801 = arith.maximumf %max3A_1747, %get3A_1764 : vector<16xf32>
        %max3A_1802 = arith.maximumf %max3A_1748, %get3A_1768 : vector<16xf32>
        %max3A_1803 = arith.maximumf %max3A_1749, %get3A_1772 : vector<16xf32>
        %max3A_1804 = arith.maximumf %max3A_1750, %get3A_1776 : vector<16xf32>
        %max3A_1805 = arith.maximumf %max3A_1751, %get3A_1780 : vector<16xf32>
        %max3A_1806 = arith.maximumf %max3A_1752, %get3A_1784 : vector<16xf32>
        %max3A_1807 = arith.maximumf %max3A_1753, %get3A_1788 : vector<16xf32>
        %max3A_1808 = arith.maximumf %max3A_1754, %get3A_1792 : vector<16xf32>
        %mul3A_1809 = arith.constant 4 : i32
        %mul3A_1810 = arith.muli %scan3A_1632, %mul3A_1809 : i32
        %add3A_1811 = arith.constant 32 : i32
        %add3A_1812 = arith.addi %add3A_1811, %mul3A_1810 : i32
        %add3A_1813 = arith.constant 3 : i32
        %add3A_1814 = arith.addi %add3A_1812, %add3A_1813 : i32
        %get3A_1815 = arith.index_cast %add3A_1814 : i32 to index
        %get3A_1816 = arith.constant 0 : index
        %get3A_1817 = tpu.vector_load %arg8[%get3A_1815, %get3A_1816] {strides = array<i32>} : memref<128x128xf32, #tpu.memory_space<vmem>>, vector<1x16xf32>,
        %get3A_1818 = vector.shape_cast %get3A_1817 : vector<1x16xf32> to vector<16xf32>
        %get3A_1819 = arith.index_cast %add3A_1814 : i32 to index
        %get3A_1820 = arith.constant 16 : index
        %get3A_1821 = tpu.vector_load %arg8[%get3A_1819, %get3A_1820] {strides = array<i32>} : memref<128x128xf32, #tpu.memory_space<vmem>>, vector<1x16xf32>,
        %get3A_1822 = vector.shape_cast %get3A_1821 : vector<1x16xf32> to vector<16xf32>
        %get3A_1823 = arith.index_cast %add3A_1814 : i32 to index
        %get3A_1824 = arith.constant 32 : index
        %get3A_1825 = tpu.vector_load %arg8[%get3A_1823, %get3A_1824] {strides = array<i32>} : memref<128x128xf32, #tpu.memory_space<vmem>>, vector<1x16xf32>,
        %get3A_1826 = vector.shape_cast %get3A_1825 : vector<1x16xf32> to vector<16xf32>
        %get3A_1827 = arith.index_cast %add3A_1814 : i32 to index
        %get3A_1828 = arith.constant 48 : index
        %get3A_1829 = tpu.vector_load %arg8[%get3A_1827, %get3A_1828] {strides = array<i32>} : memref<128x128xf32, #tpu.memory_space<vmem>>, vector<1x16xf32>,
        %get3A_1830 = vector.shape_cast %get3A_1829 : vector<1x16xf32> to vector<16xf32>
        %get3A_1831 = arith.index_cast %add3A_1814 : i32 to index
        %get3A_1832 = arith.constant 64 : index
        %get3A_1833 = tpu.vector_load %arg8[%get3A_1831, %get3A_1832] {strides = array<i32>} : memref<128x128xf32, #tpu.memory_space<vmem>>, vector<1x16xf32>,
        %get3A_1834 = vector.shape_cast %get3A_1833 : vector<1x16xf32> to vector<16xf32>
        %get3A_1835 = arith.index_cast %add3A_1814 : i32 to index
        %get3A_1836 = arith.constant 80 : index
        %get3A_1837 = tpu.vector_load %arg8[%get3A_1835, %get3A_1836] {strides = array<i32>} : memref<128x128xf32, #tpu.memory_space<vmem>>, vector<1x16xf32>,
        %get3A_1838 = vector.shape_cast %get3A_1837 : vector<1x16xf32> to vector<16xf32>
        %get3A_1839 = arith.index_cast %add3A_1814 : i32 to index
        %get3A_1840 = arith.constant 96 : index
        %get3A_1841 = tpu.vector_load %arg8[%get3A_1839, %get3A_1840] {strides = array<i32>} : memref<128x128xf32, #tpu.memory_space<vmem>>, vector<1x16xf32>,
        %get3A_1842 = vector.shape_cast %get3A_1841 : vector<1x16xf32> to vector<16xf32>
        %get3A_1843 = arith.index_cast %add3A_1814 : i32 to index
        %get3A_1844 = arith.constant 112 : index
        %get3A_1845 = tpu.vector_load %arg8[%get3A_1843, %get3A_1844] {strides = array<i32>} : memref<128x128xf32, #tpu.memory_space<vmem>>, vector<1x16xf32>,
        %get3A_1846 = vector.shape_cast %get3A_1845 : vector<1x16xf32> to vector<16xf32>
        %add3A_1847 = arith.addf %add3A_1793, %get3A_1818 : vector<16xf32>
        %add3A_1848 = arith.addf %add3A_1794, %get3A_1822 : vector<16xf32>
        %add3A_1849 = arith.addf %add3A_1795, %get3A_1826 : vector<16xf32>
        %add3A_1850 = arith.addf %add3A_1796, %get3A_1830 : vector<16xf32>
        %add3A_1851 = arith.addf %add3A_1797, %get3A_1834 : vector<16xf32>
        %add3A_1852 = arith.addf %add3A_1798, %get3A_1838 : vector<16xf32>
        %add3A_1853 = arith.addf %add3A_1799, %get3A_1842 : vector<16xf32>
        %add3A_1854 = arith.addf %add3A_1800, %get3A_1846 : vector<16xf32>
        %max3A_1855 = arith.maximumf %max3A_1801, %get3A_1818 : vector<16xf32>
        %max3A_1856 = arith.maximumf %max3A_1802, %get3A_1822 : vector<16xf32>
        %max3A_1857 = arith.maximumf %max3A_1803, %get3A_1826 : vector<16xf32>
        %max3A_1858 = arith.maximumf %max3A_1804, %get3A_1830 : vector<16xf32>
        %max3A_1859 = arith.maximumf %max3A_1805, %get3A_1834 : vector<16xf32>
        %max3A_1860 = arith.maximumf %max3A_1806, %get3A_1838 : vector<16xf32>
        %max3A_1861 = arith.maximumf %max3A_1807, %get3A_1842 : vector<16xf32>
        %max3A_1862 = arith.maximumf %max3A_1808, %get3A_1846 : vector<16xf32>
        scf.yield %add3A_1847, %add3A_1848, %add3A_1849, %add3A_1850, %add3A_1851, %add3A_1852, %add3A_1853, %add3A_1854, %max3A_1855, %max3A_1856, %max3A_1857, %max3A_1858, %max3A_1859, %max3A_1860, %max3A_1861, %max3A_1862 : vector<16xf32>, vector<16xf32>, vector<16xf32>, vector<16xf32>, vector<16xf32>, vector<16xf32>, vector<16xf32>, vector<16xf32>, vector<16xf32>, vector<16xf32>, vector<16xf32>, vector<16xf32>, vector<16xf32>, vector<16xf32>, vector<16xf32>, vector<16xf32>
      }
      %scan3A_1252 = arith.constant 8 : i32
      %mul3A_1253 = arith.constant 3.125000e-02 : f32
      %mul3A_1254 = vector.broadcast %mul3A_1253 : f32 to vector<16xf32>
      %mul3A_1255 = arith.mulf %scan3A_1251#0, %mul3A_1254 : vector<16xf32>
      %swap3A_1256 = arith.constant 1 : i32
      %swap3A_1257 = arith.index_cast %swap3A_1256 : i32 to index
      %swap3A_1258 = arith.constant 0 : index
      %swap3A_1259 = tpu.vector_load %arg10[%swap3A_1257, %swap3A_1258] {strides = array<i32>} : memref<4x256xf32, #tpu.memory_space<vmem>>, vector<1x16xf32>,
      %swap3A_1260 = vector.shape_cast %swap3A_1259 : vector<1x16xf32> to vector<16xf32>
      %swap3A_1261 = vector.shape_cast %mul3A_1255 : vector<16xf32> to vector<1x16xf32>
      tpu.vector_store %arg10[%swap3A_1257, %swap3A_1258], %swap3A_1261 {strides = array<i32>} : memref<4x256xf32, #tpu.memory_space<vmem>>, vector<1x16xf32>,
      %swap3A_1262 = arith.constant 1 : i32
      %swap3A_1263 = arith.index_cast %swap3A_1262 : i32 to index
      %swap3A_1264 = arith.constant 128 : index
      %swap3A_1265 = tpu.vector_load %arg10[%swap3A_1263, %swap3A_1264] {strides = array<i32>} : memref<4x256xf32, #tpu.memory_space<vmem>>, vector<1x16xf32>,
      %swap3A_1266 = vector.shape_cast %swap3A_1265 : vector<1x16xf32> to vector<16xf32>
      %swap3A_1267 = vector.shape_cast %scan3A_1251#8 : vector<16xf32> to vector<1x16xf32>
      tpu.vector_store %arg10[%swap3A_1263, %swap3A_1264], %swap3A_1267 {strides = array<i32>} : memref<4x256xf32, #tpu.memory_space<vmem>>, vector<1x16xf32>,
      %mul3A_1268 = arith.constant 3.125000e-02 : f32
      %mul3A_1269 = vector.broadcast %mul3A_1268 : f32 to vector<16xf32>
      %mul3A_1270 = arith.mulf %scan3A_1251#1, %mul3A_1269 : vector<16xf32>
      %swap3A_1271 = arith.constant 1 : i32
      %swap3A_1272 = arith.index_cast %swap3A_1271 : i32 to index
      %swap3A_1273 = arith.constant 16 : index
      %swap3A_1274 = tpu.vector_load %arg10[%swap3A_1272, %swap3A_1273] {strides = array<i32>} : memref<4x256xf32, #tpu.memory_space<vmem>>, vector<1x16xf32>,
      %swap3A_1275 = vector.shape_cast %swap3A_1274 : vector<1x16xf32> to vector<16xf32>
      %swap3A_1276 = vector.shape_cast %mul3A_1270 : vector<16xf32> to vector<1x16xf32>
      tpu.vector_store %arg10[%swap3A_1272, %swap3A_1273], %swap3A_1276 {strides = array<i32>} : memref<4x256xf32, #tpu.memory_space<vmem>>, vector<1x16xf32>,
      %swap3A_1277 = arith.constant 1 : i32
      %swap3A_1278 = arith.index_cast %swap3A_1277 : i32 to index
      %swap3A_1279 = arith.constant 144 : index
      %swap3A_1280 = tpu.vector_load %arg10[%swap3A_1278, %swap3A_1279] {strides = array<i32>} : memref<4x256xf32, #tpu.memory_space<vmem>>, vector<1x16xf32>,
      %swap3A_1281 = vector.shape_cast %swap3A_1280 : vector<1x16xf32> to vector<16xf32>
      %swap3A_1282 = vector.shape_cast %scan3A_1251#9 : vector<16xf32> to vector<1x16xf32>
      tpu.vector_store %arg10[%swap3A_1278, %swap3A_1279], %swap3A_1282 {strides = array<i32>} : memref<4x256xf32, #tpu.memory_space<vmem>>, vector<1x16xf32>,
      %mul3A_1283 = arith.constant 3.125000e-02 : f32
      %mul3A_1284 = vector.broadcast %mul3A_1283 : f32 to vector<16xf32>
      %mul3A_1285 = arith.mulf %scan3A_1251#2, %mul3A_1284 : vector<16xf32>
      %swap3A_1286 = arith.constant 1 : i32
      %swap3A_1287 = arith.index_cast %swap3A_1286 : i32 to index
      %swap3A_1288 = arith.constant 32 : index
      %swap3A_1289 = tpu.vector_load %arg10[%swap3A_1287, %swap3A_1288] {strides = array<i32>} : memref<4x256xf32, #tpu.memory_space<vmem>>, vector<1x16xf32>,
      %swap3A_1290 = vector.shape_cast %swap3A_1289 : vector<1x16xf32> to vector<16xf32>
      %swap3A_1291 = vector.shape_cast %mul3A_1285 : vector<16xf32> to vector<1x16xf32>
      tpu.vector_store %arg10[%swap3A_1287, %swap3A_1288], %swap3A_1291 {strides = array<i32>} : memref<4x256xf32, #tpu.memory_space<vmem>>, vector<1x16xf32>,
      %swap3A_1292 = arith.constant 1 : i32
      %swap3A_1293 = arith.index_cast %swap3A_1292 : i32 to index
      %swap3A_1294 = arith.constant 160 : index
      %swap3A_1295 = tpu.vector_load %arg10[%swap3A_1293, %swap3A_1294] {strides = array<i32>} : memref<4x256xf32, #tpu.memory_space<vmem>>, vector<1x16xf32>,
      %swap3A_1296 = vector.shape_cast %swap3A_1295 : vector<1x16xf32> to vector<16xf32>
      %swap3A_1297 = vector.shape_cast %scan3A_1251#10 : vector<16xf32> to vector<1x16xf32>
      tpu.vector_store %arg10[%swap3A_1293, %swap3A_1294], %swap3A_1297 {strides = array<i32>} : memref<4x256xf32, #tpu.memory_space<vmem>>, vector<1x16xf32>,
      %mul3A_1298 = arith.constant 3.125000e-02 : f32
      %mul3A_1299 = vector.broadcast %mul3A_1298 : f32 to vector<16xf32>
      %mul3A_1300 = arith.mulf %scan3A_1251#3, %mul3A_1299 : vector<16xf32>
      %swap3A_1301 = arith.constant 1 : i32
      %swap3A_1302 = arith.index_cast %swap3A_1301 : i32 to index
      %swap3A_1303 = arith.constant 48 : index
      %swap3A_1304 = tpu.vector_load %arg10[%swap3A_1302, %swap3A_1303] {strides = array<i32>} : memref<4x256xf32, #tpu.memory_space<vmem>>, vector<1x16xf32>,
      %swap3A_1305 = vector.shape_cast %swap3A_1304 : vector<1x16xf32> to vector<16xf32>
      %swap3A_1306 = vector.shape_cast %mul3A_1300 : vector<16xf32> to vector<1x16xf32>
      tpu.vector_store %arg10[%swap3A_1302, %swap3A_1303], %swap3A_1306 {strides = array<i32>} : memref<4x256xf32, #tpu.memory_space<vmem>>, vector<1x16xf32>,
      %swap3A_1307 = arith.constant 1 : i32
      %swap3A_1308 = arith.index_cast %swap3A_1307 : i32 to index
      %swap3A_1309 = arith.constant 176 : index
      %swap3A_1310 = tpu.vector_load %arg10[%swap3A_1308, %swap3A_1309] {strides = array<i32>} : memref<4x256xf32, #tpu.memory_space<vmem>>, vector<1x16xf32>,
      %swap3A_1311 = vector.shape_cast %swap3A_1310 : vector<1x16xf32> to vector<16xf32>
      %swap3A_1312 = vector.shape_cast %scan3A_1251#11 : vector<16xf32> to vector<1x16xf32>
      tpu.vector_store %arg10[%swap3A_1308, %swap3A_1309], %swap3A_1312 {strides = array<i32>} : memref<4x256xf32, #tpu.memory_space<vmem>>, vector<1x16xf32>,
      %mul3A_1313 = arith.constant 3.125000e-02 : f32
      %mul3A_1314 = vector.broadcast %mul3A_1313 : f32 to vector<16xf32>
      %mul3A_1315 = arith.mulf %scan3A_1251#4, %mul3A_1314 : vector<16xf32>
      %swap3A_1316 = arith.constant 1 : i32
      %swap3A_1317 = arith.index_cast %swap3A_1316 : i32 to index
      %swap3A_1318 = arith.constant 64 : index
      %swap3A_1319 = tpu.vector_load %arg10[%swap3A_1317, %swap3A_1318] {strides = array<i32>} : memref<4x256xf32, #tpu.memory_space<vmem>>, vector<1x16xf32>,
      %swap3A_1320 = vector.shape_cast %swap3A_1319 : vector<1x16xf32> to vector<16xf32>
      %swap3A_1321 = vector.shape_cast %mul3A_1315 : vector<16xf32> to vector<1x16xf32>
      tpu.vector_store %arg10[%swap3A_1317, %swap3A_1318], %swap3A_1321 {strides = array<i32>} : memref<4x256xf32, #tpu.memory_space<vmem>>, vector<1x16xf32>,
      %swap3A_1322 = arith.constant 1 : i32
      %swap3A_1323 = arith.index_cast %swap3A_1322 : i32 to index
      %swap3A_1324 = arith.constant 192 : index
      %swap3A_1325 = tpu.vector_load %arg10[%swap3A_1323, %swap3A_1324] {strides = array<i32>} : memref<4x256xf32, #tpu.memory_space<vmem>>, vector<1x16xf32>,
      %swap3A_1326 = vector.shape_cast %swap3A_1325 : vector<1x16xf32> to vector<16xf32>
      %swap3A_1327 = vector.shape_cast %scan3A_1251#12 : vector<16xf32> to vector<1x16xf32>
      tpu.vector_store %arg10[%swap3A_1323, %swap3A_1324], %swap3A_1327 {strides = array<i32>} : memref<4x256xf32, #tpu.memory_space<vmem>>, vector<1x16xf32>,
      %mul3A_1328 = arith.constant 3.125000e-02 : f32
      %mul3A_1329 = vector.broadcast %mul3A_1328 : f32 to vector<16xf32>
      %mul3A_1330 = arith.mulf %scan3A_1251#5, %mul3A_1329 : vector<16xf32>
      %swap3A_1331 = arith.constant 1 : i32
      %swap3A_1332 = arith.index_cast %swap3A_1331 : i32 to index
      %swap3A_1333 = arith.constant 80 : index
      %swap3A_1334 = tpu.vector_load %arg10[%swap3A_1332, %swap3A_1333] {strides = array<i32>} : memref<4x256xf32, #tpu.memory_space<vmem>>, vector<1x16xf32>,
      %swap3A_1335 = vector.shape_cast %swap3A_1334 : vector<1x16xf32> to vector<16xf32>
      %swap3A_1336 = vector.shape_cast %mul3A_1330 : vector<16xf32> to vector<1x16xf32>
      tpu.vector_store %arg10[%swap3A_1332, %swap3A_1333], %swap3A_1336 {strides = array<i32>} : memref<4x256xf32, #tpu.memory_space<vmem>>, vector<1x16xf32>,
      %swap3A_1337 = arith.constant 1 : i32
      %swap3A_1338 = arith.index_cast %swap3A_1337 : i32 to index
      %swap3A_1339 = arith.constant 208 : index
      %swap3A_1340 = tpu.vector_load %arg10[%swap3A_1338, %swap3A_1339] {strides = array<i32>} : memref<4x256xf32, #tpu.memory_space<vmem>>, vector<1x16xf32>,
      %swap3A_1341 = vector.shape_cast %swap3A_1340 : vector<1x16xf32> to vector<16xf32>
      %swap3A_1342 = vector.shape_cast %scan3A_1251#13 : vector<16xf32> to vector<1x16xf32>
      tpu.vector_store %arg10[%swap3A_1338, %swap3A_1339], %swap3A_1342 {strides = array<i32>} : memref<4x256xf32, #tpu.memory_space<vmem>>, vector<1x16xf32>,
      %mul3A_1343 = arith.constant 3.125000e-02 : f32
      %mul3A_1344 = vector.broadcast %mul3A_1343 : f32 to vector<16xf32>
      %mul3A_1345 = arith.mulf %scan3A_1251#6, %mul3A_1344 : vector<16xf32>
      %swap3A_1346 = arith.constant 1 : i32
      %swap3A_1347 = arith.index_cast %swap3A_1346 : i32 to index
      %swap3A_1348 = arith.constant 96 : index
      %swap3A_1349 = tpu.vector_load %arg10[%swap3A_1347, %swap3A_1348] {strides = array<i32>} : memref<4x256xf32, #tpu.memory_space<vmem>>, vector<1x16xf32>,
      %swap3A_1350 = vector.shape_cast %swap3A_1349 : vector<1x16xf32> to vector<16xf32>
      %swap3A_1351 = vector.shape_cast %mul3A_1345 : vector<16xf32> to vector<1x16xf32>
      tpu.vector_store %arg10[%swap3A_1347, %swap3A_1348], %swap3A_1351 {strides = array<i32>} : memref<4x256xf32, #tpu.memory_space<vmem>>, vector<1x16xf32>,
      %swap3A_1352 = arith.constant 1 : i32
      %swap3A_1353 = arith.index_cast %swap3A_1352 : i32 to index
      %swap3A_1354 = arith.constant 224 : index
      %swap3A_1355 = tpu.vector_load %arg10[%swap3A_1353, %swap3A_1354] {strides = array<i32>} : memref<4x256xf32, #tpu.memory_space<vmem>>, vector<1x16xf32>,
      %swap3A_1356 = vector.shape_cast %swap3A_1355 : vector<1x16xf32> to vector<16xf32>
      %swap3A_1357 = vector.shape_cast %scan3A_1251#14 : vector<16xf32> to vector<1x16xf32>
      tpu.vector_store %arg10[%swap3A_1353, %swap3A_1354], %swap3A_1357 {strides = array<i32>} : memref<4x256xf32, #tpu.memory_space<vmem>>, vector<1x16xf32>,
      %mul3A_1358 = arith.constant 3.125000e-02 : f32
      %mul3A_1359 = vector.broadcast %mul3A_1358 : f32 to vector<16xf32>
      %mul3A_1360 = arith.mulf %scan3A_1251#7, %mul3A_1359 : vector<16xf32>
      %swap3A_1361 = arith.constant 1 : i32
      %swap3A_1362 = arith.index_cast %swap3A_1361 : i32 to index
      %swap3A_1363 = arith.constant 112 : index
      %swap3A_1364 = tpu.vector_load %arg10[%swap3A_1362, %swap3A_1363] {strides = array<i32>} : memref<4x256xf32, #tpu.memory_space<vmem>>, vector<1x16xf32>,
      %swap3A_1365 = vector.shape_cast %swap3A_1364 : vector<1x16xf32> to vector<16xf32>
      %swap3A_1366 = vector.shape_cast %mul3A_1360 : vector<16xf32> to vector<1x16xf32>
      tpu.vector_store %arg10[%swap3A_1362, %swap3A_1363], %swap3A_1366 {strides = array<i32>} : memref<4x256xf32, #tpu.memory_space<vmem>>, vector<1x16xf32>,
      %swap3A_1367 = arith.constant 1 : i32
      %swap3A_1368 = arith.index_cast %swap3A_1367 : i32 to index
      %swap3A_1369 = arith.constant 240 : index
      %swap3A_1370 = tpu.vector_load %arg10[%swap3A_1368, %swap3A_1369] {strides = array<i32>} : memref<4x256xf32, #tpu.memory_space<vmem>>, vector<1x16xf32>,
      %swap3A_1371 = vector.shape_cast %swap3A_1370 : vector<1x16xf32> to vector<16xf32>
      %swap3A_1372 = vector.shape_cast %scan3A_1251#15 : vector<16xf32> to vector<1x16xf32>
      tpu.vector_store %arg10[%swap3A_1368, %swap3A_1369], %swap3A_1372 {strides = array<i32>} : memref<4x256xf32, #tpu.memory_space<vmem>>, vector<1x16xf32>,
      %scan3A_1373 = arith.constant 0 : i32
      %scan3A_1374 = arith.constant 8 : i32
      %scan3A_1375 = arith.addi %scan3A_1373, %scan3A_1374 : i32
      %scan3A_1376 = arith.constant 1 : i32
      %scan3A_1377:16 = scf.for %scan3A_1632 = %scan3A_1373 to %scan3A_1375 step %scan3A_1376 iter_args(%scan3A_1633 = %broadcast_in_dim3A_1118, %scan3A_1634 = %broadcast_in_dim3A_1118, %scan3A_1635 = %broadcast_in_dim3A_1118, %scan3A_1636 = %broadcast_in_dim3A_1118, %scan3A_1637 = %broadcast_in_dim3A_1118, %scan3A_1638 = %broadcast_in_dim3A_1118, %scan3A_1639 = %broadcast_in_dim3A_1118, %scan3A_1640 = %broadcast_in_dim3A_1118, %scan3A_1641 = %broadcast_in_dim3A_1120, %scan3A_1642 = %broadcast_in_dim3A_1120, %scan3A_1643 = %broadcast_in_dim3A_1120, %scan3A_1644 = %broadcast_in_dim3A_1120, %scan3A_1645 = %broadcast_in_dim3A_1120, %scan3A_1646 = %broadcast_in_dim3A_1120, %scan3A_1647 = %broadcast_in_dim3A_1120, %scan3A_1648 = %broadcast_in_dim3A_1120) -> (vector<16xf32>, vector<16xf32>, vector<16xf32>, vector<16xf32>, vector<16xf32>, vector<16xf32>, vector<16xf32>, vector<16xf32>, vector<16xf32>, vector<16xf32>, vector<16xf32>, vector<16xf32>, vector<16xf32>, vector<16xf32>, vector<16xf32>, vector<16xf32>)  : i32 {
        %mul3A_1649 = arith.constant 4 : i32
        %mul3A_1650 = arith.muli %scan3A_1632, %mul3A_1649 : i32
        %add3A_1651 = arith.constant 64 : i32
        %add3A_1652 = arith.addi %add3A_1651, %mul3A_1650 : i32
        %add3A_1653 = arith.constant 0 : i32
        %add3A_1654 = arith.addi %add3A_1652, %add3A_1653 : i32
        %get3A = arith.index_cast %add3A_1654 : i32 to index
        %get3A_1655 = arith.constant 0 : index
        %get3A_1656 = tpu.vector_load %arg8[%get3A, %get3A_1655] {strides = array<i32>} : memref<128x128xf32, #tpu.memory_space<vmem>>, vector<1x16xf32>,
        %get3A_1657 = vector.shape_cast %get3A_1656 : vector<1x16xf32> to vector<16xf32>
        %get3A_1658 = arith.index_cast %add3A_1654 : i32 to index
        %get3A_1659 = arith.constant 16 : index
        %get3A_1660 = tpu.vector_load %arg8[%get3A_1658, %get3A_1659] {strides = array<i32>} : memref<128x128xf32, #tpu.memory_space<vmem>>, vector<1x16xf32>,
        %get3A_1661 = vector.shape_cast %get3A_1660 : vector<1x16xf32> to vector<16xf32>
        %get3A_1662 = arith.index_cast %add3A_1654 : i32 to index
        %get3A_1663 = arith.constant 32 : index
        %get3A_1664 = tpu.vector_load %arg8[%get3A_1662, %get3A_1663] {strides = array<i32>} : memref<128x128xf32, #tpu.memory_space<vmem>>, vector<1x16xf32>,
        %get3A_1665 = vector.shape_cast %get3A_1664 : vector<1x16xf32> to vector<16xf32>
        %get3A_1666 = arith.index_cast %add3A_1654 : i32 to index
        %get3A_1667 = arith.constant 48 : index
        %get3A_1668 = tpu.vector_load %arg8[%get3A_1666, %get3A_1667] {strides = array<i32>} : memref<128x128xf32, #tpu.memory_space<vmem>>, vector<1x16xf32>,
        %get3A_1669 = vector.shape_cast %get3A_1668 : vector<1x16xf32> to vector<16xf32>
        %get3A_1670 = arith.index_cast %add3A_1654 : i32 to index
        %get3A_1671 = arith.constant 64 : index
        %get3A_1672 = tpu.vector_load %arg8[%get3A_1670, %get3A_1671] {strides = array<i32>} : memref<128x128xf32, #tpu.memory_space<vmem>>, vector<1x16xf32>,
        %get3A_1673 = vector.shape_cast %get3A_1672 : vector<1x16xf32> to vector<16xf32>
        %get3A_1674 = arith.index_cast %add3A_1654 : i32 to index
        %get3A_1675 = arith.constant 80 : index
        %get3A_1676 = tpu.vector_load %arg8[%get3A_1674, %get3A_1675] {strides = array<i32>} : memref<128x128xf32, #tpu.memory_space<vmem>>, vector<1x16xf32>,
        %get3A_1677 = vector.shape_cast %get3A_1676 : vector<1x16xf32> to vector<16xf32>
        %get3A_1678 = arith.index_cast %add3A_1654 : i32 to index
        %get3A_1679 = arith.constant 96 : index
        %get3A_1680 = tpu.vector_load %arg8[%get3A_1678, %get3A_1679] {strides = array<i32>} : memref<128x128xf32, #tpu.memory_space<vmem>>, vector<1x16xf32>,
        %get3A_1681 = vector.shape_cast %get3A_1680 : vector<1x16xf32> to vector<16xf32>
        %get3A_1682 = arith.index_cast %add3A_1654 : i32 to index
        %get3A_1683 = arith.constant 112 : index
        %get3A_1684 = tpu.vector_load %arg8[%get3A_1682, %get3A_1683] {strides = array<i32>} : memref<128x128xf32, #tpu.memory_space<vmem>>, vector<1x16xf32>,
        %get3A_1685 = vector.shape_cast %get3A_1684 : vector<1x16xf32> to vector<16xf32>
        %add3A_1686 = arith.addf %scan3A_1633, %get3A_1657 : vector<16xf32>
        %add3A_1687 = arith.addf %scan3A_1634, %get3A_1661 : vector<16xf32>
        %add3A_1688 = arith.addf %scan3A_1635, %get3A_1665 : vector<16xf32>
        %add3A_1689 = arith.addf %scan3A_1636, %get3A_1669 : vector<16xf32>
        %add3A_1690 = arith.addf %scan3A_1637, %get3A_1673 : vector<16xf32>
        %add3A_1691 = arith.addf %scan3A_1638, %get3A_1677 : vector<16xf32>
        %add3A_1692 = arith.addf %scan3A_1639, %get3A_1681 : vector<16xf32>
        %add3A_1693 = arith.addf %scan3A_1640, %get3A_1685 : vector<16xf32>
        %max3A = arith.maximumf %scan3A_1641, %get3A_1657 : vector<16xf32>
        %max3A_1694 = arith.maximumf %scan3A_1642, %get3A_1661 : vector<16xf32>
        %max3A_1695 = arith.maximumf %scan3A_1643, %get3A_1665 : vector<16xf32>
        %max3A_1696 = arith.maximumf %scan3A_1644, %get3A_1669 : vector<16xf32>
        %max3A_1697 = arith.maximumf %scan3A_1645, %get3A_1673 : vector<16xf32>
        %max3A_1698 = arith.maximumf %scan3A_1646, %get3A_1677 : vector<16xf32>
        %max3A_1699 = arith.maximumf %scan3A_1647, %get3A_1681 : vector<16xf32>
        %max3A_1700 = arith.maximumf %scan3A_1648, %get3A_1685 : vector<16xf32>
        %mul3A_1701 = arith.constant 4 : i32
        %mul3A_1702 = arith.muli %scan3A_1632, %mul3A_1701 : i32
        %add3A_1703 = arith.constant 64 : i32
        %add3A_1704 = arith.addi %add3A_1703, %mul3A_1702 : i32
        %add3A_1705 = arith.constant 1 : i32
        %add3A_1706 = arith.addi %add3A_1704, %add3A_1705 : i32
        %get3A_1707 = arith.index_cast %add3A_1706 : i32 to index
        %get3A_1708 = arith.constant 0 : index
        %get3A_1709 = tpu.vector_load %arg8[%get3A_1707, %get3A_1708] {strides = array<i32>} : memref<128x128xf32, #tpu.memory_space<vmem>>, vector<1x16xf32>,
        %get3A_1710 = vector.shape_cast %get3A_1709 : vector<1x16xf32> to vector<16xf32>
        %get3A_1711 = arith.index_cast %add3A_1706 : i32 to index
        %get3A_1712 = arith.constant 16 : index
        %get3A_1713 = tpu.vector_load %arg8[%get3A_1711, %get3A_1712] {strides = array<i32>} : memref<128x128xf32, #tpu.memory_space<vmem>>, vector<1x16xf32>,
        %get3A_1714 = vector.shape_cast %get3A_1713 : vector<1x16xf32> to vector<16xf32>
        %get3A_1715 = arith.index_cast %add3A_1706 : i32 to index
        %get3A_1716 = arith.constant 32 : index
        %get3A_1717 = tpu.vector_load %arg8[%get3A_1715, %get3A_1716] {strides = array<i32>} : memref<128x128xf32, #tpu.memory_space<vmem>>, vector<1x16xf32>,
        %get3A_1718 = vector.shape_cast %get3A_1717 : vector<1x16xf32> to vector<16xf32>
        %get3A_1719 = arith.index_cast %add3A_1706 : i32 to index
        %get3A_1720 = arith.constant 48 : index
        %get3A_1721 = tpu.vector_load %arg8[%get3A_1719, %get3A_1720] {strides = array<i32>} : memref<128x128xf32, #tpu.memory_space<vmem>>, vector<1x16xf32>,
        %get3A_1722 = vector.shape_cast %get3A_1721 : vector<1x16xf32> to vector<16xf32>
        %get3A_1723 = arith.index_cast %add3A_1706 : i32 to index
        %get3A_1724 = arith.constant 64 : index
        %get3A_1725 = tpu.vector_load %arg8[%get3A_1723, %get3A_1724] {strides = array<i32>} : memref<128x128xf32, #tpu.memory_space<vmem>>, vector<1x16xf32>,
        %get3A_1726 = vector.shape_cast %get3A_1725 : vector<1x16xf32> to vector<16xf32>
        %get3A_1727 = arith.index_cast %add3A_1706 : i32 to index
        %get3A_1728 = arith.constant 80 : index
        %get3A_1729 = tpu.vector_load %arg8[%get3A_1727, %get3A_1728] {strides = array<i32>} : memref<128x128xf32, #tpu.memory_space<vmem>>, vector<1x16xf32>,
        %get3A_1730 = vector.shape_cast %get3A_1729 : vector<1x16xf32> to vector<16xf32>
        %get3A_1731 = arith.index_cast %add3A_1706 : i32 to index
        %get3A_1732 = arith.constant 96 : index
        %get3A_1733 = tpu.vector_load %arg8[%get3A_1731, %get3A_1732] {strides = array<i32>} : memref<128x128xf32, #tpu.memory_space<vmem>>, vector<1x16xf32>,
        %get3A_1734 = vector.shape_cast %get3A_1733 : vector<1x16xf32> to vector<16xf32>
        %get3A_1735 = arith.index_cast %add3A_1706 : i32 to index
        %get3A_1736 = arith.constant 112 : index
        %get3A_1737 = tpu.vector_load %arg8[%get3A_1735, %get3A_1736] {strides = array<i32>} : memref<128x128xf32, #tpu.memory_space<vmem>>, vector<1x16xf32>,
        %get3A_1738 = vector.shape_cast %get3A_1737 : vector<1x16xf32> to vector<16xf32>
        %add3A_1739 = arith.addf %add3A_1686, %get3A_1710 : vector<16xf32>
        %add3A_1740 = arith.addf %add3A_1687, %get3A_1714 : vector<16xf32>
        %add3A_1741 = arith.addf %add3A_1688, %get3A_1718 : vector<16xf32>
        %add3A_1742 = arith.addf %add3A_1689, %get3A_1722 : vector<16xf32>
        %add3A_1743 = arith.addf %add3A_1690, %get3A_1726 : vector<16xf32>
        %add3A_1744 = arith.addf %add3A_1691, %get3A_1730 : vector<16xf32>
        %add3A_1745 = arith.addf %add3A_1692, %get3A_1734 : vector<16xf32>
        %add3A_1746 = arith.addf %add3A_1693, %get3A_1738 : vector<16xf32>
        %max3A_1747 = arith.maximumf %max3A, %get3A_1710 : vector<16xf32>
        %max3A_1748 = arith.maximumf %max3A_1694, %get3A_1714 : vector<16xf32>
        %max3A_1749 = arith.maximumf %max3A_1695, %get3A_1718 : vector<16xf32>
        %max3A_1750 = arith.maximumf %max3A_1696, %get3A_1722 : vector<16xf32>
        %max3A_1751 = arith.maximumf %max3A_1697, %get3A_1726 : vector<16xf32>
        %max3A_1752 = arith.maximumf %max3A_1698, %get3A_1730 : vector<16xf32>
        %max3A_1753 = arith.maximumf %max3A_1699, %get3A_1734 : vector<16xf32>
        %max3A_1754 = arith.maximumf %max3A_1700, %get3A_1738 : vector<16xf32>
        %mul3A_1755 = arith.constant 4 : i32
        %mul3A_1756 = arith.muli %scan3A_1632, %mul3A_1755 : i32
        %add3A_1757 = arith.constant 64 : i32
        %add3A_1758 = arith.addi %add3A_1757, %mul3A_1756 : i32
        %add3A_1759 = arith.constant 2 : i32
        %add3A_1760 = arith.addi %add3A_1758, %add3A_1759 : i32
        %get3A_1761 = arith.index_cast %add3A_1760 : i32 to index
        %get3A_1762 = arith.constant 0 : index
        %get3A_1763 = tpu.vector_load %arg8[%get3A_1761, %get3A_1762] {strides = array<i32>} : memref<128x128xf32, #tpu.memory_space<vmem>>, vector<1x16xf32>,
        %get3A_1764 = vector.shape_cast %get3A_1763 : vector<1x16xf32> to vector<16xf32>
        %get3A_1765 = arith.index_cast %add3A_1760 : i32 to index
        %get3A_1766 = arith.constant 16 : index
        %get3A_1767 = tpu.vector_load %arg8[%get3A_1765, %get3A_1766] {strides = array<i32>} : memref<128x128xf32, #tpu.memory_space<vmem>>, vector<1x16xf32>,
        %get3A_1768 = vector.shape_cast %get3A_1767 : vector<1x16xf32> to vector<16xf32>
        %get3A_1769 = arith.index_cast %add3A_1760 : i32 to index
        %get3A_1770 = arith.constant 32 : index
        %get3A_1771 = tpu.vector_load %arg8[%get3A_1769, %get3A_1770] {strides = array<i32>} : memref<128x128xf32, #tpu.memory_space<vmem>>, vector<1x16xf32>,
        %get3A_1772 = vector.shape_cast %get3A_1771 : vector<1x16xf32> to vector<16xf32>
        %get3A_1773 = arith.index_cast %add3A_1760 : i32 to index
        %get3A_1774 = arith.constant 48 : index
        %get3A_1775 = tpu.vector_load %arg8[%get3A_1773, %get3A_1774] {strides = array<i32>} : memref<128x128xf32, #tpu.memory_space<vmem>>, vector<1x16xf32>,
        %get3A_1776 = vector.shape_cast %get3A_1775 : vector<1x16xf32> to vector<16xf32>
        %get3A_1777 = arith.index_cast %add3A_1760 : i32 to index
        %get3A_1778 = arith.constant 64 : index
        %get3A_1779 = tpu.vector_load %arg8[%get3A_1777, %get3A_1778] {strides = array<i32>} : memref<128x128xf32, #tpu.memory_space<vmem>>, vector<1x16xf32>,
        %get3A_1780 = vector.shape_cast %get3A_1779 : vector<1x16xf32> to vector<16xf32>
        %get3A_1781 = arith.index_cast %add3A_1760 : i32 to index
        %get3A_1782 = arith.constant 80 : index
        %get3A_1783 = tpu.vector_load %arg8[%get3A_1781, %get3A_1782] {strides = array<i32>} : memref<128x128xf32, #tpu.memory_space<vmem>>, vector<1x16xf32>,
        %get3A_1784 = vector.shape_cast %get3A_1783 : vector<1x16xf32> to vector<16xf32>
        %get3A_1785 = arith.index_cast %add3A_1760 : i32 to index
        %get3A_1786 = arith.constant 96 : index
        %get3A_1787 = tpu.vector_load %arg8[%get3A_1785, %get3A_1786] {strides = array<i32>} : memref<128x128xf32, #tpu.memory_space<vmem>>, vector<1x16xf32>,
        %get3A_1788 = vector.shape_cast %get3A_1787 : vector<1x16xf32> to vector<16xf32>
        %get3A_1789 = arith.index_cast %add3A_1760 : i32 to index
        %get3A_1790 = arith.constant 112 : index
        %get3A_1791 = tpu.vector_load %arg8[%get3A_1789, %get3A_1790] {strides = array<i32>} : memref<128x128xf32, #tpu.memory_space<vmem>>, vector<1x16xf32>,
        %get3A_1792 = vector.shape_cast %get3A_1791 : vector<1x16xf32> to vector<16xf32>
        %add3A_1793 = arith.addf %add3A_1739, %get3A_1764 : vector<16xf32>
        %add3A_1794 = arith.addf %add3A_1740, %get3A_1768 : vector<16xf32>
        %add3A_1795 = arith.addf %add3A_1741, %get3A_1772 : vector<16xf32>
        %add3A_1796 = arith.addf %add3A_1742, %get3A_1776 : vector<16xf32>
        %add3A_1797 = arith.addf %add3A_1743, %get3A_1780 : vector<16xf32>
        %add3A_1798 = arith.addf %add3A_1744, %get3A_1784 : vector<16xf32>
        %add3A_1799 = arith.addf %add3A_1745, %get3A_1788 : vector<16xf32>
        %add3A_1800 = arith.addf %add3A_1746, %get3A_1792 : vector<16xf32>
        %max3A_1801 = arith.maximumf %max3A_1747, %get3A_1764 : vector<16xf32>
        %max3A_1802 = arith.maximumf %max3A_1748, %get3A_1768 : vector<16xf32>
        %max3A_1803 = arith.maximumf %max3A_1749, %get3A_1772 : vector<16xf32>
        %max3A_1804 = arith.maximumf %max3A_1750, %get3A_1776 : vector<16xf32>
        %max3A_1805 = arith.maximumf %max3A_1751, %get3A_1780 : vector<16xf32>
        %max3A_1806 = arith.maximumf %max3A_1752, %get3A_1784 : vector<16xf32>
        %max3A_1807 = arith.maximumf %max3A_1753, %get3A_1788 : vector<16xf32>
        %max3A_1808 = arith.maximumf %max3A_1754, %get3A_1792 : vector<16xf32>
        %mul3A_1809 = arith.constant 4 : i32
        %mul3A_1810 = arith.muli %scan3A_1632, %mul3A_1809 : i32
        %add3A_1811 = arith.constant 64 : i32
        %add3A_1812 = arith.addi %add3A_1811, %mul3A_1810 : i32
        %add3A_1813 = arith.constant 3 : i32
        %add3A_1814 = arith.addi %add3A_1812, %add3A_1813 : i32
        %get3A_1815 = arith.index_cast %add3A_1814 : i32 to index
        %get3A_1816 = arith.constant 0 : index
        %get3A_1817 = tpu.vector_load %arg8[%get3A_1815, %get3A_1816] {strides = array<i32>} : memref<128x128xf32, #tpu.memory_space<vmem>>, vector<1x16xf32>,
        %get3A_1818 = vector.shape_cast %get3A_1817 : vector<1x16xf32> to vector<16xf32>
        %get3A_1819 = arith.index_cast %add3A_1814 : i32 to index
        %get3A_1820 = arith.constant 16 : index
        %get3A_1821 = tpu.vector_load %arg8[%get3A_1819, %get3A_1820] {strides = array<i32>} : memref<128x128xf32, #tpu.memory_space<vmem>>, vector<1x16xf32>,
        %get3A_1822 = vector.shape_cast %get3A_1821 : vector<1x16xf32> to vector<16xf32>
        %get3A_1823 = arith.index_cast %add3A_1814 : i32 to index
        %get3A_1824 = arith.constant 32 : index
        %get3A_1825 = tpu.vector_load %arg8[%get3A_1823, %get3A_1824] {strides = array<i32>} : memref<128x128xf32, #tpu.memory_space<vmem>>, vector<1x16xf32>,
        %get3A_1826 = vector.shape_cast %get3A_1825 : vector<1x16xf32> to vector<16xf32>
        %get3A_1827 = arith.index_cast %add3A_1814 : i32 to index
        %get3A_1828 = arith.constant 48 : index
        %get3A_1829 = tpu.vector_load %arg8[%get3A_1827, %get3A_1828] {strides = array<i32>} : memref<128x128xf32, #tpu.memory_space<vmem>>, vector<1x16xf32>,
        %get3A_1830 = vector.shape_cast %get3A_1829 : vector<1x16xf32> to vector<16xf32>
        %get3A_1831 = arith.index_cast %add3A_1814 : i32 to index
        %get3A_1832 = arith.constant 64 : index
        %get3A_1833 = tpu.vector_load %arg8[%get3A_1831, %get3A_1832] {strides = array<i32>} : memref<128x128xf32, #tpu.memory_space<vmem>>, vector<1x16xf32>,
        %get3A_1834 = vector.shape_cast %get3A_1833 : vector<1x16xf32> to vector<16xf32>
        %get3A_1835 = arith.index_cast %add3A_1814 : i32 to index
        %get3A_1836 = arith.constant 80 : index
        %get3A_1837 = tpu.vector_load %arg8[%get3A_1835, %get3A_1836] {strides = array<i32>} : memref<128x128xf32, #tpu.memory_space<vmem>>, vector<1x16xf32>,
        %get3A_1838 = vector.shape_cast %get3A_1837 : vector<1x16xf32> to vector<16xf32>
        %get3A_1839 = arith.index_cast %add3A_1814 : i32 to index
        %get3A_1840 = arith.constant 96 : index
        %get3A_1841 = tpu.vector_load %arg8[%get3A_1839, %get3A_1840] {strides = array<i32>} : memref<128x128xf32, #tpu.memory_space<vmem>>, vector<1x16xf32>,
        %get3A_1842 = vector.shape_cast %get3A_1841 : vector<1x16xf32> to vector<16xf32>
        %get3A_1843 = arith.index_cast %add3A_1814 : i32 to index
        %get3A_1844 = arith.constant 112 : index
        %get3A_1845 = tpu.vector_load %arg8[%get3A_1843, %get3A_1844] {strides = array<i32>} : memref<128x128xf32, #tpu.memory_space<vmem>>, vector<1x16xf32>,
        %get3A_1846 = vector.shape_cast %get3A_1845 : vector<1x16xf32> to vector<16xf32>
        %add3A_1847 = arith.addf %add3A_1793, %get3A_1818 : vector<16xf32>
        %add3A_1848 = arith.addf %add3A_1794, %get3A_1822 : vector<16xf32>
        %add3A_1849 = arith.addf %add3A_1795, %get3A_1826 : vector<16xf32>
        %add3A_1850 = arith.addf %add3A_1796, %get3A_1830 : vector<16xf32>
        %add3A_1851 = arith.addf %add3A_1797, %get3A_1834 : vector<16xf32>
        %add3A_1852 = arith.addf %add3A_1798, %get3A_1838 : vector<16xf32>
        %add3A_1853 = arith.addf %add3A_1799, %get3A_1842 : vector<16xf32>
        %add3A_1854 = arith.addf %add3A_1800, %get3A_1846 : vector<16xf32>
        %max3A_1855 = arith.maximumf %max3A_1801, %get3A_1818 : vector<16xf32>
        %max3A_1856 = arith.maximumf %max3A_1802, %get3A_1822 : vector<16xf32>
        %max3A_1857 = arith.maximumf %max3A_1803, %get3A_1826 : vector<16xf32>
        %max3A_1858 = arith.maximumf %max3A_1804, %get3A_1830 : vector<16xf32>
        %max3A_1859 = arith.maximumf %max3A_1805, %get3A_1834 : vector<16xf32>
        %max3A_1860 = arith.maximumf %max3A_1806, %get3A_1838 : vector<16xf32>
        %max3A_1861 = arith.maximumf %max3A_1807, %get3A_1842 : vector<16xf32>
        %max3A_1862 = arith.maximumf %max3A_1808, %get3A_1846 : vector<16xf32>
        scf.yield %add3A_1847, %add3A_1848, %add3A_1849, %add3A_1850, %add3A_1851, %add3A_1852, %add3A_1853, %add3A_1854, %max3A_1855, %max3A_1856, %max3A_1857, %max3A_1858, %max3A_1859, %max3A_1860, %max3A_1861, %max3A_1862 : vector<16xf32>, vector<16xf32>, vector<16xf32>, vector<16xf32>, vector<16xf32>, vector<16xf32>, vector<16xf32>, vector<16xf32>, vector<16xf32>, vector<16xf32>, vector<16xf32>, vector<16xf32>, vector<16xf32>, vector<16xf32>, vector<16xf32>, vector<16xf32>
      }
      %scan3A_1378 = arith.constant 8 : i32
      %mul3A_1379 = arith.constant 3.125000e-02 : f32
      %mul3A_1380 = vector.broadcast %mul3A_1379 : f32 to vector<16xf32>
      %mul3A_1381 = arith.mulf %scan3A_1377#0, %mul3A_1380 : vector<16xf32>
      %swap3A_1382 = arith.constant 2 : i32
      %swap3A_1383 = arith.index_cast %swap3A_1382 : i32 to index
      %swap3A_1384 = arith.constant 0 : index
      %swap3A_1385 = tpu.vector_load %arg10[%swap3A_1383, %swap3A_1384] {strides = array<i32>} : memref<4x256xf32, #tpu.memory_space<vmem>>, vector<1x16xf32>,
      %swap3A_1386 = vector.shape_cast %swap3A_1385 : vector<1x16xf32> to vector<16xf32>
      %swap3A_1387 = vector.shape_cast %mul3A_1381 : vector<16xf32> to vector<1x16xf32>
      tpu.vector_store %arg10[%swap3A_1383, %swap3A_1384], %swap3A_1387 {strides = array<i32>} : memref<4x256xf32, #tpu.memory_space<vmem>>, vector<1x16xf32>,
      %swap3A_1388 = arith.constant 2 : i32
      %swap3A_1389 = arith.index_cast %swap3A_1388 : i32 to index
      %swap3A_1390 = arith.constant 128 : index
      %swap3A_1391 = tpu.vector_load %arg10[%swap3A_1389, %swap3A_1390] {strides = array<i32>} : memref<4x256xf32, #tpu.memory_space<vmem>>, vector<1x16xf32>,
      %swap3A_1392 = vector.shape_cast %swap3A_1391 : vector<1x16xf32> to vector<16xf32>
      %swap3A_1393 = vector.shape_cast %scan3A_1377#8 : vector<16xf32> to vector<1x16xf32>
      tpu.vector_store %arg10[%swap3A_1389, %swap3A_1390], %swap3A_1393 {strides = array<i32>} : memref<4x256xf32, #tpu.memory_space<vmem>>, vector<1x16xf32>,
      %mul3A_1394 = arith.constant 3.125000e-02 : f32
      %mul3A_1395 = vector.broadcast %mul3A_1394 : f32 to vector<16xf32>
      %mul3A_1396 = arith.mulf %scan3A_1377#1, %mul3A_1395 : vector<16xf32>
      %swap3A_1397 = arith.constant 2 : i32
      %swap3A_1398 = arith.index_cast %swap3A_1397 : i32 to index
      %swap3A_1399 = arith.constant 16 : index
      %swap3A_1400 = tpu.vector_load %arg10[%swap3A_1398, %swap3A_1399] {strides = array<i32>} : memref<4x256xf32, #tpu.memory_space<vmem>>, vector<1x16xf32>,
      %swap3A_1401 = vector.shape_cast %swap3A_1400 : vector<1x16xf32> to vector<16xf32>
      %swap3A_1402 = vector.shape_cast %mul3A_1396 : vector<16xf32> to vector<1x16xf32>
      tpu.vector_store %arg10[%swap3A_1398, %swap3A_1399], %swap3A_1402 {strides = array<i32>} : memref<4x256xf32, #tpu.memory_space<vmem>>, vector<1x16xf32>,
      %swap3A_1403 = arith.constant 2 : i32
      %swap3A_1404 = arith.index_cast %swap3A_1403 : i32 to index
      %swap3A_1405 = arith.constant 144 : index
      %swap3A_1406 = tpu.vector_load %arg10[%swap3A_1404, %swap3A_1405] {strides = array<i32>} : memref<4x256xf32, #tpu.memory_space<vmem>>, vector<1x16xf32>,
      %swap3A_1407 = vector.shape_cast %swap3A_1406 : vector<1x16xf32> to vector<16xf32>
      %swap3A_1408 = vector.shape_cast %scan3A_1377#9 : vector<16xf32> to vector<1x16xf32>
      tpu.vector_store %arg10[%swap3A_1404, %swap3A_1405], %swap3A_1408 {strides = array<i32>} : memref<4x256xf32, #tpu.memory_space<vmem>>, vector<1x16xf32>,
      %mul3A_1409 = arith.constant 3.125000e-02 : f32
      %mul3A_1410 = vector.broadcast %mul3A_1409 : f32 to vector<16xf32>
      %mul3A_1411 = arith.mulf %scan3A_1377#2, %mul3A_1410 : vector<16xf32>
      %swap3A_1412 = arith.constant 2 : i32
      %swap3A_1413 = arith.index_cast %swap3A_1412 : i32 to index
      %swap3A_1414 = arith.constant 32 : index
      %swap3A_1415 = tpu.vector_load %arg10[%swap3A_1413, %swap3A_1414] {strides = array<i32>} : memref<4x256xf32, #tpu.memory_space<vmem>>, vector<1x16xf32>,
      %swap3A_1416 = vector.shape_cast %swap3A_1415 : vector<1x16xf32> to vector<16xf32>
      %swap3A_1417 = vector.shape_cast %mul3A_1411 : vector<16xf32> to vector<1x16xf32>
      tpu.vector_store %arg10[%swap3A_1413, %swap3A_1414], %swap3A_1417 {strides = array<i32>} : memref<4x256xf32, #tpu.memory_space<vmem>>, vector<1x16xf32>,
      %swap3A_1418 = arith.constant 2 : i32
      %swap3A_1419 = arith.index_cast %swap3A_1418 : i32 to index
      %swap3A_1420 = arith.constant 160 : index
      %swap3A_1421 = tpu.vector_load %arg10[%swap3A_1419, %swap3A_1420] {strides = array<i32>} : memref<4x256xf32, #tpu.memory_space<vmem>>, vector<1x16xf32>,
      %swap3A_1422 = vector.shape_cast %swap3A_1421 : vector<1x16xf32> to vector<16xf32>
      %swap3A_1423 = vector.shape_cast %scan3A_1377#10 : vector<16xf32> to vector<1x16xf32>
      tpu.vector_store %arg10[%swap3A_1419, %swap3A_1420], %swap3A_1423 {strides = array<i32>} : memref<4x256xf32, #tpu.memory_space<vmem>>, vector<1x16xf32>,
      %mul3A_1424 = arith.constant 3.125000e-02 : f32
      %mul3A_1425 = vector.broadcast %mul3A_1424 : f32 to vector<16xf32>
      %mul3A_1426 = arith.mulf %scan3A_1377#3, %mul3A_1425 : vector<16xf32>
      %swap3A_1427 = arith.constant 2 : i32
      %swap3A_1428 = arith.index_cast %swap3A_1427 : i32 to index
      %swap3A_1429 = arith.constant 48 : index
      %swap3A_1430 = tpu.vector_load %arg10[%swap3A_1428, %swap3A_1429] {strides = array<i32>} : memref<4x256xf32, #tpu.memory_space<vmem>>, vector<1x16xf32>,
      %swap3A_1431 = vector.shape_cast %swap3A_1430 : vector<1x16xf32> to vector<16xf32>
      %swap3A_1432 = vector.shape_cast %mul3A_1426 : vector<16xf32> to vector<1x16xf32>
      tpu.vector_store %arg10[%swap3A_1428, %swap3A_1429], %swap3A_1432 {strides = array<i32>} : memref<4x256xf32, #tpu.memory_space<vmem>>, vector<1x16xf32>,
      %swap3A_1433 = arith.constant 2 : i32
      %swap3A_1434 = arith.index_cast %swap3A_1433 : i32 to index
      %swap3A_1435 = arith.constant 176 : index
      %swap3A_1436 = tpu.vector_load %arg10[%swap3A_1434, %swap3A_1435] {strides = array<i32>} : memref<4x256xf32, #tpu.memory_space<vmem>>, vector<1x16xf32>,
      %swap3A_1437 = vector.shape_cast %swap3A_1436 : vector<1x16xf32> to vector<16xf32>
      %swap3A_1438 = vector.shape_cast %scan3A_1377#11 : vector<16xf32> to vector<1x16xf32>
      tpu.vector_store %arg10[%swap3A_1434, %swap3A_1435], %swap3A_1438 {strides = array<i32>} : memref<4x256xf32, #tpu.memory_space<vmem>>, vector<1x16xf32>,
      %mul3A_1439 = arith.constant 3.125000e-02 : f32
      %mul3A_1440 = vector.broadcast %mul3A_1439 : f32 to vector<16xf32>
      %mul3A_1441 = arith.mulf %scan3A_1377#4, %mul3A_1440 : vector<16xf32>
      %swap3A_1442 = arith.constant 2 : i32
      %swap3A_1443 = arith.index_cast %swap3A_1442 : i32 to index
      %swap3A_1444 = arith.constant 64 : index
      %swap3A_1445 = tpu.vector_load %arg10[%swap3A_1443, %swap3A_1444] {strides = array<i32>} : memref<4x256xf32, #tpu.memory_space<vmem>>, vector<1x16xf32>,
      %swap3A_1446 = vector.shape_cast %swap3A_1445 : vector<1x16xf32> to vector<16xf32>
      %swap3A_1447 = vector.shape_cast %mul3A_1441 : vector<16xf32> to vector<1x16xf32>
      tpu.vector_store %arg10[%swap3A_1443, %swap3A_1444], %swap3A_1447 {strides = array<i32>} : memref<4x256xf32, #tpu.memory_space<vmem>>, vector<1x16xf32>,
      %swap3A_1448 = arith.constant 2 : i32
      %swap3A_1449 = arith.index_cast %swap3A_1448 : i32 to index
      %swap3A_1450 = arith.constant 192 : index
      %swap3A_1451 = tpu.vector_load %arg10[%swap3A_1449, %swap3A_1450] {strides = array<i32>} : memref<4x256xf32, #tpu.memory_space<vmem>>, vector<1x16xf32>,
      %swap3A_1452 = vector.shape_cast %swap3A_1451 : vector<1x16xf32> to vector<16xf32>
      %swap3A_1453 = vector.shape_cast %scan3A_1377#12 : vector<16xf32> to vector<1x16xf32>
      tpu.vector_store %arg10[%swap3A_1449, %swap3A_1450], %swap3A_1453 {strides = array<i32>} : memref<4x256xf32, #tpu.memory_space<vmem>>, vector<1x16xf32>,
      %mul3A_1454 = arith.constant 3.125000e-02 : f32
      %mul3A_1455 = vector.broadcast %mul3A_1454 : f32 to vector<16xf32>
      %mul3A_1456 = arith.mulf %scan3A_1377#5, %mul3A_1455 : vector<16xf32>
      %swap3A_1457 = arith.constant 2 : i32
      %swap3A_1458 = arith.index_cast %swap3A_1457 : i32 to index
      %swap3A_1459 = arith.constant 80 : index
      %swap3A_1460 = tpu.vector_load %arg10[%swap3A_1458, %swap3A_1459] {strides = array<i32>} : memref<4x256xf32, #tpu.memory_space<vmem>>, vector<1x16xf32>,
      %swap3A_1461 = vector.shape_cast %swap3A_1460 : vector<1x16xf32> to vector<16xf32>
      %swap3A_1462 = vector.shape_cast %mul3A_1456 : vector<16xf32> to vector<1x16xf32>
      tpu.vector_store %arg10[%swap3A_1458, %swap3A_1459], %swap3A_1462 {strides = array<i32>} : memref<4x256xf32, #tpu.memory_space<vmem>>, vector<1x16xf32>,
      %swap3A_1463 = arith.constant 2 : i32
      %swap3A_1464 = arith.index_cast %swap3A_1463 : i32 to index
      %swap3A_1465 = arith.constant 208 : index
      %swap3A_1466 = tpu.vector_load %arg10[%swap3A_1464, %swap3A_1465] {strides = array<i32>} : memref<4x256xf32, #tpu.memory_space<vmem>>, vector<1x16xf32>,
      %swap3A_1467 = vector.shape_cast %swap3A_1466 : vector<1x16xf32> to vector<16xf32>
      %swap3A_1468 = vector.shape_cast %scan3A_1377#13 : vector<16xf32> to vector<1x16xf32>
      tpu.vector_store %arg10[%swap3A_1464, %swap3A_1465], %swap3A_1468 {strides = array<i32>} : memref<4x256xf32, #tpu.memory_space<vmem>>, vector<1x16xf32>,
      %mul3A_1469 = arith.constant 3.125000e-02 : f32
      %mul3A_1470 = vector.broadcast %mul3A_1469 : f32 to vector<16xf32>
      %mul3A_1471 = arith.mulf %scan3A_1377#6, %mul3A_1470 : vector<16xf32>
      %swap3A_1472 = arith.constant 2 : i32
      %swap3A_1473 = arith.index_cast %swap3A_1472 : i32 to index
      %swap3A_1474 = arith.constant 96 : index
      %swap3A_1475 = tpu.vector_load %arg10[%swap3A_1473, %swap3A_1474] {strides = array<i32>} : memref<4x256xf32, #tpu.memory_space<vmem>>, vector<1x16xf32>,
      %swap3A_1476 = vector.shape_cast %swap3A_1475 : vector<1x16xf32> to vector<16xf32>
      %swap3A_1477 = vector.shape_cast %mul3A_1471 : vector<16xf32> to vector<1x16xf32>
      tpu.vector_store %arg10[%swap3A_1473, %swap3A_1474], %swap3A_1477 {strides = array<i32>} : memref<4x256xf32, #tpu.memory_space<vmem>>, vector<1x16xf32>,
      %swap3A_1478 = arith.constant 2 : i32
      %swap3A_1479 = arith.index_cast %swap3A_1478 : i32 to index
      %swap3A_1480 = arith.constant 224 : index
      %swap3A_1481 = tpu.vector_load %arg10[%swap3A_1479, %swap3A_1480] {strides = array<i32>} : memref<4x256xf32, #tpu.memory_space<vmem>>, vector<1x16xf32>,
      %swap3A_1482 = vector.shape_cast %swap3A_1481 : vector<1x16xf32> to vector<16xf32>
      %swap3A_1483 = vector.shape_cast %scan3A_1377#14 : vector<16xf32> to vector<1x16xf32>
      tpu.vector_store %arg10[%swap3A_1479, %swap3A_1480], %swap3A_1483 {strides = array<i32>} : memref<4x256xf32, #tpu.memory_space<vmem>>, vector<1x16xf32>,
      %mul3A_1484 = arith.constant 3.125000e-02 : f32
      %mul3A_1485 = vector.broadcast %mul3A_1484 : f32 to vector<16xf32>
      %mul3A_1486 = arith.mulf %scan3A_1377#7, %mul3A_1485 : vector<16xf32>
      %swap3A_1487 = arith.constant 2 : i32
      %swap3A_1488 = arith.index_cast %swap3A_1487 : i32 to index
      %swap3A_1489 = arith.constant 112 : index
      %swap3A_1490 = tpu.vector_load %arg10[%swap3A_1488, %swap3A_1489] {strides = array<i32>} : memref<4x256xf32, #tpu.memory_space<vmem>>, vector<1x16xf32>,
      %swap3A_1491 = vector.shape_cast %swap3A_1490 : vector<1x16xf32> to vector<16xf32>
      %swap3A_1492 = vector.shape_cast %mul3A_1486 : vector<16xf32> to vector<1x16xf32>
      tpu.vector_store %arg10[%swap3A_1488, %swap3A_1489], %swap3A_1492 {strides = array<i32>} : memref<4x256xf32, #tpu.memory_space<vmem>>, vector<1x16xf32>,
      %swap3A_1493 = arith.constant 2 : i32
      %swap3A_1494 = arith.index_cast %swap3A_1493 : i32 to index
      %swap3A_1495 = arith.constant 240 : index
      %swap3A_1496 = tpu.vector_load %arg10[%swap3A_1494, %swap3A_1495] {strides = array<i32>} : memref<4x256xf32, #tpu.memory_space<vmem>>, vector<1x16xf32>,
      %swap3A_1497 = vector.shape_cast %swap3A_1496 : vector<1x16xf32> to vector<16xf32>
      %swap3A_1498 = vector.shape_cast %scan3A_1377#15 : vector<16xf32> to vector<1x16xf32>
      tpu.vector_store %arg10[%swap3A_1494, %swap3A_1495], %swap3A_1498 {strides = array<i32>} : memref<4x256xf32, #tpu.memory_space<vmem>>, vector<1x16xf32>,
      %scan3A_1499 = arith.constant 0 : i32
      %scan3A_1500 = arith.constant 8 : i32
      %scan3A_1501 = arith.addi %scan3A_1499, %scan3A_1500 : i32
      %scan3A_1502 = arith.constant 1 : i32
      %scan3A_1503:16 = scf.for %scan3A_1632 = %scan3A_1499 to %scan3A_1501 step %scan3A_1502 iter_args(%scan3A_1633 = %broadcast_in_dim3A_1118, %scan3A_1634 = %broadcast_in_dim3A_1118, %scan3A_1635 = %broadcast_in_dim3A_1118, %scan3A_1636 = %broadcast_in_dim3A_1118, %scan3A_1637 = %broadcast_in_dim3A_1118, %scan3A_1638 = %broadcast_in_dim3A_1118, %scan3A_1639 = %broadcast_in_dim3A_1118, %scan3A_1640 = %broadcast_in_dim3A_1118, %scan3A_1641 = %broadcast_in_dim3A_1120, %scan3A_1642 = %broadcast_in_dim3A_1120, %scan3A_1643 = %broadcast_in_dim3A_1120, %scan3A_1644 = %broadcast_in_dim3A_1120, %scan3A_1645 = %broadcast_in_dim3A_1120, %scan3A_1646 = %broadcast_in_dim3A_1120, %scan3A_1647 = %broadcast_in_dim3A_1120, %scan3A_1648 = %broadcast_in_dim3A_1120) -> (vector<16xf32>, vector<16xf32>, vector<16xf32>, vector<16xf32>, vector<16xf32>, vector<16xf32>, vector<16xf32>, vector<16xf32>, vector<16xf32>, vector<16xf32>, vector<16xf32>, vector<16xf32>, vector<16xf32>, vector<16xf32>, vector<16xf32>, vector<16xf32>)  : i32 {
        %mul3A_1649 = arith.constant 4 : i32
        %mul3A_1650 = arith.muli %scan3A_1632, %mul3A_1649 : i32
        %add3A_1651 = arith.constant 96 : i32
        %add3A_1652 = arith.addi %add3A_1651, %mul3A_1650 : i32
        %add3A_1653 = arith.constant 0 : i32
        %add3A_1654 = arith.addi %add3A_1652, %add3A_1653 : i32
        %get3A = arith.index_cast %add3A_1654 : i32 to index
        %get3A_1655 = arith.constant 0 : index
        %get3A_1656 = tpu.vector_load %arg8[%get3A, %get3A_1655] {strides = array<i32>} : memref<128x128xf32, #tpu.memory_space<vmem>>, vector<1x16xf32>,
        %get3A_1657 = vector.shape_cast %get3A_1656 : vector<1x16xf32> to vector<16xf32>
        %get3A_1658 = arith.index_cast %add3A_1654 : i32 to index
        %get3A_1659 = arith.constant 16 : index
        %get3A_1660 = tpu.vector_load %arg8[%get3A_1658, %get3A_1659] {strides = array<i32>} : memref<128x128xf32, #tpu.memory_space<vmem>>, vector<1x16xf32>,
        %get3A_1661 = vector.shape_cast %get3A_1660 : vector<1x16xf32> to vector<16xf32>
        %get3A_1662 = arith.index_cast %add3A_1654 : i32 to index
        %get3A_1663 = arith.constant 32 : index
        %get3A_1664 = tpu.vector_load %arg8[%get3A_1662, %get3A_1663] {strides = array<i32>} : memref<128x128xf32, #tpu.memory_space<vmem>>, vector<1x16xf32>,
        %get3A_1665 = vector.shape_cast %get3A_1664 : vector<1x16xf32> to vector<16xf32>
        %get3A_1666 = arith.index_cast %add3A_1654 : i32 to index
        %get3A_1667 = arith.constant 48 : index
        %get3A_1668 = tpu.vector_load %arg8[%get3A_1666, %get3A_1667] {strides = array<i32>} : memref<128x128xf32, #tpu.memory_space<vmem>>, vector<1x16xf32>,
        %get3A_1669 = vector.shape_cast %get3A_1668 : vector<1x16xf32> to vector<16xf32>
        %get3A_1670 = arith.index_cast %add3A_1654 : i32 to index
        %get3A_1671 = arith.constant 64 : index
        %get3A_1672 = tpu.vector_load %arg8[%get3A_1670, %get3A_1671] {strides = array<i32>} : memref<128x128xf32, #tpu.memory_space<vmem>>, vector<1x16xf32>,
        %get3A_1673 = vector.shape_cast %get3A_1672 : vector<1x16xf32> to vector<16xf32>
        %get3A_1674 = arith.index_cast %add3A_1654 : i32 to index
        %get3A_1675 = arith.constant 80 : index
        %get3A_1676 = tpu.vector_load %arg8[%get3A_1674, %get3A_1675] {strides = array<i32>} : memref<128x128xf32, #tpu.memory_space<vmem>>, vector<1x16xf32>,
        %get3A_1677 = vector.shape_cast %get3A_1676 : vector<1x16xf32> to vector<16xf32>
        %get3A_1678 = arith.index_cast %add3A_1654 : i32 to index
        %get3A_1679 = arith.constant 96 : index
        %get3A_1680 = tpu.vector_load %arg8[%get3A_1678, %get3A_1679] {strides = array<i32>} : memref<128x128xf32, #tpu.memory_space<vmem>>, vector<1x16xf32>,
        %get3A_1681 = vector.shape_cast %get3A_1680 : vector<1x16xf32> to vector<16xf32>
        %get3A_1682 = arith.index_cast %add3A_1654 : i32 to index
        %get3A_1683 = arith.constant 112 : index
        %get3A_1684 = tpu.vector_load %arg8[%get3A_1682, %get3A_1683] {strides = array<i32>} : memref<128x128xf32, #tpu.memory_space<vmem>>, vector<1x16xf32>,
        %get3A_1685 = vector.shape_cast %get3A_1684 : vector<1x16xf32> to vector<16xf32>
        %add3A_1686 = arith.addf %scan3A_1633, %get3A_1657 : vector<16xf32>
        %add3A_1687 = arith.addf %scan3A_1634, %get3A_1661 : vector<16xf32>
        %add3A_1688 = arith.addf %scan3A_1635, %get3A_1665 : vector<16xf32>
        %add3A_1689 = arith.addf %scan3A_1636, %get3A_1669 : vector<16xf32>
        %add3A_1690 = arith.addf %scan3A_1637, %get3A_1673 : vector<16xf32>
        %add3A_1691 = arith.addf %scan3A_1638, %get3A_1677 : vector<16xf32>
        %add3A_1692 = arith.addf %scan3A_1639, %get3A_1681 : vector<16xf32>
        %add3A_1693 = arith.addf %scan3A_1640, %get3A_1685 : vector<16xf32>
        %max3A = arith.maximumf %scan3A_1641, %get3A_1657 : vector<16xf32>
        %max3A_1694 = arith.maximumf %scan3A_1642, %get3A_1661 : vector<16xf32>
        %max3A_1695 = arith.maximumf %scan3A_1643, %get3A_1665 : vector<16xf32>
        %max3A_1696 = arith.maximumf %scan3A_1644, %get3A_1669 : vector<16xf32>
        %max3A_1697 = arith.maximumf %scan3A_1645, %get3A_1673 : vector<16xf32>
        %max3A_1698 = arith.maximumf %scan3A_1646, %get3A_1677 : vector<16xf32>
        %max3A_1699 = arith.maximumf %scan3A_1647, %get3A_1681 : vector<16xf32>
        %max3A_1700 = arith.maximumf %scan3A_1648, %get3A_1685 : vector<16xf32>
        %mul3A_1701 = arith.constant 4 : i32
        %mul3A_1702 = arith.muli %scan3A_1632, %mul3A_1701 : i32
        %add3A_1703 = arith.constant 96 : i32
        %add3A_1704 = arith.addi %add3A_1703, %mul3A_1702 : i32
        %add3A_1705 = arith.constant 1 : i32
        %add3A_1706 = arith.addi %add3A_1704, %add3A_1705 : i32
        %get3A_1707 = arith.index_cast %add3A_1706 : i32 to index
        %get3A_1708 = arith.constant 0 : index
        %get3A_1709 = tpu.vector_load %arg8[%get3A_1707, %get3A_1708] {strides = array<i32>} : memref<128x128xf32, #tpu.memory_space<vmem>>, vector<1x16xf32>,
        %get3A_1710 = vector.shape_cast %get3A_1709 : vector<1x16xf32> to vector<16xf32>
        %get3A_1711 = arith.index_cast %add3A_1706 : i32 to index
        %get3A_1712 = arith.constant 16 : index
        %get3A_1713 = tpu.vector_load %arg8[%get3A_1711, %get3A_1712] {strides = array<i32>} : memref<128x128xf32, #tpu.memory_space<vmem>>, vector<1x16xf32>,
        %get3A_1714 = vector.shape_cast %get3A_1713 : vector<1x16xf32> to vector<16xf32>
        %get3A_1715 = arith.index_cast %add3A_1706 : i32 to index
        %get3A_1716 = arith.constant 32 : index
        %get3A_1717 = tpu.vector_load %arg8[%get3A_1715, %get3A_1716] {strides = array<i32>} : memref<128x128xf32, #tpu.memory_space<vmem>>, vector<1x16xf32>,
        %get3A_1718 = vector.shape_cast %get3A_1717 : vector<1x16xf32> to vector<16xf32>
        %get3A_1719 = arith.index_cast %add3A_1706 : i32 to index
        %get3A_1720 = arith.constant 48 : index
        %get3A_1721 = tpu.vector_load %arg8[%get3A_1719, %get3A_1720] {strides = array<i32>} : memref<128x128xf32, #tpu.memory_space<vmem>>, vector<1x16xf32>,
        %get3A_1722 = vector.shape_cast %get3A_1721 : vector<1x16xf32> to vector<16xf32>
        %get3A_1723 = arith.index_cast %add3A_1706 : i32 to index
        %get3A_1724 = arith.constant 64 : index
        %get3A_1725 = tpu.vector_load %arg8[%get3A_1723, %get3A_1724] {strides = array<i32>} : memref<128x128xf32, #tpu.memory_space<vmem>>, vector<1x16xf32>,
        %get3A_1726 = vector.shape_cast %get3A_1725 : vector<1x16xf32> to vector<16xf32>
        %get3A_1727 = arith.index_cast %add3A_1706 : i32 to index
        %get3A_1728 = arith.constant 80 : index
        %get3A_1729 = tpu.vector_load %arg8[%get3A_1727, %get3A_1728] {strides = array<i32>} : memref<128x128xf32, #tpu.memory_space<vmem>>, vector<1x16xf32>,
        %get3A_1730 = vector.shape_cast %get3A_1729 : vector<1x16xf32> to vector<16xf32>
        %get3A_1731 = arith.index_cast %add3A_1706 : i32 to index
        %get3A_1732 = arith.constant 96 : index
        %get3A_1733 = tpu.vector_load %arg8[%get3A_1731, %get3A_1732] {strides = array<i32>} : memref<128x128xf32, #tpu.memory_space<vmem>>, vector<1x16xf32>,
        %get3A_1734 = vector.shape_cast %get3A_1733 : vector<1x16xf32> to vector<16xf32>
        %get3A_1735 = arith.index_cast %add3A_1706 : i32 to index
        %get3A_1736 = arith.constant 112 : index
        %get3A_1737 = tpu.vector_load %arg8[%get3A_1735, %get3A_1736] {strides = array<i32>} : memref<128x128xf32, #tpu.memory_space<vmem>>, vector<1x16xf32>,
        %get3A_1738 = vector.shape_cast %get3A_1737 : vector<1x16xf32> to vector<16xf32>
        %add3A_1739 = arith.addf %add3A_1686, %get3A_1710 : vector<16xf32>
        %add3A_1740 = arith.addf %add3A_1687, %get3A_1714 : vector<16xf32>
        %add3A_1741 = arith.addf %add3A_1688, %get3A_1718 : vector<16xf32>
        %add3A_1742 = arith.addf %add3A_1689, %get3A_1722 : vector<16xf32>
        %add3A_1743 = arith.addf %add3A_1690, %get3A_1726 : vector<16xf32>
        %add3A_1744 = arith.addf %add3A_1691, %get3A_1730 : vector<16xf32>
        %add3A_1745 = arith.addf %add3A_1692, %get3A_1734 : vector<16xf32>
        %add3A_1746 = arith.addf %add3A_1693, %get3A_1738 : vector<16xf32>
        %max3A_1747 = arith.maximumf %max3A, %get3A_1710 : vector<16xf32>
        %max3A_1748 = arith.maximumf %max3A_1694, %get3A_1714 : vector<16xf32>
        %max3A_1749 = arith.maximumf %max3A_1695, %get3A_1718 : vector<16xf32>
        %max3A_1750 = arith.maximumf %max3A_1696, %get3A_1722 : vector<16xf32>
        %max3A_1751 = arith.maximumf %max3A_1697, %get3A_1726 : vector<16xf32>
        %max3A_1752 = arith.maximumf %max3A_1698, %get3A_1730 : vector<16xf32>
        %max3A_1753 = arith.maximumf %max3A_1699, %get3A_1734 : vector<16xf32>
        %max3A_1754 = arith.maximumf %max3A_1700, %get3A_1738 : vector<16xf32>
        %mul3A_1755 = arith.constant 4 : i32
        %mul3A_1756 = arith.muli %scan3A_1632, %mul3A_1755 : i32
        %add3A_1757 = arith.constant 96 : i32
        %add3A_1758 = arith.addi %add3A_1757, %mul3A_1756 : i32
        %add3A_1759 = arith.constant 2 : i32
        %add3A_1760 = arith.addi %add3A_1758, %add3A_1759 : i32
        %get3A_1761 = arith.index_cast %add3A_1760 : i32 to index
        %get3A_1762 = arith.constant 0 : index
        %get3A_1763 = tpu.vector_load %arg8[%get3A_1761, %get3A_1762] {strides = array<i32>} : memref<128x128xf32, #tpu.memory_space<vmem>>, vector<1x16xf32>,
        %get3A_1764 = vector.shape_cast %get3A_1763 : vector<1x16xf32> to vector<16xf32>
        %get3A_1765 = arith.index_cast %add3A_1760 : i32 to index
        %get3A_1766 = arith.constant 16 : index
        %get3A_1767 = tpu.vector_load %arg8[%get3A_1765, %get3A_1766] {strides = array<i32>} : memref<128x128xf32, #tpu.memory_space<vmem>>, vector<1x16xf32>,
        %get3A_1768 = vector.shape_cast %get3A_1767 : vector<1x16xf32> to vector<16xf32>
        %get3A_1769 = arith.index_cast %add3A_1760 : i32 to index
        %get3A_1770 = arith.constant 32 : index
        %get3A_1771 = tpu.vector_load %arg8[%get3A_1769, %get3A_1770] {strides = array<i32>} : memref<128x128xf32, #tpu.memory_space<vmem>>, vector<1x16xf32>,
        %get3A_1772 = vector.shape_cast %get3A_1771 : vector<1x16xf32> to vector<16xf32>
        %get3A_1773 = arith.index_cast %add3A_1760 : i32 to index
        %get3A_1774 = arith.constant 48 : index
        %get3A_1775 = tpu.vector_load %arg8[%get3A_1773, %get3A_1774] {strides = array<i32>} : memref<128x128xf32, #tpu.memory_space<vmem>>, vector<1x16xf32>,
        %get3A_1776 = vector.shape_cast %get3A_1775 : vector<1x16xf32> to vector<16xf32>
        %get3A_1777 = arith.index_cast %add3A_1760 : i32 to index
        %get3A_1778 = arith.constant 64 : index
        %get3A_1779 = tpu.vector_load %arg8[%get3A_1777, %get3A_1778] {strides = array<i32>} : memref<128x128xf32, #tpu.memory_space<vmem>>, vector<1x16xf32>,
        %get3A_1780 = vector.shape_cast %get3A_1779 : vector<1x16xf32> to vector<16xf32>
        %get3A_1781 = arith.index_cast %add3A_1760 : i32 to index
        %get3A_1782 = arith.constant 80 : index
        %get3A_1783 = tpu.vector_load %arg8[%get3A_1781, %get3A_1782] {strides = array<i32>} : memref<128x128xf32, #tpu.memory_space<vmem>>, vector<1x16xf32>,
        %get3A_1784 = vector.shape_cast %get3A_1783 : vector<1x16xf32> to vector<16xf32>
        %get3A_1785 = arith.index_cast %add3A_1760 : i32 to index
        %get3A_1786 = arith.constant 96 : index
        %get3A_1787 = tpu.vector_load %arg8[%get3A_1785, %get3A_1786] {strides = array<i32>} : memref<128x128xf32, #tpu.memory_space<vmem>>, vector<1x16xf32>,
        %get3A_1788 = vector.shape_cast %get3A_1787 : vector<1x16xf32> to vector<16xf32>
        %get3A_1789 = arith.index_cast %add3A_1760 : i32 to index
        %get3A_1790 = arith.constant 112 : index
        %get3A_1791 = tpu.vector_load %arg8[%get3A_1789, %get3A_1790] {strides = array<i32>} : memref<128x128xf32, #tpu.memory_space<vmem>>, vector<1x16xf32>,
        %get3A_1792 = vector.shape_cast %get3A_1791 : vector<1x16xf32> to vector<16xf32>
        %add3A_1793 = arith.addf %add3A_1739, %get3A_1764 : vector<16xf32>
        %add3A_1794 = arith.addf %add3A_1740, %get3A_1768 : vector<16xf32>
        %add3A_1795 = arith.addf %add3A_1741, %get3A_1772 : vector<16xf32>
        %add3A_1796 = arith.addf %add3A_1742, %get3A_1776 : vector<16xf32>
        %add3A_1797 = arith.addf %add3A_1743, %get3A_1780 : vector<16xf32>
        %add3A_1798 = arith.addf %add3A_1744, %get3A_1784 : vector<16xf32>
        %add3A_1799 = arith.addf %add3A_1745, %get3A_1788 : vector<16xf32>
        %add3A_1800 = arith.addf %add3A_1746, %get3A_1792 : vector<16xf32>
        %max3A_1801 = arith.maximumf %max3A_1747, %get3A_1764 : vector<16xf32>
        %max3A_1802 = arith.maximumf %max3A_1748, %get3A_1768 : vector<16xf32>
        %max3A_1803 = arith.maximumf %max3A_1749, %get3A_1772 : vector<16xf32>
        %max3A_1804 = arith.maximumf %max3A_1750, %get3A_1776 : vector<16xf32>
        %max3A_1805 = arith.maximumf %max3A_1751, %get3A_1780 : vector<16xf32>
        %max3A_1806 = arith.maximumf %max3A_1752, %get3A_1784 : vector<16xf32>
        %max3A_1807 = arith.maximumf %max3A_1753, %get3A_1788 : vector<16xf32>
        %max3A_1808 = arith.maximumf %max3A_1754, %get3A_1792 : vector<16xf32>
        %mul3A_1809 = arith.constant 4 : i32
        %mul3A_1810 = arith.muli %scan3A_1632, %mul3A_1809 : i32
        %add3A_1811 = arith.constant 96 : i32
        %add3A_1812 = arith.addi %add3A_1811, %mul3A_1810 : i32
        %add3A_1813 = arith.constant 3 : i32
        %add3A_1814 = arith.addi %add3A_1812, %add3A_1813 : i32
        %get3A_1815 = arith.index_cast %add3A_1814 : i32 to index
        %get3A_1816 = arith.constant 0 : index
        %get3A_1817 = tpu.vector_load %arg8[%get3A_1815, %get3A_1816] {strides = array<i32>} : memref<128x128xf32, #tpu.memory_space<vmem>>, vector<1x16xf32>,
        %get3A_1818 = vector.shape_cast %get3A_1817 : vector<1x16xf32> to vector<16xf32>
        %get3A_1819 = arith.index_cast %add3A_1814 : i32 to index
        %get3A_1820 = arith.constant 16 : index
        %get3A_1821 = tpu.vector_load %arg8[%get3A_1819, %get3A_1820] {strides = array<i32>} : memref<128x128xf32, #tpu.memory_space<vmem>>, vector<1x16xf32>,
        %get3A_1822 = vector.shape_cast %get3A_1821 : vector<1x16xf32> to vector<16xf32>
        %get3A_1823 = arith.index_cast %add3A_1814 : i32 to index
        %get3A_1824 = arith.constant 32 : index
        %get3A_1825 = tpu.vector_load %arg8[%get3A_1823, %get3A_1824] {strides = array<i32>} : memref<128x128xf32, #tpu.memory_space<vmem>>, vector<1x16xf32>,
        %get3A_1826 = vector.shape_cast %get3A_1825 : vector<1x16xf32> to vector<16xf32>
        %get3A_1827 = arith.index_cast %add3A_1814 : i32 to index
        %get3A_1828 = arith.constant 48 : index
        %get3A_1829 = tpu.vector_load %arg8[%get3A_1827, %get3A_1828] {strides = array<i32>} : memref<128x128xf32, #tpu.memory_space<vmem>>, vector<1x16xf32>,
        %get3A_1830 = vector.shape_cast %get3A_1829 : vector<1x16xf32> to vector<16xf32>
        %get3A_1831 = arith.index_cast %add3A_1814 : i32 to index
        %get3A_1832 = arith.constant 64 : index
        %get3A_1833 = tpu.vector_load %arg8[%get3A_1831, %get3A_1832] {strides = array<i32>} : memref<128x128xf32, #tpu.memory_space<vmem>>, vector<1x16xf32>,
        %get3A_1834 = vector.shape_cast %get3A_1833 : vector<1x16xf32> to vector<16xf32>
        %get3A_1835 = arith.index_cast %add3A_1814 : i32 to index
        %get3A_1836 = arith.constant 80 : index
        %get3A_1837 = tpu.vector_load %arg8[%get3A_1835, %get3A_1836] {strides = array<i32>} : memref<128x128xf32, #tpu.memory_space<vmem>>, vector<1x16xf32>,
        %get3A_1838 = vector.shape_cast %get3A_1837 : vector<1x16xf32> to vector<16xf32>
        %get3A_1839 = arith.index_cast %add3A_1814 : i32 to index
        %get3A_1840 = arith.constant 96 : index
        %get3A_1841 = tpu.vector_load %arg8[%get3A_1839, %get3A_1840] {strides = array<i32>} : memref<128x128xf32, #tpu.memory_space<vmem>>, vector<1x16xf32>,
        %get3A_1842 = vector.shape_cast %get3A_1841 : vector<1x16xf32> to vector<16xf32>
        %get3A_1843 = arith.index_cast %add3A_1814 : i32 to index
        %get3A_1844 = arith.constant 112 : index
        %get3A_1845 = tpu.vector_load %arg8[%get3A_1843, %get3A_1844] {strides = array<i32>} : memref<128x128xf32, #tpu.memory_space<vmem>>, vector<1x16xf32>,
        %get3A_1846 = vector.shape_cast %get3A_1845 : vector<1x16xf32> to vector<16xf32>
        %add3A_1847 = arith.addf %add3A_1793, %get3A_1818 : vector<16xf32>
        %add3A_1848 = arith.addf %add3A_1794, %get3A_1822 : vector<16xf32>
        %add3A_1849 = arith.addf %add3A_1795, %get3A_1826 : vector<16xf32>
        %add3A_1850 = arith.addf %add3A_1796, %get3A_1830 : vector<16xf32>
        %add3A_1851 = arith.addf %add3A_1797, %get3A_1834 : vector<16xf32>
        %add3A_1852 = arith.addf %add3A_1798, %get3A_1838 : vector<16xf32>
        %add3A_1853 = arith.addf %add3A_1799, %get3A_1842 : vector<16xf32>
        %add3A_1854 = arith.addf %add3A_1800, %get3A_1846 : vector<16xf32>
        %max3A_1855 = arith.maximumf %max3A_1801, %get3A_1818 : vector<16xf32>
        %max3A_1856 = arith.maximumf %max3A_1802, %get3A_1822 : vector<16xf32>
        %max3A_1857 = arith.maximumf %max3A_1803, %get3A_1826 : vector<16xf32>
        %max3A_1858 = arith.maximumf %max3A_1804, %get3A_1830 : vector<16xf32>
        %max3A_1859 = arith.maximumf %max3A_1805, %get3A_1834 : vector<16xf32>
        %max3A_1860 = arith.maximumf %max3A_1806, %get3A_1838 : vector<16xf32>
        %max3A_1861 = arith.maximumf %max3A_1807, %get3A_1842 : vector<16xf32>
        %max3A_1862 = arith.maximumf %max3A_1808, %get3A_1846 : vector<16xf32>
        scf.yield %add3A_1847, %add3A_1848, %add3A_1849, %add3A_1850, %add3A_1851, %add3A_1852, %add3A_1853, %add3A_1854, %max3A_1855, %max3A_1856, %max3A_1857, %max3A_1858, %max3A_1859, %max3A_1860, %max3A_1861, %max3A_1862 : vector<16xf32>, vector<16xf32>, vector<16xf32>, vector<16xf32>, vector<16xf32>, vector<16xf32>, vector<16xf32>, vector<16xf32>, vector<16xf32>, vector<16xf32>, vector<16xf32>, vector<16xf32>, vector<16xf32>, vector<16xf32>, vector<16xf32>, vector<16xf32>
      }
      %scan3A_1504 = arith.constant 8 : i32
      %mul3A_1505 = arith.constant 3.125000e-02 : f32
      %mul3A_1506 = vector.broadcast %mul3A_1505 : f32 to vector<16xf32>
      %mul3A_1507 = arith.mulf %scan3A_1503#0, %mul3A_1506 : vector<16xf32>
      %swap3A_1508 = arith.constant 3 : i32
      %swap3A_1509 = arith.index_cast %swap3A_1508 : i32 to index
      %swap3A_1510 = arith.constant 0 : index
      %swap3A_1511 = tpu.vector_load %arg10[%swap3A_1509, %swap3A_1510] {strides = array<i32>} : memref<4x256xf32, #tpu.memory_space<vmem>>, vector<1x16xf32>,
      %swap3A_1512 = vector.shape_cast %swap3A_1511 : vector<1x16xf32> to vector<16xf32>
      %swap3A_1513 = vector.shape_cast %mul3A_1507 : vector<16xf32> to vector<1x16xf32>
      tpu.vector_store %arg10[%swap3A_1509, %swap3A_1510], %swap3A_1513 {strides = array<i32>} : memref<4x256xf32, #tpu.memory_space<vmem>>, vector<1x16xf32>,
      %swap3A_1514 = arith.constant 3 : i32
      %swap3A_1515 = arith.index_cast %swap3A_1514 : i32 to index
      %swap3A_1516 = arith.constant 128 : index
      %swap3A_1517 = tpu.vector_load %arg10[%swap3A_1515, %swap3A_1516] {strides = array<i32>} : memref<4x256xf32, #tpu.memory_space<vmem>>, vector<1x16xf32>,
      %swap3A_1518 = vector.shape_cast %swap3A_1517 : vector<1x16xf32> to vector<16xf32>
      %swap3A_1519 = vector.shape_cast %scan3A_1503#8 : vector<16xf32> to vector<1x16xf32>
      tpu.vector_store %arg10[%swap3A_1515, %swap3A_1516], %swap3A_1519 {strides = array<i32>} : memref<4x256xf32, #tpu.memory_space<vmem>>, vector<1x16xf32>,
      %mul3A_1520 = arith.constant 3.125000e-02 : f32
      %mul3A_1521 = vector.broadcast %mul3A_1520 : f32 to vector<16xf32>
      %mul3A_1522 = arith.mulf %scan3A_1503#1, %mul3A_1521 : vector<16xf32>
      %swap3A_1523 = arith.constant 3 : i32
      %swap3A_1524 = arith.index_cast %swap3A_1523 : i32 to index
      %swap3A_1525 = arith.constant 16 : index
      %swap3A_1526 = tpu.vector_load %arg10[%swap3A_1524, %swap3A_1525] {strides = array<i32>} : memref<4x256xf32, #tpu.memory_space<vmem>>, vector<1x16xf32>,
      %swap3A_1527 = vector.shape_cast %swap3A_1526 : vector<1x16xf32> to vector<16xf32>
      %swap3A_1528 = vector.shape_cast %mul3A_1522 : vector<16xf32> to vector<1x16xf32>
      tpu.vector_store %arg10[%swap3A_1524, %swap3A_1525], %swap3A_1528 {strides = array<i32>} : memref<4x256xf32, #tpu.memory_space<vmem>>, vector<1x16xf32>,
      %swap3A_1529 = arith.constant 3 : i32
      %swap3A_1530 = arith.index_cast %swap3A_1529 : i32 to index
      %swap3A_1531 = arith.constant 144 : index
      %swap3A_1532 = tpu.vector_load %arg10[%swap3A_1530, %swap3A_1531] {strides = array<i32>} : memref<4x256xf32, #tpu.memory_space<vmem>>, vector<1x16xf32>,
      %swap3A_1533 = vector.shape_cast %swap3A_1532 : vector<1x16xf32> to vector<16xf32>
      %swap3A_1534 = vector.shape_cast %scan3A_1503#9 : vector<16xf32> to vector<1x16xf32>
      tpu.vector_store %arg10[%swap3A_1530, %swap3A_1531], %swap3A_1534 {strides = array<i32>} : memref<4x256xf32, #tpu.memory_space<vmem>>, vector<1x16xf32>,
      %mul3A_1535 = arith.constant 3.125000e-02 : f32
      %mul3A_1536 = vector.broadcast %mul3A_1535 : f32 to vector<16xf32>
      %mul3A_1537 = arith.mulf %scan3A_1503#2, %mul3A_1536 : vector<16xf32>
      %swap3A_1538 = arith.constant 3 : i32
      %swap3A_1539 = arith.index_cast %swap3A_1538 : i32 to index
      %swap3A_1540 = arith.constant 32 : index
      %swap3A_1541 = tpu.vector_load %arg10[%swap3A_1539, %swap3A_1540] {strides = array<i32>} : memref<4x256xf32, #tpu.memory_space<vmem>>, vector<1x16xf32>,
      %swap3A_1542 = vector.shape_cast %swap3A_1541 : vector<1x16xf32> to vector<16xf32>
      %swap3A_1543 = vector.shape_cast %mul3A_1537 : vector<16xf32> to vector<1x16xf32>
      tpu.vector_store %arg10[%swap3A_1539, %swap3A_1540], %swap3A_1543 {strides = array<i32>} : memref<4x256xf32, #tpu.memory_space<vmem>>, vector<1x16xf32>,
      %swap3A_1544 = arith.constant 3 : i32
      %swap3A_1545 = arith.index_cast %swap3A_1544 : i32 to index
      %swap3A_1546 = arith.constant 160 : index
      %swap3A_1547 = tpu.vector_load %arg10[%swap3A_1545, %swap3A_1546] {strides = array<i32>} : memref<4x256xf32, #tpu.memory_space<vmem>>, vector<1x16xf32>,
      %swap3A_1548 = vector.shape_cast %swap3A_1547 : vector<1x16xf32> to vector<16xf32>
      %swap3A_1549 = vector.shape_cast %scan3A_1503#10 : vector<16xf32> to vector<1x16xf32>
      tpu.vector_store %arg10[%swap3A_1545, %swap3A_1546], %swap3A_1549 {strides = array<i32>} : memref<4x256xf32, #tpu.memory_space<vmem>>, vector<1x16xf32>,
      %mul3A_1550 = arith.constant 3.125000e-02 : f32
      %mul3A_1551 = vector.broadcast %mul3A_1550 : f32 to vector<16xf32>
      %mul3A_1552 = arith.mulf %scan3A_1503#3, %mul3A_1551 : vector<16xf32>
      %swap3A_1553 = arith.constant 3 : i32
      %swap3A_1554 = arith.index_cast %swap3A_1553 : i32 to index
      %swap3A_1555 = arith.constant 48 : index
      %swap3A_1556 = tpu.vector_load %arg10[%swap3A_1554, %swap3A_1555] {strides = array<i32>} : memref<4x256xf32, #tpu.memory_space<vmem>>, vector<1x16xf32>,
      %swap3A_1557 = vector.shape_cast %swap3A_1556 : vector<1x16xf32> to vector<16xf32>
      %swap3A_1558 = vector.shape_cast %mul3A_1552 : vector<16xf32> to vector<1x16xf32>
      tpu.vector_store %arg10[%swap3A_1554, %swap3A_1555], %swap3A_1558 {strides = array<i32>} : memref<4x256xf32, #tpu.memory_space<vmem>>, vector<1x16xf32>,
      %swap3A_1559 = arith.constant 3 : i32
      %swap3A_1560 = arith.index_cast %swap3A_1559 : i32 to index
      %swap3A_1561 = arith.constant 176 : index
      %swap3A_1562 = tpu.vector_load %arg10[%swap3A_1560, %swap3A_1561] {strides = array<i32>} : memref<4x256xf32, #tpu.memory_space<vmem>>, vector<1x16xf32>,
      %swap3A_1563 = vector.shape_cast %swap3A_1562 : vector<1x16xf32> to vector<16xf32>
      %swap3A_1564 = vector.shape_cast %scan3A_1503#11 : vector<16xf32> to vector<1x16xf32>
      tpu.vector_store %arg10[%swap3A_1560, %swap3A_1561], %swap3A_1564 {strides = array<i32>} : memref<4x256xf32, #tpu.memory_space<vmem>>, vector<1x16xf32>,
      %mul3A_1565 = arith.constant 3.125000e-02 : f32
      %mul3A_1566 = vector.broadcast %mul3A_1565 : f32 to vector<16xf32>
      %mul3A_1567 = arith.mulf %scan3A_1503#4, %mul3A_1566 : vector<16xf32>
      %swap3A_1568 = arith.constant 3 : i32
      %swap3A_1569 = arith.index_cast %swap3A_1568 : i32 to index
      %swap3A_1570 = arith.constant 64 : index
      %swap3A_1571 = tpu.vector_load %arg10[%swap3A_1569, %swap3A_1570] {strides = array<i32>} : memref<4x256xf32, #tpu.memory_space<vmem>>, vector<1x16xf32>,
      %swap3A_1572 = vector.shape_cast %swap3A_1571 : vector<1x16xf32> to vector<16xf32>
      %swap3A_1573 = vector.shape_cast %mul3A_1567 : vector<16xf32> to vector<1x16xf32>
      tpu.vector_store %arg10[%swap3A_1569, %swap3A_1570], %swap3A_1573 {strides = array<i32>} : memref<4x256xf32, #tpu.memory_space<vmem>>, vector<1x16xf32>,
      %swap3A_1574 = arith.constant 3 : i32
      %swap3A_1575 = arith.index_cast %swap3A_1574 : i32 to index
      %swap3A_1576 = arith.constant 192 : index
      %swap3A_1577 = tpu.vector_load %arg10[%swap3A_1575, %swap3A_1576] {strides = array<i32>} : memref<4x256xf32, #tpu.memory_space<vmem>>, vector<1x16xf32>,
      %swap3A_1578 = vector.shape_cast %swap3A_1577 : vector<1x16xf32> to vector<16xf32>
      %swap3A_1579 = vector.shape_cast %scan3A_1503#12 : vector<16xf32> to vector<1x16xf32>
      tpu.vector_store %arg10[%swap3A_1575, %swap3A_1576], %swap3A_1579 {strides = array<i32>} : memref<4x256xf32, #tpu.memory_space<vmem>>, vector<1x16xf32>,
      %mul3A_1580 = arith.constant 3.125000e-02 : f32
      %mul3A_1581 = vector.broadcast %mul3A_1580 : f32 to vector<16xf32>
      %mul3A_1582 = arith.mulf %scan3A_1503#5, %mul3A_1581 : vector<16xf32>
      %swap3A_1583 = arith.constant 3 : i32
      %swap3A_1584 = arith.index_cast %swap3A_1583 : i32 to index
      %swap3A_1585 = arith.constant 80 : index
      %swap3A_1586 = tpu.vector_load %arg10[%swap3A_1584, %swap3A_1585] {strides = array<i32>} : memref<4x256xf32, #tpu.memory_space<vmem>>, vector<1x16xf32>,
      %swap3A_1587 = vector.shape_cast %swap3A_1586 : vector<1x16xf32> to vector<16xf32>
      %swap3A_1588 = vector.shape_cast %mul3A_1582 : vector<16xf32> to vector<1x16xf32>
      tpu.vector_store %arg10[%swap3A_1584, %swap3A_1585], %swap3A_1588 {strides = array<i32>} : memref<4x256xf32, #tpu.memory_space<vmem>>, vector<1x16xf32>,
      %swap3A_1589 = arith.constant 3 : i32
      %swap3A_1590 = arith.index_cast %swap3A_1589 : i32 to index
      %swap3A_1591 = arith.constant 208 : index
      %swap3A_1592 = tpu.vector_load %arg10[%swap3A_1590, %swap3A_1591] {strides = array<i32>} : memref<4x256xf32, #tpu.memory_space<vmem>>, vector<1x16xf32>,
      %swap3A_1593 = vector.shape_cast %swap3A_1592 : vector<1x16xf32> to vector<16xf32>
      %swap3A_1594 = vector.shape_cast %scan3A_1503#13 : vector<16xf32> to vector<1x16xf32>
      tpu.vector_store %arg10[%swap3A_1590, %swap3A_1591], %swap3A_1594 {strides = array<i32>} : memref<4x256xf32, #tpu.memory_space<vmem>>, vector<1x16xf32>,
      %mul3A_1595 = arith.constant 3.125000e-02 : f32
      %mul3A_1596 = vector.broadcast %mul3A_1595 : f32 to vector<16xf32>
      %mul3A_1597 = arith.mulf %scan3A_1503#6, %mul3A_1596 : vector<16xf32>
      %swap3A_1598 = arith.constant 3 : i32
      %swap3A_1599 = arith.index_cast %swap3A_1598 : i32 to index
      %swap3A_1600 = arith.constant 96 : index
      %swap3A_1601 = tpu.vector_load %arg10[%swap3A_1599, %swap3A_1600] {strides = array<i32>} : memref<4x256xf32, #tpu.memory_space<vmem>>, vector<1x16xf32>,
      %swap3A_1602 = vector.shape_cast %swap3A_1601 : vector<1x16xf32> to vector<16xf32>
      %swap3A_1603 = vector.shape_cast %mul3A_1597 : vector<16xf32> to vector<1x16xf32>
      tpu.vector_store %arg10[%swap3A_1599, %swap3A_1600], %swap3A_1603 {strides = array<i32>} : memref<4x256xf32, #tpu.memory_space<vmem>>, vector<1x16xf32>,
      %swap3A_1604 = arith.constant 3 : i32
      %swap3A_1605 = arith.index_cast %swap3A_1604 : i32 to index
      %swap3A_1606 = arith.constant 224 : index
      %swap3A_1607 = tpu.vector_load %arg10[%swap3A_1605, %swap3A_1606] {strides = array<i32>} : memref<4x256xf32, #tpu.memory_space<vmem>>, vector<1x16xf32>,
      %swap3A_1608 = vector.shape_cast %swap3A_1607 : vector<1x16xf32> to vector<16xf32>
      %swap3A_1609 = vector.shape_cast %scan3A_1503#14 : vector<16xf32> to vector<1x16xf32>
      tpu.vector_store %arg10[%swap3A_1605, %swap3A_1606], %swap3A_1609 {strides = array<i32>} : memref<4x256xf32, #tpu.memory_space<vmem>>, vector<1x16xf32>,
      %mul3A_1610 = arith.constant 3.125000e-02 : f32
      %mul3A_1611 = vector.broadcast %mul3A_1610 : f32 to vector<16xf32>
      %mul3A_1612 = arith.mulf %scan3A_1503#7, %mul3A_1611 : vector<16xf32>
      %swap3A_1613 = arith.constant 3 : i32
      %swap3A_1614 = arith.index_cast %swap3A_1613 : i32 to index
      %swap3A_1615 = arith.constant 112 : index
      %swap3A_1616 = tpu.vector_load %arg10[%swap3A_1614, %swap3A_1615] {strides = array<i32>} : memref<4x256xf32, #tpu.memory_space<vmem>>, vector<1x16xf32>,
      %swap3A_1617 = vector.shape_cast %swap3A_1616 : vector<1x16xf32> to vector<16xf32>
      %swap3A_1618 = vector.shape_cast %mul3A_1612 : vector<16xf32> to vector<1x16xf32>
      tpu.vector_store %arg10[%swap3A_1614, %swap3A_1615], %swap3A_1618 {strides = array<i32>} : memref<4x256xf32, #tpu.memory_space<vmem>>, vector<1x16xf32>,
      %swap3A_1619 = arith.constant 3 : i32
      %swap3A_1620 = arith.index_cast %swap3A_1619 : i32 to index
      %swap3A_1621 = arith.constant 240 : index
      %swap3A_1622 = tpu.vector_load %arg10[%swap3A_1620, %swap3A_1621] {strides = array<i32>} : memref<4x256xf32, #tpu.memory_space<vmem>>, vector<1x16xf32>,
      %swap3A_1623 = vector.shape_cast %swap3A_1622 : vector<1x16xf32> to vector<16xf32>
      %swap3A_1624 = vector.shape_cast %scan3A_1503#15 : vector<16xf32> to vector<1x16xf32>
      tpu.vector_store %arg10[%swap3A_1620, %swap3A_1621], %swap3A_1624 {strides = array<i32>} : memref<4x256xf32, #tpu.memory_space<vmem>>, vector<1x16xf32>,
      %add3A_1625 = arith.addi %min3A_3, %add3A_1116 : i32
      %mul3A_1626 = arith.constant 4 : i32
      %mul3A_1627 = arith.muli %add3A_1625, %mul3A_1626 : i32
      %dma_start3A_1628 = arith.constant 0 : i32
      %dma_start3A_1629 = tpu.memref_slice %arg4[%mul3A_1627, %dma_start3A_1628] : memref<10000x256xf32, #tpu.memory_space<hbm>> -> memref<4x256xf32, #tpu.memory_space<hbm>>
      %dma_start3A_1630 = arith.constant 0 : i32
      %dma_start3A_1631 = tpu.memref_slice %arg4[%mul3A_1627, %dma_start3A_1630] : memref<10000x256xf32, #tpu.memory_space<hbm>> -> memref<4x256xf32, #tpu.memory_space<hbm>>
      tpu.enqueue_dma source(%arg10 : memref<4x256xf32, #tpu.memory_space<vmem>>) target(%dma_start3A_1631 : memref<4x256xf32, #tpu.memory_space<hbm>>) target_semaphore(%arg14 : memref<!tpu.dma_semaphore, #tpu.memory_space<semaphore_mem>>)
    }
    %scan3A_25 = arith.constant 39 : i32
    %dma_wait3A_26 = arith.constant 0 : i32
    %dma_wait3A_27 = tpu.memref_slice %arg6[%dma_wait3A_26] : memref<10112xi32, #tpu.memory_space<vmem>> -> memref<128xi32, #tpu.memory_space<vmem>>
    %dma_wait3A_28 = arith.constant 0 : i32
    %dma_wait3A_29 = arith.constant 0 : i32
    %dma_wait3A_30 = tpu.memref_slice %arg5[%dma_wait3A_28, %dma_wait3A_29] : memref<10000x128xf32, #tpu.memory_space<vmem_shared>> -> memref<10000x128xf32, #tpu.memory_space<vmem_shared>>
    tpu.wait_indirect_dma semaphore(%arg11 : memref<!tpu.dma_semaphore, #tpu.memory_space<semaphore_mem>>) src(%dma_wait3A_30 : memref<10000x128xf32, #tpu.memory_space<vmem_shared>>) dst(%arg7 : memref<128x128xf32, #tpu.memory_space<vmem>>)
    %dma_wait3A_31 = arith.constant 0 : i32
    %dma_wait3A_32 = arith.constant 0 : i32
    %dma_wait3A_33 = tpu.memref_slice %arg4[%dma_wait3A_31, %dma_wait3A_32] : memref<10000x256xf32, #tpu.memory_space<hbm>> -> memref<4x256xf32, #tpu.memory_space<hbm>>
    %dma_wait3A_34 = arith.constant 0 : i32
    %dma_wait3A_35 = arith.constant 0 : i32
    %dma_wait3A_36 = tpu.memref_slice %arg4[%dma_wait3A_34, %dma_wait3A_35] : memref<10000x256xf32, #tpu.memory_space<hbm>> -> memref<4x256xf32, #tpu.memory_space<hbm>>
    tpu.wait_dma2 semaphore(%arg13 : memref<!tpu.dma_semaphore, #tpu.memory_space<semaphore_mem>>) src(%arg9 : memref<4x256xf32, #tpu.memory_space<vmem>>) dst(%dma_wait3A_36 : memref<4x256xf32, #tpu.memory_space<hbm>>)
    %broadcast_in_dim3A = arith.constant 0.000000e+00 : f32
    %broadcast_in_dim3A_37 = vector.broadcast %broadcast_in_dim3A : f32 to vector<16xf32>
    %broadcast_in_dim3A_38 = arith.constant 0xFF800000 : f32
    %broadcast_in_dim3A_39 = vector.broadcast %broadcast_in_dim3A_38 : f32 to vector<16xf32>
    %scan3A_40 = arith.constant 0 : i32
    %scan3A_41 = arith.constant 8 : i32
    %scan3A_42 = arith.addi %scan3A_40, %scan3A_41 : i32
    %scan3A_43 = arith.constant 1 : i32
    %scan3A_44:16 = scf.for %scan3A_563 = %scan3A_40 to %scan3A_42 step %scan3A_43 iter_args(%scan3A_564 = %broadcast_in_dim3A_37, %scan3A_565 = %broadcast_in_dim3A_37, %scan3A_566 = %broadcast_in_dim3A_37, %scan3A_567 = %broadcast_in_dim3A_37, %scan3A_568 = %broadcast_in_dim3A_37, %scan3A_569 = %broadcast_in_dim3A_37, %scan3A_570 = %broadcast_in_dim3A_37, %scan3A_571 = %broadcast_in_dim3A_37, %scan3A_572 = %broadcast_in_dim3A_39, %scan3A_573 = %broadcast_in_dim3A_39, %scan3A_574 = %broadcast_in_dim3A_39, %scan3A_575 = %broadcast_in_dim3A_39, %scan3A_576 = %broadcast_in_dim3A_39, %scan3A_577 = %broadcast_in_dim3A_39, %scan3A_578 = %broadcast_in_dim3A_39, %scan3A_579 = %broadcast_in_dim3A_39) -> (vector<16xf32>, vector<16xf32>, vector<16xf32>, vector<16xf32>, vector<16xf32>, vector<16xf32>, vector<16xf32>, vector<16xf32>, vector<16xf32>, vector<16xf32>, vector<16xf32>, vector<16xf32>, vector<16xf32>, vector<16xf32>, vector<16xf32>, vector<16xf32>)  : i32 {
      %mul3A_580 = arith.constant 4 : i32
      %mul3A_581 = arith.muli %scan3A_563, %mul3A_580 : i32
      %add3A_582 = arith.constant 0 : i32
      %add3A_583 = arith.addi %add3A_582, %mul3A_581 : i32
      %add3A_584 = arith.constant 0 : i32
      %add3A_585 = arith.addi %add3A_583, %add3A_584 : i32
      %get3A = arith.index_cast %add3A_585 : i32 to index
      %get3A_586 = arith.constant 0 : index
      %get3A_587 = tpu.vector_load %arg7[%get3A, %get3A_586] {strides = array<i32>} : memref<128x128xf32, #tpu.memory_space<vmem>>, vector<1x16xf32>,
      %get3A_588 = vector.shape_cast %get3A_587 : vector<1x16xf32> to vector<16xf32>
      %get3A_589 = arith.index_cast %add3A_585 : i32 to index
      %get3A_590 = arith.constant 16 : index
      %get3A_591 = tpu.vector_load %arg7[%get3A_589, %get3A_590] {strides = array<i32>} : memref<128x128xf32, #tpu.memory_space<vmem>>, vector<1x16xf32>,
      %get3A_592 = vector.shape_cast %get3A_591 : vector<1x16xf32> to vector<16xf32>
      %get3A_593 = arith.index_cast %add3A_585 : i32 to index
      %get3A_594 = arith.constant 32 : index
      %get3A_595 = tpu.vector_load %arg7[%get3A_593, %get3A_594] {strides = array<i32>} : memref<128x128xf32, #tpu.memory_space<vmem>>, vector<1x16xf32>,
      %get3A_596 = vector.shape_cast %get3A_595 : vector<1x16xf32> to vector<16xf32>
      %get3A_597 = arith.index_cast %add3A_585 : i32 to index
      %get3A_598 = arith.constant 48 : index
      %get3A_599 = tpu.vector_load %arg7[%get3A_597, %get3A_598] {strides = array<i32>} : memref<128x128xf32, #tpu.memory_space<vmem>>, vector<1x16xf32>,
      %get3A_600 = vector.shape_cast %get3A_599 : vector<1x16xf32> to vector<16xf32>
      %get3A_601 = arith.index_cast %add3A_585 : i32 to index
      %get3A_602 = arith.constant 64 : index
      %get3A_603 = tpu.vector_load %arg7[%get3A_601, %get3A_602] {strides = array<i32>} : memref<128x128xf32, #tpu.memory_space<vmem>>, vector<1x16xf32>,
      %get3A_604 = vector.shape_cast %get3A_603 : vector<1x16xf32> to vector<16xf32>
      %get3A_605 = arith.index_cast %add3A_585 : i32 to index
      %get3A_606 = arith.constant 80 : index
      %get3A_607 = tpu.vector_load %arg7[%get3A_605, %get3A_606] {strides = array<i32>} : memref<128x128xf32, #tpu.memory_space<vmem>>, vector<1x16xf32>,
      %get3A_608 = vector.shape_cast %get3A_607 : vector<1x16xf32> to vector<16xf32>
      %get3A_609 = arith.index_cast %add3A_585 : i32 to index
      %get3A_610 = arith.constant 96 : index
      %get3A_611 = tpu.vector_load %arg7[%get3A_609, %get3A_610] {strides = array<i32>} : memref<128x128xf32, #tpu.memory_space<vmem>>, vector<1x16xf32>,
      %get3A_612 = vector.shape_cast %get3A_611 : vector<1x16xf32> to vector<16xf32>
      %get3A_613 = arith.index_cast %add3A_585 : i32 to index
      %get3A_614 = arith.constant 112 : index
      %get3A_615 = tpu.vector_load %arg7[%get3A_613, %get3A_614] {strides = array<i32>} : memref<128x128xf32, #tpu.memory_space<vmem>>, vector<1x16xf32>,
      %get3A_616 = vector.shape_cast %get3A_615 : vector<1x16xf32> to vector<16xf32>
      %add3A_617 = arith.addf %scan3A_564, %get3A_588 : vector<16xf32>
      %add3A_618 = arith.addf %scan3A_565, %get3A_592 : vector<16xf32>
      %add3A_619 = arith.addf %scan3A_566, %get3A_596 : vector<16xf32>
      %add3A_620 = arith.addf %scan3A_567, %get3A_600 : vector<16xf32>
      %add3A_621 = arith.addf %scan3A_568, %get3A_604 : vector<16xf32>
      %add3A_622 = arith.addf %scan3A_569, %get3A_608 : vector<16xf32>
      %add3A_623 = arith.addf %scan3A_570, %get3A_612 : vector<16xf32>
      %add3A_624 = arith.addf %scan3A_571, %get3A_616 : vector<16xf32>
      %max3A = arith.maximumf %scan3A_572, %get3A_588 : vector<16xf32>
      %max3A_625 = arith.maximumf %scan3A_573, %get3A_592 : vector<16xf32>
      %max3A_626 = arith.maximumf %scan3A_574, %get3A_596 : vector<16xf32>
      %max3A_627 = arith.maximumf %scan3A_575, %get3A_600 : vector<16xf32>
      %max3A_628 = arith.maximumf %scan3A_576, %get3A_604 : vector<16xf32>
      %max3A_629 = arith.maximumf %scan3A_577, %get3A_608 : vector<16xf32>
      %max3A_630 = arith.maximumf %scan3A_578, %get3A_612 : vector<16xf32>
      %max3A_631 = arith.maximumf %scan3A_579, %get3A_616 : vector<16xf32>
      %mul3A_632 = arith.constant 4 : i32
      %mul3A_633 = arith.muli %scan3A_563, %mul3A_632 : i32
      %add3A_634 = arith.constant 0 : i32
      %add3A_635 = arith.addi %add3A_634, %mul3A_633 : i32
      %add3A_636 = arith.constant 1 : i32
      %add3A_637 = arith.addi %add3A_635, %add3A_636 : i32
      %get3A_638 = arith.index_cast %add3A_637 : i32 to index
      %get3A_639 = arith.constant 0 : index
      %get3A_640 = tpu.vector_load %arg7[%get3A_638, %get3A_639] {strides = array<i32>} : memref<128x128xf32, #tpu.memory_space<vmem>>, vector<1x16xf32>,
      %get3A_641 = vector.shape_cast %get3A_640 : vector<1x16xf32> to vector<16xf32>
      %get3A_642 = arith.index_cast %add3A_637 : i32 to index
      %get3A_643 = arith.constant 16 : index
      %get3A_644 = tpu.vector_load %arg7[%get3A_642, %get3A_643] {strides = array<i32>} : memref<128x128xf32, #tpu.memory_space<vmem>>, vector<1x16xf32>,
      %get3A_645 = vector.shape_cast %get3A_644 : vector<1x16xf32> to vector<16xf32>
      %get3A_646 = arith.index_cast %add3A_637 : i32 to index
      %get3A_647 = arith.constant 32 : index
      %get3A_648 = tpu.vector_load %arg7[%get3A_646, %get3A_647] {strides = array<i32>} : memref<128x128xf32, #tpu.memory_space<vmem>>, vector<1x16xf32>,
      %get3A_649 = vector.shape_cast %get3A_648 : vector<1x16xf32> to vector<16xf32>
      %get3A_650 = arith.index_cast %add3A_637 : i32 to index
      %get3A_651 = arith.constant 48 : index
      %get3A_652 = tpu.vector_load %arg7[%get3A_650, %get3A_651] {strides = array<i32>} : memref<128x128xf32, #tpu.memory_space<vmem>>, vector<1x16xf32>,
      %get3A_653 = vector.shape_cast %get3A_652 : vector<1x16xf32> to vector<16xf32>
      %get3A_654 = arith.index_cast %add3A_637 : i32 to index
      %get3A_655 = arith.constant 64 : index
      %get3A_656 = tpu.vector_load %arg7[%get3A_654, %get3A_655] {strides = array<i32>} : memref<128x128xf32, #tpu.memory_space<vmem>>, vector<1x16xf32>,
      %get3A_657 = vector.shape_cast %get3A_656 : vector<1x16xf32> to vector<16xf32>
      %get3A_658 = arith.index_cast %add3A_637 : i32 to index
      %get3A_659 = arith.constant 80 : index
      %get3A_660 = tpu.vector_load %arg7[%get3A_658, %get3A_659] {strides = array<i32>} : memref<128x128xf32, #tpu.memory_space<vmem>>, vector<1x16xf32>,
      %get3A_661 = vector.shape_cast %get3A_660 : vector<1x16xf32> to vector<16xf32>
      %get3A_662 = arith.index_cast %add3A_637 : i32 to index
      %get3A_663 = arith.constant 96 : index
      %get3A_664 = tpu.vector_load %arg7[%get3A_662, %get3A_663] {strides = array<i32>} : memref<128x128xf32, #tpu.memory_space<vmem>>, vector<1x16xf32>,
      %get3A_665 = vector.shape_cast %get3A_664 : vector<1x16xf32> to vector<16xf32>
      %get3A_666 = arith.index_cast %add3A_637 : i32 to index
      %get3A_667 = arith.constant 112 : index
      %get3A_668 = tpu.vector_load %arg7[%get3A_666, %get3A_667] {strides = array<i32>} : memref<128x128xf32, #tpu.memory_space<vmem>>, vector<1x16xf32>,
      %get3A_669 = vector.shape_cast %get3A_668 : vector<1x16xf32> to vector<16xf32>
      %add3A_670 = arith.addf %add3A_617, %get3A_641 : vector<16xf32>
      %add3A_671 = arith.addf %add3A_618, %get3A_645 : vector<16xf32>
      %add3A_672 = arith.addf %add3A_619, %get3A_649 : vector<16xf32>
      %add3A_673 = arith.addf %add3A_620, %get3A_653 : vector<16xf32>
      %add3A_674 = arith.addf %add3A_621, %get3A_657 : vector<16xf32>
      %add3A_675 = arith.addf %add3A_622, %get3A_661 : vector<16xf32>
      %add3A_676 = arith.addf %add3A_623, %get3A_665 : vector<16xf32>
      %add3A_677 = arith.addf %add3A_624, %get3A_669 : vector<16xf32>
      %max3A_678 = arith.maximumf %max3A, %get3A_641 : vector<16xf32>
      %max3A_679 = arith.maximumf %max3A_625, %get3A_645 : vector<16xf32>
      %max3A_680 = arith.maximumf %max3A_626, %get3A_649 : vector<16xf32>
      %max3A_681 = arith.maximumf %max3A_627, %get3A_653 : vector<16xf32>
      %max3A_682 = arith.maximumf %max3A_628, %get3A_657 : vector<16xf32>
      %max3A_683 = arith.maximumf %max3A_629, %get3A_661 : vector<16xf32>
      %max3A_684 = arith.maximumf %max3A_630, %get3A_665 : vector<16xf32>
      %max3A_685 = arith.maximumf %max3A_631, %get3A_669 : vector<16xf32>
      %mul3A_686 = arith.constant 4 : i32
      %mul3A_687 = arith.muli %scan3A_563, %mul3A_686 : i32
      %add3A_688 = arith.constant 0 : i32
      %add3A_689 = arith.addi %add3A_688, %mul3A_687 : i32
      %add3A_690 = arith.constant 2 : i32
      %add3A_691 = arith.addi %add3A_689, %add3A_690 : i32
      %get3A_692 = arith.index_cast %add3A_691 : i32 to index
      %get3A_693 = arith.constant 0 : index
      %get3A_694 = tpu.vector_load %arg7[%get3A_692, %get3A_693] {strides = array<i32>} : memref<128x128xf32, #tpu.memory_space<vmem>>, vector<1x16xf32>,
      %get3A_695 = vector.shape_cast %get3A_694 : vector<1x16xf32> to vector<16xf32>
      %get3A_696 = arith.index_cast %add3A_691 : i32 to index
      %get3A_697 = arith.constant 16 : index
      %get3A_698 = tpu.vector_load %arg7[%get3A_696, %get3A_697] {strides = array<i32>} : memref<128x128xf32, #tpu.memory_space<vmem>>, vector<1x16xf32>,
      %get3A_699 = vector.shape_cast %get3A_698 : vector<1x16xf32> to vector<16xf32>
      %get3A_700 = arith.index_cast %add3A_691 : i32 to index
      %get3A_701 = arith.constant 32 : index
      %get3A_702 = tpu.vector_load %arg7[%get3A_700, %get3A_701] {strides = array<i32>} : memref<128x128xf32, #tpu.memory_space<vmem>>, vector<1x16xf32>,
      %get3A_703 = vector.shape_cast %get3A_702 : vector<1x16xf32> to vector<16xf32>
      %get3A_704 = arith.index_cast %add3A_691 : i32 to index
      %get3A_705 = arith.constant 48 : index
      %get3A_706 = tpu.vector_load %arg7[%get3A_704, %get3A_705] {strides = array<i32>} : memref<128x128xf32, #tpu.memory_space<vmem>>, vector<1x16xf32>,
      %get3A_707 = vector.shape_cast %get3A_706 : vector<1x16xf32> to vector<16xf32>
      %get3A_708 = arith.index_cast %add3A_691 : i32 to index
      %get3A_709 = arith.constant 64 : index
      %get3A_710 = tpu.vector_load %arg7[%get3A_708, %get3A_709] {strides = array<i32>} : memref<128x128xf32, #tpu.memory_space<vmem>>, vector<1x16xf32>,
      %get3A_711 = vector.shape_cast %get3A_710 : vector<1x16xf32> to vector<16xf32>
      %get3A_712 = arith.index_cast %add3A_691 : i32 to index
      %get3A_713 = arith.constant 80 : index
      %get3A_714 = tpu.vector_load %arg7[%get3A_712, %get3A_713] {strides = array<i32>} : memref<128x128xf32, #tpu.memory_space<vmem>>, vector<1x16xf32>,
      %get3A_715 = vector.shape_cast %get3A_714 : vector<1x16xf32> to vector<16xf32>
      %get3A_716 = arith.index_cast %add3A_691 : i32 to index
      %get3A_717 = arith.constant 96 : index
      %get3A_718 = tpu.vector_load %arg7[%get3A_716, %get3A_717] {strides = array<i32>} : memref<128x128xf32, #tpu.memory_space<vmem>>, vector<1x16xf32>,
      %get3A_719 = vector.shape_cast %get3A_718 : vector<1x16xf32> to vector<16xf32>
      %get3A_720 = arith.index_cast %add3A_691 : i32 to index
      %get3A_721 = arith.constant 112 : index
      %get3A_722 = tpu.vector_load %arg7[%get3A_720, %get3A_721] {strides = array<i32>} : memref<128x128xf32, #tpu.memory_space<vmem>>, vector<1x16xf32>,
      %get3A_723 = vector.shape_cast %get3A_722 : vector<1x16xf32> to vector<16xf32>
      %add3A_724 = arith.addf %add3A_670, %get3A_695 : vector<16xf32>
      %add3A_725 = arith.addf %add3A_671, %get3A_699 : vector<16xf32>
      %add3A_726 = arith.addf %add3A_672, %get3A_703 : vector<16xf32>
      %add3A_727 = arith.addf %add3A_673, %get3A_707 : vector<16xf32>
      %add3A_728 = arith.addf %add3A_674, %get3A_711 : vector<16xf32>
      %add3A_729 = arith.addf %add3A_675, %get3A_715 : vector<16xf32>
      %add3A_730 = arith.addf %add3A_676, %get3A_719 : vector<16xf32>
      %add3A_731 = arith.addf %add3A_677, %get3A_723 : vector<16xf32>
      %max3A_732 = arith.maximumf %max3A_678, %get3A_695 : vector<16xf32>
      %max3A_733 = arith.maximumf %max3A_679, %get3A_699 : vector<16xf32>
      %max3A_734 = arith.maximumf %max3A_680, %get3A_703 : vector<16xf32>
      %max3A_735 = arith.maximumf %max3A_681, %get3A_707 : vector<16xf32>
      %max3A_736 = arith.maximumf %max3A_682, %get3A_711 : vector<16xf32>
      %max3A_737 = arith.maximumf %max3A_683, %get3A_715 : vector<16xf32>
      %max3A_738 = arith.maximumf %max3A_684, %get3A_719 : vector<16xf32>
      %max3A_739 = arith.maximumf %max3A_685, %get3A_723 : vector<16xf32>
      %mul3A_740 = arith.constant 4 : i32
      %mul3A_741 = arith.muli %scan3A_563, %mul3A_740 : i32
      %add3A_742 = arith.constant 0 : i32
      %add3A_743 = arith.addi %add3A_742, %mul3A_741 : i32
      %add3A_744 = arith.constant 3 : i32
      %add3A_745 = arith.addi %add3A_743, %add3A_744 : i32
      %get3A_746 = arith.index_cast %add3A_745 : i32 to index
      %get3A_747 = arith.constant 0 : index
      %get3A_748 = tpu.vector_load %arg7[%get3A_746, %get3A_747] {strides = array<i32>} : memref<128x128xf32, #tpu.memory_space<vmem>>, vector<1x16xf32>,
      %get3A_749 = vector.shape_cast %get3A_748 : vector<1x16xf32> to vector<16xf32>
      %get3A_750 = arith.index_cast %add3A_745 : i32 to index
      %get3A_751 = arith.constant 16 : index
      %get3A_752 = tpu.vector_load %arg7[%get3A_750, %get3A_751] {strides = array<i32>} : memref<128x128xf32, #tpu.memory_space<vmem>>, vector<1x16xf32>,
      %get3A_753 = vector.shape_cast %get3A_752 : vector<1x16xf32> to vector<16xf32>
      %get3A_754 = arith.index_cast %add3A_745 : i32 to index
      %get3A_755 = arith.constant 32 : index
      %get3A_756 = tpu.vector_load %arg7[%get3A_754, %get3A_755] {strides = array<i32>} : memref<128x128xf32, #tpu.memory_space<vmem>>, vector<1x16xf32>,
      %get3A_757 = vector.shape_cast %get3A_756 : vector<1x16xf32> to vector<16xf32>
      %get3A_758 = arith.index_cast %add3A_745 : i32 to index
      %get3A_759 = arith.constant 48 : index
      %get3A_760 = tpu.vector_load %arg7[%get3A_758, %get3A_759] {strides = array<i32>} : memref<128x128xf32, #tpu.memory_space<vmem>>, vector<1x16xf32>,
      %get3A_761 = vector.shape_cast %get3A_760 : vector<1x16xf32> to vector<16xf32>
      %get3A_762 = arith.index_cast %add3A_745 : i32 to index
      %get3A_763 = arith.constant 64 : index
      %get3A_764 = tpu.vector_load %arg7[%get3A_762, %get3A_763] {strides = array<i32>} : memref<128x128xf32, #tpu.memory_space<vmem>>, vector<1x16xf32>,
      %get3A_765 = vector.shape_cast %get3A_764 : vector<1x16xf32> to vector<16xf32>
      %get3A_766 = arith.index_cast %add3A_745 : i32 to index
      %get3A_767 = arith.constant 80 : index
      %get3A_768 = tpu.vector_load %arg7[%get3A_766, %get3A_767] {strides = array<i32>} : memref<128x128xf32, #tpu.memory_space<vmem>>, vector<1x16xf32>,
      %get3A_769 = vector.shape_cast %get3A_768 : vector<1x16xf32> to vector<16xf32>
      %get3A_770 = arith.index_cast %add3A_745 : i32 to index
      %get3A_771 = arith.constant 96 : index
      %get3A_772 = tpu.vector_load %arg7[%get3A_770, %get3A_771] {strides = array<i32>} : memref<128x128xf32, #tpu.memory_space<vmem>>, vector<1x16xf32>,
      %get3A_773 = vector.shape_cast %get3A_772 : vector<1x16xf32> to vector<16xf32>
      %get3A_774 = arith.index_cast %add3A_745 : i32 to index
      %get3A_775 = arith.constant 112 : index
      %get3A_776 = tpu.vector_load %arg7[%get3A_774, %get3A_775] {strides = array<i32>} : memref<128x128xf32, #tpu.memory_space<vmem>>, vector<1x16xf32>,
      %get3A_777 = vector.shape_cast %get3A_776 : vector<1x16xf32> to vector<16xf32>
      %add3A_778 = arith.addf %add3A_724, %get3A_749 : vector<16xf32>
      %add3A_779 = arith.addf %add3A_725, %get3A_753 : vector<16xf32>
      %add3A_780 = arith.addf %add3A_726, %get3A_757 : vector<16xf32>
      %add3A_781 = arith.addf %add3A_727, %get3A_761 : vector<16xf32>
      %add3A_782 = arith.addf %add3A_728, %get3A_765 : vector<16xf32>
      %add3A_783 = arith.addf %add3A_729, %get3A_769 : vector<16xf32>
      %add3A_784 = arith.addf %add3A_730, %get3A_773 : vector<16xf32>
      %add3A_785 = arith.addf %add3A_731, %get3A_777 : vector<16xf32>
      %max3A_786 = arith.maximumf %max3A_732, %get3A_749 : vector<16xf32>
      %max3A_787 = arith.maximumf %max3A_733, %get3A_753 : vector<16xf32>
      %max3A_788 = arith.maximumf %max3A_734, %get3A_757 : vector<16xf32>
      %max3A_789 = arith.maximumf %max3A_735, %get3A_761 : vector<16xf32>
      %max3A_790 = arith.maximumf %max3A_736, %get3A_765 : vector<16xf32>
      %max3A_791 = arith.maximumf %max3A_737, %get3A_769 : vector<16xf32>
      %max3A_792 = arith.maximumf %max3A_738, %get3A_773 : vector<16xf32>
      %max3A_793 = arith.maximumf %max3A_739, %get3A_777 : vector<16xf32>
      scf.yield %add3A_778, %add3A_779, %add3A_780, %add3A_781, %add3A_782, %add3A_783, %add3A_784, %add3A_785, %max3A_786, %max3A_787, %max3A_788, %max3A_789, %max3A_790, %max3A_791, %max3A_792, %max3A_793 : vector<16xf32>, vector<16xf32>, vector<16xf32>, vector<16xf32>, vector<16xf32>, vector<16xf32>, vector<16xf32>, vector<16xf32>, vector<16xf32>, vector<16xf32>, vector<16xf32>, vector<16xf32>, vector<16xf32>, vector<16xf32>, vector<16xf32>, vector<16xf32>
    }
    %scan3A_45 = arith.constant 8 : i32
    %mul3A_46 = arith.constant 3.125000e-02 : f32
    %mul3A_47 = vector.broadcast %mul3A_46 : f32 to vector<16xf32>
    %mul3A_48 = arith.mulf %scan3A_44#0, %mul3A_47 : vector<16xf32>
    %swap3A = arith.constant 0 : i32
    %swap3A_49 = arith.index_cast %swap3A : i32 to index
    %swap3A_50 = arith.constant 0 : index
    %swap3A_51 = tpu.vector_load %arg9[%swap3A_49, %swap3A_50] {strides = array<i32>} : memref<4x256xf32, #tpu.memory_space<vmem>>, vector<1x16xf32>,
    %swap3A_52 = vector.shape_cast %swap3A_51 : vector<1x16xf32> to vector<16xf32>
    %swap3A_53 = vector.shape_cast %mul3A_48 : vector<16xf32> to vector<1x16xf32>
    tpu.vector_store %arg9[%swap3A_49, %swap3A_50], %swap3A_53 {strides = array<i32>} : memref<4x256xf32, #tpu.memory_space<vmem>>, vector<1x16xf32>,
    %swap3A_54 = arith.constant 0 : i32
    %swap3A_55 = arith.index_cast %swap3A_54 : i32 to index
    %swap3A_56 = arith.constant 128 : index
    %swap3A_57 = tpu.vector_load %arg9[%swap3A_55, %swap3A_56] {strides = array<i32>} : memref<4x256xf32, #tpu.memory_space<vmem>>, vector<1x16xf32>,
    %swap3A_58 = vector.shape_cast %swap3A_57 : vector<1x16xf32> to vector<16xf32>
    %swap3A_59 = vector.shape_cast %scan3A_44#8 : vector<16xf32> to vector<1x16xf32>
    tpu.vector_store %arg9[%swap3A_55, %swap3A_56], %swap3A_59 {strides = array<i32>} : memref<4x256xf32, #tpu.memory_space<vmem>>, vector<1x16xf32>,
    %mul3A_60 = arith.constant 3.125000e-02 : f32
    %mul3A_61 = vector.broadcast %mul3A_60 : f32 to vector<16xf32>
    %mul3A_62 = arith.mulf %scan3A_44#1, %mul3A_61 : vector<16xf32>
    %swap3A_63 = arith.constant 0 : i32
    %swap3A_64 = arith.index_cast %swap3A_63 : i32 to index
    %swap3A_65 = arith.constant 16 : index
    %swap3A_66 = tpu.vector_load %arg9[%swap3A_64, %swap3A_65] {strides = array<i32>} : memref<4x256xf32, #tpu.memory_space<vmem>>, vector<1x16xf32>,
    %swap3A_67 = vector.shape_cast %swap3A_66 : vector<1x16xf32> to vector<16xf32>
    %swap3A_68 = vector.shape_cast %mul3A_62 : vector<16xf32> to vector<1x16xf32>
    tpu.vector_store %arg9[%swap3A_64, %swap3A_65], %swap3A_68 {strides = array<i32>} : memref<4x256xf32, #tpu.memory_space<vmem>>, vector<1x16xf32>,
    %swap3A_69 = arith.constant 0 : i32
    %swap3A_70 = arith.index_cast %swap3A_69 : i32 to index
    %swap3A_71 = arith.constant 144 : index
    %swap3A_72 = tpu.vector_load %arg9[%swap3A_70, %swap3A_71] {strides = array<i32>} : memref<4x256xf32, #tpu.memory_space<vmem>>, vector<1x16xf32>,
    %swap3A_73 = vector.shape_cast %swap3A_72 : vector<1x16xf32> to vector<16xf32>
    %swap3A_74 = vector.shape_cast %scan3A_44#9 : vector<16xf32> to vector<1x16xf32>
    tpu.vector_store %arg9[%swap3A_70, %swap3A_71], %swap3A_74 {strides = array<i32>} : memref<4x256xf32, #tpu.memory_space<vmem>>, vector<1x16xf32>,
    %mul3A_75 = arith.constant 3.125000e-02 : f32
    %mul3A_76 = vector.broadcast %mul3A_75 : f32 to vector<16xf32>
    %mul3A_77 = arith.mulf %scan3A_44#2, %mul3A_76 : vector<16xf32>
    %swap3A_78 = arith.constant 0 : i32
    %swap3A_79 = arith.index_cast %swap3A_78 : i32 to index
    %swap3A_80 = arith.constant 32 : index
    %swap3A_81 = tpu.vector_load %arg9[%swap3A_79, %swap3A_80] {strides = array<i32>} : memref<4x256xf32, #tpu.memory_space<vmem>>, vector<1x16xf32>,
    %swap3A_82 = vector.shape_cast %swap3A_81 : vector<1x16xf32> to vector<16xf32>
    %swap3A_83 = vector.shape_cast %mul3A_77 : vector<16xf32> to vector<1x16xf32>
    tpu.vector_store %arg9[%swap3A_79, %swap3A_80], %swap3A_83 {strides = array<i32>} : memref<4x256xf32, #tpu.memory_space<vmem>>, vector<1x16xf32>,
    %swap3A_84 = arith.constant 0 : i32
    %swap3A_85 = arith.index_cast %swap3A_84 : i32 to index
    %swap3A_86 = arith.constant 160 : index
    %swap3A_87 = tpu.vector_load %arg9[%swap3A_85, %swap3A_86] {strides = array<i32>} : memref<4x256xf32, #tpu.memory_space<vmem>>, vector<1x16xf32>,
    %swap3A_88 = vector.shape_cast %swap3A_87 : vector<1x16xf32> to vector<16xf32>
    %swap3A_89 = vector.shape_cast %scan3A_44#10 : vector<16xf32> to vector<1x16xf32>
    tpu.vector_store %arg9[%swap3A_85, %swap3A_86], %swap3A_89 {strides = array<i32>} : memref<4x256xf32, #tpu.memory_space<vmem>>, vector<1x16xf32>,
    %mul3A_90 = arith.constant 3.125000e-02 : f32
    %mul3A_91 = vector.broadcast %mul3A_90 : f32 to vector<16xf32>
    %mul3A_92 = arith.mulf %scan3A_44#3, %mul3A_91 : vector<16xf32>
    %swap3A_93 = arith.constant 0 : i32
    %swap3A_94 = arith.index_cast %swap3A_93 : i32 to index
    %swap3A_95 = arith.constant 48 : index
    %swap3A_96 = tpu.vector_load %arg9[%swap3A_94, %swap3A_95] {strides = array<i32>} : memref<4x256xf32, #tpu.memory_space<vmem>>, vector<1x16xf32>,
    %swap3A_97 = vector.shape_cast %swap3A_96 : vector<1x16xf32> to vector<16xf32>
    %swap3A_98 = vector.shape_cast %mul3A_92 : vector<16xf32> to vector<1x16xf32>
    tpu.vector_store %arg9[%swap3A_94, %swap3A_95], %swap3A_98 {strides = array<i32>} : memref<4x256xf32, #tpu.memory_space<vmem>>, vector<1x16xf32>,
    %swap3A_99 = arith.constant 0 : i32
    %swap3A_100 = arith.index_cast %swap3A_99 : i32 to index
    %swap3A_101 = arith.constant 176 : index
    %swap3A_102 = tpu.vector_load %arg9[%swap3A_100, %swap3A_101] {strides = array<i32>} : memref<4x256xf32, #tpu.memory_space<vmem>>, vector<1x16xf32>,
    %swap3A_103 = vector.shape_cast %swap3A_102 : vector<1x16xf32> to vector<16xf32>
    %swap3A_104 = vector.shape_cast %scan3A_44#11 : vector<16xf32> to vector<1x16xf32>
    tpu.vector_store %arg9[%swap3A_100, %swap3A_101], %swap3A_104 {strides = array<i32>} : memref<4x256xf32, #tpu.memory_space<vmem>>, vector<1x16xf32>,
    %mul3A_105 = arith.constant 3.125000e-02 : f32
    %mul3A_106 = vector.broadcast %mul3A_105 : f32 to vector<16xf32>
    %mul3A_107 = arith.mulf %scan3A_44#4, %mul3A_106 : vector<16xf32>
    %swap3A_108 = arith.constant 0 : i32
    %swap3A_109 = arith.index_cast %swap3A_108 : i32 to index
    %swap3A_110 = arith.constant 64 : index
    %swap3A_111 = tpu.vector_load %arg9[%swap3A_109, %swap3A_110] {strides = array<i32>} : memref<4x256xf32, #tpu.memory_space<vmem>>, vector<1x16xf32>,
    %swap3A_112 = vector.shape_cast %swap3A_111 : vector<1x16xf32> to vector<16xf32>
    %swap3A_113 = vector.shape_cast %mul3A_107 : vector<16xf32> to vector<1x16xf32>
    tpu.vector_store %arg9[%swap3A_109, %swap3A_110], %swap3A_113 {strides = array<i32>} : memref<4x256xf32, #tpu.memory_space<vmem>>, vector<1x16xf32>,
    %swap3A_114 = arith.constant 0 : i32
    %swap3A_115 = arith.index_cast %swap3A_114 : i32 to index
    %swap3A_116 = arith.constant 192 : index
    %swap3A_117 = tpu.vector_load %arg9[%swap3A_115, %swap3A_116] {strides = array<i32>} : memref<4x256xf32, #tpu.memory_space<vmem>>, vector<1x16xf32>,
    %swap3A_118 = vector.shape_cast %swap3A_117 : vector<1x16xf32> to vector<16xf32>
    %swap3A_119 = vector.shape_cast %scan3A_44#12 : vector<16xf32> to vector<1x16xf32>
    tpu.vector_store %arg9[%swap3A_115, %swap3A_116], %swap3A_119 {strides = array<i32>} : memref<4x256xf32, #tpu.memory_space<vmem>>, vector<1x16xf32>,
    %mul3A_120 = arith.constant 3.125000e-02 : f32
    %mul3A_121 = vector.broadcast %mul3A_120 : f32 to vector<16xf32>
    %mul3A_122 = arith.mulf %scan3A_44#5, %mul3A_121 : vector<16xf32>
    %swap3A_123 = arith.constant 0 : i32
    %swap3A_124 = arith.index_cast %swap3A_123 : i32 to index
    %swap3A_125 = arith.constant 80 : index
    %swap3A_126 = tpu.vector_load %arg9[%swap3A_124, %swap3A_125] {strides = array<i32>} : memref<4x256xf32, #tpu.memory_space<vmem>>, vector<1x16xf32>,
    %swap3A_127 = vector.shape_cast %swap3A_126 : vector<1x16xf32> to vector<16xf32>
    %swap3A_128 = vector.shape_cast %mul3A_122 : vector<16xf32> to vector<1x16xf32>
    tpu.vector_store %arg9[%swap3A_124, %swap3A_125], %swap3A_128 {strides = array<i32>} : memref<4x256xf32, #tpu.memory_space<vmem>>, vector<1x16xf32>,
    %swap3A_129 = arith.constant 0 : i32
    %swap3A_130 = arith.index_cast %swap3A_129 : i32 to index
    %swap3A_131 = arith.constant 208 : index
    %swap3A_132 = tpu.vector_load %arg9[%swap3A_130, %swap3A_131] {strides = array<i32>} : memref<4x256xf32, #tpu.memory_space<vmem>>, vector<1x16xf32>,
    %swap3A_133 = vector.shape_cast %swap3A_132 : vector<1x16xf32> to vector<16xf32>
    %swap3A_134 = vector.shape_cast %scan3A_44#13 : vector<16xf32> to vector<1x16xf32>
    tpu.vector_store %arg9[%swap3A_130, %swap3A_131], %swap3A_134 {strides = array<i32>} : memref<4x256xf32, #tpu.memory_space<vmem>>, vector<1x16xf32>,
    %mul3A_135 = arith.constant 3.125000e-02 : f32
    %mul3A_136 = vector.broadcast %mul3A_135 : f32 to vector<16xf32>
    %mul3A_137 = arith.mulf %scan3A_44#6, %mul3A_136 : vector<16xf32>
    %swap3A_138 = arith.constant 0 : i32
    %swap3A_139 = arith.index_cast %swap3A_138 : i32 to index
    %swap3A_140 = arith.constant 96 : index
    %swap3A_141 = tpu.vector_load %arg9[%swap3A_139, %swap3A_140] {strides = array<i32>} : memref<4x256xf32, #tpu.memory_space<vmem>>, vector<1x16xf32>,
    %swap3A_142 = vector.shape_cast %swap3A_141 : vector<1x16xf32> to vector<16xf32>
    %swap3A_143 = vector.shape_cast %mul3A_137 : vector<16xf32> to vector<1x16xf32>
    tpu.vector_store %arg9[%swap3A_139, %swap3A_140], %swap3A_143 {strides = array<i32>} : memref<4x256xf32, #tpu.memory_space<vmem>>, vector<1x16xf32>,
    %swap3A_144 = arith.constant 0 : i32
    %swap3A_145 = arith.index_cast %swap3A_144 : i32 to index
    %swap3A_146 = arith.constant 224 : index
    %swap3A_147 = tpu.vector_load %arg9[%swap3A_145, %swap3A_146] {strides = array<i32>} : memref<4x256xf32, #tpu.memory_space<vmem>>, vector<1x16xf32>,
    %swap3A_148 = vector.shape_cast %swap3A_147 : vector<1x16xf32> to vector<16xf32>
    %swap3A_149 = vector.shape_cast %scan3A_44#14 : vector<16xf32> to vector<1x16xf32>
    tpu.vector_store %arg9[%swap3A_145, %swap3A_146], %swap3A_149 {strides = array<i32>} : memref<4x256xf32, #tpu.memory_space<vmem>>, vector<1x16xf32>,
    %mul3A_150 = arith.constant 3.125000e-02 : f32
    %mul3A_151 = vector.broadcast %mul3A_150 : f32 to vector<16xf32>
    %mul3A_152 = arith.mulf %scan3A_44#7, %mul3A_151 : vector<16xf32>
    %swap3A_153 = arith.constant 0 : i32
    %swap3A_154 = arith.index_cast %swap3A_153 : i32 to index
    %swap3A_155 = arith.constant 112 : index
    %swap3A_156 = tpu.vector_load %arg9[%swap3A_154, %swap3A_155] {strides = array<i32>} : memref<4x256xf32, #tpu.memory_space<vmem>>, vector<1x16xf32>,
    %swap3A_157 = vector.shape_cast %swap3A_156 : vector<1x16xf32> to vector<16xf32>
    %swap3A_158 = vector.shape_cast %mul3A_152 : vector<16xf32> to vector<1x16xf32>
    tpu.vector_store %arg9[%swap3A_154, %swap3A_155], %swap3A_158 {strides = array<i32>} : memref<4x256xf32, #tpu.memory_space<vmem>>, vector<1x16xf32>,
    %swap3A_159 = arith.constant 0 : i32
    %swap3A_160 = arith.index_cast %swap3A_159 : i32 to index
    %swap3A_161 = arith.constant 240 : index
    %swap3A_162 = tpu.vector_load %arg9[%swap3A_160, %swap3A_161] {strides = array<i32>} : memref<4x256xf32, #tpu.memory_space<vmem>>, vector<1x16xf32>,
    %swap3A_163 = vector.shape_cast %swap3A_162 : vector<1x16xf32> to vector<16xf32>
    %swap3A_164 = vector.shape_cast %scan3A_44#15 : vector<16xf32> to vector<1x16xf32>
    tpu.vector_store %arg9[%swap3A_160, %swap3A_161], %swap3A_164 {strides = array<i32>} : memref<4x256xf32, #tpu.memory_space<vmem>>, vector<1x16xf32>,
    %scan3A_165 = arith.constant 0 : i32
    %scan3A_166 = arith.constant 8 : i32
    %scan3A_167 = arith.addi %scan3A_165, %scan3A_166 : i32
    %scan3A_168 = arith.constant 1 : i32
    %scan3A_169:16 = scf.for %scan3A_563 = %scan3A_165 to %scan3A_167 step %scan3A_168 iter_args(%scan3A_564 = %broadcast_in_dim3A_37, %scan3A_565 = %broadcast_in_dim3A_37, %scan3A_566 = %broadcast_in_dim3A_37, %scan3A_567 = %broadcast_in_dim3A_37, %scan3A_568 = %broadcast_in_dim3A_37, %scan3A_569 = %broadcast_in_dim3A_37, %scan3A_570 = %broadcast_in_dim3A_37, %scan3A_571 = %broadcast_in_dim3A_37, %scan3A_572 = %broadcast_in_dim3A_39, %scan3A_573 = %broadcast_in_dim3A_39, %scan3A_574 = %broadcast_in_dim3A_39, %scan3A_575 = %broadcast_in_dim3A_39, %scan3A_576 = %broadcast_in_dim3A_39, %scan3A_577 = %broadcast_in_dim3A_39, %scan3A_578 = %broadcast_in_dim3A_39, %scan3A_579 = %broadcast_in_dim3A_39) -> (vector<16xf32>, vector<16xf32>, vector<16xf32>, vector<16xf32>, vector<16xf32>, vector<16xf32>, vector<16xf32>, vector<16xf32>, vector<16xf32>, vector<16xf32>, vector<16xf32>, vector<16xf32>, vector<16xf32>, vector<16xf32>, vector<16xf32>, vector<16xf32>)  : i32 {
      %mul3A_580 = arith.constant 4 : i32
      %mul3A_581 = arith.muli %scan3A_563, %mul3A_580 : i32
      %add3A_582 = arith.constant 32 : i32
      %add3A_583 = arith.addi %add3A_582, %mul3A_581 : i32
      %add3A_584 = arith.constant 0 : i32
      %add3A_585 = arith.addi %add3A_583, %add3A_584 : i32
      %get3A = arith.index_cast %add3A_585 : i32 to index
      %get3A_586 = arith.constant 0 : index
      %get3A_587 = tpu.vector_load %arg7[%get3A, %get3A_586] {strides = array<i32>} : memref<128x128xf32, #tpu.memory_space<vmem>>, vector<1x16xf32>,
      %get3A_588 = vector.shape_cast %get3A_587 : vector<1x16xf32> to vector<16xf32>
      %get3A_589 = arith.index_cast %add3A_585 : i32 to index
      %get3A_590 = arith.constant 16 : index
      %get3A_591 = tpu.vector_load %arg7[%get3A_589, %get3A_590] {strides = array<i32>} : memref<128x128xf32, #tpu.memory_space<vmem>>, vector<1x16xf32>,
      %get3A_592 = vector.shape_cast %get3A_591 : vector<1x16xf32> to vector<16xf32>
      %get3A_593 = arith.index_cast %add3A_585 : i32 to index
      %get3A_594 = arith.constant 32 : index
      %get3A_595 = tpu.vector_load %arg7[%get3A_593, %get3A_594] {strides = array<i32>} : memref<128x128xf32, #tpu.memory_space<vmem>>, vector<1x16xf32>,
      %get3A_596 = vector.shape_cast %get3A_595 : vector<1x16xf32> to vector<16xf32>
      %get3A_597 = arith.index_cast %add3A_585 : i32 to index
      %get3A_598 = arith.constant 48 : index
      %get3A_599 = tpu.vector_load %arg7[%get3A_597, %get3A_598] {strides = array<i32>} : memref<128x128xf32, #tpu.memory_space<vmem>>, vector<1x16xf32>,
      %get3A_600 = vector.shape_cast %get3A_599 : vector<1x16xf32> to vector<16xf32>
      %get3A_601 = arith.index_cast %add3A_585 : i32 to index
      %get3A_602 = arith.constant 64 : index
      %get3A_603 = tpu.vector_load %arg7[%get3A_601, %get3A_602] {strides = array<i32>} : memref<128x128xf32, #tpu.memory_space<vmem>>, vector<1x16xf32>,
      %get3A_604 = vector.shape_cast %get3A_603 : vector<1x16xf32> to vector<16xf32>
      %get3A_605 = arith.index_cast %add3A_585 : i32 to index
      %get3A_606 = arith.constant 80 : index
      %get3A_607 = tpu.vector_load %arg7[%get3A_605, %get3A_606] {strides = array<i32>} : memref<128x128xf32, #tpu.memory_space<vmem>>, vector<1x16xf32>,
      %get3A_608 = vector.shape_cast %get3A_607 : vector<1x16xf32> to vector<16xf32>
      %get3A_609 = arith.index_cast %add3A_585 : i32 to index
      %get3A_610 = arith.constant 96 : index
      %get3A_611 = tpu.vector_load %arg7[%get3A_609, %get3A_610] {strides = array<i32>} : memref<128x128xf32, #tpu.memory_space<vmem>>, vector<1x16xf32>,
      %get3A_612 = vector.shape_cast %get3A_611 : vector<1x16xf32> to vector<16xf32>
      %get3A_613 = arith.index_cast %add3A_585 : i32 to index
      %get3A_614 = arith.constant 112 : index
      %get3A_615 = tpu.vector_load %arg7[%get3A_613, %get3A_614] {strides = array<i32>} : memref<128x128xf32, #tpu.memory_space<vmem>>, vector<1x16xf32>,
      %get3A_616 = vector.shape_cast %get3A_615 : vector<1x16xf32> to vector<16xf32>
      %add3A_617 = arith.addf %scan3A_564, %get3A_588 : vector<16xf32>
      %add3A_618 = arith.addf %scan3A_565, %get3A_592 : vector<16xf32>
      %add3A_619 = arith.addf %scan3A_566, %get3A_596 : vector<16xf32>
      %add3A_620 = arith.addf %scan3A_567, %get3A_600 : vector<16xf32>
      %add3A_621 = arith.addf %scan3A_568, %get3A_604 : vector<16xf32>
      %add3A_622 = arith.addf %scan3A_569, %get3A_608 : vector<16xf32>
      %add3A_623 = arith.addf %scan3A_570, %get3A_612 : vector<16xf32>
      %add3A_624 = arith.addf %scan3A_571, %get3A_616 : vector<16xf32>
      %max3A = arith.maximumf %scan3A_572, %get3A_588 : vector<16xf32>
      %max3A_625 = arith.maximumf %scan3A_573, %get3A_592 : vector<16xf32>
      %max3A_626 = arith.maximumf %scan3A_574, %get3A_596 : vector<16xf32>
      %max3A_627 = arith.maximumf %scan3A_575, %get3A_600 : vector<16xf32>
      %max3A_628 = arith.maximumf %scan3A_576, %get3A_604 : vector<16xf32>
      %max3A_629 = arith.maximumf %scan3A_577, %get3A_608 : vector<16xf32>
      %max3A_630 = arith.maximumf %scan3A_578, %get3A_612 : vector<16xf32>
      %max3A_631 = arith.maximumf %scan3A_579, %get3A_616 : vector<16xf32>
      %mul3A_632 = arith.constant 4 : i32
      %mul3A_633 = arith.muli %scan3A_563, %mul3A_632 : i32
      %add3A_634 = arith.constant 32 : i32
      %add3A_635 = arith.addi %add3A_634, %mul3A_633 : i32
      %add3A_636 = arith.constant 1 : i32
      %add3A_637 = arith.addi %add3A_635, %add3A_636 : i32
      %get3A_638 = arith.index_cast %add3A_637 : i32 to index
      %get3A_639 = arith.constant 0 : index
      %get3A_640 = tpu.vector_load %arg7[%get3A_638, %get3A_639] {strides = array<i32>} : memref<128x128xf32, #tpu.memory_space<vmem>>, vector<1x16xf32>,
      %get3A_641 = vector.shape_cast %get3A_640 : vector<1x16xf32> to vector<16xf32>
      %get3A_642 = arith.index_cast %add3A_637 : i32 to index
      %get3A_643 = arith.constant 16 : index
      %get3A_644 = tpu.vector_load %arg7[%get3A_642, %get3A_643] {strides = array<i32>} : memref<128x128xf32, #tpu.memory_space<vmem>>, vector<1x16xf32>,
      %get3A_645 = vector.shape_cast %get3A_644 : vector<1x16xf32> to vector<16xf32>
      %get3A_646 = arith.index_cast %add3A_637 : i32 to index
      %get3A_647 = arith.constant 32 : index
      %get3A_648 = tpu.vector_load %arg7[%get3A_646, %get3A_647] {strides = array<i32>} : memref<128x128xf32, #tpu.memory_space<vmem>>, vector<1x16xf32>,
      %get3A_649 = vector.shape_cast %get3A_648 : vector<1x16xf32> to vector<16xf32>
      %get3A_650 = arith.index_cast %add3A_637 : i32 to index
      %get3A_651 = arith.constant 48 : index
      %get3A_652 = tpu.vector_load %arg7[%get3A_650, %get3A_651] {strides = array<i32>} : memref<128x128xf32, #tpu.memory_space<vmem>>, vector<1x16xf32>,
      %get3A_653 = vector.shape_cast %get3A_652 : vector<1x16xf32> to vector<16xf32>
      %get3A_654 = arith.index_cast %add3A_637 : i32 to index
      %get3A_655 = arith.constant 64 : index
      %get3A_656 = tpu.vector_load %arg7[%get3A_654, %get3A_655] {strides = array<i32>} : memref<128x128xf32, #tpu.memory_space<vmem>>, vector<1x16xf32>,
      %get3A_657 = vector.shape_cast %get3A_656 : vector<1x16xf32> to vector<16xf32>
      %get3A_658 = arith.index_cast %add3A_637 : i32 to index
      %get3A_659 = arith.constant 80 : index
      %get3A_660 = tpu.vector_load %arg7[%get3A_658, %get3A_659] {strides = array<i32>} : memref<128x128xf32, #tpu.memory_space<vmem>>, vector<1x16xf32>,
      %get3A_661 = vector.shape_cast %get3A_660 : vector<1x16xf32> to vector<16xf32>
      %get3A_662 = arith.index_cast %add3A_637 : i32 to index
      %get3A_663 = arith.constant 96 : index
      %get3A_664 = tpu.vector_load %arg7[%get3A_662, %get3A_663] {strides = array<i32>} : memref<128x128xf32, #tpu.memory_space<vmem>>, vector<1x16xf32>,
      %get3A_665 = vector.shape_cast %get3A_664 : vector<1x16xf32> to vector<16xf32>
      %get3A_666 = arith.index_cast %add3A_637 : i32 to index
      %get3A_667 = arith.constant 112 : index
      %get3A_668 = tpu.vector_load %arg7[%get3A_666, %get3A_667] {strides = array<i32>} : memref<128x128xf32, #tpu.memory_space<vmem>>, vector<1x16xf32>,
      %get3A_669 = vector.shape_cast %get3A_668 : vector<1x16xf32> to vector<16xf32>
      %add3A_670 = arith.addf %add3A_617, %get3A_641 : vector<16xf32>
      %add3A_671 = arith.addf %add3A_618, %get3A_645 : vector<16xf32>
      %add3A_672 = arith.addf %add3A_619, %get3A_649 : vector<16xf32>
      %add3A_673 = arith.addf %add3A_620, %get3A_653 : vector<16xf32>
      %add3A_674 = arith.addf %add3A_621, %get3A_657 : vector<16xf32>
      %add3A_675 = arith.addf %add3A_622, %get3A_661 : vector<16xf32>
      %add3A_676 = arith.addf %add3A_623, %get3A_665 : vector<16xf32>
      %add3A_677 = arith.addf %add3A_624, %get3A_669 : vector<16xf32>
      %max3A_678 = arith.maximumf %max3A, %get3A_641 : vector<16xf32>
      %max3A_679 = arith.maximumf %max3A_625, %get3A_645 : vector<16xf32>
      %max3A_680 = arith.maximumf %max3A_626, %get3A_649 : vector<16xf32>
      %max3A_681 = arith.maximumf %max3A_627, %get3A_653 : vector<16xf32>
      %max3A_682 = arith.maximumf %max3A_628, %get3A_657 : vector<16xf32>
      %max3A_683 = arith.maximumf %max3A_629, %get3A_661 : vector<16xf32>
      %max3A_684 = arith.maximumf %max3A_630, %get3A_665 : vector<16xf32>
      %max3A_685 = arith.maximumf %max3A_631, %get3A_669 : vector<16xf32>
      %mul3A_686 = arith.constant 4 : i32
      %mul3A_687 = arith.muli %scan3A_563, %mul3A_686 : i32
      %add3A_688 = arith.constant 32 : i32
      %add3A_689 = arith.addi %add3A_688, %mul3A_687 : i32
      %add3A_690 = arith.constant 2 : i32
      %add3A_691 = arith.addi %add3A_689, %add3A_690 : i32
      %get3A_692 = arith.index_cast %add3A_691 : i32 to index
      %get3A_693 = arith.constant 0 : index
      %get3A_694 = tpu.vector_load %arg7[%get3A_692, %get3A_693] {strides = array<i32>} : memref<128x128xf32, #tpu.memory_space<vmem>>, vector<1x16xf32>,
      %get3A_695 = vector.shape_cast %get3A_694 : vector<1x16xf32> to vector<16xf32>
      %get3A_696 = arith.index_cast %add3A_691 : i32 to index
      %get3A_697 = arith.constant 16 : index
      %get3A_698 = tpu.vector_load %arg7[%get3A_696, %get3A_697] {strides = array<i32>} : memref<128x128xf32, #tpu.memory_space<vmem>>, vector<1x16xf32>,
      %get3A_699 = vector.shape_cast %get3A_698 : vector<1x16xf32> to vector<16xf32>
      %get3A_700 = arith.index_cast %add3A_691 : i32 to index
      %get3A_701 = arith.constant 32 : index
      %get3A_702 = tpu.vector_load %arg7[%get3A_700, %get3A_701] {strides = array<i32>} : memref<128x128xf32, #tpu.memory_space<vmem>>, vector<1x16xf32>,
      %get3A_703 = vector.shape_cast %get3A_702 : vector<1x16xf32> to vector<16xf32>
      %get3A_704 = arith.index_cast %add3A_691 : i32 to index
      %get3A_705 = arith.constant 48 : index
      %get3A_706 = tpu.vector_load %arg7[%get3A_704, %get3A_705] {strides = array<i32>} : memref<128x128xf32, #tpu.memory_space<vmem>>, vector<1x16xf32>,
      %get3A_707 = vector.shape_cast %get3A_706 : vector<1x16xf32> to vector<16xf32>
      %get3A_708 = arith.index_cast %add3A_691 : i32 to index
      %get3A_709 = arith.constant 64 : index
      %get3A_710 = tpu.vector_load %arg7[%get3A_708, %get3A_709] {strides = array<i32>} : memref<128x128xf32, #tpu.memory_space<vmem>>, vector<1x16xf32>,
      %get3A_711 = vector.shape_cast %get3A_710 : vector<1x16xf32> to vector<16xf32>
      %get3A_712 = arith.index_cast %add3A_691 : i32 to index
      %get3A_713 = arith.constant 80 : index
      %get3A_714 = tpu.vector_load %arg7[%get3A_712, %get3A_713] {strides = array<i32>} : memref<128x128xf32, #tpu.memory_space<vmem>>, vector<1x16xf32>,
      %get3A_715 = vector.shape_cast %get3A_714 : vector<1x16xf32> to vector<16xf32>
      %get3A_716 = arith.index_cast %add3A_691 : i32 to index
      %get3A_717 = arith.constant 96 : index
      %get3A_718 = tpu.vector_load %arg7[%get3A_716, %get3A_717] {strides = array<i32>} : memref<128x128xf32, #tpu.memory_space<vmem>>, vector<1x16xf32>,
      %get3A_719 = vector.shape_cast %get3A_718 : vector<1x16xf32> to vector<16xf32>
      %get3A_720 = arith.index_cast %add3A_691 : i32 to index
      %get3A_721 = arith.constant 112 : index
      %get3A_722 = tpu.vector_load %arg7[%get3A_720, %get3A_721] {strides = array<i32>} : memref<128x128xf32, #tpu.memory_space<vmem>>, vector<1x16xf32>,
      %get3A_723 = vector.shape_cast %get3A_722 : vector<1x16xf32> to vector<16xf32>
      %add3A_724 = arith.addf %add3A_670, %get3A_695 : vector<16xf32>
      %add3A_725 = arith.addf %add3A_671, %get3A_699 : vector<16xf32>
      %add3A_726 = arith.addf %add3A_672, %get3A_703 : vector<16xf32>
      %add3A_727 = arith.addf %add3A_673, %get3A_707 : vector<16xf32>
      %add3A_728 = arith.addf %add3A_674, %get3A_711 : vector<16xf32>
      %add3A_729 = arith.addf %add3A_675, %get3A_715 : vector<16xf32>
      %add3A_730 = arith.addf %add3A_676, %get3A_719 : vector<16xf32>
      %add3A_731 = arith.addf %add3A_677, %get3A_723 : vector<16xf32>
      %max3A_732 = arith.maximumf %max3A_678, %get3A_695 : vector<16xf32>
      %max3A_733 = arith.maximumf %max3A_679, %get3A_699 : vector<16xf32>
      %max3A_734 = arith.maximumf %max3A_680, %get3A_703 : vector<16xf32>
      %max3A_735 = arith.maximumf %max3A_681, %get3A_707 : vector<16xf32>
      %max3A_736 = arith.maximumf %max3A_682, %get3A_711 : vector<16xf32>
      %max3A_737 = arith.maximumf %max3A_683, %get3A_715 : vector<16xf32>
      %max3A_738 = arith.maximumf %max3A_684, %get3A_719 : vector<16xf32>
      %max3A_739 = arith.maximumf %max3A_685, %get3A_723 : vector<16xf32>
      %mul3A_740 = arith.constant 4 : i32
      %mul3A_741 = arith.muli %scan3A_563, %mul3A_740 : i32
      %add3A_742 = arith.constant 32 : i32
      %add3A_743 = arith.addi %add3A_742, %mul3A_741 : i32
      %add3A_744 = arith.constant 3 : i32
      %add3A_745 = arith.addi %add3A_743, %add3A_744 : i32
      %get3A_746 = arith.index_cast %add3A_745 : i32 to index
      %get3A_747 = arith.constant 0 : index
      %get3A_748 = tpu.vector_load %arg7[%get3A_746, %get3A_747] {strides = array<i32>} : memref<128x128xf32, #tpu.memory_space<vmem>>, vector<1x16xf32>,
      %get3A_749 = vector.shape_cast %get3A_748 : vector<1x16xf32> to vector<16xf32>
      %get3A_750 = arith.index_cast %add3A_745 : i32 to index
      %get3A_751 = arith.constant 16 : index
      %get3A_752 = tpu.vector_load %arg7[%get3A_750, %get3A_751] {strides = array<i32>} : memref<128x128xf32, #tpu.memory_space<vmem>>, vector<1x16xf32>,
      %get3A_753 = vector.shape_cast %get3A_752 : vector<1x16xf32> to vector<16xf32>
      %get3A_754 = arith.index_cast %add3A_745 : i32 to index
      %get3A_755 = arith.constant 32 : index
      %get3A_756 = tpu.vector_load %arg7[%get3A_754, %get3A_755] {strides = array<i32>} : memref<128x128xf32, #tpu.memory_space<vmem>>, vector<1x16xf32>,
      %get3A_757 = vector.shape_cast %get3A_756 : vector<1x16xf32> to vector<16xf32>
      %get3A_758 = arith.index_cast %add3A_745 : i32 to index
      %get3A_759 = arith.constant 48 : index
      %get3A_760 = tpu.vector_load %arg7[%get3A_758, %get3A_759] {strides = array<i32>} : memref<128x128xf32, #tpu.memory_space<vmem>>, vector<1x16xf32>,
      %get3A_761 = vector.shape_cast %get3A_760 : vector<1x16xf32> to vector<16xf32>
      %get3A_762 = arith.index_cast %add3A_745 : i32 to index
      %get3A_763 = arith.constant 64 : index
      %get3A_764 = tpu.vector_load %arg7[%get3A_762, %get3A_763] {strides = array<i32>} : memref<128x128xf32, #tpu.memory_space<vmem>>, vector<1x16xf32>,
      %get3A_765 = vector.shape_cast %get3A_764 : vector<1x16xf32> to vector<16xf32>
      %get3A_766 = arith.index_cast %add3A_745 : i32 to index
      %get3A_767 = arith.constant 80 : index
      %get3A_768 = tpu.vector_load %arg7[%get3A_766, %get3A_767] {strides = array<i32>} : memref<128x128xf32, #tpu.memory_space<vmem>>, vector<1x16xf32>,
      %get3A_769 = vector.shape_cast %get3A_768 : vector<1x16xf32> to vector<16xf32>
      %get3A_770 = arith.index_cast %add3A_745 : i32 to index
      %get3A_771 = arith.constant 96 : index
      %get3A_772 = tpu.vector_load %arg7[%get3A_770, %get3A_771] {strides = array<i32>} : memref<128x128xf32, #tpu.memory_space<vmem>>, vector<1x16xf32>,
      %get3A_773 = vector.shape_cast %get3A_772 : vector<1x16xf32> to vector<16xf32>
      %get3A_774 = arith.index_cast %add3A_745 : i32 to index
      %get3A_775 = arith.constant 112 : index
      %get3A_776 = tpu.vector_load %arg7[%get3A_774, %get3A_775] {strides = array<i32>} : memref<128x128xf32, #tpu.memory_space<vmem>>, vector<1x16xf32>,
      %get3A_777 = vector.shape_cast %get3A_776 : vector<1x16xf32> to vector<16xf32>
      %add3A_778 = arith.addf %add3A_724, %get3A_749 : vector<16xf32>
      %add3A_779 = arith.addf %add3A_725, %get3A_753 : vector<16xf32>
      %add3A_780 = arith.addf %add3A_726, %get3A_757 : vector<16xf32>
      %add3A_781 = arith.addf %add3A_727, %get3A_761 : vector<16xf32>
      %add3A_782 = arith.addf %add3A_728, %get3A_765 : vector<16xf32>
      %add3A_783 = arith.addf %add3A_729, %get3A_769 : vector<16xf32>
      %add3A_784 = arith.addf %add3A_730, %get3A_773 : vector<16xf32>
      %add3A_785 = arith.addf %add3A_731, %get3A_777 : vector<16xf32>
      %max3A_786 = arith.maximumf %max3A_732, %get3A_749 : vector<16xf32>
      %max3A_787 = arith.maximumf %max3A_733, %get3A_753 : vector<16xf32>
      %max3A_788 = arith.maximumf %max3A_734, %get3A_757 : vector<16xf32>
      %max3A_789 = arith.maximumf %max3A_735, %get3A_761 : vector<16xf32>
      %max3A_790 = arith.maximumf %max3A_736, %get3A_765 : vector<16xf32>
      %max3A_791 = arith.maximumf %max3A_737, %get3A_769 : vector<16xf32>
      %max3A_792 = arith.maximumf %max3A_738, %get3A_773 : vector<16xf32>
      %max3A_793 = arith.maximumf %max3A_739, %get3A_777 : vector<16xf32>
      scf.yield %add3A_778, %add3A_779, %add3A_780, %add3A_781, %add3A_782, %add3A_783, %add3A_784, %add3A_785, %max3A_786, %max3A_787, %max3A_788, %max3A_789, %max3A_790, %max3A_791, %max3A_792, %max3A_793 : vector<16xf32>, vector<16xf32>, vector<16xf32>, vector<16xf32>, vector<16xf32>, vector<16xf32>, vector<16xf32>, vector<16xf32>, vector<16xf32>, vector<16xf32>, vector<16xf32>, vector<16xf32>, vector<16xf32>, vector<16xf32>, vector<16xf32>, vector<16xf32>
    }
    %scan3A_170 = arith.constant 8 : i32
    %mul3A_171 = arith.constant 3.125000e-02 : f32
    %mul3A_172 = vector.broadcast %mul3A_171 : f32 to vector<16xf32>
    %mul3A_173 = arith.mulf %scan3A_169#0, %mul3A_172 : vector<16xf32>
    %swap3A_174 = arith.constant 1 : i32
    %swap3A_175 = arith.index_cast %swap3A_174 : i32 to index
    %swap3A_176 = arith.constant 0 : index
    %swap3A_177 = tpu.vector_load %arg9[%swap3A_175, %swap3A_176] {strides = array<i32>} : memref<4x256xf32, #tpu.memory_space<vmem>>, vector<1x16xf32>,
    %swap3A_178 = vector.shape_cast %swap3A_177 : vector<1x16xf32> to vector<16xf32>
    %swap3A_179 = vector.shape_cast %mul3A_173 : vector<16xf32> to vector<1x16xf32>
    tpu.vector_store %arg9[%swap3A_175, %swap3A_176], %swap3A_179 {strides = array<i32>} : memref<4x256xf32, #tpu.memory_space<vmem>>, vector<1x16xf32>,
    %swap3A_180 = arith.constant 1 : i32
    %swap3A_181 = arith.index_cast %swap3A_180 : i32 to index
    %swap3A_182 = arith.constant 128 : index
    %swap3A_183 = tpu.vector_load %arg9[%swap3A_181, %swap3A_182] {strides = array<i32>} : memref<4x256xf32, #tpu.memory_space<vmem>>, vector<1x16xf32>,
    %swap3A_184 = vector.shape_cast %swap3A_183 : vector<1x16xf32> to vector<16xf32>
    %swap3A_185 = vector.shape_cast %scan3A_169#8 : vector<16xf32> to vector<1x16xf32>
    tpu.vector_store %arg9[%swap3A_181, %swap3A_182], %swap3A_185 {strides = array<i32>} : memref<4x256xf32, #tpu.memory_space<vmem>>, vector<1x16xf32>,
    %mul3A_186 = arith.constant 3.125000e-02 : f32
    %mul3A_187 = vector.broadcast %mul3A_186 : f32 to vector<16xf32>
    %mul3A_188 = arith.mulf %scan3A_169#1, %mul3A_187 : vector<16xf32>
    %swap3A_189 = arith.constant 1 : i32
    %swap3A_190 = arith.index_cast %swap3A_189 : i32 to index
    %swap3A_191 = arith.constant 16 : index
    %swap3A_192 = tpu.vector_load %arg9[%swap3A_190, %swap3A_191] {strides = array<i32>} : memref<4x256xf32, #tpu.memory_space<vmem>>, vector<1x16xf32>,
    %swap3A_193 = vector.shape_cast %swap3A_192 : vector<1x16xf32> to vector<16xf32>
    %swap3A_194 = vector.shape_cast %mul3A_188 : vector<16xf32> to vector<1x16xf32>
    tpu.vector_store %arg9[%swap3A_190, %swap3A_191], %swap3A_194 {strides = array<i32>} : memref<4x256xf32, #tpu.memory_space<vmem>>, vector<1x16xf32>,
    %swap3A_195 = arith.constant 1 : i32
    %swap3A_196 = arith.index_cast %swap3A_195 : i32 to index
    %swap3A_197 = arith.constant 144 : index
    %swap3A_198 = tpu.vector_load %arg9[%swap3A_196, %swap3A_197] {strides = array<i32>} : memref<4x256xf32, #tpu.memory_space<vmem>>, vector<1x16xf32>,
    %swap3A_199 = vector.shape_cast %swap3A_198 : vector<1x16xf32> to vector<16xf32>
    %swap3A_200 = vector.shape_cast %scan3A_169#9 : vector<16xf32> to vector<1x16xf32>
    tpu.vector_store %arg9[%swap3A_196, %swap3A_197], %swap3A_200 {strides = array<i32>} : memref<4x256xf32, #tpu.memory_space<vmem>>, vector<1x16xf32>,
    %mul3A_201 = arith.constant 3.125000e-02 : f32
    %mul3A_202 = vector.broadcast %mul3A_201 : f32 to vector<16xf32>
    %mul3A_203 = arith.mulf %scan3A_169#2, %mul3A_202 : vector<16xf32>
    %swap3A_204 = arith.constant 1 : i32
    %swap3A_205 = arith.index_cast %swap3A_204 : i32 to index
    %swap3A_206 = arith.constant 32 : index
    %swap3A_207 = tpu.vector_load %arg9[%swap3A_205, %swap3A_206] {strides = array<i32>} : memref<4x256xf32, #tpu.memory_space<vmem>>, vector<1x16xf32>,
    %swap3A_208 = vector.shape_cast %swap3A_207 : vector<1x16xf32> to vector<16xf32>
    %swap3A_209 = vector.shape_cast %mul3A_203 : vector<16xf32> to vector<1x16xf32>
    tpu.vector_store %arg9[%swap3A_205, %swap3A_206], %swap3A_209 {strides = array<i32>} : memref<4x256xf32, #tpu.memory_space<vmem>>, vector<1x16xf32>,
    %swap3A_210 = arith.constant 1 : i32
    %swap3A_211 = arith.index_cast %swap3A_210 : i32 to index
    %swap3A_212 = arith.constant 160 : index
    %swap3A_213 = tpu.vector_load %arg9[%swap3A_211, %swap3A_212] {strides = array<i32>} : memref<4x256xf32, #tpu.memory_space<vmem>>, vector<1x16xf32>,
    %swap3A_214 = vector.shape_cast %swap3A_213 : vector<1x16xf32> to vector<16xf32>
    %swap3A_215 = vector.shape_cast %scan3A_169#10 : vector<16xf32> to vector<1x16xf32>
    tpu.vector_store %arg9[%swap3A_211, %swap3A_212], %swap3A_215 {strides = array<i32>} : memref<4x256xf32, #tpu.memory_space<vmem>>, vector<1x16xf32>,
    %mul3A_216 = arith.constant 3.125000e-02 : f32
    %mul3A_217 = vector.broadcast %mul3A_216 : f32 to vector<16xf32>
    %mul3A_218 = arith.mulf %scan3A_169#3, %mul3A_217 : vector<16xf32>
    %swap3A_219 = arith.constant 1 : i32
    %swap3A_220 = arith.index_cast %swap3A_219 : i32 to index
    %swap3A_221 = arith.constant 48 : index
    %swap3A_222 = tpu.vector_load %arg9[%swap3A_220, %swap3A_221] {strides = array<i32>} : memref<4x256xf32, #tpu.memory_space<vmem>>, vector<1x16xf32>,
    %swap3A_223 = vector.shape_cast %swap3A_222 : vector<1x16xf32> to vector<16xf32>
    %swap3A_224 = vector.shape_cast %mul3A_218 : vector<16xf32> to vector<1x16xf32>
    tpu.vector_store %arg9[%swap3A_220, %swap3A_221], %swap3A_224 {strides = array<i32>} : memref<4x256xf32, #tpu.memory_space<vmem>>, vector<1x16xf32>,
    %swap3A_225 = arith.constant 1 : i32
    %swap3A_226 = arith.index_cast %swap3A_225 : i32 to index
    %swap3A_227 = arith.constant 176 : index
    %swap3A_228 = tpu.vector_load %arg9[%swap3A_226, %swap3A_227] {strides = array<i32>} : memref<4x256xf32, #tpu.memory_space<vmem>>, vector<1x16xf32>,
    %swap3A_229 = vector.shape_cast %swap3A_228 : vector<1x16xf32> to vector<16xf32>
    %swap3A_230 = vector.shape_cast %scan3A_169#11 : vector<16xf32> to vector<1x16xf32>
    tpu.vector_store %arg9[%swap3A_226, %swap3A_227], %swap3A_230 {strides = array<i32>} : memref<4x256xf32, #tpu.memory_space<vmem>>, vector<1x16xf32>,
    %mul3A_231 = arith.constant 3.125000e-02 : f32
    %mul3A_232 = vector.broadcast %mul3A_231 : f32 to vector<16xf32>
    %mul3A_233 = arith.mulf %scan3A_169#4, %mul3A_232 : vector<16xf32>
    %swap3A_234 = arith.constant 1 : i32
    %swap3A_235 = arith.index_cast %swap3A_234 : i32 to index
    %swap3A_236 = arith.constant 64 : index
    %swap3A_237 = tpu.vector_load %arg9[%swap3A_235, %swap3A_236] {strides = array<i32>} : memref<4x256xf32, #tpu.memory_space<vmem>>, vector<1x16xf32>,
    %swap3A_238 = vector.shape_cast %swap3A_237 : vector<1x16xf32> to vector<16xf32>
    %swap3A_239 = vector.shape_cast %mul3A_233 : vector<16xf32> to vector<1x16xf32>
    tpu.vector_store %arg9[%swap3A_235, %swap3A_236], %swap3A_239 {strides = array<i32>} : memref<4x256xf32, #tpu.memory_space<vmem>>, vector<1x16xf32>,
    %swap3A_240 = arith.constant 1 : i32
    %swap3A_241 = arith.index_cast %swap3A_240 : i32 to index
    %swap3A_242 = arith.constant 192 : index
    %swap3A_243 = tpu.vector_load %arg9[%swap3A_241, %swap3A_242] {strides = array<i32>} : memref<4x256xf32, #tpu.memory_space<vmem>>, vector<1x16xf32>,
    %swap3A_244 = vector.shape_cast %swap3A_243 : vector<1x16xf32> to vector<16xf32>
    %swap3A_245 = vector.shape_cast %scan3A_169#12 : vector<16xf32> to vector<1x16xf32>
    tpu.vector_store %arg9[%swap3A_241, %swap3A_242], %swap3A_245 {strides = array<i32>} : memref<4x256xf32, #tpu.memory_space<vmem>>, vector<1x16xf32>,
    %mul3A_246 = arith.constant 3.125000e-02 : f32
    %mul3A_247 = vector.broadcast %mul3A_246 : f32 to vector<16xf32>
    %mul3A_248 = arith.mulf %scan3A_169#5, %mul3A_247 : vector<16xf32>
    %swap3A_249 = arith.constant 1 : i32
    %swap3A_250 = arith.index_cast %swap3A_249 : i32 to index
    %swap3A_251 = arith.constant 80 : index
    %swap3A_252 = tpu.vector_load %arg9[%swap3A_250, %swap3A_251] {strides = array<i32>} : memref<4x256xf32, #tpu.memory_space<vmem>>, vector<1x16xf32>,
    %swap3A_253 = vector.shape_cast %swap3A_252 : vector<1x16xf32> to vector<16xf32>
    %swap3A_254 = vector.shape_cast %mul3A_248 : vector<16xf32> to vector<1x16xf32>
    tpu.vector_store %arg9[%swap3A_250, %swap3A_251], %swap3A_254 {strides = array<i32>} : memref<4x256xf32, #tpu.memory_space<vmem>>, vector<1x16xf32>,
    %swap3A_255 = arith.constant 1 : i32
    %swap3A_256 = arith.index_cast %swap3A_255 : i32 to index
    %swap3A_257 = arith.constant 208 : index
    %swap3A_258 = tpu.vector_load %arg9[%swap3A_256, %swap3A_257] {strides = array<i32>} : memref<4x256xf32, #tpu.memory_space<vmem>>, vector<1x16xf32>,
    %swap3A_259 = vector.shape_cast %swap3A_258 : vector<1x16xf32> to vector<16xf32>
    %swap3A_260 = vector.shape_cast %scan3A_169#13 : vector<16xf32> to vector<1x16xf32>
    tpu.vector_store %arg9[%swap3A_256, %swap3A_257], %swap3A_260 {strides = array<i32>} : memref<4x256xf32, #tpu.memory_space<vmem>>, vector<1x16xf32>,
    %mul3A_261 = arith.constant 3.125000e-02 : f32
    %mul3A_262 = vector.broadcast %mul3A_261 : f32 to vector<16xf32>
    %mul3A_263 = arith.mulf %scan3A_169#6, %mul3A_262 : vector<16xf32>
    %swap3A_264 = arith.constant 1 : i32
    %swap3A_265 = arith.index_cast %swap3A_264 : i32 to index
    %swap3A_266 = arith.constant 96 : index
    %swap3A_267 = tpu.vector_load %arg9[%swap3A_265, %swap3A_266] {strides = array<i32>} : memref<4x256xf32, #tpu.memory_space<vmem>>, vector<1x16xf32>,
    %swap3A_268 = vector.shape_cast %swap3A_267 : vector<1x16xf32> to vector<16xf32>
    %swap3A_269 = vector.shape_cast %mul3A_263 : vector<16xf32> to vector<1x16xf32>
    tpu.vector_store %arg9[%swap3A_265, %swap3A_266], %swap3A_269 {strides = array<i32>} : memref<4x256xf32, #tpu.memory_space<vmem>>, vector<1x16xf32>,
    %swap3A_270 = arith.constant 1 : i32
    %swap3A_271 = arith.index_cast %swap3A_270 : i32 to index
    %swap3A_272 = arith.constant 224 : index
    %swap3A_273 = tpu.vector_load %arg9[%swap3A_271, %swap3A_272] {strides = array<i32>} : memref<4x256xf32, #tpu.memory_space<vmem>>, vector<1x16xf32>,
    %swap3A_274 = vector.shape_cast %swap3A_273 : vector<1x16xf32> to vector<16xf32>
    %swap3A_275 = vector.shape_cast %scan3A_169#14 : vector<16xf32> to vector<1x16xf32>
    tpu.vector_store %arg9[%swap3A_271, %swap3A_272], %swap3A_275 {strides = array<i32>} : memref<4x256xf32, #tpu.memory_space<vmem>>, vector<1x16xf32>,
    %mul3A_276 = arith.constant 3.125000e-02 : f32
    %mul3A_277 = vector.broadcast %mul3A_276 : f32 to vector<16xf32>
    %mul3A_278 = arith.mulf %scan3A_169#7, %mul3A_277 : vector<16xf32>
    %swap3A_279 = arith.constant 1 : i32
    %swap3A_280 = arith.index_cast %swap3A_279 : i32 to index
    %swap3A_281 = arith.constant 112 : index
    %swap3A_282 = tpu.vector_load %arg9[%swap3A_280, %swap3A_281] {strides = array<i32>} : memref<4x256xf32, #tpu.memory_space<vmem>>, vector<1x16xf32>,
    %swap3A_283 = vector.shape_cast %swap3A_282 : vector<1x16xf32> to vector<16xf32>
    %swap3A_284 = vector.shape_cast %mul3A_278 : vector<16xf32> to vector<1x16xf32>
    tpu.vector_store %arg9[%swap3A_280, %swap3A_281], %swap3A_284 {strides = array<i32>} : memref<4x256xf32, #tpu.memory_space<vmem>>, vector<1x16xf32>,
    %swap3A_285 = arith.constant 1 : i32
    %swap3A_286 = arith.index_cast %swap3A_285 : i32 to index
    %swap3A_287 = arith.constant 240 : index
    %swap3A_288 = tpu.vector_load %arg9[%swap3A_286, %swap3A_287] {strides = array<i32>} : memref<4x256xf32, #tpu.memory_space<vmem>>, vector<1x16xf32>,
    %swap3A_289 = vector.shape_cast %swap3A_288 : vector<1x16xf32> to vector<16xf32>
    %swap3A_290 = vector.shape_cast %scan3A_169#15 : vector<16xf32> to vector<1x16xf32>
    tpu.vector_store %arg9[%swap3A_286, %swap3A_287], %swap3A_290 {strides = array<i32>} : memref<4x256xf32, #tpu.memory_space<vmem>>, vector<1x16xf32>,
    %scan3A_291 = arith.constant 0 : i32
    %scan3A_292 = arith.constant 8 : i32
    %scan3A_293 = arith.addi %scan3A_291, %scan3A_292 : i32
    %scan3A_294 = arith.constant 1 : i32
    %scan3A_295:16 = scf.for %scan3A_563 = %scan3A_291 to %scan3A_293 step %scan3A_294 iter_args(%scan3A_564 = %broadcast_in_dim3A_37, %scan3A_565 = %broadcast_in_dim3A_37, %scan3A_566 = %broadcast_in_dim3A_37, %scan3A_567 = %broadcast_in_dim3A_37, %scan3A_568 = %broadcast_in_dim3A_37, %scan3A_569 = %broadcast_in_dim3A_37, %scan3A_570 = %broadcast_in_dim3A_37, %scan3A_571 = %broadcast_in_dim3A_37, %scan3A_572 = %broadcast_in_dim3A_39, %scan3A_573 = %broadcast_in_dim3A_39, %scan3A_574 = %broadcast_in_dim3A_39, %scan3A_575 = %broadcast_in_dim3A_39, %scan3A_576 = %broadcast_in_dim3A_39, %scan3A_577 = %broadcast_in_dim3A_39, %scan3A_578 = %broadcast_in_dim3A_39, %scan3A_579 = %broadcast_in_dim3A_39) -> (vector<16xf32>, vector<16xf32>, vector<16xf32>, vector<16xf32>, vector<16xf32>, vector<16xf32>, vector<16xf32>, vector<16xf32>, vector<16xf32>, vector<16xf32>, vector<16xf32>, vector<16xf32>, vector<16xf32>, vector<16xf32>, vector<16xf32>, vector<16xf32>)  : i32 {
      %mul3A_580 = arith.constant 4 : i32
      %mul3A_581 = arith.muli %scan3A_563, %mul3A_580 : i32
      %add3A_582 = arith.constant 64 : i32
      %add3A_583 = arith.addi %add3A_582, %mul3A_581 : i32
      %add3A_584 = arith.constant 0 : i32
      %add3A_585 = arith.addi %add3A_583, %add3A_584 : i32
      %get3A = arith.index_cast %add3A_585 : i32 to index
      %get3A_586 = arith.constant 0 : index
      %get3A_587 = tpu.vector_load %arg7[%get3A, %get3A_586] {strides = array<i32>} : memref<128x128xf32, #tpu.memory_space<vmem>>, vector<1x16xf32>,
      %get3A_588 = vector.shape_cast %get3A_587 : vector<1x16xf32> to vector<16xf32>
      %get3A_589 = arith.index_cast %add3A_585 : i32 to index
      %get3A_590 = arith.constant 16 : index
      %get3A_591 = tpu.vector_load %arg7[%get3A_589, %get3A_590] {strides = array<i32>} : memref<128x128xf32, #tpu.memory_space<vmem>>, vector<1x16xf32>,
      %get3A_592 = vector.shape_cast %get3A_591 : vector<1x16xf32> to vector<16xf32>
      %get3A_593 = arith.index_cast %add3A_585 : i32 to index
      %get3A_594 = arith.constant 32 : index
      %get3A_595 = tpu.vector_load %arg7[%get3A_593, %get3A_594] {strides = array<i32>} : memref<128x128xf32, #tpu.memory_space<vmem>>, vector<1x16xf32>,
      %get3A_596 = vector.shape_cast %get3A_595 : vector<1x16xf32> to vector<16xf32>
      %get3A_597 = arith.index_cast %add3A_585 : i32 to index
      %get3A_598 = arith.constant 48 : index
      %get3A_599 = tpu.vector_load %arg7[%get3A_597, %get3A_598] {strides = array<i32>} : memref<128x128xf32, #tpu.memory_space<vmem>>, vector<1x16xf32>,
      %get3A_600 = vector.shape_cast %get3A_599 : vector<1x16xf32> to vector<16xf32>
      %get3A_601 = arith.index_cast %add3A_585 : i32 to index
      %get3A_602 = arith.constant 64 : index
      %get3A_603 = tpu.vector_load %arg7[%get3A_601, %get3A_602] {strides = array<i32>} : memref<128x128xf32, #tpu.memory_space<vmem>>, vector<1x16xf32>,
      %get3A_604 = vector.shape_cast %get3A_603 : vector<1x16xf32> to vector<16xf32>
      %get3A_605 = arith.index_cast %add3A_585 : i32 to index
      %get3A_606 = arith.constant 80 : index
      %get3A_607 = tpu.vector_load %arg7[%get3A_605, %get3A_606] {strides = array<i32>} : memref<128x128xf32, #tpu.memory_space<vmem>>, vector<1x16xf32>,
      %get3A_608 = vector.shape_cast %get3A_607 : vector<1x16xf32> to vector<16xf32>
      %get3A_609 = arith.index_cast %add3A_585 : i32 to index
      %get3A_610 = arith.constant 96 : index
      %get3A_611 = tpu.vector_load %arg7[%get3A_609, %get3A_610] {strides = array<i32>} : memref<128x128xf32, #tpu.memory_space<vmem>>, vector<1x16xf32>,
      %get3A_612 = vector.shape_cast %get3A_611 : vector<1x16xf32> to vector<16xf32>
      %get3A_613 = arith.index_cast %add3A_585 : i32 to index
      %get3A_614 = arith.constant 112 : index
      %get3A_615 = tpu.vector_load %arg7[%get3A_613, %get3A_614] {strides = array<i32>} : memref<128x128xf32, #tpu.memory_space<vmem>>, vector<1x16xf32>,
      %get3A_616 = vector.shape_cast %get3A_615 : vector<1x16xf32> to vector<16xf32>
      %add3A_617 = arith.addf %scan3A_564, %get3A_588 : vector<16xf32>
      %add3A_618 = arith.addf %scan3A_565, %get3A_592 : vector<16xf32>
      %add3A_619 = arith.addf %scan3A_566, %get3A_596 : vector<16xf32>
      %add3A_620 = arith.addf %scan3A_567, %get3A_600 : vector<16xf32>
      %add3A_621 = arith.addf %scan3A_568, %get3A_604 : vector<16xf32>
      %add3A_622 = arith.addf %scan3A_569, %get3A_608 : vector<16xf32>
      %add3A_623 = arith.addf %scan3A_570, %get3A_612 : vector<16xf32>
      %add3A_624 = arith.addf %scan3A_571, %get3A_616 : vector<16xf32>
      %max3A = arith.maximumf %scan3A_572, %get3A_588 : vector<16xf32>
      %max3A_625 = arith.maximumf %scan3A_573, %get3A_592 : vector<16xf32>
      %max3A_626 = arith.maximumf %scan3A_574, %get3A_596 : vector<16xf32>
      %max3A_627 = arith.maximumf %scan3A_575, %get3A_600 : vector<16xf32>
      %max3A_628 = arith.maximumf %scan3A_576, %get3A_604 : vector<16xf32>
      %max3A_629 = arith.maximumf %scan3A_577, %get3A_608 : vector<16xf32>
      %max3A_630 = arith.maximumf %scan3A_578, %get3A_612 : vector<16xf32>
      %max3A_631 = arith.maximumf %scan3A_579, %get3A_616 : vector<16xf32>
      %mul3A_632 = arith.constant 4 : i32
      %mul3A_633 = arith.muli %scan3A_563, %mul3A_632 : i32
      %add3A_634 = arith.constant 64 : i32
      %add3A_635 = arith.addi %add3A_634, %mul3A_633 : i32
      %add3A_636 = arith.constant 1 : i32
      %add3A_637 = arith.addi %add3A_635, %add3A_636 : i32
      %get3A_638 = arith.index_cast %add3A_637 : i32 to index
      %get3A_639 = arith.constant 0 : index
      %get3A_640 = tpu.vector_load %arg7[%get3A_638, %get3A_639] {strides = array<i32>} : memref<128x128xf32, #tpu.memory_space<vmem>>, vector<1x16xf32>,
      %get3A_641 = vector.shape_cast %get3A_640 : vector<1x16xf32> to vector<16xf32>
      %get3A_642 = arith.index_cast %add3A_637 : i32 to index
      %get3A_643 = arith.constant 16 : index
      %get3A_644 = tpu.vector_load %arg7[%get3A_642, %get3A_643] {strides = array<i32>} : memref<128x128xf32, #tpu.memory_space<vmem>>, vector<1x16xf32>,
      %get3A_645 = vector.shape_cast %get3A_644 : vector<1x16xf32> to vector<16xf32>
      %get3A_646 = arith.index_cast %add3A_637 : i32 to index
      %get3A_647 = arith.constant 32 : index
      %get3A_648 = tpu.vector_load %arg7[%get3A_646, %get3A_647] {strides = array<i32>} : memref<128x128xf32, #tpu.memory_space<vmem>>, vector<1x16xf32>,
      %get3A_649 = vector.shape_cast %get3A_648 : vector<1x16xf32> to vector<16xf32>
      %get3A_650 = arith.index_cast %add3A_637 : i32 to index
      %get3A_651 = arith.constant 48 : index
      %get3A_652 = tpu.vector_load %arg7[%get3A_650, %get3A_651] {strides = array<i32>} : memref<128x128xf32, #tpu.memory_space<vmem>>, vector<1x16xf32>,
      %get3A_653 = vector.shape_cast %get3A_652 : vector<1x16xf32> to vector<16xf32>
      %get3A_654 = arith.index_cast %add3A_637 : i32 to index
      %get3A_655 = arith.constant 64 : index
      %get3A_656 = tpu.vector_load %arg7[%get3A_654, %get3A_655] {strides = array<i32>} : memref<128x128xf32, #tpu.memory_space<vmem>>, vector<1x16xf32>,
      %get3A_657 = vector.shape_cast %get3A_656 : vector<1x16xf32> to vector<16xf32>
      %get3A_658 = arith.index_cast %add3A_637 : i32 to index
      %get3A_659 = arith.constant 80 : index
      %get3A_660 = tpu.vector_load %arg7[%get3A_658, %get3A_659] {strides = array<i32>} : memref<128x128xf32, #tpu.memory_space<vmem>>, vector<1x16xf32>,
      %get3A_661 = vector.shape_cast %get3A_660 : vector<1x16xf32> to vector<16xf32>
      %get3A_662 = arith.index_cast %add3A_637 : i32 to index
      %get3A_663 = arith.constant 96 : index
      %get3A_664 = tpu.vector_load %arg7[%get3A_662, %get3A_663] {strides = array<i32>} : memref<128x128xf32, #tpu.memory_space<vmem>>, vector<1x16xf32>,
      %get3A_665 = vector.shape_cast %get3A_664 : vector<1x16xf32> to vector<16xf32>
      %get3A_666 = arith.index_cast %add3A_637 : i32 to index
      %get3A_667 = arith.constant 112 : index
      %get3A_668 = tpu.vector_load %arg7[%get3A_666, %get3A_667] {strides = array<i32>} : memref<128x128xf32, #tpu.memory_space<vmem>>, vector<1x16xf32>,
      %get3A_669 = vector.shape_cast %get3A_668 : vector<1x16xf32> to vector<16xf32>
      %add3A_670 = arith.addf %add3A_617, %get3A_641 : vector<16xf32>
      %add3A_671 = arith.addf %add3A_618, %get3A_645 : vector<16xf32>
      %add3A_672 = arith.addf %add3A_619, %get3A_649 : vector<16xf32>
      %add3A_673 = arith.addf %add3A_620, %get3A_653 : vector<16xf32>
      %add3A_674 = arith.addf %add3A_621, %get3A_657 : vector<16xf32>
      %add3A_675 = arith.addf %add3A_622, %get3A_661 : vector<16xf32>
      %add3A_676 = arith.addf %add3A_623, %get3A_665 : vector<16xf32>
      %add3A_677 = arith.addf %add3A_624, %get3A_669 : vector<16xf32>
      %max3A_678 = arith.maximumf %max3A, %get3A_641 : vector<16xf32>
      %max3A_679 = arith.maximumf %max3A_625, %get3A_645 : vector<16xf32>
      %max3A_680 = arith.maximumf %max3A_626, %get3A_649 : vector<16xf32>
      %max3A_681 = arith.maximumf %max3A_627, %get3A_653 : vector<16xf32>
      %max3A_682 = arith.maximumf %max3A_628, %get3A_657 : vector<16xf32>
      %max3A_683 = arith.maximumf %max3A_629, %get3A_661 : vector<16xf32>
      %max3A_684 = arith.maximumf %max3A_630, %get3A_665 : vector<16xf32>
      %max3A_685 = arith.maximumf %max3A_631, %get3A_669 : vector<16xf32>
      %mul3A_686 = arith.constant 4 : i32
      %mul3A_687 = arith.muli %scan3A_563, %mul3A_686 : i32
      %add3A_688 = arith.constant 64 : i32
      %add3A_689 = arith.addi %add3A_688, %mul3A_687 : i32
      %add3A_690 = arith.constant 2 : i32
      %add3A_691 = arith.addi %add3A_689, %add3A_690 : i32
      %get3A_692 = arith.index_cast %add3A_691 : i32 to index
      %get3A_693 = arith.constant 0 : index
      %get3A_694 = tpu.vector_load %arg7[%get3A_692, %get3A_693] {strides = array<i32>} : memref<128x128xf32, #tpu.memory_space<vmem>>, vector<1x16xf32>,
      %get3A_695 = vector.shape_cast %get3A_694 : vector<1x16xf32> to vector<16xf32>
      %get3A_696 = arith.index_cast %add3A_691 : i32 to index
      %get3A_697 = arith.constant 16 : index
      %get3A_698 = tpu.vector_load %arg7[%get3A_696, %get3A_697] {strides = array<i32>} : memref<128x128xf32, #tpu.memory_space<vmem>>, vector<1x16xf32>,
      %get3A_699 = vector.shape_cast %get3A_698 : vector<1x16xf32> to vector<16xf32>
      %get3A_700 = arith.index_cast %add3A_691 : i32 to index
      %get3A_701 = arith.constant 32 : index
      %get3A_702 = tpu.vector_load %arg7[%get3A_700, %get3A_701] {strides = array<i32>} : memref<128x128xf32, #tpu.memory_space<vmem>>, vector<1x16xf32>,
      %get3A_703 = vector.shape_cast %get3A_702 : vector<1x16xf32> to vector<16xf32>
      %get3A_704 = arith.index_cast %add3A_691 : i32 to index
      %get3A_705 = arith.constant 48 : index
      %get3A_706 = tpu.vector_load %arg7[%get3A_704, %get3A_705] {strides = array<i32>} : memref<128x128xf32, #tpu.memory_space<vmem>>, vector<1x16xf32>,
      %get3A_707 = vector.shape_cast %get3A_706 : vector<1x16xf32> to vector<16xf32>
      %get3A_708 = arith.index_cast %add3A_691 : i32 to index
      %get3A_709 = arith.constant 64 : index
      %get3A_710 = tpu.vector_load %arg7[%get3A_708, %get3A_709] {strides = array<i32>} : memref<128x128xf32, #tpu.memory_space<vmem>>, vector<1x16xf32>,
      %get3A_711 = vector.shape_cast %get3A_710 : vector<1x16xf32> to vector<16xf32>
      %get3A_712 = arith.index_cast %add3A_691 : i32 to index
      %get3A_713 = arith.constant 80 : index
      %get3A_714 = tpu.vector_load %arg7[%get3A_712, %get3A_713] {strides = array<i32>} : memref<128x128xf32, #tpu.memory_space<vmem>>, vector<1x16xf32>,
      %get3A_715 = vector.shape_cast %get3A_714 : vector<1x16xf32> to vector<16xf32>
      %get3A_716 = arith.index_cast %add3A_691 : i32 to index
      %get3A_717 = arith.constant 96 : index
      %get3A_718 = tpu.vector_load %arg7[%get3A_716, %get3A_717] {strides = array<i32>} : memref<128x128xf32, #tpu.memory_space<vmem>>, vector<1x16xf32>,
      %get3A_719 = vector.shape_cast %get3A_718 : vector<1x16xf32> to vector<16xf32>
      %get3A_720 = arith.index_cast %add3A_691 : i32 to index
      %get3A_721 = arith.constant 112 : index
      %get3A_722 = tpu.vector_load %arg7[%get3A_720, %get3A_721] {strides = array<i32>} : memref<128x128xf32, #tpu.memory_space<vmem>>, vector<1x16xf32>,
      %get3A_723 = vector.shape_cast %get3A_722 : vector<1x16xf32> to vector<16xf32>
      %add3A_724 = arith.addf %add3A_670, %get3A_695 : vector<16xf32>
      %add3A_725 = arith.addf %add3A_671, %get3A_699 : vector<16xf32>
      %add3A_726 = arith.addf %add3A_672, %get3A_703 : vector<16xf32>
      %add3A_727 = arith.addf %add3A_673, %get3A_707 : vector<16xf32>
      %add3A_728 = arith.addf %add3A_674, %get3A_711 : vector<16xf32>
      %add3A_729 = arith.addf %add3A_675, %get3A_715 : vector<16xf32>
      %add3A_730 = arith.addf %add3A_676, %get3A_719 : vector<16xf32>
      %add3A_731 = arith.addf %add3A_677, %get3A_723 : vector<16xf32>
      %max3A_732 = arith.maximumf %max3A_678, %get3A_695 : vector<16xf32>
      %max3A_733 = arith.maximumf %max3A_679, %get3A_699 : vector<16xf32>
      %max3A_734 = arith.maximumf %max3A_680, %get3A_703 : vector<16xf32>
      %max3A_735 = arith.maximumf %max3A_681, %get3A_707 : vector<16xf32>
      %max3A_736 = arith.maximumf %max3A_682, %get3A_711 : vector<16xf32>
      %max3A_737 = arith.maximumf %max3A_683, %get3A_715 : vector<16xf32>
      %max3A_738 = arith.maximumf %max3A_684, %get3A_719 : vector<16xf32>
      %max3A_739 = arith.maximumf %max3A_685, %get3A_723 : vector<16xf32>
      %mul3A_740 = arith.constant 4 : i32
      %mul3A_741 = arith.muli %scan3A_563, %mul3A_740 : i32
      %add3A_742 = arith.constant 64 : i32
      %add3A_743 = arith.addi %add3A_742, %mul3A_741 : i32
      %add3A_744 = arith.constant 3 : i32
      %add3A_745 = arith.addi %add3A_743, %add3A_744 : i32
      %get3A_746 = arith.index_cast %add3A_745 : i32 to index
      %get3A_747 = arith.constant 0 : index
      %get3A_748 = tpu.vector_load %arg7[%get3A_746, %get3A_747] {strides = array<i32>} : memref<128x128xf32, #tpu.memory_space<vmem>>, vector<1x16xf32>,
      %get3A_749 = vector.shape_cast %get3A_748 : vector<1x16xf32> to vector<16xf32>
      %get3A_750 = arith.index_cast %add3A_745 : i32 to index
      %get3A_751 = arith.constant 16 : index
      %get3A_752 = tpu.vector_load %arg7[%get3A_750, %get3A_751] {strides = array<i32>} : memref<128x128xf32, #tpu.memory_space<vmem>>, vector<1x16xf32>,
      %get3A_753 = vector.shape_cast %get3A_752 : vector<1x16xf32> to vector<16xf32>
      %get3A_754 = arith.index_cast %add3A_745 : i32 to index
      %get3A_755 = arith.constant 32 : index
      %get3A_756 = tpu.vector_load %arg7[%get3A_754, %get3A_755] {strides = array<i32>} : memref<128x128xf32, #tpu.memory_space<vmem>>, vector<1x16xf32>,
      %get3A_757 = vector.shape_cast %get3A_756 : vector<1x16xf32> to vector<16xf32>
      %get3A_758 = arith.index_cast %add3A_745 : i32 to index
      %get3A_759 = arith.constant 48 : index
      %get3A_760 = tpu.vector_load %arg7[%get3A_758, %get3A_759] {strides = array<i32>} : memref<128x128xf32, #tpu.memory_space<vmem>>, vector<1x16xf32>,
      %get3A_761 = vector.shape_cast %get3A_760 : vector<1x16xf32> to vector<16xf32>
      %get3A_762 = arith.index_cast %add3A_745 : i32 to index
      %get3A_763 = arith.constant 64 : index
      %get3A_764 = tpu.vector_load %arg7[%get3A_762, %get3A_763] {strides = array<i32>} : memref<128x128xf32, #tpu.memory_space<vmem>>, vector<1x16xf32>,
      %get3A_765 = vector.shape_cast %get3A_764 : vector<1x16xf32> to vector<16xf32>
      %get3A_766 = arith.index_cast %add3A_745 : i32 to index
      %get3A_767 = arith.constant 80 : index
      %get3A_768 = tpu.vector_load %arg7[%get3A_766, %get3A_767] {strides = array<i32>} : memref<128x128xf32, #tpu.memory_space<vmem>>, vector<1x16xf32>,
      %get3A_769 = vector.shape_cast %get3A_768 : vector<1x16xf32> to vector<16xf32>
      %get3A_770 = arith.index_cast %add3A_745 : i32 to index
      %get3A_771 = arith.constant 96 : index
      %get3A_772 = tpu.vector_load %arg7[%get3A_770, %get3A_771] {strides = array<i32>} : memref<128x128xf32, #tpu.memory_space<vmem>>, vector<1x16xf32>,
      %get3A_773 = vector.shape_cast %get3A_772 : vector<1x16xf32> to vector<16xf32>
      %get3A_774 = arith.index_cast %add3A_745 : i32 to index
      %get3A_775 = arith.constant 112 : index
      %get3A_776 = tpu.vector_load %arg7[%get3A_774, %get3A_775] {strides = array<i32>} : memref<128x128xf32, #tpu.memory_space<vmem>>, vector<1x16xf32>,
      %get3A_777 = vector.shape_cast %get3A_776 : vector<1x16xf32> to vector<16xf32>
      %add3A_778 = arith.addf %add3A_724, %get3A_749 : vector<16xf32>
      %add3A_779 = arith.addf %add3A_725, %get3A_753 : vector<16xf32>
      %add3A_780 = arith.addf %add3A_726, %get3A_757 : vector<16xf32>
      %add3A_781 = arith.addf %add3A_727, %get3A_761 : vector<16xf32>
      %add3A_782 = arith.addf %add3A_728, %get3A_765 : vector<16xf32>
      %add3A_783 = arith.addf %add3A_729, %get3A_769 : vector<16xf32>
      %add3A_784 = arith.addf %add3A_730, %get3A_773 : vector<16xf32>
      %add3A_785 = arith.addf %add3A_731, %get3A_777 : vector<16xf32>
      %max3A_786 = arith.maximumf %max3A_732, %get3A_749 : vector<16xf32>
      %max3A_787 = arith.maximumf %max3A_733, %get3A_753 : vector<16xf32>
      %max3A_788 = arith.maximumf %max3A_734, %get3A_757 : vector<16xf32>
      %max3A_789 = arith.maximumf %max3A_735, %get3A_761 : vector<16xf32>
      %max3A_790 = arith.maximumf %max3A_736, %get3A_765 : vector<16xf32>
      %max3A_791 = arith.maximumf %max3A_737, %get3A_769 : vector<16xf32>
      %max3A_792 = arith.maximumf %max3A_738, %get3A_773 : vector<16xf32>
      %max3A_793 = arith.maximumf %max3A_739, %get3A_777 : vector<16xf32>
      scf.yield %add3A_778, %add3A_779, %add3A_780, %add3A_781, %add3A_782, %add3A_783, %add3A_784, %add3A_785, %max3A_786, %max3A_787, %max3A_788, %max3A_789, %max3A_790, %max3A_791, %max3A_792, %max3A_793 : vector<16xf32>, vector<16xf32>, vector<16xf32>, vector<16xf32>, vector<16xf32>, vector<16xf32>, vector<16xf32>, vector<16xf32>, vector<16xf32>, vector<16xf32>, vector<16xf32>, vector<16xf32>, vector<16xf32>, vector<16xf32>, vector<16xf32>, vector<16xf32>
    }
    %scan3A_296 = arith.constant 8 : i32
    %mul3A_297 = arith.constant 3.125000e-02 : f32
    %mul3A_298 = vector.broadcast %mul3A_297 : f32 to vector<16xf32>
    %mul3A_299 = arith.mulf %scan3A_295#0, %mul3A_298 : vector<16xf32>
    %swap3A_300 = arith.constant 2 : i32
    %swap3A_301 = arith.index_cast %swap3A_300 : i32 to index
    %swap3A_302 = arith.constant 0 : index
    %swap3A_303 = tpu.vector_load %arg9[%swap3A_301, %swap3A_302] {strides = array<i32>} : memref<4x256xf32, #tpu.memory_space<vmem>>, vector<1x16xf32>,
    %swap3A_304 = vector.shape_cast %swap3A_303 : vector<1x16xf32> to vector<16xf32>
    %swap3A_305 = vector.shape_cast %mul3A_299 : vector<16xf32> to vector<1x16xf32>
    tpu.vector_store %arg9[%swap3A_301, %swap3A_302], %swap3A_305 {strides = array<i32>} : memref<4x256xf32, #tpu.memory_space<vmem>>, vector<1x16xf32>,
    %swap3A_306 = arith.constant 2 : i32
    %swap3A_307 = arith.index_cast %swap3A_306 : i32 to index
    %swap3A_308 = arith.constant 128 : index
    %swap3A_309 = tpu.vector_load %arg9[%swap3A_307, %swap3A_308] {strides = array<i32>} : memref<4x256xf32, #tpu.memory_space<vmem>>, vector<1x16xf32>,
    %swap3A_310 = vector.shape_cast %swap3A_309 : vector<1x16xf32> to vector<16xf32>
    %swap3A_311 = vector.shape_cast %scan3A_295#8 : vector<16xf32> to vector<1x16xf32>
    tpu.vector_store %arg9[%swap3A_307, %swap3A_308], %swap3A_311 {strides = array<i32>} : memref<4x256xf32, #tpu.memory_space<vmem>>, vector<1x16xf32>,
    %mul3A_312 = arith.constant 3.125000e-02 : f32
    %mul3A_313 = vector.broadcast %mul3A_312 : f32 to vector<16xf32>
    %mul3A_314 = arith.mulf %scan3A_295#1, %mul3A_313 : vector<16xf32>
    %swap3A_315 = arith.constant 2 : i32
    %swap3A_316 = arith.index_cast %swap3A_315 : i32 to index
    %swap3A_317 = arith.constant 16 : index
    %swap3A_318 = tpu.vector_load %arg9[%swap3A_316, %swap3A_317] {strides = array<i32>} : memref<4x256xf32, #tpu.memory_space<vmem>>, vector<1x16xf32>,
    %swap3A_319 = vector.shape_cast %swap3A_318 : vector<1x16xf32> to vector<16xf32>
    %swap3A_320 = vector.shape_cast %mul3A_314 : vector<16xf32> to vector<1x16xf32>
    tpu.vector_store %arg9[%swap3A_316, %swap3A_317], %swap3A_320 {strides = array<i32>} : memref<4x256xf32, #tpu.memory_space<vmem>>, vector<1x16xf32>,
    %swap3A_321 = arith.constant 2 : i32
    %swap3A_322 = arith.index_cast %swap3A_321 : i32 to index
    %swap3A_323 = arith.constant 144 : index
    %swap3A_324 = tpu.vector_load %arg9[%swap3A_322, %swap3A_323] {strides = array<i32>} : memref<4x256xf32, #tpu.memory_space<vmem>>, vector<1x16xf32>,
    %swap3A_325 = vector.shape_cast %swap3A_324 : vector<1x16xf32> to vector<16xf32>
    %swap3A_326 = vector.shape_cast %scan3A_295#9 : vector<16xf32> to vector<1x16xf32>
    tpu.vector_store %arg9[%swap3A_322, %swap3A_323], %swap3A_326 {strides = array<i32>} : memref<4x256xf32, #tpu.memory_space<vmem>>, vector<1x16xf32>,
    %mul3A_327 = arith.constant 3.125000e-02 : f32
    %mul3A_328 = vector.broadcast %mul3A_327 : f32 to vector<16xf32>
    %mul3A_329 = arith.mulf %scan3A_295#2, %mul3A_328 : vector<16xf32>
    %swap3A_330 = arith.constant 2 : i32
    %swap3A_331 = arith.index_cast %swap3A_330 : i32 to index
    %swap3A_332 = arith.constant 32 : index
    %swap3A_333 = tpu.vector_load %arg9[%swap3A_331, %swap3A_332] {strides = array<i32>} : memref<4x256xf32, #tpu.memory_space<vmem>>, vector<1x16xf32>,
    %swap3A_334 = vector.shape_cast %swap3A_333 : vector<1x16xf32> to vector<16xf32>
    %swap3A_335 = vector.shape_cast %mul3A_329 : vector<16xf32> to vector<1x16xf32>
    tpu.vector_store %arg9[%swap3A_331, %swap3A_332], %swap3A_335 {strides = array<i32>} : memref<4x256xf32, #tpu.memory_space<vmem>>, vector<1x16xf32>,
    %swap3A_336 = arith.constant 2 : i32
    %swap3A_337 = arith.index_cast %swap3A_336 : i32 to index
    %swap3A_338 = arith.constant 160 : index
    %swap3A_339 = tpu.vector_load %arg9[%swap3A_337, %swap3A_338] {strides = array<i32>} : memref<4x256xf32, #tpu.memory_space<vmem>>, vector<1x16xf32>,
    %swap3A_340 = vector.shape_cast %swap3A_339 : vector<1x16xf32> to vector<16xf32>
    %swap3A_341 = vector.shape_cast %scan3A_295#10 : vector<16xf32> to vector<1x16xf32>
    tpu.vector_store %arg9[%swap3A_337, %swap3A_338], %swap3A_341 {strides = array<i32>} : memref<4x256xf32, #tpu.memory_space<vmem>>, vector<1x16xf32>,
    %mul3A_342 = arith.constant 3.125000e-02 : f32
    %mul3A_343 = vector.broadcast %mul3A_342 : f32 to vector<16xf32>
    %mul3A_344 = arith.mulf %scan3A_295#3, %mul3A_343 : vector<16xf32>
    %swap3A_345 = arith.constant 2 : i32
    %swap3A_346 = arith.index_cast %swap3A_345 : i32 to index
    %swap3A_347 = arith.constant 48 : index
    %swap3A_348 = tpu.vector_load %arg9[%swap3A_346, %swap3A_347] {strides = array<i32>} : memref<4x256xf32, #tpu.memory_space<vmem>>, vector<1x16xf32>,
    %swap3A_349 = vector.shape_cast %swap3A_348 : vector<1x16xf32> to vector<16xf32>
    %swap3A_350 = vector.shape_cast %mul3A_344 : vector<16xf32> to vector<1x16xf32>
    tpu.vector_store %arg9[%swap3A_346, %swap3A_347], %swap3A_350 {strides = array<i32>} : memref<4x256xf32, #tpu.memory_space<vmem>>, vector<1x16xf32>,
    %swap3A_351 = arith.constant 2 : i32
    %swap3A_352 = arith.index_cast %swap3A_351 : i32 to index
    %swap3A_353 = arith.constant 176 : index
    %swap3A_354 = tpu.vector_load %arg9[%swap3A_352, %swap3A_353] {strides = array<i32>} : memref<4x256xf32, #tpu.memory_space<vmem>>, vector<1x16xf32>,
    %swap3A_355 = vector.shape_cast %swap3A_354 : vector<1x16xf32> to vector<16xf32>
    %swap3A_356 = vector.shape_cast %scan3A_295#11 : vector<16xf32> to vector<1x16xf32>
    tpu.vector_store %arg9[%swap3A_352, %swap3A_353], %swap3A_356 {strides = array<i32>} : memref<4x256xf32, #tpu.memory_space<vmem>>, vector<1x16xf32>,
    %mul3A_357 = arith.constant 3.125000e-02 : f32
    %mul3A_358 = vector.broadcast %mul3A_357 : f32 to vector<16xf32>
    %mul3A_359 = arith.mulf %scan3A_295#4, %mul3A_358 : vector<16xf32>
    %swap3A_360 = arith.constant 2 : i32
    %swap3A_361 = arith.index_cast %swap3A_360 : i32 to index
    %swap3A_362 = arith.constant 64 : index
    %swap3A_363 = tpu.vector_load %arg9[%swap3A_361, %swap3A_362] {strides = array<i32>} : memref<4x256xf32, #tpu.memory_space<vmem>>, vector<1x16xf32>,
    %swap3A_364 = vector.shape_cast %swap3A_363 : vector<1x16xf32> to vector<16xf32>
    %swap3A_365 = vector.shape_cast %mul3A_359 : vector<16xf32> to vector<1x16xf32>
    tpu.vector_store %arg9[%swap3A_361, %swap3A_362], %swap3A_365 {strides = array<i32>} : memref<4x256xf32, #tpu.memory_space<vmem>>, vector<1x16xf32>,
    %swap3A_366 = arith.constant 2 : i32
    %swap3A_367 = arith.index_cast %swap3A_366 : i32 to index
    %swap3A_368 = arith.constant 192 : index
    %swap3A_369 = tpu.vector_load %arg9[%swap3A_367, %swap3A_368] {strides = array<i32>} : memref<4x256xf32, #tpu.memory_space<vmem>>, vector<1x16xf32>,
    %swap3A_370 = vector.shape_cast %swap3A_369 : vector<1x16xf32> to vector<16xf32>
    %swap3A_371 = vector.shape_cast %scan3A_295#12 : vector<16xf32> to vector<1x16xf32>
    tpu.vector_store %arg9[%swap3A_367, %swap3A_368], %swap3A_371 {strides = array<i32>} : memref<4x256xf32, #tpu.memory_space<vmem>>, vector<1x16xf32>,
    %mul3A_372 = arith.constant 3.125000e-02 : f32
    %mul3A_373 = vector.broadcast %mul3A_372 : f32 to vector<16xf32>
    %mul3A_374 = arith.mulf %scan3A_295#5, %mul3A_373 : vector<16xf32>
    %swap3A_375 = arith.constant 2 : i32
    %swap3A_376 = arith.index_cast %swap3A_375 : i32 to index
    %swap3A_377 = arith.constant 80 : index
    %swap3A_378 = tpu.vector_load %arg9[%swap3A_376, %swap3A_377] {strides = array<i32>} : memref<4x256xf32, #tpu.memory_space<vmem>>, vector<1x16xf32>,
    %swap3A_379 = vector.shape_cast %swap3A_378 : vector<1x16xf32> to vector<16xf32>
    %swap3A_380 = vector.shape_cast %mul3A_374 : vector<16xf32> to vector<1x16xf32>
    tpu.vector_store %arg9[%swap3A_376, %swap3A_377], %swap3A_380 {strides = array<i32>} : memref<4x256xf32, #tpu.memory_space<vmem>>, vector<1x16xf32>,
    %swap3A_381 = arith.constant 2 : i32
    %swap3A_382 = arith.index_cast %swap3A_381 : i32 to index
    %swap3A_383 = arith.constant 208 : index
    %swap3A_384 = tpu.vector_load %arg9[%swap3A_382, %swap3A_383] {strides = array<i32>} : memref<4x256xf32, #tpu.memory_space<vmem>>, vector<1x16xf32>,
    %swap3A_385 = vector.shape_cast %swap3A_384 : vector<1x16xf32> to vector<16xf32>
    %swap3A_386 = vector.shape_cast %scan3A_295#13 : vector<16xf32> to vector<1x16xf32>
    tpu.vector_store %arg9[%swap3A_382, %swap3A_383], %swap3A_386 {strides = array<i32>} : memref<4x256xf32, #tpu.memory_space<vmem>>, vector<1x16xf32>,
    %mul3A_387 = arith.constant 3.125000e-02 : f32
    %mul3A_388 = vector.broadcast %mul3A_387 : f32 to vector<16xf32>
    %mul3A_389 = arith.mulf %scan3A_295#6, %mul3A_388 : vector<16xf32>
    %swap3A_390 = arith.constant 2 : i32
    %swap3A_391 = arith.index_cast %swap3A_390 : i32 to index
    %swap3A_392 = arith.constant 96 : index
    %swap3A_393 = tpu.vector_load %arg9[%swap3A_391, %swap3A_392] {strides = array<i32>} : memref<4x256xf32, #tpu.memory_space<vmem>>, vector<1x16xf32>,
    %swap3A_394 = vector.shape_cast %swap3A_393 : vector<1x16xf32> to vector<16xf32>
    %swap3A_395 = vector.shape_cast %mul3A_389 : vector<16xf32> to vector<1x16xf32>
    tpu.vector_store %arg9[%swap3A_391, %swap3A_392], %swap3A_395 {strides = array<i32>} : memref<4x256xf32, #tpu.memory_space<vmem>>, vector<1x16xf32>,
    %swap3A_396 = arith.constant 2 : i32
    %swap3A_397 = arith.index_cast %swap3A_396 : i32 to index
    %swap3A_398 = arith.constant 224 : index
    %swap3A_399 = tpu.vector_load %arg9[%swap3A_397, %swap3A_398] {strides = array<i32>} : memref<4x256xf32, #tpu.memory_space<vmem>>, vector<1x16xf32>,
    %swap3A_400 = vector.shape_cast %swap3A_399 : vector<1x16xf32> to vector<16xf32>
    %swap3A_401 = vector.shape_cast %scan3A_295#14 : vector<16xf32> to vector<1x16xf32>
    tpu.vector_store %arg9[%swap3A_397, %swap3A_398], %swap3A_401 {strides = array<i32>} : memref<4x256xf32, #tpu.memory_space<vmem>>, vector<1x16xf32>,
    %mul3A_402 = arith.constant 3.125000e-02 : f32
    %mul3A_403 = vector.broadcast %mul3A_402 : f32 to vector<16xf32>
    %mul3A_404 = arith.mulf %scan3A_295#7, %mul3A_403 : vector<16xf32>
    %swap3A_405 = arith.constant 2 : i32
    %swap3A_406 = arith.index_cast %swap3A_405 : i32 to index
    %swap3A_407 = arith.constant 112 : index
    %swap3A_408 = tpu.vector_load %arg9[%swap3A_406, %swap3A_407] {strides = array<i32>} : memref<4x256xf32, #tpu.memory_space<vmem>>, vector<1x16xf32>,
    %swap3A_409 = vector.shape_cast %swap3A_408 : vector<1x16xf32> to vector<16xf32>
    %swap3A_410 = vector.shape_cast %mul3A_404 : vector<16xf32> to vector<1x16xf32>
    tpu.vector_store %arg9[%swap3A_406, %swap3A_407], %swap3A_410 {strides = array<i32>} : memref<4x256xf32, #tpu.memory_space<vmem>>, vector<1x16xf32>,
    %swap3A_411 = arith.constant 2 : i32
    %swap3A_412 = arith.index_cast %swap3A_411 : i32 to index
    %swap3A_413 = arith.constant 240 : index
    %swap3A_414 = tpu.vector_load %arg9[%swap3A_412, %swap3A_413] {strides = array<i32>} : memref<4x256xf32, #tpu.memory_space<vmem>>, vector<1x16xf32>,
    %swap3A_415 = vector.shape_cast %swap3A_414 : vector<1x16xf32> to vector<16xf32>
    %swap3A_416 = vector.shape_cast %scan3A_295#15 : vector<16xf32> to vector<1x16xf32>
    tpu.vector_store %arg9[%swap3A_412, %swap3A_413], %swap3A_416 {strides = array<i32>} : memref<4x256xf32, #tpu.memory_space<vmem>>, vector<1x16xf32>,
    %scan3A_417 = arith.constant 0 : i32
    %scan3A_418 = arith.constant 8 : i32
    %scan3A_419 = arith.addi %scan3A_417, %scan3A_418 : i32
    %scan3A_420 = arith.constant 1 : i32
    %scan3A_421:16 = scf.for %scan3A_563 = %scan3A_417 to %scan3A_419 step %scan3A_420 iter_args(%scan3A_564 = %broadcast_in_dim3A_37, %scan3A_565 = %broadcast_in_dim3A_37, %scan3A_566 = %broadcast_in_dim3A_37, %scan3A_567 = %broadcast_in_dim3A_37, %scan3A_568 = %broadcast_in_dim3A_37, %scan3A_569 = %broadcast_in_dim3A_37, %scan3A_570 = %broadcast_in_dim3A_37, %scan3A_571 = %broadcast_in_dim3A_37, %scan3A_572 = %broadcast_in_dim3A_39, %scan3A_573 = %broadcast_in_dim3A_39, %scan3A_574 = %broadcast_in_dim3A_39, %scan3A_575 = %broadcast_in_dim3A_39, %scan3A_576 = %broadcast_in_dim3A_39, %scan3A_577 = %broadcast_in_dim3A_39, %scan3A_578 = %broadcast_in_dim3A_39, %scan3A_579 = %broadcast_in_dim3A_39) -> (vector<16xf32>, vector<16xf32>, vector<16xf32>, vector<16xf32>, vector<16xf32>, vector<16xf32>, vector<16xf32>, vector<16xf32>, vector<16xf32>, vector<16xf32>, vector<16xf32>, vector<16xf32>, vector<16xf32>, vector<16xf32>, vector<16xf32>, vector<16xf32>)  : i32 {
      %mul3A_580 = arith.constant 4 : i32
      %mul3A_581 = arith.muli %scan3A_563, %mul3A_580 : i32
      %add3A_582 = arith.constant 96 : i32
      %add3A_583 = arith.addi %add3A_582, %mul3A_581 : i32
      %add3A_584 = arith.constant 0 : i32
      %add3A_585 = arith.addi %add3A_583, %add3A_584 : i32
      %get3A = arith.index_cast %add3A_585 : i32 to index
      %get3A_586 = arith.constant 0 : index
      %get3A_587 = tpu.vector_load %arg7[%get3A, %get3A_586] {strides = array<i32>} : memref<128x128xf32, #tpu.memory_space<vmem>>, vector<1x16xf32>,
      %get3A_588 = vector.shape_cast %get3A_587 : vector<1x16xf32> to vector<16xf32>
      %get3A_589 = arith.index_cast %add3A_585 : i32 to index
      %get3A_590 = arith.constant 16 : index
      %get3A_591 = tpu.vector_load %arg7[%get3A_589, %get3A_590] {strides = array<i32>} : memref<128x128xf32, #tpu.memory_space<vmem>>, vector<1x16xf32>,
      %get3A_592 = vector.shape_cast %get3A_591 : vector<1x16xf32> to vector<16xf32>
      %get3A_593 = arith.index_cast %add3A_585 : i32 to index
      %get3A_594 = arith.constant 32 : index
      %get3A_595 = tpu.vector_load %arg7[%get3A_593, %get3A_594] {strides = array<i32>} : memref<128x128xf32, #tpu.memory_space<vmem>>, vector<1x16xf32>,
      %get3A_596 = vector.shape_cast %get3A_595 : vector<1x16xf32> to vector<16xf32>
      %get3A_597 = arith.index_cast %add3A_585 : i32 to index
      %get3A_598 = arith.constant 48 : index
      %get3A_599 = tpu.vector_load %arg7[%get3A_597, %get3A_598] {strides = array<i32>} : memref<128x128xf32, #tpu.memory_space<vmem>>, vector<1x16xf32>,
      %get3A_600 = vector.shape_cast %get3A_599 : vector<1x16xf32> to vector<16xf32>
      %get3A_601 = arith.index_cast %add3A_585 : i32 to index
      %get3A_602 = arith.constant 64 : index
      %get3A_603 = tpu.vector_load %arg7[%get3A_601, %get3A_602] {strides = array<i32>} : memref<128x128xf32, #tpu.memory_space<vmem>>, vector<1x16xf32>,
      %get3A_604 = vector.shape_cast %get3A_603 : vector<1x16xf32> to vector<16xf32>
      %get3A_605 = arith.index_cast %add3A_585 : i32 to index
      %get3A_606 = arith.constant 80 : index
      %get3A_607 = tpu.vector_load %arg7[%get3A_605, %get3A_606] {strides = array<i32>} : memref<128x128xf32, #tpu.memory_space<vmem>>, vector<1x16xf32>,
      %get3A_608 = vector.shape_cast %get3A_607 : vector<1x16xf32> to vector<16xf32>
      %get3A_609 = arith.index_cast %add3A_585 : i32 to index
      %get3A_610 = arith.constant 96 : index
      %get3A_611 = tpu.vector_load %arg7[%get3A_609, %get3A_610] {strides = array<i32>} : memref<128x128xf32, #tpu.memory_space<vmem>>, vector<1x16xf32>,
      %get3A_612 = vector.shape_cast %get3A_611 : vector<1x16xf32> to vector<16xf32>
      %get3A_613 = arith.index_cast %add3A_585 : i32 to index
      %get3A_614 = arith.constant 112 : index
      %get3A_615 = tpu.vector_load %arg7[%get3A_613, %get3A_614] {strides = array<i32>} : memref<128x128xf32, #tpu.memory_space<vmem>>, vector<1x16xf32>,
      %get3A_616 = vector.shape_cast %get3A_615 : vector<1x16xf32> to vector<16xf32>
      %add3A_617 = arith.addf %scan3A_564, %get3A_588 : vector<16xf32>
      %add3A_618 = arith.addf %scan3A_565, %get3A_592 : vector<16xf32>
      %add3A_619 = arith.addf %scan3A_566, %get3A_596 : vector<16xf32>
      %add3A_620 = arith.addf %scan3A_567, %get3A_600 : vector<16xf32>
      %add3A_621 = arith.addf %scan3A_568, %get3A_604 : vector<16xf32>
      %add3A_622 = arith.addf %scan3A_569, %get3A_608 : vector<16xf32>
      %add3A_623 = arith.addf %scan3A_570, %get3A_612 : vector<16xf32>
      %add3A_624 = arith.addf %scan3A_571, %get3A_616 : vector<16xf32>
      %max3A = arith.maximumf %scan3A_572, %get3A_588 : vector<16xf32>
      %max3A_625 = arith.maximumf %scan3A_573, %get3A_592 : vector<16xf32>
      %max3A_626 = arith.maximumf %scan3A_574, %get3A_596 : vector<16xf32>
      %max3A_627 = arith.maximumf %scan3A_575, %get3A_600 : vector<16xf32>
      %max3A_628 = arith.maximumf %scan3A_576, %get3A_604 : vector<16xf32>
      %max3A_629 = arith.maximumf %scan3A_577, %get3A_608 : vector<16xf32>
      %max3A_630 = arith.maximumf %scan3A_578, %get3A_612 : vector<16xf32>
      %max3A_631 = arith.maximumf %scan3A_579, %get3A_616 : vector<16xf32>
      %mul3A_632 = arith.constant 4 : i32
      %mul3A_633 = arith.muli %scan3A_563, %mul3A_632 : i32
      %add3A_634 = arith.constant 96 : i32
      %add3A_635 = arith.addi %add3A_634, %mul3A_633 : i32
      %add3A_636 = arith.constant 1 : i32
      %add3A_637 = arith.addi %add3A_635, %add3A_636 : i32
      %get3A_638 = arith.index_cast %add3A_637 : i32 to index
      %get3A_639 = arith.constant 0 : index
      %get3A_640 = tpu.vector_load %arg7[%get3A_638, %get3A_639] {strides = array<i32>} : memref<128x128xf32, #tpu.memory_space<vmem>>, vector<1x16xf32>,
      %get3A_641 = vector.shape_cast %get3A_640 : vector<1x16xf32> to vector<16xf32>
      %get3A_642 = arith.index_cast %add3A_637 : i32 to index
      %get3A_643 = arith.constant 16 : index
      %get3A_644 = tpu.vector_load %arg7[%get3A_642, %get3A_643] {strides = array<i32>} : memref<128x128xf32, #tpu.memory_space<vmem>>, vector<1x16xf32>,
      %get3A_645 = vector.shape_cast %get3A_644 : vector<1x16xf32> to vector<16xf32>
      %get3A_646 = arith.index_cast %add3A_637 : i32 to index
      %get3A_647 = arith.constant 32 : index
      %get3A_648 = tpu.vector_load %arg7[%get3A_646, %get3A_647] {strides = array<i32>} : memref<128x128xf32, #tpu.memory_space<vmem>>, vector<1x16xf32>,
      %get3A_649 = vector.shape_cast %get3A_648 : vector<1x16xf32> to vector<16xf32>
      %get3A_650 = arith.index_cast %add3A_637 : i32 to index
      %get3A_651 = arith.constant 48 : index
      %get3A_652 = tpu.vector_load %arg7[%get3A_650, %get3A_651] {strides = array<i32>} : memref<128x128xf32, #tpu.memory_space<vmem>>, vector<1x16xf32>,
      %get3A_653 = vector.shape_cast %get3A_652 : vector<1x16xf32> to vector<16xf32>
      %get3A_654 = arith.index_cast %add3A_637 : i32 to index
      %get3A_655 = arith.constant 64 : index
      %get3A_656 = tpu.vector_load %arg7[%get3A_654, %get3A_655] {strides = array<i32>} : memref<128x128xf32, #tpu.memory_space<vmem>>, vector<1x16xf32>,
      %get3A_657 = vector.shape_cast %get3A_656 : vector<1x16xf32> to vector<16xf32>
      %get3A_658 = arith.index_cast %add3A_637 : i32 to index
      %get3A_659 = arith.constant 80 : index
      %get3A_660 = tpu.vector_load %arg7[%get3A_658, %get3A_659] {strides = array<i32>} : memref<128x128xf32, #tpu.memory_space<vmem>>, vector<1x16xf32>,
      %get3A_661 = vector.shape_cast %get3A_660 : vector<1x16xf32> to vector<16xf32>
      %get3A_662 = arith.index_cast %add3A_637 : i32 to index
      %get3A_663 = arith.constant 96 : index
      %get3A_664 = tpu.vector_load %arg7[%get3A_662, %get3A_663] {strides = array<i32>} : memref<128x128xf32, #tpu.memory_space<vmem>>, vector<1x16xf32>,
      %get3A_665 = vector.shape_cast %get3A_664 : vector<1x16xf32> to vector<16xf32>
      %get3A_666 = arith.index_cast %add3A_637 : i32 to index
      %get3A_667 = arith.constant 112 : index
      %get3A_668 = tpu.vector_load %arg7[%get3A_666, %get3A_667] {strides = array<i32>} : memref<128x128xf32, #tpu.memory_space<vmem>>, vector<1x16xf32>,
      %get3A_669 = vector.shape_cast %get3A_668 : vector<1x16xf32> to vector<16xf32>
      %add3A_670 = arith.addf %add3A_617, %get3A_641 : vector<16xf32>
      %add3A_671 = arith.addf %add3A_618, %get3A_645 : vector<16xf32>
      %add3A_672 = arith.addf %add3A_619, %get3A_649 : vector<16xf32>
      %add3A_673 = arith.addf %add3A_620, %get3A_653 : vector<16xf32>
      %add3A_674 = arith.addf %add3A_621, %get3A_657 : vector<16xf32>
      %add3A_675 = arith.addf %add3A_622, %get3A_661 : vector<16xf32>
      %add3A_676 = arith.addf %add3A_623, %get3A_665 : vector<16xf32>
      %add3A_677 = arith.addf %add3A_624, %get3A_669 : vector<16xf32>
      %max3A_678 = arith.maximumf %max3A, %get3A_641 : vector<16xf32>
      %max3A_679 = arith.maximumf %max3A_625, %get3A_645 : vector<16xf32>
      %max3A_680 = arith.maximumf %max3A_626, %get3A_649 : vector<16xf32>
      %max3A_681 = arith.maximumf %max3A_627, %get3A_653 : vector<16xf32>
      %max3A_682 = arith.maximumf %max3A_628, %get3A_657 : vector<16xf32>
      %max3A_683 = arith.maximumf %max3A_629, %get3A_661 : vector<16xf32>
      %max3A_684 = arith.maximumf %max3A_630, %get3A_665 : vector<16xf32>
      %max3A_685 = arith.maximumf %max3A_631, %get3A_669 : vector<16xf32>
      %mul3A_686 = arith.constant 4 : i32
      %mul3A_687 = arith.muli %scan3A_563, %mul3A_686 : i32
      %add3A_688 = arith.constant 96 : i32
      %add3A_689 = arith.addi %add3A_688, %mul3A_687 : i32
      %add3A_690 = arith.constant 2 : i32
      %add3A_691 = arith.addi %add3A_689, %add3A_690 : i32
      %get3A_692 = arith.index_cast %add3A_691 : i32 to index
      %get3A_693 = arith.constant 0 : index
      %get3A_694 = tpu.vector_load %arg7[%get3A_692, %get3A_693] {strides = array<i32>} : memref<128x128xf32, #tpu.memory_space<vmem>>, vector<1x16xf32>,
      %get3A_695 = vector.shape_cast %get3A_694 : vector<1x16xf32> to vector<16xf32>
      %get3A_696 = arith.index_cast %add3A_691 : i32 to index
      %get3A_697 = arith.constant 16 : index
      %get3A_698 = tpu.vector_load %arg7[%get3A_696, %get3A_697] {strides = array<i32>} : memref<128x128xf32, #tpu.memory_space<vmem>>, vector<1x16xf32>,
      %get3A_699 = vector.shape_cast %get3A_698 : vector<1x16xf32> to vector<16xf32>
      %get3A_700 = arith.index_cast %add3A_691 : i32 to index
      %get3A_701 = arith.constant 32 : index
      %get3A_702 = tpu.vector_load %arg7[%get3A_700, %get3A_701] {strides = array<i32>} : memref<128x128xf32, #tpu.memory_space<vmem>>, vector<1x16xf32>,
      %get3A_703 = vector.shape_cast %get3A_702 : vector<1x16xf32> to vector<16xf32>
      %get3A_704 = arith.index_cast %add3A_691 : i32 to index
      %get3A_705 = arith.constant 48 : index
      %get3A_706 = tpu.vector_load %arg7[%get3A_704, %get3A_705] {strides = array<i32>} : memref<128x128xf32, #tpu.memory_space<vmem>>, vector<1x16xf32>,
      %get3A_707 = vector.shape_cast %get3A_706 : vector<1x16xf32> to vector<16xf32>
      %get3A_708 = arith.index_cast %add3A_691 : i32 to index
      %get3A_709 = arith.constant 64 : index
      %get3A_710 = tpu.vector_load %arg7[%get3A_708, %get3A_709] {strides = array<i32>} : memref<128x128xf32, #tpu.memory_space<vmem>>, vector<1x16xf32>,
      %get3A_711 = vector.shape_cast %get3A_710 : vector<1x16xf32> to vector<16xf32>
      %get3A_712 = arith.index_cast %add3A_691 : i32 to index
      %get3A_713 = arith.constant 80 : index
      %get3A_714 = tpu.vector_load %arg7[%get3A_712, %get3A_713] {strides = array<i32>} : memref<128x128xf32, #tpu.memory_space<vmem>>, vector<1x16xf32>,
      %get3A_715 = vector.shape_cast %get3A_714 : vector<1x16xf32> to vector<16xf32>
      %get3A_716 = arith.index_cast %add3A_691 : i32 to index
      %get3A_717 = arith.constant 96 : index
      %get3A_718 = tpu.vector_load %arg7[%get3A_716, %get3A_717] {strides = array<i32>} : memref<128x128xf32, #tpu.memory_space<vmem>>, vector<1x16xf32>,
      %get3A_719 = vector.shape_cast %get3A_718 : vector<1x16xf32> to vector<16xf32>
      %get3A_720 = arith.index_cast %add3A_691 : i32 to index
      %get3A_721 = arith.constant 112 : index
      %get3A_722 = tpu.vector_load %arg7[%get3A_720, %get3A_721] {strides = array<i32>} : memref<128x128xf32, #tpu.memory_space<vmem>>, vector<1x16xf32>,
      %get3A_723 = vector.shape_cast %get3A_722 : vector<1x16xf32> to vector<16xf32>
      %add3A_724 = arith.addf %add3A_670, %get3A_695 : vector<16xf32>
      %add3A_725 = arith.addf %add3A_671, %get3A_699 : vector<16xf32>
      %add3A_726 = arith.addf %add3A_672, %get3A_703 : vector<16xf32>
      %add3A_727 = arith.addf %add3A_673, %get3A_707 : vector<16xf32>
      %add3A_728 = arith.addf %add3A_674, %get3A_711 : vector<16xf32>
      %add3A_729 = arith.addf %add3A_675, %get3A_715 : vector<16xf32>
      %add3A_730 = arith.addf %add3A_676, %get3A_719 : vector<16xf32>
      %add3A_731 = arith.addf %add3A_677, %get3A_723 : vector<16xf32>
      %max3A_732 = arith.maximumf %max3A_678, %get3A_695 : vector<16xf32>
      %max3A_733 = arith.maximumf %max3A_679, %get3A_699 : vector<16xf32>
      %max3A_734 = arith.maximumf %max3A_680, %get3A_703 : vector<16xf32>
      %max3A_735 = arith.maximumf %max3A_681, %get3A_707 : vector<16xf32>
      %max3A_736 = arith.maximumf %max3A_682, %get3A_711 : vector<16xf32>
      %max3A_737 = arith.maximumf %max3A_683, %get3A_715 : vector<16xf32>
      %max3A_738 = arith.maximumf %max3A_684, %get3A_719 : vector<16xf32>
      %max3A_739 = arith.maximumf %max3A_685, %get3A_723 : vector<16xf32>
      %mul3A_740 = arith.constant 4 : i32
      %mul3A_741 = arith.muli %scan3A_563, %mul3A_740 : i32
      %add3A_742 = arith.constant 96 : i32
      %add3A_743 = arith.addi %add3A_742, %mul3A_741 : i32
      %add3A_744 = arith.constant 3 : i32
      %add3A_745 = arith.addi %add3A_743, %add3A_744 : i32
      %get3A_746 = arith.index_cast %add3A_745 : i32 to index
      %get3A_747 = arith.constant 0 : index
      %get3A_748 = tpu.vector_load %arg7[%get3A_746, %get3A_747] {strides = array<i32>} : memref<128x128xf32, #tpu.memory_space<vmem>>, vector<1x16xf32>,
      %get3A_749 = vector.shape_cast %get3A_748 : vector<1x16xf32> to vector<16xf32>
      %get3A_750 = arith.index_cast %add3A_745 : i32 to index
      %get3A_751 = arith.constant 16 : index
      %get3A_752 = tpu.vector_load %arg7[%get3A_750, %get3A_751] {strides = array<i32>} : memref<128x128xf32, #tpu.memory_space<vmem>>, vector<1x16xf32>,
      %get3A_753 = vector.shape_cast %get3A_752 : vector<1x16xf32> to vector<16xf32>
      %get3A_754 = arith.index_cast %add3A_745 : i32 to index
      %get3A_755 = arith.constant 32 : index
      %get3A_756 = tpu.vector_load %arg7[%get3A_754, %get3A_755] {strides = array<i32>} : memref<128x128xf32, #tpu.memory_space<vmem>>, vector<1x16xf32>,
      %get3A_757 = vector.shape_cast %get3A_756 : vector<1x16xf32> to vector<16xf32>
      %get3A_758 = arith.index_cast %add3A_745 : i32 to index
      %get3A_759 = arith.constant 48 : index
      %get3A_760 = tpu.vector_load %arg7[%get3A_758, %get3A_759] {strides = array<i32>} : memref<128x128xf32, #tpu.memory_space<vmem>>, vector<1x16xf32>,
      %get3A_761 = vector.shape_cast %get3A_760 : vector<1x16xf32> to vector<16xf32>
      %get3A_762 = arith.index_cast %add3A_745 : i32 to index
      %get3A_763 = arith.constant 64 : index
      %get3A_764 = tpu.vector_load %arg7[%get3A_762, %get3A_763] {strides = array<i32>} : memref<128x128xf32, #tpu.memory_space<vmem>>, vector<1x16xf32>,
      %get3A_765 = vector.shape_cast %get3A_764 : vector<1x16xf32> to vector<16xf32>
      %get3A_766 = arith.index_cast %add3A_745 : i32 to index
      %get3A_767 = arith.constant 80 : index
      %get3A_768 = tpu.vector_load %arg7[%get3A_766, %get3A_767] {strides = array<i32>} : memref<128x128xf32, #tpu.memory_space<vmem>>, vector<1x16xf32>,
      %get3A_769 = vector.shape_cast %get3A_768 : vector<1x16xf32> to vector<16xf32>
      %get3A_770 = arith.index_cast %add3A_745 : i32 to index
      %get3A_771 = arith.constant 96 : index
      %get3A_772 = tpu.vector_load %arg7[%get3A_770, %get3A_771] {strides = array<i32>} : memref<128x128xf32, #tpu.memory_space<vmem>>, vector<1x16xf32>,
      %get3A_773 = vector.shape_cast %get3A_772 : vector<1x16xf32> to vector<16xf32>
      %get3A_774 = arith.index_cast %add3A_745 : i32 to index
      %get3A_775 = arith.constant 112 : index
      %get3A_776 = tpu.vector_load %arg7[%get3A_774, %get3A_775] {strides = array<i32>} : memref<128x128xf32, #tpu.memory_space<vmem>>, vector<1x16xf32>,
      %get3A_777 = vector.shape_cast %get3A_776 : vector<1x16xf32> to vector<16xf32>
      %add3A_778 = arith.addf %add3A_724, %get3A_749 : vector<16xf32>
      %add3A_779 = arith.addf %add3A_725, %get3A_753 : vector<16xf32>
      %add3A_780 = arith.addf %add3A_726, %get3A_757 : vector<16xf32>
      %add3A_781 = arith.addf %add3A_727, %get3A_761 : vector<16xf32>
      %add3A_782 = arith.addf %add3A_728, %get3A_765 : vector<16xf32>
      %add3A_783 = arith.addf %add3A_729, %get3A_769 : vector<16xf32>
      %add3A_784 = arith.addf %add3A_730, %get3A_773 : vector<16xf32>
      %add3A_785 = arith.addf %add3A_731, %get3A_777 : vector<16xf32>
      %max3A_786 = arith.maximumf %max3A_732, %get3A_749 : vector<16xf32>
      %max3A_787 = arith.maximumf %max3A_733, %get3A_753 : vector<16xf32>
      %max3A_788 = arith.maximumf %max3A_734, %get3A_757 : vector<16xf32>
      %max3A_789 = arith.maximumf %max3A_735, %get3A_761 : vector<16xf32>
      %max3A_790 = arith.maximumf %max3A_736, %get3A_765 : vector<16xf32>
      %max3A_791 = arith.maximumf %max3A_737, %get3A_769 : vector<16xf32>
      %max3A_792 = arith.maximumf %max3A_738, %get3A_773 : vector<16xf32>
      %max3A_793 = arith.maximumf %max3A_739, %get3A_777 : vector<16xf32>
      scf.yield %add3A_778, %add3A_779, %add3A_780, %add3A_781, %add3A_782, %add3A_783, %add3A_784, %add3A_785, %max3A_786, %max3A_787, %max3A_788, %max3A_789, %max3A_790, %max3A_791, %max3A_792, %max3A_793 : vector<16xf32>, vector<16xf32>, vector<16xf32>, vector<16xf32>, vector<16xf32>, vector<16xf32>, vector<16xf32>, vector<16xf32>, vector<16xf32>, vector<16xf32>, vector<16xf32>, vector<16xf32>, vector<16xf32>, vector<16xf32>, vector<16xf32>, vector<16xf32>
    }
    %scan3A_422 = arith.constant 8 : i32
    %mul3A_423 = arith.constant 3.125000e-02 : f32
    %mul3A_424 = vector.broadcast %mul3A_423 : f32 to vector<16xf32>
    %mul3A_425 = arith.mulf %scan3A_421#0, %mul3A_424 : vector<16xf32>
    %swap3A_426 = arith.constant 3 : i32
    %swap3A_427 = arith.index_cast %swap3A_426 : i32 to index
    %swap3A_428 = arith.constant 0 : index
    %swap3A_429 = tpu.vector_load %arg9[%swap3A_427, %swap3A_428] {strides = array<i32>} : memref<4x256xf32, #tpu.memory_space<vmem>>, vector<1x16xf32>,
    %swap3A_430 = vector.shape_cast %swap3A_429 : vector<1x16xf32> to vector<16xf32>
    %swap3A_431 = vector.shape_cast %mul3A_425 : vector<16xf32> to vector<1x16xf32>
    tpu.vector_store %arg9[%swap3A_427, %swap3A_428], %swap3A_431 {strides = array<i32>} : memref<4x256xf32, #tpu.memory_space<vmem>>, vector<1x16xf32>,
    %swap3A_432 = arith.constant 3 : i32
    %swap3A_433 = arith.index_cast %swap3A_432 : i32 to index
    %swap3A_434 = arith.constant 128 : index
    %swap3A_435 = tpu.vector_load %arg9[%swap3A_433, %swap3A_434] {strides = array<i32>} : memref<4x256xf32, #tpu.memory_space<vmem>>, vector<1x16xf32>,
    %swap3A_436 = vector.shape_cast %swap3A_435 : vector<1x16xf32> to vector<16xf32>
    %swap3A_437 = vector.shape_cast %scan3A_421#8 : vector<16xf32> to vector<1x16xf32>
    tpu.vector_store %arg9[%swap3A_433, %swap3A_434], %swap3A_437 {strides = array<i32>} : memref<4x256xf32, #tpu.memory_space<vmem>>, vector<1x16xf32>,
    %mul3A_438 = arith.constant 3.125000e-02 : f32
    %mul3A_439 = vector.broadcast %mul3A_438 : f32 to vector<16xf32>
    %mul3A_440 = arith.mulf %scan3A_421#1, %mul3A_439 : vector<16xf32>
    %swap3A_441 = arith.constant 3 : i32
    %swap3A_442 = arith.index_cast %swap3A_441 : i32 to index
    %swap3A_443 = arith.constant 16 : index
    %swap3A_444 = tpu.vector_load %arg9[%swap3A_442, %swap3A_443] {strides = array<i32>} : memref<4x256xf32, #tpu.memory_space<vmem>>, vector<1x16xf32>,
    %swap3A_445 = vector.shape_cast %swap3A_444 : vector<1x16xf32> to vector<16xf32>
    %swap3A_446 = vector.shape_cast %mul3A_440 : vector<16xf32> to vector<1x16xf32>
    tpu.vector_store %arg9[%swap3A_442, %swap3A_443], %swap3A_446 {strides = array<i32>} : memref<4x256xf32, #tpu.memory_space<vmem>>, vector<1x16xf32>,
    %swap3A_447 = arith.constant 3 : i32
    %swap3A_448 = arith.index_cast %swap3A_447 : i32 to index
    %swap3A_449 = arith.constant 144 : index
    %swap3A_450 = tpu.vector_load %arg9[%swap3A_448, %swap3A_449] {strides = array<i32>} : memref<4x256xf32, #tpu.memory_space<vmem>>, vector<1x16xf32>,
    %swap3A_451 = vector.shape_cast %swap3A_450 : vector<1x16xf32> to vector<16xf32>
    %swap3A_452 = vector.shape_cast %scan3A_421#9 : vector<16xf32> to vector<1x16xf32>
    tpu.vector_store %arg9[%swap3A_448, %swap3A_449], %swap3A_452 {strides = array<i32>} : memref<4x256xf32, #tpu.memory_space<vmem>>, vector<1x16xf32>,
    %mul3A_453 = arith.constant 3.125000e-02 : f32
    %mul3A_454 = vector.broadcast %mul3A_453 : f32 to vector<16xf32>
    %mul3A_455 = arith.mulf %scan3A_421#2, %mul3A_454 : vector<16xf32>
    %swap3A_456 = arith.constant 3 : i32
    %swap3A_457 = arith.index_cast %swap3A_456 : i32 to index
    %swap3A_458 = arith.constant 32 : index
    %swap3A_459 = tpu.vector_load %arg9[%swap3A_457, %swap3A_458] {strides = array<i32>} : memref<4x256xf32, #tpu.memory_space<vmem>>, vector<1x16xf32>,
    %swap3A_460 = vector.shape_cast %swap3A_459 : vector<1x16xf32> to vector<16xf32>
    %swap3A_461 = vector.shape_cast %mul3A_455 : vector<16xf32> to vector<1x16xf32>
    tpu.vector_store %arg9[%swap3A_457, %swap3A_458], %swap3A_461 {strides = array<i32>} : memref<4x256xf32, #tpu.memory_space<vmem>>, vector<1x16xf32>,
    %swap3A_462 = arith.constant 3 : i32
    %swap3A_463 = arith.index_cast %swap3A_462 : i32 to index
    %swap3A_464 = arith.constant 160 : index
    %swap3A_465 = tpu.vector_load %arg9[%swap3A_463, %swap3A_464] {strides = array<i32>} : memref<4x256xf32, #tpu.memory_space<vmem>>, vector<1x16xf32>,
    %swap3A_466 = vector.shape_cast %swap3A_465 : vector<1x16xf32> to vector<16xf32>
    %swap3A_467 = vector.shape_cast %scan3A_421#10 : vector<16xf32> to vector<1x16xf32>
    tpu.vector_store %arg9[%swap3A_463, %swap3A_464], %swap3A_467 {strides = array<i32>} : memref<4x256xf32, #tpu.memory_space<vmem>>, vector<1x16xf32>,
    %mul3A_468 = arith.constant 3.125000e-02 : f32
    %mul3A_469 = vector.broadcast %mul3A_468 : f32 to vector<16xf32>
    %mul3A_470 = arith.mulf %scan3A_421#3, %mul3A_469 : vector<16xf32>
    %swap3A_471 = arith.constant 3 : i32
    %swap3A_472 = arith.index_cast %swap3A_471 : i32 to index
    %swap3A_473 = arith.constant 48 : index
    %swap3A_474 = tpu.vector_load %arg9[%swap3A_472, %swap3A_473] {strides = array<i32>} : memref<4x256xf32, #tpu.memory_space<vmem>>, vector<1x16xf32>,
    %swap3A_475 = vector.shape_cast %swap3A_474 : vector<1x16xf32> to vector<16xf32>
    %swap3A_476 = vector.shape_cast %mul3A_470 : vector<16xf32> to vector<1x16xf32>
    tpu.vector_store %arg9[%swap3A_472, %swap3A_473], %swap3A_476 {strides = array<i32>} : memref<4x256xf32, #tpu.memory_space<vmem>>, vector<1x16xf32>,
    %swap3A_477 = arith.constant 3 : i32
    %swap3A_478 = arith.index_cast %swap3A_477 : i32 to index
    %swap3A_479 = arith.constant 176 : index
    %swap3A_480 = tpu.vector_load %arg9[%swap3A_478, %swap3A_479] {strides = array<i32>} : memref<4x256xf32, #tpu.memory_space<vmem>>, vector<1x16xf32>,
    %swap3A_481 = vector.shape_cast %swap3A_480 : vector<1x16xf32> to vector<16xf32>
    %swap3A_482 = vector.shape_cast %scan3A_421#11 : vector<16xf32> to vector<1x16xf32>
    tpu.vector_store %arg9[%swap3A_478, %swap3A_479], %swap3A_482 {strides = array<i32>} : memref<4x256xf32, #tpu.memory_space<vmem>>, vector<1x16xf32>,
    %mul3A_483 = arith.constant 3.125000e-02 : f32
    %mul3A_484 = vector.broadcast %mul3A_483 : f32 to vector<16xf32>
    %mul3A_485 = arith.mulf %scan3A_421#4, %mul3A_484 : vector<16xf32>
    %swap3A_486 = arith.constant 3 : i32
    %swap3A_487 = arith.index_cast %swap3A_486 : i32 to index
    %swap3A_488 = arith.constant 64 : index
    %swap3A_489 = tpu.vector_load %arg9[%swap3A_487, %swap3A_488] {strides = array<i32>} : memref<4x256xf32, #tpu.memory_space<vmem>>, vector<1x16xf32>,
    %swap3A_490 = vector.shape_cast %swap3A_489 : vector<1x16xf32> to vector<16xf32>
    %swap3A_491 = vector.shape_cast %mul3A_485 : vector<16xf32> to vector<1x16xf32>
    tpu.vector_store %arg9[%swap3A_487, %swap3A_488], %swap3A_491 {strides = array<i32>} : memref<4x256xf32, #tpu.memory_space<vmem>>, vector<1x16xf32>,
    %swap3A_492 = arith.constant 3 : i32
    %swap3A_493 = arith.index_cast %swap3A_492 : i32 to index
    %swap3A_494 = arith.constant 192 : index
    %swap3A_495 = tpu.vector_load %arg9[%swap3A_493, %swap3A_494] {strides = array<i32>} : memref<4x256xf32, #tpu.memory_space<vmem>>, vector<1x16xf32>,
    %swap3A_496 = vector.shape_cast %swap3A_495 : vector<1x16xf32> to vector<16xf32>
    %swap3A_497 = vector.shape_cast %scan3A_421#12 : vector<16xf32> to vector<1x16xf32>
    tpu.vector_store %arg9[%swap3A_493, %swap3A_494], %swap3A_497 {strides = array<i32>} : memref<4x256xf32, #tpu.memory_space<vmem>>, vector<1x16xf32>,
    %mul3A_498 = arith.constant 3.125000e-02 : f32
    %mul3A_499 = vector.broadcast %mul3A_498 : f32 to vector<16xf32>
    %mul3A_500 = arith.mulf %scan3A_421#5, %mul3A_499 : vector<16xf32>
    %swap3A_501 = arith.constant 3 : i32
    %swap3A_502 = arith.index_cast %swap3A_501 : i32 to index
    %swap3A_503 = arith.constant 80 : index
    %swap3A_504 = tpu.vector_load %arg9[%swap3A_502, %swap3A_503] {strides = array<i32>} : memref<4x256xf32, #tpu.memory_space<vmem>>, vector<1x16xf32>,
    %swap3A_505 = vector.shape_cast %swap3A_504 : vector<1x16xf32> to vector<16xf32>
    %swap3A_506 = vector.shape_cast %mul3A_500 : vector<16xf32> to vector<1x16xf32>
    tpu.vector_store %arg9[%swap3A_502, %swap3A_503], %swap3A_506 {strides = array<i32>} : memref<4x256xf32, #tpu.memory_space<vmem>>, vector<1x16xf32>,
    %swap3A_507 = arith.constant 3 : i32
    %swap3A_508 = arith.index_cast %swap3A_507 : i32 to index
    %swap3A_509 = arith.constant 208 : index
    %swap3A_510 = tpu.vector_load %arg9[%swap3A_508, %swap3A_509] {strides = array<i32>} : memref<4x256xf32, #tpu.memory_space<vmem>>, vector<1x16xf32>,
    %swap3A_511 = vector.shape_cast %swap3A_510 : vector<1x16xf32> to vector<16xf32>
    %swap3A_512 = vector.shape_cast %scan3A_421#13 : vector<16xf32> to vector<1x16xf32>
    tpu.vector_store %arg9[%swap3A_508, %swap3A_509], %swap3A_512 {strides = array<i32>} : memref<4x256xf32, #tpu.memory_space<vmem>>, vector<1x16xf32>,
    %mul3A_513 = arith.constant 3.125000e-02 : f32
    %mul3A_514 = vector.broadcast %mul3A_513 : f32 to vector<16xf32>
    %mul3A_515 = arith.mulf %scan3A_421#6, %mul3A_514 : vector<16xf32>
    %swap3A_516 = arith.constant 3 : i32
    %swap3A_517 = arith.index_cast %swap3A_516 : i32 to index
    %swap3A_518 = arith.constant 96 : index
    %swap3A_519 = tpu.vector_load %arg9[%swap3A_517, %swap3A_518] {strides = array<i32>} : memref<4x256xf32, #tpu.memory_space<vmem>>, vector<1x16xf32>,
    %swap3A_520 = vector.shape_cast %swap3A_519 : vector<1x16xf32> to vector<16xf32>
    %swap3A_521 = vector.shape_cast %mul3A_515 : vector<16xf32> to vector<1x16xf32>
    tpu.vector_store %arg9[%swap3A_517, %swap3A_518], %swap3A_521 {strides = array<i32>} : memref<4x256xf32, #tpu.memory_space<vmem>>, vector<1x16xf32>,
    %swap3A_522 = arith.constant 3 : i32
    %swap3A_523 = arith.index_cast %swap3A_522 : i32 to index
    %swap3A_524 = arith.constant 224 : index
    %swap3A_525 = tpu.vector_load %arg9[%swap3A_523, %swap3A_524] {strides = array<i32>} : memref<4x256xf32, #tpu.memory_space<vmem>>, vector<1x16xf32>,
    %swap3A_526 = vector.shape_cast %swap3A_525 : vector<1x16xf32> to vector<16xf32>
    %swap3A_527 = vector.shape_cast %scan3A_421#14 : vector<16xf32> to vector<1x16xf32>
    tpu.vector_store %arg9[%swap3A_523, %swap3A_524], %swap3A_527 {strides = array<i32>} : memref<4x256xf32, #tpu.memory_space<vmem>>, vector<1x16xf32>,
    %mul3A_528 = arith.constant 3.125000e-02 : f32
    %mul3A_529 = vector.broadcast %mul3A_528 : f32 to vector<16xf32>
    %mul3A_530 = arith.mulf %scan3A_421#7, %mul3A_529 : vector<16xf32>
    %swap3A_531 = arith.constant 3 : i32
    %swap3A_532 = arith.index_cast %swap3A_531 : i32 to index
    %swap3A_533 = arith.constant 112 : index
    %swap3A_534 = tpu.vector_load %arg9[%swap3A_532, %swap3A_533] {strides = array<i32>} : memref<4x256xf32, #tpu.memory_space<vmem>>, vector<1x16xf32>,
    %swap3A_535 = vector.shape_cast %swap3A_534 : vector<1x16xf32> to vector<16xf32>
    %swap3A_536 = vector.shape_cast %mul3A_530 : vector<16xf32> to vector<1x16xf32>
    tpu.vector_store %arg9[%swap3A_532, %swap3A_533], %swap3A_536 {strides = array<i32>} : memref<4x256xf32, #tpu.memory_space<vmem>>, vector<1x16xf32>,
    %swap3A_537 = arith.constant 3 : i32
    %swap3A_538 = arith.index_cast %swap3A_537 : i32 to index
    %swap3A_539 = arith.constant 240 : index
    %swap3A_540 = tpu.vector_load %arg9[%swap3A_538, %swap3A_539] {strides = array<i32>} : memref<4x256xf32, #tpu.memory_space<vmem>>, vector<1x16xf32>,
    %swap3A_541 = vector.shape_cast %swap3A_540 : vector<1x16xf32> to vector<16xf32>
    %swap3A_542 = vector.shape_cast %scan3A_421#15 : vector<16xf32> to vector<1x16xf32>
    tpu.vector_store %arg9[%swap3A_538, %swap3A_539], %swap3A_542 {strides = array<i32>} : memref<4x256xf32, #tpu.memory_space<vmem>>, vector<1x16xf32>,
    %add3A_543 = arith.constant 78 : i32
    %add3A_544 = arith.addi %min3A_3, %add3A_543 : i32
    %mul3A_545 = arith.constant 4 : i32
    %mul3A_546 = arith.muli %add3A_544, %mul3A_545 : i32
    %dma_start3A_547 = arith.constant 0 : i32
    %dma_start3A_548 = tpu.memref_slice %arg4[%mul3A_546, %dma_start3A_547] : memref<10000x256xf32, #tpu.memory_space<hbm>> -> memref<4x256xf32, #tpu.memory_space<hbm>>
    %dma_start3A_549 = arith.constant 0 : i32
    %dma_start3A_550 = tpu.memref_slice %arg4[%mul3A_546, %dma_start3A_549] : memref<10000x256xf32, #tpu.memory_space<hbm>> -> memref<4x256xf32, #tpu.memory_space<hbm>>
    tpu.enqueue_dma source(%arg9 : memref<4x256xf32, #tpu.memory_space<vmem>>) target(%dma_start3A_550 : memref<4x256xf32, #tpu.memory_space<hbm>>) target_semaphore(%arg13 : memref<!tpu.dma_semaphore, #tpu.memory_space<semaphore_mem>>)
    %dma_wait3A_551 = arith.constant 0 : i32
    %dma_wait3A_552 = arith.constant 0 : i32
    %dma_wait3A_553 = tpu.memref_slice %arg4[%dma_wait3A_551, %dma_wait3A_552] : memref<10000x256xf32, #tpu.memory_space<hbm>> -> memref<4x256xf32, #tpu.memory_space<hbm>>
    %dma_wait3A_554 = arith.constant 0 : i32
    %dma_wait3A_555 = arith.constant 0 : i32
    %dma_wait3A_556 = tpu.memref_slice %arg4[%dma_wait3A_554, %dma_wait3A_555] : memref<10000x256xf32, #tpu.memory_space<hbm>> -> memref<4x256xf32, #tpu.memory_space<hbm>>
    tpu.wait_dma2 semaphore(%arg13 : memref<!tpu.dma_semaphore, #tpu.memory_space<semaphore_mem>>) src(%arg9 : memref<4x256xf32, #tpu.memory_space<vmem>>) dst(%dma_wait3A_556 : memref<4x256xf32, #tpu.memory_space<hbm>>)
    %dma_wait3A_557 = arith.constant 0 : i32
    %dma_wait3A_558 = arith.constant 0 : i32
    %dma_wait3A_559 = tpu.memref_slice %arg4[%dma_wait3A_557, %dma_wait3A_558] : memref<10000x256xf32, #tpu.memory_space<hbm>> -> memref<4x256xf32, #tpu.memory_space<hbm>>
    %dma_wait3A_560 = arith.constant 0 : i32
    %dma_wait3A_561 = arith.constant 0 : i32
    %dma_wait3A_562 = tpu.memref_slice %arg4[%dma_wait3A_560, %dma_wait3A_561] : memref<10000x256xf32, #tpu.memory_space<hbm>> -> memref<4x256xf32, #tpu.memory_space<hbm>>
    tpu.wait_dma2 semaphore(%arg14 : memref<!tpu.dma_semaphore, #tpu.memory_space<semaphore_mem>>) src(%arg10 : memref<4x256xf32, #tpu.memory_space<vmem>>) dst(%dma_wait3A_562 : memref<4x256xf32, #tpu.memory_space<hbm>>)
    return
  }
}

</mosaic_0001>

<sc_bundles>
// kernel: kernel.3.cloned.1.call-start
scs
__scs_entry_jumppad:
0x0: {  	(pc) =	sbr.rel $0x88, $3  }
0x1: {  	(tag) =	ssettag $0x0;
	lr =	simm.s32 $0x1  }
0x2: {  	[smem:$0x3F9F] =	sst lr;
	_ =	strace $0xD0000000  }
0x3: {  	_ = 	snop  }
0x4: {  	_ = 	snop  }
0x5: {  	_ = 	snop  }
0x6: {  	_ = 	snop  }
0x7: {  	_ = 	snop  }
__scs_overlays_trampoline_lowered:
0x8: {  	[smem:$0x3FAE] =	sst s0  }
0x9: {  	[smem:$0x3FAF] =	sst s1  }
0xa: {  	[smem:$0x3FB0] =	sst s2  }
0xb: {  	[smem:$0x3FB1] =	sst s3  }
0xc: {  	[smem:$0x3FB2] =	sst s4  }
0xd: {  	[smem:$0x3FB3] =	sst s5  }
0xe: {  	[smem:$0x3FB4] =	sst s6  }
0xf: {  	[smem:$0x3FB5] =	sst s7  }
0x10: {  	[smem:$0x3FB6] =	sst s8  }
0x11: {  	[smem:$0x3FB7] =	sst s9;
	s0 =	simm.s32 @!p0 $0x0  }
0x12: {  	s1 =	sld [smem:$0x3F9D];
	s0 =	simm.s32 @p0 $0x1  }
0x13: {  	[smem:$0x3FB8] =	sst s0;
	s0 =	simm.s32 @!p1 $0x0  }
0x14: {  	s2 =	sld [smem:$0x3F9C];
	s0 =	simm.s32 @p1 $0x1  }
0x15: {  	[smem:$0x3FB9] =	sst s0;
	s0 =	simm.s32 @!p2 $0x0  }
0x16: {  	s3 =	sld [smem:$0x3FDB];
	s0 =	simm.s32 @p2 $0x1  }
0x17: {  	s4 =	simm.s32 $0x1BF5;
	[smem:$0x3FBB] =	sst s0  }
0x18: {  	s0 =	sld [smem:$0x3F9E];
	_ =	swait.ge [sflag:s4], $0x0  }
0x19: {  	s7 =	sld [smem:$0x3F9F]  }
0x1a: {  	s8 =	sadd.s32 $0xFFFFE003, lr  }
0x1b: {  	s9 =	sadd.s32 $0xFFFFFEF7, lr;
	s5 =	simm.s32 $0xFFFFFFFF;
	p2 =	slt.u32 s8, $0xFFFFF086  }
0x1c: {  	p1 =	slt.u32 s9, $0xF7A;
	s5 =	simm.s32 @!p2 $0x0  }
0x1d: {  	s5 =	simm.s32 @p1 $0x1;
	p0 =	seq.s32 s7, s2  }
0x1e: {  	s7 =	smul.u32 @!p0 $0xF7A, s2;
	p2 =	seq.s32 @!p0 s5, $0x0  }
0x1f: {  	s9 =	smul.u32 $0xF7A, s1;
	s8 =	simm.s32 @!p0 $0x1BF5;
	p2 =	por !p2, p0  }
0x20: {  	[sflag:s8] =	ssyncset.s32 @!p0 $0xFFFFF086;
	s6 =	sadd.s32 @!p0 s3, s7;
	s7 =	simm.s32 @!p0 $0x108  }
0x21: {  	s3 =	sadd.s32 s3, s9;
	s6 =	sadd.s32 @!p0 $0x88, s6;
	s7 =	simm.s32 @p2 $0x1082  }
0x22: {  	[simem:s7], [sflag:s8] =	dma.local @!p0 [hbm:s6], $0xF7A  }
0x23: {  	s9 =	sor.u32 $0xD0000000, s2;
	s6 =	simm.s32 $0x108;
	_ =	swait.ge @!p0 [sflag:s8], $0x0  }
0x24: {  	s3 =	sadd.s32 $0x88, s3;
	s6 =	simm.s32 @!p1 $0x1082;
	[sflag:s4] =	ssyncset.s32 $0xFFFFF086  }
0x25: {  	[simem:s6], [sflag:s4] =	dma.local [hbm:s3], $0xF7A  }
0x26: {  	[smem:$0x3F9F] =	sst s1;
	(tag) =	ssettag s2;
	_ =	strace s9  }
0x27: {  	s1 =	sld [smem:$0x3FAF]  }
0x28: {  	s2 =	sld [smem:$0x3FB0]  }
0x29: {  	s4 =	sld [smem:$0x3FB2]  }
0x2a: {  	p0 =	seq.s32 s5, $0x0;
	s5 =	sld [smem:$0x3FB3]  }
0x2b: {  	s6 =	sld [smem:$0x3FB4]  }
0x2c: {  	s7 =	sld [smem:$0x3FB5]  }
0x2d: {  	s3 =	simm.s32 $0x108;
	s8 =	sld [smem:$0x3FB6]  }
0x2e: {  	s3 =	simm.s32 @!p0 $0x1082;
	s9 =	sld [smem:$0x3FB7]  }
0x2f: {  	lr =	sadd.s32 s0, s3;
	s0 =	sld [smem:$0x3FAE]  }
0x30: {  	s3 =	sld [smem:$0x3FB1]  }
0x31: {  	[smem:$0x3FBA] =	sst s10  }
0x32: {  	s10 =	sld [smem:$0x3FB8];
	_ =	sdelay $0x3  }
0x33: {  	p0 =	seq.s32 s10, $0x1;
	s10 =	sld [smem:$0x3FBA];
	_ =	sdelay $0x3  }
0x34: {  	[smem:$0x3FBA] =	sst s10  }
0x35: {  	s10 =	sld [smem:$0x3FB9];
	_ =	sdelay $0x3  }
0x36: {  	p1 =	seq.s32 s10, $0x1;
	s10 =	sld [smem:$0x3FBA];
	_ =	sdelay $0x3  }
0x37: {  	[smem:$0x3FBA] =	sst s10  }
0x38: {  	s10 =	sld [smem:$0x3FBB]  }
0x39: {  	_ = 	snop;
	(pc) =	sbr.ind lr, $3  }
0x3a: {  	_ = 	snop  }
0x3b: {  	_ = 	snop  }
0x3c: {  	p2 =	seq.s32 s10, $0x1;
	s10 =	sld [smem:$0x3FBA]  }
0x3d: {  	_ =	shalt  }
0x3e: {  	_ =	shalt  }
0x3f: {  	_ =	shalt  }
0x40: {  	_ =	shalt  }
0x41: {  	_ =	shalt  }
0x42: {  	_ =	shalt  }
0x43: {  	_ =	shalt  }
0x44: {  	_ =	shalt  }
0x45: {  	_ =	shalt  }
0x46: {  	_ =	shalt  }
0x47: {  	_ =	shalt  }
0x48: {  	_ =	shalt  }
0x49: {  	_ =	shalt  }
0x4a: {  	_ =	shalt  }
0x4b: {  	_ =	shalt  }
0x4c: {  	_ =	shalt  }
0x4d: {  	_ =	shalt  }
0x4e: {  	_ =	shalt  }
0x4f: {  	_ =	shalt  }
0x50: {  	_ =	shalt  }
0x51: {  	_ =	shalt  }
0x52: {  	_ =	shalt  }
0x53: {  	_ =	shalt  }
0x54: {  	_ =	shalt  }
0x55: {  	_ =	shalt  }
0x56: {  	_ =	shalt  }
0x57: {  	_ =	shalt  }
0x58: {  	_ =	shalt  }
0x59: {  	_ =	shalt  }
0x5a: {  	_ =	shalt  }
0x5b: {  	_ =	shalt  }
0x5c: {  	_ =	shalt  }
0x5d: {  	_ =	shalt  }
0x5e: {  	_ =	shalt  }
0x5f: {  	_ =	shalt  }
0x60: {  	_ =	shalt  }
0x61: {  	_ =	shalt  }
0x62: {  	_ =	shalt  }
0x63: {  	_ =	shalt  }
0x64: {  	_ =	shalt  }
0x65: {  	_ =	shalt  }
0x66: {  	_ =	shalt  }
0x67: {  	_ =	shalt  }
0x68: {  	_ =	shalt  }
0x69: {  	_ =	shalt  }
0x6a: {  	_ =	shalt  }
0x6b: {  	_ =	shalt  }
0x6c: {  	_ =	shalt  }
0x6d: {  	_ =	shalt  }
0x6e: {  	_ =	shalt  }
0x6f: {  	_ =	shalt  }
0x70: {  	_ =	shalt  }
0x71: {  	_ =	shalt  }
0x72: {  	_ =	shalt  }
0x73: {  	_ =	shalt  }
0x74: {  	_ =	shalt  }
0x75: {  	_ =	shalt  }
0x76: {  	_ =	shalt  }
0x77: {  	_ =	shalt  }
0x78: {  	_ =	shalt  }
0x79: {  	_ =	shalt  }
0x7a: {  	_ =	shalt  }
0x7b: {  	_ =	shalt  }
0x7c: {  	_ =	shalt  }
0x7d: {  	_ =	shalt  }
0x7e: {  	_ =	shalt  }
0x7f: {  	_ =	shalt  }
0x80: {  	_ =	shalt  }
0x81: {  	_ =	shalt  }
0x82: {  	_ =	shalt  }
0x83: {  	_ =	shalt  }
0x84: {  	_ =	shalt  }
0x85: {  	_ =	shalt  }
0x86: {  	_ =	shalt  }
0x87: {  	_ =	shalt  }
.Lfunc_end0:
.L_simem_size_0:
called_computation_lowered:
.L_overlay_start_0:
0x88: {  	s2 =	sld [smem:$0x3FD9]  }
0x89: {  	s3 =	sld [smem:$0x3FFE];
	_ =	sdelay $0x1  }
0x8a: {  	s1 =	srdreg.scid  }
0x8b: {  	s0 =	sand.u32 $0x1, s1  }
0x8c: {  	s17 =	sshll.u32 s0, $0xA;
	s2 =	sadd.s32 s3, s2  }
0x8d: {  	s2 =	sadd.s32 s2, s17  }
0x8e: {  	[smem:$0x3FC6] =	sst s2  }
0x8f: {  	_ = 	snop  }
0x90: {  	s2 =	sld [smem:$0x3FC9]  }
0x91: {  	s18 =	sld [smem:$0x3FD0];
	(tm) =	ssettm $0x1  }
0x92: {  	s4 =	sld [smem:$0x3FFB];
	_ =	sdelay $0x3  }
0x93: {  	_ =	strace s4  }
0x94: {  	s4 =	sld [smem:$0x3FFC];
	_ =	sdelay $0x3  }
0x95: {  	_ =	strace s4  }
0x96: {  	s4 =	sld [smem:$0x3FFD];
	_ =	sdelay $0x3  }
0x97: {  	_ =	strace s4  }
0x98: {  	_ =	strace $0x8FFFFFFF  }
0x99: {  	s19 =	sld [smem:$0x3FDB];
	_ =	sdelay $0x1  }
0x9a: {  	s5 =	simm.s32 $_scs_section_size  }
0x9b: {  	s6 =	simm.s32 $_size__tile_overlayer_lowered;
	s7 =	simm.s32 $_tile_overlayer_lowered  }
0x9c: {  	s22 =	simm.s32 $0x1BFF;
	s21 =	sshll.u32 s7, $0x1;
	s4 =	sadd.s32 s5, s19  }
0x9d: {  	s8 =	simm.s32 $0x0;
	s20 =	sshll.u32 s6, $0x1;
	s6 =	sadd.s32 s21, s4  }
0x9e: {  	[timem:s8], [sflag:s22] =	dma.local [hbm:s6], s20  }
0x9f: {  	_ =	swait.ge [sflag:s22], s20  }
0xa0: {  	s5 =	ssub.s32 $0x0, s20;
	[sflag:s22] =	ssyncset.done $0x0  }
0xa1: {  	[sflag:s22] =	ssyncadd.s32 s5;
	_ =	sdelay $0x1  }
0xa2: {  	s23 =	simm.s32 $0x1B8B  }
0xa3: {  	_ =	swait.ge [sflag:s23], $0x1  }
0xa4: {  	[sflag:s23] =	ssyncset.done $0x0  }
0xa5: {  	s25 =	simm.s32 $0x1B8E;
	s24 =	sld [smem:$0x3FFE];
	[sflag:s23] =	ssyncadd.s32 $0xFFFFFFFF  }
0xa6: {  	s26 =	simm.s32 $execute0_lowered;
	[smem:$0x3FD2] =	sst s25  }
0xa7: {  	s6 =	sshll.u32 s26, $0x1;
	_ =	strace $0x80000046;
	[dreg:$0x1] =	wrdreg $0xFFFFFFFF  }
0xa8: {  	s28 =	simm.s32 $_size_execute0_lowered;
	s4 =	sadd.s32 s4, s6;
	[dreg:$0x0] =	wrdreg $0x0  }
0xa9: {  	s6 =	sshll.u32 s28, $0x1;
	[dreg:$0x2] =	wrdreg s4  }
0xaa: {  	[dreg:$0x3] =	wrdreg s6  }
0xab: {  	[dreg:$0x4] =	wrdreg $0xC0  }
0xac: {  	_ =	task [dreg:s8], $0x5FFFF  }
0xad: {  	[dreg:$0x1] =	wrdreg $0xFFFFFFFF  }
0xae: {  	[dreg:$0x0] =	wrdreg $0x60  }
0xaf: {  	[dreg:$0x2] =	wrdreg s2  }
0xb0: {  	[dreg:$0x3] =	wrdreg s24  }
0xb1: {  	[dreg:$0x4] =	wrdreg s18  }
0xb2: {  	[dreg:$0x5] =	wrdreg $0x0  }
0xb3: {  	[dreg:$0x6] =	wrdreg $0x9  }
0xb4: {  	_ =	task.clear_ibuf [dreg:s8], $0x7FFFF;
	_ =	strace $0x90000046  }
0xb5: {  	s29 =	simm.s32 $0x9;
	_ =	strace $0x80000048  }
0xb6: {  	_ =	swait.ge [sflag:s29], $0x1  }
0xb7: {  	[sflag:s29] =	ssyncadd.s32 $0xFFFFFFFF  }
0xb8: {  	_ =	strace $0x90000048  }
0xb9: {  	_ =	sfence  }
0xba: {  	s30 =	sld [smem:$0x0];
	_ =	sdelay $0x2  }
0xbb: {  	s31 =	sshll.u32 s1, $0xD;
	s1 =	sshrl.u32 s1, $0x2  }
0xbc: {  	s3 =	sand.u32 $0x4000, s31;
	s1 =	sadd.s32 s1, s30  }
0xbd: {  	s0 =	sor.u32 s3, s0;
	s1 =	sshll.u32 s1, $0x11  }
0xbe: {  	s0 =	sor.u32 s1, s0  }
0xbf: {  	s0 =	sadd.s32 $0x8F2B, s0  }
0xc0: {  	[sflag:s0] =	ssyncadd.remote.s32 $0x1  }
0xc1: {  	_ =	sfence.sel $0xFFFF  }
0xc2: {  	[dreg:$0x0] =	wrdreg $0xFFFFFFFF;
	(pc) =	sbr.abs _section_cstart, $3  }
0xc3: {  	[dreg:$0x1] =	wrdreg $0xFFFFFFFF  }
0xc4: {  	_ =	task.clear_ibuf [dreg:s8], $0x2FFFF;
	_ =	strace $0x9FFFFFFF  }
0xc5: {  	(tm) =	ssettm $0x7FFFFFFF  }
tec
execute0_lowered:
.L_overlay_start_1:
0x0: {  	(tag) =	ssettag $0x1  }
0x1: {  	s0 =	srdreg.scid  }
0x2: {  	s14 =	stileid.u32;
	s1 =	rddreg [dreg:$0x0]  }
0x3: {  	s6 =	rddreg [dreg:$0x1];
	s4 =	simm.s32 $0x0;
	s12 =	simm.s32 $0x13880  }
0x4: {  	s16 =	simm.s32 $0x2;
	s17 =	simm.s32 $0x80;
	s18 =	simm.s32 $0x16000  }
0x5: {  	s19 =	simm.s32 $0x1A000;
	s20 =	simm.s32 $0x1;
	s21 =	simm.s32 $0x200  }
0x6: {  	s22 =	simm.s32 $0x400;
	s23 =	simm.s32 $0x1E000;
	s24 =	simm.s32 $0x1E400  }
0x7: {  	s25 =	simm.s32 $0x3;
	s28 =	simm.s32 $0x0;
	s0 =	sand.u32 $0x1, s0  }
0x8: {  	s2 =	sshll.u32 s14, $0x1;
	[smem:$0x7FF] =	sst s4;
	s8 =	smul.u32 $0x4F000, s14  }
0x9: {  	s30 =	smul.u32 $0x2780, s14;
	p0 =	seq.s32 s14, $0xF;
	s3 =	sor.u32 s0, s2  }
0xa: {  	s2 =	rddreg [dreg:$0x2];
	s0 =	ssub.s32 $0x2, s0;
	s5 =	smul.u32 $0x4F, s3  }
0xb: {  	s3 =	rddreg [dreg:$0x3];
	s26 =	sshrl.u32 s0, $0x1;
	_ =	strace $0x80000047  }
0xc: {  	s29 =	sshrl.u32 s8, $0x2;
	s8 =	sadd.s32 $0x25080, s1;
	s0 =	ssub.s32 s0, s26  }
0xd: {  	s15 =	sadd.s32 s29, s3;
	s13 =	sadd.s32 $0x128400, s3;
	s26 =	simm.s32 $0x4  }
0xe: {  	s5 =	smin.u32 s5, $0x975;
	s11 =	smax.u32 s0, $0x1;
	s0 =	sshll.u32 @!p0 s14, $0x6  }
0xf: {  	s13 =	sshrl.u32 @p0 s13, $0x3;
	s15 =	sshrl.u32 @!p0 s15, $0x3;
	s9 =	sshll.u32 s5, $0x7  }
0x10: {  	s7 =	sshll.u32 s5, $0x4;
	s10 =	sshll.u32 s5, $0x6;
	s9 =	sand.u32 $0x7FF00, s9  }
0x11: {  	s14 =	sor.u32 @!p0 $0x1C05, s0;
	s10 =	sand.u32 $0x40, s10;
	s9 =	sadd.s32 s9, s2  }
0x12: {  	s6 =	sadd.s32 s7, s6;
	s7 =	sadd.s32 s1, s30;
	s31 =	sadd.s32 s10, s9  }
0x13: {  	s6 =	sadd.s32 $0x400, s6;
	s9 =	sadd.s32 s2, s10;
	s10 =	sadd.s32 $0x2700, s31  }
.LBB2_1:
0x14: {  	[tilespmem:s12], [sflag:$0x2] =	stream.linear.gather [hbm4b:s6+s4], $0x2780, $0x38;
	[tilespmem:$0x1E800] =	vst v63  }
0x15: {  	s0 =	simm.s32 @p0 $0x1FC5  }
0x16: {  	[spmem:s13], [sflag:s0] =	dma.local @p0 [hbm:s8], $0x2080  }
0x17: {  	s0 =	simm.s32 @p0 $0x5  }
0x18: {  	_ =	swait.ge @p0 [sflag:s0], $0x2080  }
0x19: {  	[sflag:s0] =	ssyncset.done @p0 $0x0  }
0x1a: {  	[sflag:s0] =	ssyncadd.s32 @p0 $0xFFFFDF80;
	s0 =	simm.s32 @!p0 $0x5  }
0x1b: {  	[spmem:s15], [sflag:s14] =	dma.local @!p0 [hbm:s7], $0x2780  }
0x1c: {  	_ =	swait.ge @!p0 [sflag:s0], $0x2780  }
0x1d: {  	[sflag:s0] =	ssyncset.done @!p0 $0x0  }
0x1e: {  	[sflag:s0] =	ssyncadd.s32 @!p0 $0xFFFFD880  }
0x1f: {  	_ =	swait.ge [sflag:s16], $0x2780  }
0x20: {  	[sflag:s16] =	ssyncset.done $0x0  }
0x21: {  	[sflag:s16] =	ssyncadd.s32 $0xFFFFD880  }
0x22: {  	s29 =	simm.s32 $0x0;
	[bflag:$0x0] =	sbarrier.arrive $0xFFFF  }
0x23: {  	[tilespmem:s18], [sflag:$0x1] =	stream.indirect.gather [spmem:s3], $0x80, s12, s17, $0xb8;
	[tilespmem:$0x1E800] =	vst v63  }
.LBB2_2:
0x24: {  	s30 =	sshllo.u32 s29, $0x1  }
0x25: {  	s0 =	sshll.u32 s30, $0x7  }
0x26: {  	s0 =	sand.u32 $0x3FFFFF80, s0  }
0x27: {  	s0 =	sadd.s32 $0x13880, s0  }
0x28: {  	[tilespmem:s19], [sflag:$0x2] =	stream.indirect.gather [spmem:s3], $0x80, s0, s17, $0xb8;
	[tilespmem:$0x1E800] =	vst v63  }
0x29: {  	_ =	swait.ge [sflag:s20], $0x4000  }
0x2a: {  	p1 =	seq.s32 s29, $0x0;
	[sflag:s20] =	ssyncset.done $0x0  }
0x2b: {  	s0 =	simm.s32 @!p1 $0x3;
	[sflag:s20] =	ssyncadd.s32 $0xFFFFC000  }
0x2c: {  	_ =	swait.ge @!p1 [sflag:s0], $0x400  }
0x2d: {  	[sflag:s0] =	ssyncset.done @!p1 $0x0  }
0x2e: {  	s1 =	simm.s32 $0x0;
	[sflag:s0] =	ssyncadd.s32 @!p1 $0xFFFFFC00  }
0x2f: {  	v0 =	vld [tilespmem:s1+$0x161A0]  }
0x30: {  	v8 =	vld [tilespmem:s1+$0x16140]  }
0x31: {  	v30 =	vld [tilespmem:s1+$0x161F0]  }
0x32: {  	v1 =	vld [tilespmem:s1+$0x16120]  }
0x33: {  	v9 =	vld [tilespmem:s1+$0x160C0]  }
0x34: {  	v10 =	vld [tilespmem:s1+$0x160F0]  }
0x35: {  	v11 =	vld [tilespmem:s1+$0x160A0]  }
0x36: {  	v4 =	vld [tilespmem:s1+$0x160E0]  }
0x37: {  	v12 =	vld [tilespmem:s1+$0x160D0]  }
0x38: {  	v3 =	vld [tilespmem:s1+$0x160B0]  }
0x39: {  	v13 =	vld [tilespmem:s1+$0x16060]  }
0x3a: {  	v7 =	vld [tilespmem:s1+$0x16080]  }
0x3b: {  	v14 =	vld [tilespmem:s1+$0x16160]  }
0x3c: {  	v15 =	vld [tilespmem:s1+$0x16070]  }
0x3d: {  	v19 =	vld [tilespmem:s1+$0x16050]  }
0x3e: {  	v5 =	vld [tilespmem:s1+$0x16090]  }
0x3f: {  	v16 =	vld [tilespmem:s1+$0x16040]  }
0x40: {  	v6 =	vimm.f32 $0.0e+00;
	v17 =	vimm.f32 $-Inf;
	v21 =	vld [tilespmem:s1+$0x16020]  }
0x41: {  	v32 =	vld [tilespmem:s1+$0x16170];
	v18 =	vadd.f32 v13, v6;
	v13 =	vmax.f32 v17, v13  }
0x42: {  	v22 =	vadd.f32 v15, v6;
	v31 =	vmax.f32 v17, v19;
	v20 =	vmax.f32 v13, v4;
	v13 =	vld [tilespmem:s1+$0x16030]  }
0x43: {  	v33 =	vld [tilespmem:s1+$0x161E0];
	v18 =	vadd.f32 v4, v18;
	v4 =	vmax.f32 v17, v15;
	v25 =	vmax.f32 v20, v14  }
0x44: {  	v15 =	vld [tilespmem:s1+$0x16010];
	v20 =	vmax.f32 v17, v16;
	v26 =	vmax.f32 v4, v10;
	v10 =	vadd.f32 v10, v22  }
0x45: {  	v4 =	vld [tilespmem:s1+$0x16150];
	v20 =	vmax.f32 v20, v9;
	v29 =	vadd.f32 v14, v18;
	v14 =	vadd.f32 v16, v6  }
0x46: {  	v28 =	vld [tilespmem:s1+$0x16000];
	v16 =	vadd.f32 v19, v6;
	v19 =	vadd.f32 v21, v6;
	v21 =	vmax.f32 v17, v21  }
0x47: {  	v2 =	vld [tilespmem:s1+$0x161D0];
	v10 =	vadd.f32 v32, v10;
	v18 =	vmax.f32 v17, v13;
	v14 =	vadd.f32 v9, v14  }
0x48: {  	v22 =	vadd.f32 v12, v16;
	v19 =	vadd.f32 v11, v19;
	v16 =	vmax.f32 v21, v11;
	v21 =	vld [tilespmem:s1+$0x16100]  }
0x49: {  	v9 =	vmax.f32 v20, v8;
	v11 =	vmax.f32 v25, v33;
	v25 =	vld [tilespmem:s1+$0x16190];
	v27 =	vadd.f32 v15, v6  }
0x4a: {  	v24 =	vmax.f32 v17, v15;
	v10 =	vadd.f32 v30, v10;
	v23 =	vadd.f32 v4, v22;
	v22 =	vld [tilespmem:s1+$0x16180]  }
0x4b: {  	v20 =	vadd.f32 v8, v14;
	v8 =	vmax.f32 v17, v28;
	v19 =	vadd.f32 v1, v19;
	v17 =	vld [tilespmem:s1+$0x161C0]  }
0x4c: {  	v14 =	vmax.f32 v31, v12;
	v31 =	vmax.f32 v26, v32;
	v28 =	vadd.f32 v28, v6;
	v26 =	vld [tilespmem:s1+$0x16110]  }
0x4d: {  	s31 =	sshll.u32 s29, $0x1;
	s0 =	simm.s32 $0x800;
	v15 =	vld [tilespmem:s1+$0x16130];
	v12 =	vadd.f32 v33, v29;
	v29 =	vmax.f32 v8, v7;
	v8 =	vmax.f32 v31, v30  }
.LBB2_3:
0x4e: {  	p2 =	sne.s32 s0, $0x3800;
	v27 =	vadd.f32 v5, v27;
	v18 =	vmax.f32 v18, v3;
	v29 =	vmax.f32 v29, v21;
	v30 =	vld [tilespmem:s1+$0x161B0];
	s1 =	sshra.s32 s0, $0x2;
	s0 =	sadd.s32 $0x800, s0  }
0x4f: {  	v6 =	vadd.f32 v13, v6;
	v23 =	vadd.f32 v2, v23;
	v31 =	vld [tilespmem:s1+$0x161A0];
	v29 =	vmax.f32 v29, v22  }
0x50: {  	v7 =	vadd.f32 v7, v28;
	v5 =	vmax.f32 v24, v5;
	v32 =	vld [tilespmem:s1+$0x16140];
	v20 =	vadd.f32 v17, v20  }
0x51: {  	v3 =	vadd.f32 v3, v6;
	v33 =	vld [tilespmem:s1+$0x161F0];
	v6 =	vadd.f32 v26, v27;
	v5 =	vmax.f32 v5, v26  }
0x52: {  	v13 =	vmax.f32 v16, v1;
	v7 =	vadd.f32 v21, v7;
	v1 =	vld [tilespmem:s1+$0x16120];
	v24 =	vmax.f32 v5, v25  }
0x53: {  	v3 =	vadd.f32 v15, v3;
	v5 =	vmax.f32 v18, v15;
	v16 =	vld [tilespmem:s1+$0x160C0];
	v15 =	vadd.f32 v25, v6  }
0x54: {  	v21 =	vmax.f32 v13, v0;
	v25 =	vadd.f32 v22, v7;
	v22 =	vmax.f32 v5, v30;
	v18 =	vld [tilespmem:s1+$0x160F0]  }
0x55: {  	v4 =	vmax.f32 v14, v4;
	v14 =	vadd.f32 v0, v19;
	v9 =	vmax.f32 v9, v17;
	v0 =	vmovc v31;
	v26 =	vld [tilespmem:s1+$0x160A0]  }
0x56: {  	v17 =	vmax.f32 v4, v2;
	v6 =	vadd.f32 v30, v3;
	v13 =	vld [tilespmem:s1+$0x160E0]  }
0x57: {  	v28 =	vld [tilespmem:s1+$0x160D0]  }
0x58: {  	v3 =	vld [tilespmem:s1+$0x160B0]  }
0x59: {  	v2 =	vld [tilespmem:s1+$0x16060]  }
0x5a: {  	v7 =	vld [tilespmem:s1+$0x16080]  }
0x5b: {  	v19 =	vld [tilespmem:s1+$0x16160]  }
0x5c: {  	v5 =	vld [tilespmem:s1+$0x16090]  }
0x5d: {  	v4 =	vld [tilespmem:s1+$0x16070]  }
0x5e: {  	v12 =	vadd.f32 v2, v12;
	v11 =	vmax.f32 v11, v2;
	v2 =	vld [tilespmem:s1+$0x161D0]  }
0x5f: {  	v27 =	vld [tilespmem:s1+$0x16040];
	v11 =	vmax.f32 v11, v13  }
0x60: {  	v30 =	vld [tilespmem:s1+$0x16050];
	v12 =	vadd.f32 v13, v12;
	v11 =	vmax.f32 v11, v19  }
0x61: {  	v31 =	vld [tilespmem:s1+$0x16020]  }
0x62: {  	v13 =	vld [tilespmem:s1+$0x16030];
	v10 =	vadd.f32 v4, v10;
	v4 =	vmax.f32 v8, v4  }
0x63: {  	v8 =	vmax.f32 v4, v18;
	v4 =	vld [tilespmem:s1+$0x16150]  }
0x64: {  	v12 =	vadd.f32 v19, v12;
	v34 =	vld [tilespmem:s1+$0x16010];
	v9 =	vmax.f32 v9, v27;
	v10 =	vadd.f32 v18, v10  }
0x65: {  	v19 =	vadd.f32 v27, v20;
	v35 =	vld [tilespmem:s1+$0x16000];
	v20 =	vadd.f32 v30, v23;
	v17 =	vmax.f32 v17, v30  }
0x66: {  	v9 =	vmax.f32 v9, v16;
	v14 =	vadd.f32 v31, v14;
	v21 =	vmax.f32 v21, v31;
	v30 =	vld [tilespmem:s1+$0x16170]  }
0x67: {  	v19 =	vadd.f32 v16, v19;
	v18 =	vmax.f32 v22, v13;
	v22 =	vadd.f32 v28, v20;
	v31 =	vld [tilespmem:s1+$0x161E0]  }
0x68: {  	v9 =	vmax.f32 v9, v32;
	v16 =	vmax.f32 v21, v26;
	v14 =	vadd.f32 v26, v14;
	v21 =	vld [tilespmem:s1+$0x16100]  }
.Ltmp0:
0x69: {  	v20 =	vadd.f32 v32, v19;
	v27 =	vadd.f32 v34, v15;
	v24 =	vmax.f32 v24, v34;
	v15 =	vld [tilespmem:s1+$0x16130];
	(pc) =	sbr.rel @p2 .LBB2_3-.Ltmp0, $4  }
0x6a: {  	v23 =	vadd.f32 v4, v22;
	v29 =	vmax.f32 v29, v35;
	v19 =	vadd.f32 v1, v14;
	v22 =	vld [tilespmem:s1+$0x16180]  }
0x6b: {  	v14 =	vmax.f32 v17, v28;
	v10 =	vadd.f32 v30, v10;
	v8 =	vmax.f32 v8, v30;
	v17 =	vld [tilespmem:s1+$0x161C0]  }
0x6c: {  	v28 =	vadd.f32 v35, v25;
	v26 =	vld [tilespmem:s1+$0x16110];
	v12 =	vadd.f32 v31, v12;
	v11 =	vmax.f32 v11, v31  }
0x6d: {  	v29 =	vmax.f32 v29, v7;
	v8 =	vmax.f32 v8, v33;
	v25 =	vld [tilespmem:s1+$0x16190];
	v10 =	vadd.f32 v33, v10  }
0x6e: {  	_ = 	snop  }
0x6f: {  	v7 =	vadd.f32 v7, v28;
	v27 =	vadd.f32 v5, v27;
	v1 =	vmax.f32 v16, v1  }
0x70: {  	v6 =	vadd.f32 v13, v6;
	v19 =	vadd.f32 v0, v19;
	v0 =	vmax.f32 v1, v0  }
0x71: {  	v7 =	vadd.f32 v21, v7;
	v13 =	vadd.f32 v26, v27;
	v27 =	vld [tilespmem:s1+$0x161B0];
	[tilespmem:$0x1E220] =	vst v0  }
0x72: {  	v5 =	vmax.f32 v24, v5;
	v21 =	vmax.f32 v29, v21;
	v0 =	vadd.f32 v2, v23;
	[tilespmem:$0x1E260] =	vst v11  }
0x73: {  	v21 =	vmax.f32 v21, v22;
	v5 =	vmax.f32 v5, v26;
	[tilespmem:$0x1E270] =	vst v8;
	v7 =	vadd.f32 v22, v7  }
0x74: {  	v6 =	vadd.f32 v3, v6;
	[tilespmem:$0x1E200] =	vst v21;
	v5 =	vmax.f32 v5, v25;
	v0 =	vmul.f32 $3.125000000e-02, v0  }
0x75: {  	v3 =	vmax.f32 v18, v3;
	[tilespmem:$0x1E210] =	vst v5;
	v7 =	vmul.f32 $3.125000000e-02, v7  }
0x76: {  	v3 =	vmax.f32 v3, v15;
	v6 =	vadd.f32 v15, v6;
	v13 =	vadd.f32 v25, v13;
	[tilespmem:$0x1E050] =	vst v0  }
0x77: {  	v0 =	vmul.f32 $3.125000000e-02, v12;
	[tilespmem:$0x1E000] =	vst v7;
	v3 =	vmax.f32 v3, v27  }
0x78: {  	v7 =	vmul.f32 $3.125000000e-02, v13;
	v6 =	vadd.f32 v27, v6;
	[tilespmem:$0x1E230] =	vst v3  }
0x79: {  	[tilespmem:$0x1E060] =	vst v0  }
0x7a: {  	v5 =	vadd.f32 v17, v20;
	v3 =	vmax.f32 v9, v17;
	[tilespmem:$0x1E010] =	vst v7;
	v1 =	vmul.f32 $3.125000000e-02, v6  }
0x7b: {  	v0 =	vmul.f32 $3.125000000e-02, v10;
	[tilespmem:$0x1E240] =	vst v3  }
0x7c: {  	[tilespmem:$0x1E030] =	vst v1;
	v1 =	vmul.f32 $3.125000000e-02, v5  }
0x7d: {  	v7 =	vmul.f32 $3.125000000e-02, v19;
	[tilespmem:$0x1E070] =	vst v0  }
0x7e: {  	[tilespmem:$0x1E040] =	vst v1;
	v1 =	vmax.f32 v14, v4  }
0x7f: {  	[tilespmem:$0x1E020] =	vst v7;
	v1 =	vmax.f32 v1, v2  }
0x80: {  	s1 =	simm.s32 $0x0;
	[tilespmem:$0x1E250] =	vst v1  }
0x81: {  	v0 =	vld [tilespmem:s1+$0x171A0]  }
0x82: {  	v8 =	vld [tilespmem:s1+$0x17140]  }
0x83: {  	v30 =	vld [tilespmem:s1+$0x171F0]  }
0x84: {  	v1 =	vld [tilespmem:s1+$0x17120]  }
0x85: {  	v9 =	vld [tilespmem:s1+$0x170C0]  }
0x86: {  	v10 =	vld [tilespmem:s1+$0x170F0]  }
0x87: {  	v11 =	vld [tilespmem:s1+$0x170A0]  }
0x88: {  	v4 =	vld [tilespmem:s1+$0x170E0]  }
0x89: {  	v12 =	vld [tilespmem:s1+$0x170D0]  }
0x8a: {  	v3 =	vld [tilespmem:s1+$0x170B0]  }
0x8b: {  	v13 =	vld [tilespmem:s1+$0x17060]  }
0x8c: {  	v7 =	vld [tilespmem:s1+$0x17080]  }
0x8d: {  	v14 =	vld [tilespmem:s1+$0x17160]  }
0x8e: {  	v15 =	vld [tilespmem:s1+$0x17070]  }
0x8f: {  	v19 =	vld [tilespmem:s1+$0x17050]  }
0x90: {  	v5 =	vld [tilespmem:s1+$0x17090]  }
0x91: {  	v16 =	vld [tilespmem:s1+$0x17040]  }
0x92: {  	v17 =	vimm.f32 $-Inf;
	v6 =	vimm.f32 $0.0e+00;
	v21 =	vld [tilespmem:s1+$0x17020]  }
0x93: {  	v33 =	vld [tilespmem:s1+$0x17170];
	v18 =	vadd.f32 v13, v6;
	v13 =	vmax.f32 v17, v13  }
0x94: {  	v34 =	vld [tilespmem:s1+$0x171E0];
	v22 =	vadd.f32 v15, v6;
	v32 =	vmax.f32 v17, v19;
	v20 =	vmax.f32 v13, v4  }
0x95: {  	v13 =	vld [tilespmem:s1+$0x17030];
	v18 =	vadd.f32 v4, v18;
	v4 =	vmax.f32 v17, v15;
	v25 =	vmax.f32 v20, v14  }
0x96: {  	v15 =	vld [tilespmem:s1+$0x17010];
	v20 =	vmax.f32 v17, v16;
	v28 =	vadd.f32 v10, v22;
	v26 =	vmax.f32 v4, v10  }
0x97: {  	v2 =	vld [tilespmem:s1+$0x171D0];
	v10 =	vadd.f32 v16, v6;
	v16 =	vadd.f32 v21, v6;
	v20 =	vmax.f32 v20, v9  }
0x98: {  	v31 =	vld [tilespmem:s1+$0x17000];
	v29 =	vadd.f32 v14, v18;
	v14 =	vadd.f32 v19, v6;
	v19 =	vmax.f32 v17, v21  }
0x99: {  	v4 =	vld [tilespmem:s1+$0x17150];
	v63 =	vmax.f32 v26, v33;
	v9 =	vadd.f32 v9, v10;
	v22 =	vadd.f32 v11, v16  }
0x9a: {  	v21 =	vld [tilespmem:s1+$0x17100];
	v16 =	vmax.f32 v19, v11;
	v10 =	vmax.f32 v20, v8;
	v11 =	vmax.f32 v25, v34  }
0x9b: {  	v26 =	vld [tilespmem:s1+$0x17110];
	v18 =	vmax.f32 v17, v13;
	v14 =	vadd.f32 v12, v14;
	v27 =	vadd.f32 v15, v6  }
0x9c: {  	v24 =	vmax.f32 v17, v15;
	v20 =	vadd.f32 v8, v9;
	v19 =	vadd.f32 v1, v22;
	v22 =	vld [tilespmem:s1+$0x17180]  }
0x9d: {  	v8 =	vmax.f32 v17, v31;
	v9 =	vadd.f32 v33, v28;
	v17 =	vld [tilespmem:s1+$0x171C0];
	v28 =	vadd.f32 v31, v6  }
0x9e: {  	v25 =	vld [tilespmem:s1+$0x17190];
	v23 =	vadd.f32 v4, v14;
	v14 =	vmax.f32 v32, v12;
	v12 =	vadd.f32 v34, v29  }
0x9f: {  	s0 =	simm.s32 $0x800;
	v15 =	vld [tilespmem:s1+$0x17130];
	v29 =	vmax.f32 v8, v7;
	v8 =	vmax.f32 v63, v30;
	v9 =	vadd.f32 v30, v9  }
.LBB2_5:
0xa0: {  	p2 =	sne.s32 s0, $0x3800;
	v27 =	vadd.f32 v5, v27;
	v18 =	vmax.f32 v18, v3;
	v29 =	vmax.f32 v29, v21;
	v30 =	vld [tilespmem:s1+$0x171B0];
	s1 =	sshra.s32 s0, $0x2;
	s0 =	sadd.s32 $0x800, s0  }
0xa1: {  	v6 =	vadd.f32 v13, v6;
	v23 =	vadd.f32 v2, v23;
	v31 =	vld [tilespmem:s1+$0x171A0];
	v29 =	vmax.f32 v29, v22  }
0xa2: {  	v7 =	vadd.f32 v7, v28;
	v5 =	vmax.f32 v24, v5;
	v32 =	vld [tilespmem:s1+$0x17140];
	v20 =	vadd.f32 v17, v20  }
0xa3: {  	v3 =	vadd.f32 v3, v6;
	v33 =	vld [tilespmem:s1+$0x171F0];
	v6 =	vadd.f32 v26, v27;
	v5 =	vmax.f32 v5, v26  }
0xa4: {  	v13 =	vmax.f32 v16, v1;
	v7 =	vadd.f32 v21, v7;
	v1 =	vld [tilespmem:s1+$0x17120];
	v24 =	vmax.f32 v5, v25  }
0xa5: {  	v3 =	vadd.f32 v15, v3;
	v5 =	vmax.f32 v18, v15;
	v16 =	vld [tilespmem:s1+$0x170C0];
	v15 =	vadd.f32 v25, v6  }
0xa6: {  	v21 =	vmax.f32 v13, v0;
	v25 =	vadd.f32 v22, v7;
	v22 =	vmax.f32 v5, v30;
	v18 =	vld [tilespmem:s1+$0x170F0]  }
0xa7: {  	v4 =	vmax.f32 v14, v4;
	v14 =	vadd.f32 v0, v19;
	v10 =	vmax.f32 v10, v17;
	v0 =	vmovc v31;
	v26 =	vld [tilespmem:s1+$0x170A0]  }
0xa8: {  	v17 =	vmax.f32 v4, v2;
	v6 =	vadd.f32 v30, v3;
	v13 =	vld [tilespmem:s1+$0x170E0]  }
0xa9: {  	v28 =	vld [tilespmem:s1+$0x170D0]  }
0xaa: {  	v3 =	vld [tilespmem:s1+$0x170B0]  }
0xab: {  	v2 =	vld [tilespmem:s1+$0x17060]  }
0xac: {  	v7 =	vld [tilespmem:s1+$0x17080]  }
0xad: {  	v19 =	vld [tilespmem:s1+$0x17160]  }
0xae: {  	v5 =	vld [tilespmem:s1+$0x17090]  }
0xaf: {  	v4 =	vld [tilespmem:s1+$0x17070]  }
0xb0: {  	v12 =	vadd.f32 v2, v12;
	v11 =	vmax.f32 v11, v2;
	v2 =	vld [tilespmem:s1+$0x171D0]  }
0xb1: {  	v27 =	vld [tilespmem:s1+$0x17040];
	v11 =	vmax.f32 v11, v13  }
0xb2: {  	v30 =	vld [tilespmem:s1+$0x17050];
	v12 =	vadd.f32 v13, v12;
	v11 =	vmax.f32 v11, v19  }
0xb3: {  	v31 =	vld [tilespmem:s1+$0x17020]  }
0xb4: {  	v13 =	vld [tilespmem:s1+$0x17030];
	v9 =	vadd.f32 v4, v9;
	v4 =	vmax.f32 v8, v4  }
0xb5: {  	v8 =	vmax.f32 v4, v18;
	v4 =	vld [tilespmem:s1+$0x17150]  }
0xb6: {  	v12 =	vadd.f32 v19, v12;
	v34 =	vld [tilespmem:s1+$0x17010];
	v10 =	vmax.f32 v10, v27;
	v9 =	vadd.f32 v18, v9  }
0xb7: {  	v19 =	vadd.f32 v27, v20;
	v35 =	vld [tilespmem:s1+$0x17000];
	v20 =	vadd.f32 v30, v23;
	v17 =	vmax.f32 v17, v30  }
0xb8: {  	v10 =	vmax.f32 v10, v16;
	v14 =	vadd.f32 v31, v14;
	v21 =	vmax.f32 v21, v31;
	v30 =	vld [tilespmem:s1+$0x17170]  }
0xb9: {  	v19 =	vadd.f32 v16, v19;
	v18 =	vmax.f32 v22, v13;
	v22 =	vadd.f32 v28, v20;
	v31 =	vld [tilespmem:s1+$0x171E0]  }
0xba: {  	v10 =	vmax.f32 v10, v32;
	v16 =	vmax.f32 v21, v26;
	v14 =	vadd.f32 v26, v14;
	v21 =	vld [tilespmem:s1+$0x17100]  }
.Ltmp1:
0xbb: {  	v20 =	vadd.f32 v32, v19;
	v27 =	vadd.f32 v34, v15;
	v24 =	vmax.f32 v24, v34;
	v15 =	vld [tilespmem:s1+$0x17130];
	(pc) =	sbr.rel @p2 .LBB2_5-.Ltmp1, $4  }
0xbc: {  	v23 =	vadd.f32 v4, v22;
	v29 =	vmax.f32 v29, v35;
	v19 =	vadd.f32 v1, v14;
	v22 =	vld [tilespmem:s1+$0x17180]  }
0xbd: {  	v14 =	vmax.f32 v17, v28;
	v9 =	vadd.f32 v30, v9;
	v8 =	vmax.f32 v8, v30;
	v17 =	vld [tilespmem:s1+$0x171C0]  }
0xbe: {  	v28 =	vadd.f32 v35, v25;
	v26 =	vld [tilespmem:s1+$0x17110];
	v12 =	vadd.f32 v31, v12;
	v11 =	vmax.f32 v11, v31  }
0xbf: {  	v29 =	vmax.f32 v29, v7;
	v8 =	vmax.f32 v8, v33;
	v25 =	vld [tilespmem:s1+$0x17190];
	v9 =	vadd.f32 v33, v9  }
0xc0: {  	_ = 	snop  }
0xc1: {  	v7 =	vadd.f32 v7, v28;
	v27 =	vadd.f32 v5, v27;
	v1 =	vmax.f32 v16, v1  }
0xc2: {  	v6 =	vadd.f32 v13, v6;
	v19 =	vadd.f32 v0, v19;
	v0 =	vmax.f32 v1, v0  }
0xc3: {  	v7 =	vadd.f32 v21, v7;
	v13 =	vadd.f32 v26, v27;
	v27 =	vld [tilespmem:s1+$0x171B0];
	[tilespmem:$0x1E2A0] =	vst v0  }
0xc4: {  	v5 =	vmax.f32 v24, v5;
	v21 =	vmax.f32 v29, v21;
	v0 =	vadd.f32 v2, v23;
	[tilespmem:$0x1E2E0] =	vst v11  }
0xc5: {  	v21 =	vmax.f32 v21, v22;
	v5 =	vmax.f32 v5, v26;
	[tilespmem:$0x1E2F0] =	vst v8;
	v7 =	vadd.f32 v22, v7  }
0xc6: {  	v6 =	vadd.f32 v3, v6;
	[tilespmem:$0x1E280] =	vst v21;
	v5 =	vmax.f32 v5, v25;
	v0 =	vmul.f32 $3.125000000e-02, v0  }
0xc7: {  	v3 =	vmax.f32 v18, v3;
	[tilespmem:$0x1E290] =	vst v5;
	v7 =	vmul.f32 $3.125000000e-02, v7  }
0xc8: {  	v3 =	vmax.f32 v3, v15;
	v6 =	vadd.f32 v15, v6;
	v13 =	vadd.f32 v25, v13;
	[tilespmem:$0x1E0D0] =	vst v0  }
0xc9: {  	v0 =	vmul.f32 $3.125000000e-02, v12;
	[tilespmem:$0x1E080] =	vst v7;
	v3 =	vmax.f32 v3, v27  }
0xca: {  	v7 =	vmul.f32 $3.125000000e-02, v13;
	v6 =	vadd.f32 v27, v6;
	[tilespmem:$0x1E2B0] =	vst v3  }
0xcb: {  	[tilespmem:$0x1E0E0] =	vst v0  }
0xcc: {  	v5 =	vadd.f32 v17, v20;
	v3 =	vmax.f32 v10, v17;
	[tilespmem:$0x1E090] =	vst v7;
	v1 =	vmul.f32 $3.125000000e-02, v6  }
0xcd: {  	v0 =	vmul.f32 $3.125000000e-02, v9;
	[tilespmem:$0x1E2C0] =	vst v3  }
0xce: {  	[tilespmem:$0x1E0B0] =	vst v1;
	v1 =	vmul.f32 $3.125000000e-02, v5  }
0xcf: {  	v7 =	vmul.f32 $3.125000000e-02, v19;
	[tilespmem:$0x1E0F0] =	vst v0  }
0xd0: {  	[tilespmem:$0x1E0C0] =	vst v1;
	v1 =	vmax.f32 v14, v4  }
0xd1: {  	[tilespmem:$0x1E0A0] =	vst v7;
	v1 =	vmax.f32 v1, v2  }
0xd2: {  	s1 =	simm.s32 $0x0;
	[tilespmem:$0x1E2D0] =	vst v1  }
0xd3: {  	v0 =	vld [tilespmem:s1+$0x181A0]  }
0xd4: {  	v8 =	vld [tilespmem:s1+$0x18140]  }
0xd5: {  	v30 =	vld [tilespmem:s1+$0x181F0]  }
0xd6: {  	v1 =	vld [tilespmem:s1+$0x18120]  }
0xd7: {  	v9 =	vld [tilespmem:s1+$0x180C0]  }
0xd8: {  	v10 =	vld [tilespmem:s1+$0x180F0]  }
0xd9: {  	v11 =	vld [tilespmem:s1+$0x180A0]  }
0xda: {  	v4 =	vld [tilespmem:s1+$0x180E0]  }
0xdb: {  	v12 =	vld [tilespmem:s1+$0x180D0]  }
0xdc: {  	v3 =	vld [tilespmem:s1+$0x180B0]  }
0xdd: {  	v13 =	vld [tilespmem:s1+$0x18060]  }
0xde: {  	v7 =	vld [tilespmem:s1+$0x18080]  }
0xdf: {  	v14 =	vld [tilespmem:s1+$0x18160]  }
0xe0: {  	v15 =	vld [tilespmem:s1+$0x18070]  }
0xe1: {  	v19 =	vld [tilespmem:s1+$0x18050]  }
0xe2: {  	v5 =	vld [tilespmem:s1+$0x18090]  }
0xe3: {  	v16 =	vld [tilespmem:s1+$0x18040]  }
0xe4: {  	v17 =	vimm.f32 $-Inf;
	v6 =	vimm.f32 $0.0e+00;
	v21 =	vld [tilespmem:s1+$0x18020]  }
0xe5: {  	v33 =	vld [tilespmem:s1+$0x18170];
	v18 =	vadd.f32 v13, v6;
	v13 =	vmax.f32 v17, v13  }
0xe6: {  	v34 =	vld [tilespmem:s1+$0x181E0];
	v22 =	vadd.f32 v15, v6;
	v32 =	vmax.f32 v17, v19;
	v20 =	vmax.f32 v13, v4  }
0xe7: {  	v13 =	vld [tilespmem:s1+$0x18030];
	v18 =	vadd.f32 v4, v18;
	v4 =	vmax.f32 v17, v15;
	v25 =	vmax.f32 v20, v14  }
0xe8: {  	v15 =	vld [tilespmem:s1+$0x18010];
	v20 =	vmax.f32 v17, v16;
	v28 =	vadd.f32 v10, v22;
	v26 =	vmax.f32 v4, v10  }
0xe9: {  	v2 =	vld [tilespmem:s1+$0x181D0];
	v10 =	vadd.f32 v16, v6;
	v16 =	vadd.f32 v21, v6;
	v20 =	vmax.f32 v20, v9  }
0xea: {  	v31 =	vld [tilespmem:s1+$0x18000];
	v29 =	vadd.f32 v14, v18;
	v14 =	vadd.f32 v19, v6;
	v19 =	vmax.f32 v17, v21  }
0xeb: {  	v4 =	vld [tilespmem:s1+$0x18150];
	v63 =	vmax.f32 v26, v33;
	v9 =	vadd.f32 v9, v10;
	v22 =	vadd.f32 v11, v16  }
0xec: {  	v21 =	vld [tilespmem:s1+$0x18100];
	v16 =	vmax.f32 v19, v11;
	v10 =	vmax.f32 v20, v8;
	v11 =	vmax.f32 v25, v34  }
0xed: {  	v26 =	vld [tilespmem:s1+$0x18110];
	v18 =	vmax.f32 v17, v13;
	v14 =	vadd.f32 v12, v14;
	v27 =	vadd.f32 v15, v6  }
0xee: {  	v24 =	vmax.f32 v17, v15;
	v20 =	vadd.f32 v8, v9;
	v19 =	vadd.f32 v1, v22;
	v22 =	vld [tilespmem:s1+$0x18180]  }
0xef: {  	v8 =	vmax.f32 v17, v31;
	v9 =	vadd.f32 v33, v28;
	v17 =	vld [tilespmem:s1+$0x181C0];
	v28 =	vadd.f32 v31, v6  }
0xf0: {  	v25 =	vld [tilespmem:s1+$0x18190];
	v23 =	vadd.f32 v4, v14;
	v14 =	vmax.f32 v32, v12;
	v12 =	vadd.f32 v34, v29  }
0xf1: {  	s0 =	simm.s32 $0x800;
	v15 =	vld [tilespmem:s1+$0x18130];
	v29 =	vmax.f32 v8, v7;
	v8 =	vmax.f32 v63, v30;
	v9 =	vadd.f32 v30, v9  }
.LBB2_7:
0xf2: {  	p2 =	sne.s32 s0, $0x3800;
	v27 =	vadd.f32 v5, v27;
	v18 =	vmax.f32 v18, v3;
	v29 =	vmax.f32 v29, v21;
	v30 =	vld [tilespmem:s1+$0x181B0];
	s1 =	sshra.s32 s0, $0x2;
	s0 =	sadd.s32 $0x800, s0  }
0xf3: {  	v6 =	vadd.f32 v13, v6;
	v23 =	vadd.f32 v2, v23;
	v31 =	vld [tilespmem:s1+$0x181A0];
	v29 =	vmax.f32 v29, v22  }
0xf4: {  	v7 =	vadd.f32 v7, v28;
	v5 =	vmax.f32 v24, v5;
	v32 =	vld [tilespmem:s1+$0x18140];
	v20 =	vadd.f32 v17, v20  }
0xf5: {  	v3 =	vadd.f32 v3, v6;
	v33 =	vld [tilespmem:s1+$0x181F0];
	v6 =	vadd.f32 v26, v27;
	v5 =	vmax.f32 v5, v26  }
0xf6: {  	v13 =	vmax.f32 v16, v1;
	v7 =	vadd.f32 v21, v7;
	v1 =	vld [tilespmem:s1+$0x18120];
	v24 =	vmax.f32 v5, v25  }
0xf7: {  	v3 =	vadd.f32 v15, v3;
	v5 =	vmax.f32 v18, v15;
	v16 =	vld [tilespmem:s1+$0x180C0];
	v15 =	vadd.f32 v25, v6  }
0xf8: {  	v21 =	vmax.f32 v13, v0;
	v25 =	vadd.f32 v22, v7;
	v22 =	vmax.f32 v5, v30;
	v18 =	vld [tilespmem:s1+$0x180F0]  }
0xf9: {  	v4 =	vmax.f32 v14, v4;
	v14 =	vadd.f32 v0, v19;
	v10 =	vmax.f32 v10, v17;
	v0 =	vmovc v31;
	v26 =	vld [tilespmem:s1+$0x180A0]  }
0xfa: {  	v17 =	vmax.f32 v4, v2;
	v6 =	vadd.f32 v30, v3;
	v13 =	vld [tilespmem:s1+$0x180E0]  }
0xfb: {  	v28 =	vld [tilespmem:s1+$0x180D0]  }
0xfc: {  	v3 =	vld [tilespmem:s1+$0x180B0]  }
0xfd: {  	v2 =	vld [tilespmem:s1+$0x18060]  }
0xfe: {  	v7 =	vld [tilespmem:s1+$0x18080]  }
0xff: {  	v19 =	vld [tilespmem:s1+$0x18160]  }
0x100: {  	v5 =	vld [tilespmem:s1+$0x18090]  }
0x101: {  	v4 =	vld [tilespmem:s1+$0x18070]  }
0x102: {  	v12 =	vadd.f32 v2, v12;
	v11 =	vmax.f32 v11, v2;
	v2 =	vld [tilespmem:s1+$0x181D0]  }
0x103: {  	v27 =	vld [tilespmem:s1+$0x18040];
	v11 =	vmax.f32 v11, v13  }
0x104: {  	v30 =	vld [tilespmem:s1+$0x18050];
	v12 =	vadd.f32 v13, v12;
	v11 =	vmax.f32 v11, v19  }
0x105: {  	v31 =	vld [tilespmem:s1+$0x18020]  }
0x106: {  	v13 =	vld [tilespmem:s1+$0x18030];
	v9 =	vadd.f32 v4, v9;
	v4 =	vmax.f32 v8, v4  }
0x107: {  	v8 =	vmax.f32 v4, v18;
	v4 =	vld [tilespmem:s1+$0x18150]  }
0x108: {  	v12 =	vadd.f32 v19, v12;
	v34 =	vld [tilespmem:s1+$0x18010];
	v10 =	vmax.f32 v10, v27;
	v9 =	vadd.f32 v18, v9  }
0x109: {  	v19 =	vadd.f32 v27, v20;
	v35 =	vld [tilespmem:s1+$0x18000];
	v20 =	vadd.f32 v30, v23;
	v17 =	vmax.f32 v17, v30  }
0x10a: {  	v10 =	vmax.f32 v10, v16;
	v14 =	vadd.f32 v31, v14;
	v21 =	vmax.f32 v21, v31;
	v30 =	vld [tilespmem:s1+$0x18170]  }
0x10b: {  	v19 =	vadd.f32 v16, v19;
	v18 =	vmax.f32 v22, v13;
	v22 =	vadd.f32 v28, v20;
	v31 =	vld [tilespmem:s1+$0x181E0]  }
0x10c: {  	v10 =	vmax.f32 v10, v32;
	v16 =	vmax.f32 v21, v26;
	v14 =	vadd.f32 v26, v14;
	v21 =	vld [tilespmem:s1+$0x18100]  }
.Ltmp2:
0x10d: {  	v20 =	vadd.f32 v32, v19;
	v27 =	vadd.f32 v34, v15;
	v24 =	vmax.f32 v24, v34;
	v15 =	vld [tilespmem:s1+$0x18130];
	(pc) =	sbr.rel @p2 .LBB2_7-.Ltmp2, $4  }
0x10e: {  	v23 =	vadd.f32 v4, v22;
	v29 =	vmax.f32 v29, v35;
	v19 =	vadd.f32 v1, v14;
	v22 =	vld [tilespmem:s1+$0x18180]  }
0x10f: {  	v14 =	vmax.f32 v17, v28;
	v9 =	vadd.f32 v30, v9;
	v8 =	vmax.f32 v8, v30;
	v17 =	vld [tilespmem:s1+$0x181C0]  }
0x110: {  	v28 =	vadd.f32 v35, v25;
	v26 =	vld [tilespmem:s1+$0x18110];
	v12 =	vadd.f32 v31, v12;
	v11 =	vmax.f32 v11, v31  }
0x111: {  	v29 =	vmax.f32 v29, v7;
	v8 =	vmax.f32 v8, v33;
	v25 =	vld [tilespmem:s1+$0x18190];
	v9 =	vadd.f32 v33, v9  }
0x112: {  	_ = 	snop  }
0x113: {  	v7 =	vadd.f32 v7, v28;
	v27 =	vadd.f32 v5, v27;
	v1 =	vmax.f32 v16, v1  }
0x114: {  	v6 =	vadd.f32 v13, v6;
	v19 =	vadd.f32 v0, v19;
	v0 =	vmax.f32 v1, v0  }
0x115: {  	v7 =	vadd.f32 v21, v7;
	v13 =	vadd.f32 v26, v27;
	v27 =	vld [tilespmem:s1+$0x181B0];
	[tilespmem:$0x1E320] =	vst v0  }
0x116: {  	v5 =	vmax.f32 v24, v5;
	v21 =	vmax.f32 v29, v21;
	v0 =	vadd.f32 v2, v23;
	[tilespmem:$0x1E360] =	vst v11  }
0x117: {  	v21 =	vmax.f32 v21, v22;
	v5 =	vmax.f32 v5, v26;
	[tilespmem:$0x1E370] =	vst v8;
	v7 =	vadd.f32 v22, v7  }
0x118: {  	v6 =	vadd.f32 v3, v6;
	[tilespmem:$0x1E300] =	vst v21;
	v5 =	vmax.f32 v5, v25;
	v0 =	vmul.f32 $3.125000000e-02, v0  }
0x119: {  	v3 =	vmax.f32 v18, v3;
	[tilespmem:$0x1E310] =	vst v5;
	v7 =	vmul.f32 $3.125000000e-02, v7  }
0x11a: {  	v3 =	vmax.f32 v3, v15;
	v6 =	vadd.f32 v15, v6;
	v13 =	vadd.f32 v25, v13;
	[tilespmem:$0x1E150] =	vst v0  }
0x11b: {  	v0 =	vmul.f32 $3.125000000e-02, v12;
	[tilespmem:$0x1E100] =	vst v7;
	v3 =	vmax.f32 v3, v27  }
0x11c: {  	v7 =	vmul.f32 $3.125000000e-02, v13;
	v6 =	vadd.f32 v27, v6;
	[tilespmem:$0x1E330] =	vst v3  }
0x11d: {  	[tilespmem:$0x1E160] =	vst v0  }
0x11e: {  	v5 =	vadd.f32 v17, v20;
	v3 =	vmax.f32 v10, v17;
	[tilespmem:$0x1E110] =	vst v7;
	v1 =	vmul.f32 $3.125000000e-02, v6  }
0x11f: {  	v0 =	vmul.f32 $3.125000000e-02, v9;
	[tilespmem:$0x1E340] =	vst v3  }
0x120: {  	[tilespmem:$0x1E130] =	vst v1;
	v1 =	vmul.f32 $3.125000000e-02, v5  }
0x121: {  	v7 =	vmul.f32 $3.125000000e-02, v19;
	[tilespmem:$0x1E170] =	vst v0  }
0x122: {  	[tilespmem:$0x1E140] =	vst v1;
	v1 =	vmax.f32 v14, v4  }
0x123: {  	[tilespmem:$0x1E120] =	vst v7;
	v1 =	vmax.f32 v1, v2  }
0x124: {  	s1 =	simm.s32 $0x0;
	[tilespmem:$0x1E350] =	vst v1  }
0x125: {  	v0 =	vld [tilespmem:s1+$0x191A0]  }
0x126: {  	v8 =	vld [tilespmem:s1+$0x19140]  }
0x127: {  	v30 =	vld [tilespmem:s1+$0x191F0]  }
0x128: {  	v1 =	vld [tilespmem:s1+$0x19120]  }
0x129: {  	v9 =	vld [tilespmem:s1+$0x190C0]  }
0x12a: {  	v10 =	vld [tilespmem:s1+$0x190F0]  }
0x12b: {  	v11 =	vld [tilespmem:s1+$0x190A0]  }
0x12c: {  	v4 =	vld [tilespmem:s1+$0x190E0]  }
0x12d: {  	v12 =	vld [tilespmem:s1+$0x190D0]  }
0x12e: {  	v3 =	vld [tilespmem:s1+$0x190B0]  }
0x12f: {  	v13 =	vld [tilespmem:s1+$0x19060]  }
0x130: {  	v7 =	vld [tilespmem:s1+$0x19080]  }
0x131: {  	v14 =	vld [tilespmem:s1+$0x19160]  }
0x132: {  	v15 =	vld [tilespmem:s1+$0x19070]  }
0x133: {  	v19 =	vld [tilespmem:s1+$0x19050]  }
0x134: {  	v5 =	vld [tilespmem:s1+$0x19090]  }
0x135: {  	v16 =	vld [tilespmem:s1+$0x19040]  }
0x136: {  	v17 =	vimm.f32 $-Inf;
	v6 =	vimm.f32 $0.0e+00;
	v21 =	vld [tilespmem:s1+$0x19020]  }
0x137: {  	v33 =	vld [tilespmem:s1+$0x19170];
	v18 =	vadd.f32 v13, v6;
	v13 =	vmax.f32 v17, v13  }
0x138: {  	v34 =	vld [tilespmem:s1+$0x191E0];
	v22 =	vadd.f32 v15, v6;
	v32 =	vmax.f32 v17, v19;
	v20 =	vmax.f32 v13, v4  }
0x139: {  	v13 =	vld [tilespmem:s1+$0x19030];
	v18 =	vadd.f32 v4, v18;
	v4 =	vmax.f32 v17, v15;
	v25 =	vmax.f32 v20, v14  }
0x13a: {  	v15 =	vld [tilespmem:s1+$0x19010];
	v20 =	vmax.f32 v17, v16;
	v28 =	vadd.f32 v10, v22;
	v26 =	vmax.f32 v4, v10  }
0x13b: {  	v2 =	vld [tilespmem:s1+$0x191D0];
	v10 =	vadd.f32 v16, v6;
	v16 =	vadd.f32 v21, v6;
	v20 =	vmax.f32 v20, v9  }
0x13c: {  	v31 =	vld [tilespmem:s1+$0x19000];
	v29 =	vadd.f32 v14, v18;
	v14 =	vadd.f32 v19, v6;
	v19 =	vmax.f32 v17, v21  }
0x13d: {  	v4 =	vld [tilespmem:s1+$0x19150];
	v63 =	vmax.f32 v26, v33;
	v9 =	vadd.f32 v9, v10;
	v22 =	vadd.f32 v11, v16  }
0x13e: {  	v21 =	vld [tilespmem:s1+$0x19100];
	v16 =	vmax.f32 v19, v11;
	v10 =	vmax.f32 v20, v8;
	v11 =	vmax.f32 v25, v34  }
0x13f: {  	v26 =	vld [tilespmem:s1+$0x19110];
	v18 =	vmax.f32 v17, v13;
	v14 =	vadd.f32 v12, v14;
	v27 =	vadd.f32 v15, v6  }
0x140: {  	v24 =	vmax.f32 v17, v15;
	v20 =	vadd.f32 v8, v9;
	v19 =	vadd.f32 v1, v22;
	v22 =	vld [tilespmem:s1+$0x19180]  }
0x141: {  	v8 =	vmax.f32 v17, v31;
	v9 =	vadd.f32 v33, v28;
	v17 =	vld [tilespmem:s1+$0x191C0];
	v28 =	vadd.f32 v31, v6  }
0x142: {  	v25 =	vld [tilespmem:s1+$0x19190];
	v23 =	vadd.f32 v4, v14;
	v14 =	vmax.f32 v32, v12;
	v12 =	vadd.f32 v34, v29  }
0x143: {  	s0 =	simm.s32 $0x800;
	v15 =	vld [tilespmem:s1+$0x19130];
	v29 =	vmax.f32 v8, v7;
	v8 =	vmax.f32 v63, v30;
	v9 =	vadd.f32 v30, v9  }
.LBB2_9:
0x144: {  	p2 =	sne.s32 s0, $0x3800;
	v27 =	vadd.f32 v5, v27;
	v18 =	vmax.f32 v18, v3;
	v29 =	vmax.f32 v29, v21;
	v30 =	vld [tilespmem:s1+$0x191B0];
	s1 =	sshra.s32 s0, $0x2;
	s0 =	sadd.s32 $0x800, s0  }
0x145: {  	v6 =	vadd.f32 v13, v6;
	v23 =	vadd.f32 v2, v23;
	v31 =	vld [tilespmem:s1+$0x191A0];
	v29 =	vmax.f32 v29, v22  }
0x146: {  	v7 =	vadd.f32 v7, v28;
	v5 =	vmax.f32 v24, v5;
	v32 =	vld [tilespmem:s1+$0x19140];
	v20 =	vadd.f32 v17, v20  }
0x147: {  	v3 =	vadd.f32 v3, v6;
	v33 =	vld [tilespmem:s1+$0x191F0];
	v6 =	vadd.f32 v26, v27;
	v5 =	vmax.f32 v5, v26  }
0x148: {  	v13 =	vmax.f32 v16, v1;
	v7 =	vadd.f32 v21, v7;
	v1 =	vld [tilespmem:s1+$0x19120];
	v24 =	vmax.f32 v5, v25  }
0x149: {  	v3 =	vadd.f32 v15, v3;
	v5 =	vmax.f32 v18, v15;
	v16 =	vld [tilespmem:s1+$0x190C0];
	v15 =	vadd.f32 v25, v6  }
0x14a: {  	v21 =	vmax.f32 v13, v0;
	v25 =	vadd.f32 v22, v7;
	v22 =	vmax.f32 v5, v30;
	v18 =	vld [tilespmem:s1+$0x190F0]  }
0x14b: {  	v4 =	vmax.f32 v14, v4;
	v14 =	vadd.f32 v0, v19;
	v10 =	vmax.f32 v10, v17;
	v0 =	vmovc v31;
	v26 =	vld [tilespmem:s1+$0x190A0]  }
0x14c: {  	v17 =	vmax.f32 v4, v2;
	v6 =	vadd.f32 v30, v3;
	v13 =	vld [tilespmem:s1+$0x190E0]  }
0x14d: {  	v28 =	vld [tilespmem:s1+$0x190D0]  }
0x14e: {  	v3 =	vld [tilespmem:s1+$0x190B0]  }
0x14f: {  	v2 =	vld [tilespmem:s1+$0x19060]  }
0x150: {  	v7 =	vld [tilespmem:s1+$0x19080]  }
0x151: {  	v19 =	vld [tilespmem:s1+$0x19160]  }
0x152: {  	v5 =	vld [tilespmem:s1+$0x19090]  }
0x153: {  	v4 =	vld [tilespmem:s1+$0x19070]  }
0x154: {  	v12 =	vadd.f32 v2, v12;
	v11 =	vmax.f32 v11, v2;
	v2 =	vld [tilespmem:s1+$0x191D0]  }
0x155: {  	v27 =	vld [tilespmem:s1+$0x19040];
	v11 =	vmax.f32 v11, v13  }
0x156: {  	v30 =	vld [tilespmem:s1+$0x19050];
	v12 =	vadd.f32 v13, v12;
	v11 =	vmax.f32 v11, v19  }
0x157: {  	v31 =	vld [tilespmem:s1+$0x19020]  }
0x158: {  	v13 =	vld [tilespmem:s1+$0x19030];
	v9 =	vadd.f32 v4, v9;
	v4 =	vmax.f32 v8, v4  }
0x159: {  	v8 =	vmax.f32 v4, v18;
	v4 =	vld [tilespmem:s1+$0x19150]  }
0x15a: {  	v12 =	vadd.f32 v19, v12;
	v34 =	vld [tilespmem:s1+$0x19010];
	v10 =	vmax.f32 v10, v27;
	v9 =	vadd.f32 v18, v9  }
0x15b: {  	v19 =	vadd.f32 v27, v20;
	v35 =	vld [tilespmem:s1+$0x19000];
	v20 =	vadd.f32 v30, v23;
	v17 =	vmax.f32 v17, v30  }
0x15c: {  	v10 =	vmax.f32 v10, v16;
	v14 =	vadd.f32 v31, v14;
	v21 =	vmax.f32 v21, v31;
	v30 =	vld [tilespmem:s1+$0x19170]  }
0x15d: {  	v19 =	vadd.f32 v16, v19;
	v18 =	vmax.f32 v22, v13;
	v22 =	vadd.f32 v28, v20;
	v31 =	vld [tilespmem:s1+$0x191E0]  }
0x15e: {  	v10 =	vmax.f32 v10, v32;
	v16 =	vmax.f32 v21, v26;
	v14 =	vadd.f32 v26, v14;
	v21 =	vld [tilespmem:s1+$0x19100]  }
.Ltmp3:
0x15f: {  	v20 =	vadd.f32 v32, v19;
	v27 =	vadd.f32 v34, v15;
	v24 =	vmax.f32 v24, v34;
	v15 =	vld [tilespmem:s1+$0x19130];
	(pc) =	sbr.rel @p2 .LBB2_9-.Ltmp3, $4  }
0x160: {  	v23 =	vadd.f32 v4, v22;
	v29 =	vmax.f32 v29, v35;
	v19 =	vadd.f32 v1, v14;
	v22 =	vld [tilespmem:s1+$0x19180]  }
0x161: {  	v14 =	vmax.f32 v17, v28;
	v9 =	vadd.f32 v30, v9;
	v8 =	vmax.f32 v8, v30;
	v17 =	vld [tilespmem:s1+$0x191C0]  }
0x162: {  	v28 =	vadd.f32 v35, v25;
	v26 =	vld [tilespmem:s1+$0x19110];
	v12 =	vadd.f32 v31, v12;
	v11 =	vmax.f32 v11, v31  }
0x163: {  	v29 =	vmax.f32 v29, v7;
	v8 =	vmax.f32 v8, v33;
	v25 =	vld [tilespmem:s1+$0x19190];
	v9 =	vadd.f32 v33, v9  }
0x164: {  	_ = 	snop  }
0x165: {  	v7 =	vadd.f32 v7, v28;
	v27 =	vadd.f32 v5, v27;
	v1 =	vmax.f32 v16, v1  }
0x166: {  	v6 =	vadd.f32 v13, v6;
	v19 =	vadd.f32 v0, v19;
	v0 =	vmax.f32 v1, v0  }
0x167: {  	v7 =	vadd.f32 v21, v7;
	v13 =	vadd.f32 v26, v27;
	v27 =	vld [tilespmem:s1+$0x191B0];
	[tilespmem:$0x1E3A0] =	vst v0  }
0x168: {  	v5 =	vmax.f32 v24, v5;
	v21 =	vmax.f32 v29, v21;
	v0 =	vadd.f32 v2, v23;
	[tilespmem:$0x1E3E0] =	vst v11  }
0x169: {  	v21 =	vmax.f32 v21, v22;
	v5 =	vmax.f32 v5, v26;
	[tilespmem:$0x1E3F0] =	vst v8;
	v7 =	vadd.f32 v22, v7  }
0x16a: {  	v6 =	vadd.f32 v3, v6;
	[tilespmem:$0x1E380] =	vst v21;
	v5 =	vmax.f32 v5, v25;
	v0 =	vmul.f32 $3.125000000e-02, v0  }
0x16b: {  	v3 =	vmax.f32 v18, v3;
	[tilespmem:$0x1E390] =	vst v5;
	v7 =	vmul.f32 $3.125000000e-02, v7  }
0x16c: {  	v3 =	vmax.f32 v3, v15;
	v6 =	vadd.f32 v15, v6;
	v13 =	vadd.f32 v25, v13;
	[tilespmem:$0x1E1D0] =	vst v0  }
0x16d: {  	v0 =	vmul.f32 $3.125000000e-02, v12;
	[tilespmem:$0x1E180] =	vst v7;
	v3 =	vmax.f32 v3, v27  }
0x16e: {  	v7 =	vmul.f32 $3.125000000e-02, v13;
	v6 =	vadd.f32 v27, v6;
	[tilespmem:$0x1E3B0] =	vst v3  }
0x16f: {  	[tilespmem:$0x1E1E0] =	vst v0  }
0x170: {  	v5 =	vadd.f32 v17, v20;
	v3 =	vmax.f32 v10, v17;
	[tilespmem:$0x1E190] =	vst v7;
	v1 =	vmul.f32 $3.125000000e-02, v6  }
0x171: {  	v0 =	vmul.f32 $3.125000000e-02, v9;
	[tilespmem:$0x1E3C0] =	vst v3  }
0x172: {  	[tilespmem:$0x1E1B0] =	vst v1;
	v1 =	vmul.f32 $3.125000000e-02, v5  }
0x173: {  	s0 =	sadd.s32 s5, s31;
	v7 =	vmul.f32 $3.125000000e-02, v19;
	[tilespmem:$0x1E1F0] =	vst v0  }
0x174: {  	s0 =	sshll.u32 s0, $0x7;
	[tilespmem:$0x1E1C0] =	vst v1;
	v1 =	vmax.f32 v14, v4  }
0x175: {  	s0 =	sand.u32 $0xFFF00, s0;
	[tilespmem:$0x1E1A0] =	vst v7;
	v1 =	vmax.f32 v1, v2  }
0x176: {  	s31 =	sshll.u32 s29, $0x8;
	s0 =	sadd.s32 s0, s9;
	[tilespmem:$0x1E3D0] =	vst v1  }
0x177: {  	[hbm4b:s0+s21] =	stream.strided.scatter [tilespmem:s23], [sflag:$0x3], $0x400, s22, s21, $0x38;
	[tilespmem:$0x1E800] =	vst v63  }
0x178: {  	s0 =	sand.u32 $0x3FFFFF00, s31  }
0x179: {  	s0 =	sadd.s32 $0x13980, s0  }
0x17a: {  	[tilespmem:s18], [sflag:$0x1] =	stream.indirect.gather [spmem:s3], $0x80, s0, s17, $0xb8;
	[tilespmem:$0x1E800] =	vst v63  }
0x17b: {  	_ =	swait.ge [sflag:s16], $0x4000  }
0x17c: {  	[sflag:s16] =	ssyncset.done $0x0  }
0x17d: {  	s0 =	simm.s32 @!p1 $0x4;
	[sflag:s16] =	ssyncadd.s32 $0xFFFFC000  }
0x17e: {  	_ =	swait.ge @!p1 [sflag:s0], $0x400  }
0x17f: {  	[sflag:s0] =	ssyncset.done @!p1 $0x0  }
0x180: {  	s1 =	simm.s32 $0x0;
	[sflag:s0] =	ssyncadd.s32 @!p1 $0xFFFFFC00  }
0x181: {  	v0 =	vld [tilespmem:s1+$0x1A1A0]  }
0x182: {  	v8 =	vld [tilespmem:s1+$0x1A140]  }
0x183: {  	v30 =	vld [tilespmem:s1+$0x1A1F0]  }
0x184: {  	v1 =	vld [tilespmem:s1+$0x1A120]  }
0x185: {  	v9 =	vld [tilespmem:s1+$0x1A0C0]  }
0x186: {  	v10 =	vld [tilespmem:s1+$0x1A0F0]  }
0x187: {  	v11 =	vld [tilespmem:s1+$0x1A0A0]  }
0x188: {  	v4 =	vld [tilespmem:s1+$0x1A0E0]  }
0x189: {  	v12 =	vld [tilespmem:s1+$0x1A0D0]  }
0x18a: {  	v3 =	vld [tilespmem:s1+$0x1A0B0]  }
0x18b: {  	v13 =	vld [tilespmem:s1+$0x1A060]  }
0x18c: {  	v7 =	vld [tilespmem:s1+$0x1A080]  }
0x18d: {  	v14 =	vld [tilespmem:s1+$0x1A160]  }
0x18e: {  	v15 =	vld [tilespmem:s1+$0x1A070]  }
0x18f: {  	v19 =	vld [tilespmem:s1+$0x1A050]  }
0x190: {  	v5 =	vld [tilespmem:s1+$0x1A090]  }
0x191: {  	v16 =	vld [tilespmem:s1+$0x1A040]  }
0x192: {  	v17 =	vimm.f32 $-Inf;
	v6 =	vimm.f32 $0.0e+00;
	v21 =	vld [tilespmem:s1+$0x1A020]  }
0x193: {  	v33 =	vld [tilespmem:s1+$0x1A170];
	v18 =	vadd.f32 v13, v6;
	v13 =	vmax.f32 v17, v13  }
0x194: {  	v34 =	vld [tilespmem:s1+$0x1A1E0];
	v22 =	vadd.f32 v15, v6;
	v32 =	vmax.f32 v17, v19;
	v20 =	vmax.f32 v13, v4  }
0x195: {  	v13 =	vld [tilespmem:s1+$0x1A030];
	v18 =	vadd.f32 v4, v18;
	v4 =	vmax.f32 v17, v15;
	v25 =	vmax.f32 v20, v14  }
0x196: {  	v15 =	vld [tilespmem:s1+$0x1A010];
	v20 =	vmax.f32 v17, v16;
	v28 =	vadd.f32 v10, v22;
	v26 =	vmax.f32 v4, v10  }
0x197: {  	v2 =	vld [tilespmem:s1+$0x1A1D0];
	v10 =	vadd.f32 v16, v6;
	v16 =	vadd.f32 v21, v6;
	v20 =	vmax.f32 v20, v9  }
0x198: {  	v31 =	vld [tilespmem:s1+$0x1A000];
	v29 =	vadd.f32 v14, v18;
	v14 =	vadd.f32 v19, v6;
	v19 =	vmax.f32 v17, v21  }
0x199: {  	v4 =	vld [tilespmem:s1+$0x1A150];
	v63 =	vmax.f32 v26, v33;
	v9 =	vadd.f32 v9, v10;
	v22 =	vadd.f32 v11, v16  }
0x19a: {  	v21 =	vld [tilespmem:s1+$0x1A100];
	v16 =	vmax.f32 v19, v11;
	v10 =	vmax.f32 v20, v8;
	v11 =	vmax.f32 v25, v34  }
0x19b: {  	v26 =	vld [tilespmem:s1+$0x1A110];
	v18 =	vmax.f32 v17, v13;
	v14 =	vadd.f32 v12, v14;
	v27 =	vadd.f32 v15, v6  }
0x19c: {  	v24 =	vmax.f32 v17, v15;
	v20 =	vadd.f32 v8, v9;
	v19 =	vadd.f32 v1, v22;
	v22 =	vld [tilespmem:s1+$0x1A180]  }
0x19d: {  	v8 =	vmax.f32 v17, v31;
	v9 =	vadd.f32 v33, v28;
	v17 =	vld [tilespmem:s1+$0x1A1C0];
	v28 =	vadd.f32 v31, v6  }
0x19e: {  	v25 =	vld [tilespmem:s1+$0x1A190];
	v23 =	vadd.f32 v4, v14;
	v14 =	vmax.f32 v32, v12;
	v12 =	vadd.f32 v34, v29  }
0x19f: {  	s0 =	simm.s32 $0x800;
	v15 =	vld [tilespmem:s1+$0x1A130];
	v29 =	vmax.f32 v8, v7;
	v8 =	vmax.f32 v63, v30;
	v9 =	vadd.f32 v30, v9  }
.LBB2_11:
0x1a0: {  	p1 =	sne.s32 s0, $0x3800;
	v27 =	vadd.f32 v5, v27;
	v18 =	vmax.f32 v18, v3;
	v29 =	vmax.f32 v29, v21;
	v30 =	vld [tilespmem:s1+$0x1A1B0];
	s1 =	sshra.s32 s0, $0x2;
	s0 =	sadd.s32 $0x800, s0  }
0x1a1: {  	v6 =	vadd.f32 v13, v6;
	v23 =	vadd.f32 v2, v23;
	v31 =	vld [tilespmem:s1+$0x1A1A0];
	v29 =	vmax.f32 v29, v22  }
0x1a2: {  	v7 =	vadd.f32 v7, v28;
	v5 =	vmax.f32 v24, v5;
	v32 =	vld [tilespmem:s1+$0x1A140];
	v20 =	vadd.f32 v17, v20  }
0x1a3: {  	v3 =	vadd.f32 v3, v6;
	v33 =	vld [tilespmem:s1+$0x1A1F0];
	v6 =	vadd.f32 v26, v27;
	v5 =	vmax.f32 v5, v26  }
0x1a4: {  	v13 =	vmax.f32 v16, v1;
	v7 =	vadd.f32 v21, v7;
	v1 =	vld [tilespmem:s1+$0x1A120];
	v24 =	vmax.f32 v5, v25  }
0x1a5: {  	v3 =	vadd.f32 v15, v3;
	v5 =	vmax.f32 v18, v15;
	v16 =	vld [tilespmem:s1+$0x1A0C0];
	v15 =	vadd.f32 v25, v6  }
0x1a6: {  	v21 =	vmax.f32 v13, v0;
	v25 =	vadd.f32 v22, v7;
	v22 =	vmax.f32 v5, v30;
	v18 =	vld [tilespmem:s1+$0x1A0F0]  }
0x1a7: {  	v4 =	vmax.f32 v14, v4;
	v14 =	vadd.f32 v0, v19;
	v10 =	vmax.f32 v10, v17;
	v0 =	vmovc v31;
	v26 =	vld [tilespmem:s1+$0x1A0A0]  }
0x1a8: {  	v17 =	vmax.f32 v4, v2;
	v6 =	vadd.f32 v30, v3;
	v13 =	vld [tilespmem:s1+$0x1A0E0]  }
0x1a9: {  	v28 =	vld [tilespmem:s1+$0x1A0D0]  }
0x1aa: {  	v3 =	vld [tilespmem:s1+$0x1A0B0]  }
0x1ab: {  	v2 =	vld [tilespmem:s1+$0x1A060]  }
0x1ac: {  	v7 =	vld [tilespmem:s1+$0x1A080]  }
0x1ad: {  	v19 =	vld [tilespmem:s1+$0x1A160]  }
0x1ae: {  	v5 =	vld [tilespmem:s1+$0x1A090]  }
0x1af: {  	v4 =	vld [tilespmem:s1+$0x1A070]  }
0x1b0: {  	v12 =	vadd.f32 v2, v12;
	v11 =	vmax.f32 v11, v2;
	v2 =	vld [tilespmem:s1+$0x1A1D0]  }
0x1b1: {  	v27 =	vld [tilespmem:s1+$0x1A040];
	v11 =	vmax.f32 v11, v13  }
0x1b2: {  	v30 =	vld [tilespmem:s1+$0x1A050];
	v12 =	vadd.f32 v13, v12;
	v11 =	vmax.f32 v11, v19  }
0x1b3: {  	v31 =	vld [tilespmem:s1+$0x1A020]  }
0x1b4: {  	v13 =	vld [tilespmem:s1+$0x1A030];
	v9 =	vadd.f32 v4, v9;
	v4 =	vmax.f32 v8, v4  }
0x1b5: {  	v8 =	vmax.f32 v4, v18;
	v4 =	vld [tilespmem:s1+$0x1A150]  }
0x1b6: {  	v12 =	vadd.f32 v19, v12;
	v34 =	vld [tilespmem:s1+$0x1A010];
	v10 =	vmax.f32 v10, v27;
	v9 =	vadd.f32 v18, v9  }
0x1b7: {  	v19 =	vadd.f32 v27, v20;
	v35 =	vld [tilespmem:s1+$0x1A000];
	v20 =	vadd.f32 v30, v23;
	v17 =	vmax.f32 v17, v30  }
0x1b8: {  	v10 =	vmax.f32 v10, v16;
	v14 =	vadd.f32 v31, v14;
	v21 =	vmax.f32 v21, v31;
	v30 =	vld [tilespmem:s1+$0x1A170]  }
0x1b9: {  	v19 =	vadd.f32 v16, v19;
	v18 =	vmax.f32 v22, v13;
	v22 =	vadd.f32 v28, v20;
	v31 =	vld [tilespmem:s1+$0x1A1E0]  }
0x1ba: {  	v10 =	vmax.f32 v10, v32;
	v16 =	vmax.f32 v21, v26;
	v14 =	vadd.f32 v26, v14;
	v21 =	vld [tilespmem:s1+$0x1A100]  }
.Ltmp4:
0x1bb: {  	v20 =	vadd.f32 v32, v19;
	v27 =	vadd.f32 v34, v15;
	v24 =	vmax.f32 v24, v34;
	v15 =	vld [tilespmem:s1+$0x1A130];
	(pc) =	sbr.rel @p1 .LBB2_11-.Ltmp4, $4  }
0x1bc: {  	v23 =	vadd.f32 v4, v22;
	v29 =	vmax.f32 v29, v35;
	v19 =	vadd.f32 v1, v14;
	v22 =	vld [tilespmem:s1+$0x1A180]  }
0x1bd: {  	v14 =	vmax.f32 v17, v28;
	v9 =	vadd.f32 v30, v9;
	v8 =	vmax.f32 v8, v30;
	v17 =	vld [tilespmem:s1+$0x1A1C0]  }
0x1be: {  	v28 =	vadd.f32 v35, v25;
	v26 =	vld [tilespmem:s1+$0x1A110];
	v12 =	vadd.f32 v31, v12;
	v11 =	vmax.f32 v11, v31  }
0x1bf: {  	v29 =	vmax.f32 v29, v7;
	v8 =	vmax.f32 v8, v33;
	v25 =	vld [tilespmem:s1+$0x1A190];
	v9 =	vadd.f32 v33, v9  }
0x1c0: {  	_ = 	snop  }
0x1c1: {  	v7 =	vadd.f32 v7, v28;
	v27 =	vadd.f32 v5, v27;
	v1 =	vmax.f32 v16, v1  }
0x1c2: {  	v6 =	vadd.f32 v13, v6;
	v19 =	vadd.f32 v0, v19;
	v0 =	vmax.f32 v1, v0  }
0x1c3: {  	v7 =	vadd.f32 v21, v7;
	v13 =	vadd.f32 v26, v27;
	v27 =	vld [tilespmem:s1+$0x1A1B0];
	[tilespmem:$0x1E620] =	vst v0  }
0x1c4: {  	v5 =	vmax.f32 v24, v5;
	v21 =	vmax.f32 v29, v21;
	v0 =	vadd.f32 v2, v23;
	[tilespmem:$0x1E660] =	vst v11  }
0x1c5: {  	v21 =	vmax.f32 v21, v22;
	v5 =	vmax.f32 v5, v26;
	[tilespmem:$0x1E670] =	vst v8;
	v7 =	vadd.f32 v22, v7  }
0x1c6: {  	v6 =	vadd.f32 v3, v6;
	[tilespmem:$0x1E600] =	vst v21;
	v5 =	vmax.f32 v5, v25;
	v0 =	vmul.f32 $3.125000000e-02, v0  }
0x1c7: {  	v3 =	vmax.f32 v18, v3;
	[tilespmem:$0x1E610] =	vst v5;
	v7 =	vmul.f32 $3.125000000e-02, v7  }
0x1c8: {  	v3 =	vmax.f32 v3, v15;
	v6 =	vadd.f32 v15, v6;
	v13 =	vadd.f32 v25, v13;
	[tilespmem:$0x1E450] =	vst v0  }
0x1c9: {  	v0 =	vmul.f32 $3.125000000e-02, v12;
	[tilespmem:$0x1E400] =	vst v7;
	v3 =	vmax.f32 v3, v27  }
0x1ca: {  	v7 =	vmul.f32 $3.125000000e-02, v13;
	v6 =	vadd.f32 v27, v6;
	[tilespmem:$0x1E630] =	vst v3  }
0x1cb: {  	[tilespmem:$0x1E460] =	vst v0  }
0x1cc: {  	v5 =	vadd.f32 v17, v20;
	v3 =	vmax.f32 v10, v17;
	[tilespmem:$0x1E410] =	vst v7;
	v1 =	vmul.f32 $3.125000000e-02, v6  }
0x1cd: {  	v0 =	vmul.f32 $3.125000000e-02, v9;
	[tilespmem:$0x1E640] =	vst v3  }
0x1ce: {  	[tilespmem:$0x1E430] =	vst v1;
	v1 =	vmul.f32 $3.125000000e-02, v5  }
0x1cf: {  	v7 =	vmul.f32 $3.125000000e-02, v19;
	[tilespmem:$0x1E470] =	vst v0  }
0x1d0: {  	[tilespmem:$0x1E440] =	vst v1;
	v1 =	vmax.f32 v14, v4  }
0x1d1: {  	[tilespmem:$0x1E420] =	vst v7;
	v1 =	vmax.f32 v1, v2  }
0x1d2: {  	s1 =	simm.s32 $0x0;
	[tilespmem:$0x1E650] =	vst v1  }
0x1d3: {  	v0 =	vld [tilespmem:s1+$0x1B1A0]  }
0x1d4: {  	v8 =	vld [tilespmem:s1+$0x1B140]  }
0x1d5: {  	v30 =	vld [tilespmem:s1+$0x1B1F0]  }
0x1d6: {  	v1 =	vld [tilespmem:s1+$0x1B120]  }
0x1d7: {  	v9 =	vld [tilespmem:s1+$0x1B0C0]  }
0x1d8: {  	v10 =	vld [tilespmem:s1+$0x1B0F0]  }
0x1d9: {  	v11 =	vld [tilespmem:s1+$0x1B0A0]  }
0x1da: {  	v4 =	vld [tilespmem:s1+$0x1B0E0]  }
0x1db: {  	v12 =	vld [tilespmem:s1+$0x1B0D0]  }
0x1dc: {  	v3 =	vld [tilespmem:s1+$0x1B0B0]  }
0x1dd: {  	v13 =	vld [tilespmem:s1+$0x1B060]  }
0x1de: {  	v7 =	vld [tilespmem:s1+$0x1B080]  }
0x1df: {  	v14 =	vld [tilespmem:s1+$0x1B160]  }
0x1e0: {  	v15 =	vld [tilespmem:s1+$0x1B070]  }
0x1e1: {  	v19 =	vld [tilespmem:s1+$0x1B050]  }
0x1e2: {  	v5 =	vld [tilespmem:s1+$0x1B090]  }
0x1e3: {  	v16 =	vld [tilespmem:s1+$0x1B040]  }
0x1e4: {  	v17 =	vimm.f32 $-Inf;
	v6 =	vimm.f32 $0.0e+00;
	v21 =	vld [tilespmem:s1+$0x1B020]  }
0x1e5: {  	v33 =	vld [tilespmem:s1+$0x1B170];
	v18 =	vadd.f32 v13, v6;
	v13 =	vmax.f32 v17, v13  }
0x1e6: {  	v34 =	vld [tilespmem:s1+$0x1B1E0];
	v22 =	vadd.f32 v15, v6;
	v32 =	vmax.f32 v17, v19;
	v20 =	vmax.f32 v13, v4  }
0x1e7: {  	v13 =	vld [tilespmem:s1+$0x1B030];
	v18 =	vadd.f32 v4, v18;
	v4 =	vmax.f32 v17, v15;
	v25 =	vmax.f32 v20, v14  }
0x1e8: {  	v15 =	vld [tilespmem:s1+$0x1B010];
	v20 =	vmax.f32 v17, v16;
	v28 =	vadd.f32 v10, v22;
	v26 =	vmax.f32 v4, v10  }
0x1e9: {  	v2 =	vld [tilespmem:s1+$0x1B1D0];
	v10 =	vadd.f32 v16, v6;
	v16 =	vadd.f32 v21, v6;
	v20 =	vmax.f32 v20, v9  }
0x1ea: {  	v31 =	vld [tilespmem:s1+$0x1B000];
	v29 =	vadd.f32 v14, v18;
	v14 =	vadd.f32 v19, v6;
	v19 =	vmax.f32 v17, v21  }
0x1eb: {  	v4 =	vld [tilespmem:s1+$0x1B150];
	v63 =	vmax.f32 v26, v33;
	v9 =	vadd.f32 v9, v10;
	v22 =	vadd.f32 v11, v16  }
0x1ec: {  	v21 =	vld [tilespmem:s1+$0x1B100];
	v16 =	vmax.f32 v19, v11;
	v10 =	vmax.f32 v20, v8;
	v11 =	vmax.f32 v25, v34  }
0x1ed: {  	v26 =	vld [tilespmem:s1+$0x1B110];
	v18 =	vmax.f32 v17, v13;
	v14 =	vadd.f32 v12, v14;
	v27 =	vadd.f32 v15, v6  }
0x1ee: {  	v24 =	vmax.f32 v17, v15;
	v20 =	vadd.f32 v8, v9;
	v19 =	vadd.f32 v1, v22;
	v22 =	vld [tilespmem:s1+$0x1B180]  }
0x1ef: {  	v8 =	vmax.f32 v17, v31;
	v9 =	vadd.f32 v33, v28;
	v17 =	vld [tilespmem:s1+$0x1B1C0];
	v28 =	vadd.f32 v31, v6  }
0x1f0: {  	v25 =	vld [tilespmem:s1+$0x1B190];
	v23 =	vadd.f32 v4, v14;
	v14 =	vmax.f32 v32, v12;
	v12 =	vadd.f32 v34, v29  }
0x1f1: {  	s0 =	simm.s32 $0x800;
	v15 =	vld [tilespmem:s1+$0x1B130];
	v29 =	vmax.f32 v8, v7;
	v8 =	vmax.f32 v63, v30;
	v9 =	vadd.f32 v30, v9  }
.LBB2_13:
0x1f2: {  	p1 =	sne.s32 s0, $0x3800;
	v27 =	vadd.f32 v5, v27;
	v18 =	vmax.f32 v18, v3;
	v29 =	vmax.f32 v29, v21;
	v30 =	vld [tilespmem:s1+$0x1B1B0];
	s1 =	sshra.s32 s0, $0x2;
	s0 =	sadd.s32 $0x800, s0  }
0x1f3: {  	v6 =	vadd.f32 v13, v6;
	v23 =	vadd.f32 v2, v23;
	v31 =	vld [tilespmem:s1+$0x1B1A0];
	v29 =	vmax.f32 v29, v22  }
0x1f4: {  	v7 =	vadd.f32 v7, v28;
	v5 =	vmax.f32 v24, v5;
	v32 =	vld [tilespmem:s1+$0x1B140];
	v20 =	vadd.f32 v17, v20  }
0x1f5: {  	v3 =	vadd.f32 v3, v6;
	v33 =	vld [tilespmem:s1+$0x1B1F0];
	v6 =	vadd.f32 v26, v27;
	v5 =	vmax.f32 v5, v26  }
0x1f6: {  	v13 =	vmax.f32 v16, v1;
	v7 =	vadd.f32 v21, v7;
	v1 =	vld [tilespmem:s1+$0x1B120];
	v24 =	vmax.f32 v5, v25  }
0x1f7: {  	v3 =	vadd.f32 v15, v3;
	v5 =	vmax.f32 v18, v15;
	v16 =	vld [tilespmem:s1+$0x1B0C0];
	v15 =	vadd.f32 v25, v6  }
0x1f8: {  	v21 =	vmax.f32 v13, v0;
	v25 =	vadd.f32 v22, v7;
	v22 =	vmax.f32 v5, v30;
	v18 =	vld [tilespmem:s1+$0x1B0F0]  }
0x1f9: {  	v4 =	vmax.f32 v14, v4;
	v14 =	vadd.f32 v0, v19;
	v10 =	vmax.f32 v10, v17;
	v0 =	vmovc v31;
	v26 =	vld [tilespmem:s1+$0x1B0A0]  }
0x1fa: {  	v17 =	vmax.f32 v4, v2;
	v6 =	vadd.f32 v30, v3;
	v13 =	vld [tilespmem:s1+$0x1B0E0]  }
0x1fb: {  	v28 =	vld [tilespmem:s1+$0x1B0D0]  }
0x1fc: {  	v3 =	vld [tilespmem:s1+$0x1B0B0]  }
0x1fd: {  	v2 =	vld [tilespmem:s1+$0x1B060]  }
0x1fe: {  	v7 =	vld [tilespmem:s1+$0x1B080]  }
0x1ff: {  	v19 =	vld [tilespmem:s1+$0x1B160]  }
0x200: {  	v5 =	vld [tilespmem:s1+$0x1B090]  }
0x201: {  	v4 =	vld [tilespmem:s1+$0x1B070]  }
0x202: {  	v12 =	vadd.f32 v2, v12;
	v11 =	vmax.f32 v11, v2;
	v2 =	vld [tilespmem:s1+$0x1B1D0]  }
0x203: {  	v27 =	vld [tilespmem:s1+$0x1B040];
	v11 =	vmax.f32 v11, v13  }
0x204: {  	v30 =	vld [tilespmem:s1+$0x1B050];
	v12 =	vadd.f32 v13, v12;
	v11 =	vmax.f32 v11, v19  }
0x205: {  	v31 =	vld [tilespmem:s1+$0x1B020]  }
0x206: {  	v13 =	vld [tilespmem:s1+$0x1B030];
	v9 =	vadd.f32 v4, v9;
	v4 =	vmax.f32 v8, v4  }
0x207: {  	v8 =	vmax.f32 v4, v18;
	v4 =	vld [tilespmem:s1+$0x1B150]  }
0x208: {  	v12 =	vadd.f32 v19, v12;
	v34 =	vld [tilespmem:s1+$0x1B010];
	v10 =	vmax.f32 v10, v27;
	v9 =	vadd.f32 v18, v9  }
0x209: {  	v19 =	vadd.f32 v27, v20;
	v35 =	vld [tilespmem:s1+$0x1B000];
	v20 =	vadd.f32 v30, v23;
	v17 =	vmax.f32 v17, v30  }
0x20a: {  	v10 =	vmax.f32 v10, v16;
	v14 =	vadd.f32 v31, v14;
	v21 =	vmax.f32 v21, v31;
	v30 =	vld [tilespmem:s1+$0x1B170]  }
0x20b: {  	v19 =	vadd.f32 v16, v19;
	v18 =	vmax.f32 v22, v13;
	v22 =	vadd.f32 v28, v20;
	v31 =	vld [tilespmem:s1+$0x1B1E0]  }
0x20c: {  	v10 =	vmax.f32 v10, v32;
	v16 =	vmax.f32 v21, v26;
	v14 =	vadd.f32 v26, v14;
	v21 =	vld [tilespmem:s1+$0x1B100]  }
.Ltmp5:
0x20d: {  	v20 =	vadd.f32 v32, v19;
	v27 =	vadd.f32 v34, v15;
	v24 =	vmax.f32 v24, v34;
	v15 =	vld [tilespmem:s1+$0x1B130];
	(pc) =	sbr.rel @p1 .LBB2_13-.Ltmp5, $4  }
0x20e: {  	v23 =	vadd.f32 v4, v22;
	v29 =	vmax.f32 v29, v35;
	v19 =	vadd.f32 v1, v14;
	v22 =	vld [tilespmem:s1+$0x1B180]  }
0x20f: {  	v14 =	vmax.f32 v17, v28;
	v9 =	vadd.f32 v30, v9;
	v8 =	vmax.f32 v8, v30;
	v17 =	vld [tilespmem:s1+$0x1B1C0]  }
0x210: {  	v28 =	vadd.f32 v35, v25;
	v26 =	vld [tilespmem:s1+$0x1B110];
	v12 =	vadd.f32 v31, v12;
	v11 =	vmax.f32 v11, v31  }
0x211: {  	v29 =	vmax.f32 v29, v7;
	v8 =	vmax.f32 v8, v33;
	v25 =	vld [tilespmem:s1+$0x1B190];
	v9 =	vadd.f32 v33, v9  }
0x212: {  	_ = 	snop  }
0x213: {  	v7 =	vadd.f32 v7, v28;
	v27 =	vadd.f32 v5, v27;
	v1 =	vmax.f32 v16, v1  }
0x214: {  	v6 =	vadd.f32 v13, v6;
	v19 =	vadd.f32 v0, v19;
	v0 =	vmax.f32 v1, v0  }
0x215: {  	v7 =	vadd.f32 v21, v7;
	v13 =	vadd.f32 v26, v27;
	v27 =	vld [tilespmem:s1+$0x1B1B0];
	[tilespmem:$0x1E6A0] =	vst v0  }
0x216: {  	v5 =	vmax.f32 v24, v5;
	v21 =	vmax.f32 v29, v21;
	v0 =	vadd.f32 v2, v23;
	[tilespmem:$0x1E6E0] =	vst v11  }
0x217: {  	v21 =	vmax.f32 v21, v22;
	v5 =	vmax.f32 v5, v26;
	[tilespmem:$0x1E6F0] =	vst v8;
	v7 =	vadd.f32 v22, v7  }
0x218: {  	v6 =	vadd.f32 v3, v6;
	[tilespmem:$0x1E680] =	vst v21;
	v5 =	vmax.f32 v5, v25;
	v0 =	vmul.f32 $3.125000000e-02, v0  }
0x219: {  	v3 =	vmax.f32 v18, v3;
	[tilespmem:$0x1E690] =	vst v5;
	v7 =	vmul.f32 $3.125000000e-02, v7  }
0x21a: {  	v3 =	vmax.f32 v3, v15;
	v6 =	vadd.f32 v15, v6;
	v13 =	vadd.f32 v25, v13;
	[tilespmem:$0x1E4D0] =	vst v0  }
0x21b: {  	v0 =	vmul.f32 $3.125000000e-02, v12;
	[tilespmem:$0x1E480] =	vst v7;
	v3 =	vmax.f32 v3, v27  }
0x21c: {  	v7 =	vmul.f32 $3.125000000e-02, v13;
	v6 =	vadd.f32 v27, v6;
	[tilespmem:$0x1E6B0] =	vst v3  }
0x21d: {  	[tilespmem:$0x1E4E0] =	vst v0  }
0x21e: {  	v5 =	vadd.f32 v17, v20;
	v3 =	vmax.f32 v10, v17;
	[tilespmem:$0x1E490] =	vst v7;
	v1 =	vmul.f32 $3.125000000e-02, v6  }
0x21f: {  	v0 =	vmul.f32 $3.125000000e-02, v9;
	[tilespmem:$0x1E6C0] =	vst v3  }
0x220: {  	[tilespmem:$0x1E4B0] =	vst v1;
	v1 =	vmul.f32 $3.125000000e-02, v5  }
0x221: {  	v7 =	vmul.f32 $3.125000000e-02, v19;
	[tilespmem:$0x1E4F0] =	vst v0  }
0x222: {  	[tilespmem:$0x1E4C0] =	vst v1;
	v1 =	vmax.f32 v14, v4  }
0x223: {  	[tilespmem:$0x1E4A0] =	vst v7;
	v1 =	vmax.f32 v1, v2  }
0x224: {  	s1 =	simm.s32 $0x0;
	[tilespmem:$0x1E6D0] =	vst v1  }
0x225: {  	v0 =	vld [tilespmem:s1+$0x1C1A0]  }
0x226: {  	v8 =	vld [tilespmem:s1+$0x1C140]  }
0x227: {  	v30 =	vld [tilespmem:s1+$0x1C1F0]  }
0x228: {  	v1 =	vld [tilespmem:s1+$0x1C120]  }
0x229: {  	v9 =	vld [tilespmem:s1+$0x1C0C0]  }
0x22a: {  	v10 =	vld [tilespmem:s1+$0x1C0F0]  }
0x22b: {  	v11 =	vld [tilespmem:s1+$0x1C0A0]  }
0x22c: {  	v4 =	vld [tilespmem:s1+$0x1C0E0]  }
0x22d: {  	v12 =	vld [tilespmem:s1+$0x1C0D0]  }
0x22e: {  	v3 =	vld [tilespmem:s1+$0x1C0B0]  }
0x22f: {  	v13 =	vld [tilespmem:s1+$0x1C060]  }
0x230: {  	v7 =	vld [tilespmem:s1+$0x1C080]  }
0x231: {  	v14 =	vld [tilespmem:s1+$0x1C160]  }
0x232: {  	v15 =	vld [tilespmem:s1+$0x1C070]  }
0x233: {  	v19 =	vld [tilespmem:s1+$0x1C050]  }
0x234: {  	v5 =	vld [tilespmem:s1+$0x1C090]  }
0x235: {  	v16 =	vld [tilespmem:s1+$0x1C040]  }
0x236: {  	v17 =	vimm.f32 $-Inf;
	v6 =	vimm.f32 $0.0e+00;
	v21 =	vld [tilespmem:s1+$0x1C020]  }
0x237: {  	v33 =	vld [tilespmem:s1+$0x1C170];
	v18 =	vadd.f32 v13, v6;
	v13 =	vmax.f32 v17, v13  }
0x238: {  	v34 =	vld [tilespmem:s1+$0x1C1E0];
	v22 =	vadd.f32 v15, v6;
	v32 =	vmax.f32 v17, v19;
	v20 =	vmax.f32 v13, v4  }
0x239: {  	v13 =	vld [tilespmem:s1+$0x1C030];
	v18 =	vadd.f32 v4, v18;
	v4 =	vmax.f32 v17, v15;
	v25 =	vmax.f32 v20, v14  }
0x23a: {  	v15 =	vld [tilespmem:s1+$0x1C010];
	v20 =	vmax.f32 v17, v16;
	v28 =	vadd.f32 v10, v22;
	v26 =	vmax.f32 v4, v10  }
0x23b: {  	v2 =	vld [tilespmem:s1+$0x1C1D0];
	v10 =	vadd.f32 v16, v6;
	v16 =	vadd.f32 v21, v6;
	v20 =	vmax.f32 v20, v9  }
0x23c: {  	v31 =	vld [tilespmem:s1+$0x1C000];
	v29 =	vadd.f32 v14, v18;
	v14 =	vadd.f32 v19, v6;
	v19 =	vmax.f32 v17, v21  }
0x23d: {  	v4 =	vld [tilespmem:s1+$0x1C150];
	v63 =	vmax.f32 v26, v33;
	v9 =	vadd.f32 v9, v10;
	v22 =	vadd.f32 v11, v16  }
0x23e: {  	v21 =	vld [tilespmem:s1+$0x1C100];
	v16 =	vmax.f32 v19, v11;
	v10 =	vmax.f32 v20, v8;
	v11 =	vmax.f32 v25, v34  }
0x23f: {  	v26 =	vld [tilespmem:s1+$0x1C110];
	v18 =	vmax.f32 v17, v13;
	v14 =	vadd.f32 v12, v14;
	v27 =	vadd.f32 v15, v6  }
0x240: {  	v24 =	vmax.f32 v17, v15;
	v20 =	vadd.f32 v8, v9;
	v19 =	vadd.f32 v1, v22;
	v22 =	vld [tilespmem:s1+$0x1C180]  }
0x241: {  	v8 =	vmax.f32 v17, v31;
	v9 =	vadd.f32 v33, v28;
	v17 =	vld [tilespmem:s1+$0x1C1C0];
	v28 =	vadd.f32 v31, v6  }
0x242: {  	v25 =	vld [tilespmem:s1+$0x1C190];
	v23 =	vadd.f32 v4, v14;
	v14 =	vmax.f32 v32, v12;
	v12 =	vadd.f32 v34, v29  }
0x243: {  	s0 =	simm.s32 $0x800;
	v15 =	vld [tilespmem:s1+$0x1C130];
	v29 =	vmax.f32 v8, v7;
	v8 =	vmax.f32 v63, v30;
	v9 =	vadd.f32 v30, v9  }
.LBB2_15:
0x244: {  	p1 =	sne.s32 s0, $0x3800;
	v27 =	vadd.f32 v5, v27;
	v18 =	vmax.f32 v18, v3;
	v29 =	vmax.f32 v29, v21;
	v30 =	vld [tilespmem:s1+$0x1C1B0];
	s1 =	sshra.s32 s0, $0x2;
	s0 =	sadd.s32 $0x800, s0  }
0x245: {  	v6 =	vadd.f32 v13, v6;
	v23 =	vadd.f32 v2, v23;
	v31 =	vld [tilespmem:s1+$0x1C1A0];
	v29 =	vmax.f32 v29, v22  }
0x246: {  	v7 =	vadd.f32 v7, v28;
	v5 =	vmax.f32 v24, v5;
	v32 =	vld [tilespmem:s1+$0x1C140];
	v20 =	vadd.f32 v17, v20  }
0x247: {  	v3 =	vadd.f32 v3, v6;
	v33 =	vld [tilespmem:s1+$0x1C1F0];
	v6 =	vadd.f32 v26, v27;
	v5 =	vmax.f32 v5, v26  }
0x248: {  	v13 =	vmax.f32 v16, v1;
	v7 =	vadd.f32 v21, v7;
	v1 =	vld [tilespmem:s1+$0x1C120];
	v24 =	vmax.f32 v5, v25  }
0x249: {  	v3 =	vadd.f32 v15, v3;
	v5 =	vmax.f32 v18, v15;
	v16 =	vld [tilespmem:s1+$0x1C0C0];
	v15 =	vadd.f32 v25, v6  }
0x24a: {  	v21 =	vmax.f32 v13, v0;
	v25 =	vadd.f32 v22, v7;
	v22 =	vmax.f32 v5, v30;
	v18 =	vld [tilespmem:s1+$0x1C0F0]  }
0x24b: {  	v4 =	vmax.f32 v14, v4;
	v14 =	vadd.f32 v0, v19;
	v10 =	vmax.f32 v10, v17;
	v0 =	vmovc v31;
	v26 =	vld [tilespmem:s1+$0x1C0A0]  }
0x24c: {  	v17 =	vmax.f32 v4, v2;
	v6 =	vadd.f32 v30, v3;
	v13 =	vld [tilespmem:s1+$0x1C0E0]  }
0x24d: {  	v28 =	vld [tilespmem:s1+$0x1C0D0]  }
0x24e: {  	v3 =	vld [tilespmem:s1+$0x1C0B0]  }
0x24f: {  	v2 =	vld [tilespmem:s1+$0x1C060]  }
0x250: {  	v7 =	vld [tilespmem:s1+$0x1C080]  }
0x251: {  	v19 =	vld [tilespmem:s1+$0x1C160]  }
0x252: {  	v5 =	vld [tilespmem:s1+$0x1C090]  }
0x253: {  	v4 =	vld [tilespmem:s1+$0x1C070]  }
0x254: {  	v12 =	vadd.f32 v2, v12;
	v11 =	vmax.f32 v11, v2;
	v2 =	vld [tilespmem:s1+$0x1C1D0]  }
0x255: {  	v27 =	vld [tilespmem:s1+$0x1C040];
	v11 =	vmax.f32 v11, v13  }
0x256: {  	v30 =	vld [tilespmem:s1+$0x1C050];
	v12 =	vadd.f32 v13, v12;
	v11 =	vmax.f32 v11, v19  }
0x257: {  	v31 =	vld [tilespmem:s1+$0x1C020]  }
0x258: {  	v13 =	vld [tilespmem:s1+$0x1C030];
	v9 =	vadd.f32 v4, v9;
	v4 =	vmax.f32 v8, v4  }
0x259: {  	v8 =	vmax.f32 v4, v18;
	v4 =	vld [tilespmem:s1+$0x1C150]  }
0x25a: {  	v12 =	vadd.f32 v19, v12;
	v34 =	vld [tilespmem:s1+$0x1C010];
	v10 =	vmax.f32 v10, v27;
	v9 =	vadd.f32 v18, v9  }
0x25b: {  	v19 =	vadd.f32 v27, v20;
	v35 =	vld [tilespmem:s1+$0x1C000];
	v20 =	vadd.f32 v30, v23;
	v17 =	vmax.f32 v17, v30  }
0x25c: {  	v10 =	vmax.f32 v10, v16;
	v14 =	vadd.f32 v31, v14;
	v21 =	vmax.f32 v21, v31;
	v30 =	vld [tilespmem:s1+$0x1C170]  }
0x25d: {  	v19 =	vadd.f32 v16, v19;
	v18 =	vmax.f32 v22, v13;
	v22 =	vadd.f32 v28, v20;
	v31 =	vld [tilespmem:s1+$0x1C1E0]  }
0x25e: {  	v10 =	vmax.f32 v10, v32;
	v16 =	vmax.f32 v21, v26;
	v14 =	vadd.f32 v26, v14;
	v21 =	vld [tilespmem:s1+$0x1C100]  }
.Ltmp6:
0x25f: {  	v20 =	vadd.f32 v32, v19;
	v27 =	vadd.f32 v34, v15;
	v24 =	vmax.f32 v24, v34;
	v15 =	vld [tilespmem:s1+$0x1C130];
	(pc) =	sbr.rel @p1 .LBB2_15-.Ltmp6, $4  }
0x260: {  	v23 =	vadd.f32 v4, v22;
	v29 =	vmax.f32 v29, v35;
	v19 =	vadd.f32 v1, v14;
	v22 =	vld [tilespmem:s1+$0x1C180]  }
0x261: {  	v14 =	vmax.f32 v17, v28;
	v9 =	vadd.f32 v30, v9;
	v8 =	vmax.f32 v8, v30;
	v17 =	vld [tilespmem:s1+$0x1C1C0]  }
0x262: {  	v28 =	vadd.f32 v35, v25;
	v26 =	vld [tilespmem:s1+$0x1C110];
	v12 =	vadd.f32 v31, v12;
	v11 =	vmax.f32 v11, v31  }
0x263: {  	v29 =	vmax.f32 v29, v7;
	v8 =	vmax.f32 v8, v33;
	v25 =	vld [tilespmem:s1+$0x1C190];
	v9 =	vadd.f32 v33, v9  }
0x264: {  	_ = 	snop  }
0x265: {  	v7 =	vadd.f32 v7, v28;
	v27 =	vadd.f32 v5, v27;
	v1 =	vmax.f32 v16, v1  }
0x266: {  	v6 =	vadd.f32 v13, v6;
	v19 =	vadd.f32 v0, v19;
	v0 =	vmax.f32 v1, v0  }
0x267: {  	v7 =	vadd.f32 v21, v7;
	v13 =	vadd.f32 v26, v27;
	v27 =	vld [tilespmem:s1+$0x1C1B0];
	[tilespmem:$0x1E720] =	vst v0  }
0x268: {  	v5 =	vmax.f32 v24, v5;
	v21 =	vmax.f32 v29, v21;
	v0 =	vadd.f32 v2, v23;
	[tilespmem:$0x1E760] =	vst v11  }
0x269: {  	v21 =	vmax.f32 v21, v22;
	v5 =	vmax.f32 v5, v26;
	[tilespmem:$0x1E770] =	vst v8;
	v7 =	vadd.f32 v22, v7  }
0x26a: {  	v6 =	vadd.f32 v3, v6;
	[tilespmem:$0x1E700] =	vst v21;
	v5 =	vmax.f32 v5, v25;
	v0 =	vmul.f32 $3.125000000e-02, v0  }
0x26b: {  	v3 =	vmax.f32 v18, v3;
	[tilespmem:$0x1E710] =	vst v5;
	v7 =	vmul.f32 $3.125000000e-02, v7  }
0x26c: {  	v3 =	vmax.f32 v3, v15;
	v6 =	vadd.f32 v15, v6;
	v13 =	vadd.f32 v25, v13;
	[tilespmem:$0x1E550] =	vst v0  }
0x26d: {  	v0 =	vmul.f32 $3.125000000e-02, v12;
	[tilespmem:$0x1E500] =	vst v7;
	v3 =	vmax.f32 v3, v27  }
0x26e: {  	v7 =	vmul.f32 $3.125000000e-02, v13;
	v6 =	vadd.f32 v27, v6;
	[tilespmem:$0x1E730] =	vst v3  }
0x26f: {  	[tilespmem:$0x1E560] =	vst v0  }
0x270: {  	v5 =	vadd.f32 v17, v20;
	v3 =	vmax.f32 v10, v17;
	[tilespmem:$0x1E510] =	vst v7;
	v1 =	vmul.f32 $3.125000000e-02, v6  }
0x271: {  	v0 =	vmul.f32 $3.125000000e-02, v9;
	[tilespmem:$0x1E740] =	vst v3  }
0x272: {  	[tilespmem:$0x1E530] =	vst v1;
	v1 =	vmul.f32 $3.125000000e-02, v5  }
0x273: {  	v7 =	vmul.f32 $3.125000000e-02, v19;
	[tilespmem:$0x1E570] =	vst v0  }
0x274: {  	[tilespmem:$0x1E540] =	vst v1;
	v1 =	vmax.f32 v14, v4  }
0x275: {  	[tilespmem:$0x1E520] =	vst v7;
	v1 =	vmax.f32 v1, v2  }
0x276: {  	s1 =	simm.s32 $0x0;
	[tilespmem:$0x1E750] =	vst v1  }
0x277: {  	v0 =	vld [tilespmem:s1+$0x1D1A0]  }
0x278: {  	v8 =	vld [tilespmem:s1+$0x1D140]  }
0x279: {  	v30 =	vld [tilespmem:s1+$0x1D1F0]  }
0x27a: {  	v1 =	vld [tilespmem:s1+$0x1D120]  }
0x27b: {  	v9 =	vld [tilespmem:s1+$0x1D0C0]  }
0x27c: {  	v10 =	vld [tilespmem:s1+$0x1D0F0]  }
0x27d: {  	v11 =	vld [tilespmem:s1+$0x1D0A0]  }
0x27e: {  	v4 =	vld [tilespmem:s1+$0x1D0E0]  }
0x27f: {  	v12 =	vld [tilespmem:s1+$0x1D0D0]  }
0x280: {  	v3 =	vld [tilespmem:s1+$0x1D0B0]  }
0x281: {  	v13 =	vld [tilespmem:s1+$0x1D060]  }
0x282: {  	v7 =	vld [tilespmem:s1+$0x1D080]  }
0x283: {  	v14 =	vld [tilespmem:s1+$0x1D160]  }
0x284: {  	v15 =	vld [tilespmem:s1+$0x1D070]  }
0x285: {  	v19 =	vld [tilespmem:s1+$0x1D050]  }
0x286: {  	v5 =	vld [tilespmem:s1+$0x1D090]  }
0x287: {  	v16 =	vld [tilespmem:s1+$0x1D040]  }
0x288: {  	v17 =	vimm.f32 $-Inf;
	v6 =	vimm.f32 $0.0e+00;
	v21 =	vld [tilespmem:s1+$0x1D020]  }
0x289: {  	v33 =	vld [tilespmem:s1+$0x1D170];
	v18 =	vadd.f32 v13, v6;
	v13 =	vmax.f32 v17, v13  }
0x28a: {  	v34 =	vld [tilespmem:s1+$0x1D1E0];
	v22 =	vadd.f32 v15, v6;
	v32 =	vmax.f32 v17, v19;
	v20 =	vmax.f32 v13, v4  }
0x28b: {  	v13 =	vld [tilespmem:s1+$0x1D030];
	v18 =	vadd.f32 v4, v18;
	v4 =	vmax.f32 v17, v15;
	v25 =	vmax.f32 v20, v14  }
0x28c: {  	v15 =	vld [tilespmem:s1+$0x1D010];
	v20 =	vmax.f32 v17, v16;
	v28 =	vadd.f32 v10, v22;
	v26 =	vmax.f32 v4, v10  }
0x28d: {  	v2 =	vld [tilespmem:s1+$0x1D1D0];
	v10 =	vadd.f32 v16, v6;
	v16 =	vadd.f32 v21, v6;
	v20 =	vmax.f32 v20, v9  }
0x28e: {  	v31 =	vld [tilespmem:s1+$0x1D000];
	v29 =	vadd.f32 v14, v18;
	v14 =	vadd.f32 v19, v6;
	v19 =	vmax.f32 v17, v21  }
0x28f: {  	v4 =	vld [tilespmem:s1+$0x1D150];
	v63 =	vmax.f32 v26, v33;
	v9 =	vadd.f32 v9, v10;
	v22 =	vadd.f32 v11, v16  }
0x290: {  	v21 =	vld [tilespmem:s1+$0x1D100];
	v16 =	vmax.f32 v19, v11;
	v10 =	vmax.f32 v20, v8;
	v11 =	vmax.f32 v25, v34  }
0x291: {  	v26 =	vld [tilespmem:s1+$0x1D110];
	v18 =	vmax.f32 v17, v13;
	v14 =	vadd.f32 v12, v14;
	v27 =	vadd.f32 v15, v6  }
0x292: {  	v24 =	vmax.f32 v17, v15;
	v20 =	vadd.f32 v8, v9;
	v19 =	vadd.f32 v1, v22;
	v22 =	vld [tilespmem:s1+$0x1D180]  }
0x293: {  	v8 =	vmax.f32 v17, v31;
	v9 =	vadd.f32 v33, v28;
	v17 =	vld [tilespmem:s1+$0x1D1C0];
	v28 =	vadd.f32 v31, v6  }
0x294: {  	v25 =	vld [tilespmem:s1+$0x1D190];
	v23 =	vadd.f32 v4, v14;
	v14 =	vmax.f32 v32, v12;
	v12 =	vadd.f32 v34, v29  }
0x295: {  	s0 =	simm.s32 $0x800;
	v15 =	vld [tilespmem:s1+$0x1D130];
	v29 =	vmax.f32 v8, v7;
	v8 =	vmax.f32 v63, v30;
	v9 =	vadd.f32 v30, v9  }
.LBB2_17:
0x296: {  	p1 =	sne.s32 s0, $0x3800;
	v27 =	vadd.f32 v5, v27;
	v18 =	vmax.f32 v18, v3;
	v29 =	vmax.f32 v29, v21;
	v30 =	vld [tilespmem:s1+$0x1D1B0];
	s1 =	sshra.s32 s0, $0x2;
	s0 =	sadd.s32 $0x800, s0  }
0x297: {  	v6 =	vadd.f32 v13, v6;
	v23 =	vadd.f32 v2, v23;
	v31 =	vld [tilespmem:s1+$0x1D1A0];
	v29 =	vmax.f32 v29, v22  }
0x298: {  	v7 =	vadd.f32 v7, v28;
	v5 =	vmax.f32 v24, v5;
	v32 =	vld [tilespmem:s1+$0x1D140];
	v20 =	vadd.f32 v17, v20  }
0x299: {  	v3 =	vadd.f32 v3, v6;
	v33 =	vld [tilespmem:s1+$0x1D1F0];
	v6 =	vadd.f32 v26, v27;
	v5 =	vmax.f32 v5, v26  }
0x29a: {  	v13 =	vmax.f32 v16, v1;
	v7 =	vadd.f32 v21, v7;
	v1 =	vld [tilespmem:s1+$0x1D120];
	v24 =	vmax.f32 v5, v25  }
0x29b: {  	v3 =	vadd.f32 v15, v3;
	v5 =	vmax.f32 v18, v15;
	v16 =	vld [tilespmem:s1+$0x1D0C0];
	v15 =	vadd.f32 v25, v6  }
0x29c: {  	v21 =	vmax.f32 v13, v0;
	v25 =	vadd.f32 v22, v7;
	v22 =	vmax.f32 v5, v30;
	v18 =	vld [tilespmem:s1+$0x1D0F0]  }
0x29d: {  	v4 =	vmax.f32 v14, v4;
	v14 =	vadd.f32 v0, v19;
	v10 =	vmax.f32 v10, v17;
	v0 =	vmovc v31;
	v26 =	vld [tilespmem:s1+$0x1D0A0]  }
0x29e: {  	v17 =	vmax.f32 v4, v2;
	v6 =	vadd.f32 v30, v3;
	v13 =	vld [tilespmem:s1+$0x1D0E0]  }
0x29f: {  	v28 =	vld [tilespmem:s1+$0x1D0D0]  }
0x2a0: {  	v3 =	vld [tilespmem:s1+$0x1D0B0]  }
0x2a1: {  	v2 =	vld [tilespmem:s1+$0x1D060]  }
0x2a2: {  	v7 =	vld [tilespmem:s1+$0x1D080]  }
0x2a3: {  	v19 =	vld [tilespmem:s1+$0x1D160]  }
0x2a4: {  	v5 =	vld [tilespmem:s1+$0x1D090]  }
0x2a5: {  	v4 =	vld [tilespmem:s1+$0x1D070]  }
0x2a6: {  	v12 =	vadd.f32 v2, v12;
	v11 =	vmax.f32 v11, v2;
	v2 =	vld [tilespmem:s1+$0x1D1D0]  }
0x2a7: {  	v27 =	vld [tilespmem:s1+$0x1D040];
	v11 =	vmax.f32 v11, v13  }
0x2a8: {  	v30 =	vld [tilespmem:s1+$0x1D050];
	v12 =	vadd.f32 v13, v12;
	v11 =	vmax.f32 v11, v19  }
0x2a9: {  	v31 =	vld [tilespmem:s1+$0x1D020]  }
0x2aa: {  	v13 =	vld [tilespmem:s1+$0x1D030];
	v9 =	vadd.f32 v4, v9;
	v4 =	vmax.f32 v8, v4  }
0x2ab: {  	v8 =	vmax.f32 v4, v18;
	v4 =	vld [tilespmem:s1+$0x1D150]  }
0x2ac: {  	v12 =	vadd.f32 v19, v12;
	v34 =	vld [tilespmem:s1+$0x1D010];
	v10 =	vmax.f32 v10, v27;
	v9 =	vadd.f32 v18, v9  }
0x2ad: {  	v19 =	vadd.f32 v27, v20;
	v35 =	vld [tilespmem:s1+$0x1D000];
	v20 =	vadd.f32 v30, v23;
	v17 =	vmax.f32 v17, v30  }
0x2ae: {  	v10 =	vmax.f32 v10, v16;
	v14 =	vadd.f32 v31, v14;
	v21 =	vmax.f32 v21, v31;
	v30 =	vld [tilespmem:s1+$0x1D170]  }
0x2af: {  	v19 =	vadd.f32 v16, v19;
	v18 =	vmax.f32 v22, v13;
	v22 =	vadd.f32 v28, v20;
	v31 =	vld [tilespmem:s1+$0x1D1E0]  }
0x2b0: {  	v10 =	vmax.f32 v10, v32;
	v16 =	vmax.f32 v21, v26;
	v14 =	vadd.f32 v26, v14;
	v21 =	vld [tilespmem:s1+$0x1D100]  }
.Ltmp7:
0x2b1: {  	v20 =	vadd.f32 v32, v19;
	v27 =	vadd.f32 v34, v15;
	v24 =	vmax.f32 v24, v34;
	v15 =	vld [tilespmem:s1+$0x1D130];
	(pc) =	sbr.rel @p1 .LBB2_17-.Ltmp7, $4  }
0x2b2: {  	v23 =	vadd.f32 v4, v22;
	v29 =	vmax.f32 v29, v35;
	v19 =	vadd.f32 v1, v14;
	v22 =	vld [tilespmem:s1+$0x1D180]  }
0x2b3: {  	v14 =	vmax.f32 v17, v28;
	v9 =	vadd.f32 v30, v9;
	v8 =	vmax.f32 v8, v30;
	v17 =	vld [tilespmem:s1+$0x1D1C0]  }
0x2b4: {  	v28 =	vadd.f32 v35, v25;
	v26 =	vld [tilespmem:s1+$0x1D110];
	v12 =	vadd.f32 v31, v12;
	v11 =	vmax.f32 v11, v31  }
0x2b5: {  	v29 =	vmax.f32 v29, v7;
	v8 =	vmax.f32 v8, v33;
	v25 =	vld [tilespmem:s1+$0x1D190];
	v9 =	vadd.f32 v33, v9  }
0x2b6: {  	v50 =	vld [tilespmem:s1+$0x1D1B0];
	v1 =	vmax.f32 v16, v1;
	[tilespmem:$0x1E7E0] =	vst v11  }
0x2b7: {  	v61 =	vmax.f32 v14, v4;
	[tilespmem:$0x1E7F0] =	vst v8;
	v56 =	vmax.f32 v1, v0  }
0x2b8: {  	v7 =	vadd.f32 v7, v28;
	v62 =	vmul.f32 $3.125000000e-02, v12;
	v1 =	vmax.f32 v61, v2;
	[tilespmem:$0x1E7A0] =	vst v56  }
0x2b9: {  	v27 =	vadd.f32 v5, v27;
	v6 =	vadd.f32 v13, v6;
	v49 =	vmax.f32 v29, v21;
	[tilespmem:$0x1E7D0] =	vst v1  }
0x2ba: {  	v19 =	vadd.f32 v0, v19;
	v7 =	vadd.f32 v21, v7;
	v21 =	vmax.f32 v49, v22;
	[tilespmem:$0x1E5E0] =	vst v62  }
0x2bb: {  	v58 =	vadd.f32 v2, v23;
	v63 =	vmul.f32 $3.125000000e-02, v9;
	v60 =	vmax.f32 v10, v17;
	[tilespmem:$0x1E780] =	vst v21  }
0x2bc: {  	v51 =	vmax.f32 v24, v5;
	v54 =	vmax.f32 v18, v3;
	v53 =	vmul.f32 $3.125000000e-02, v19;
	[tilespmem:$0x1E7C0] =	vst v60  }
0x2bd: {  	v6 =	vadd.f32 v3, v6;
	v55 =	vadd.f32 v17, v20;
	v0 =	vmul.f32 $3.125000000e-02, v58;
	[tilespmem:$0x1E5F0] =	vst v63  }
0x2be: {  	v3 =	vmax.f32 v54, v15;
	v48 =	vadd.f32 v26, v27;
	v5 =	vmax.f32 v51, v26;
	[tilespmem:$0x1E5A0] =	vst v53  }
0x2bf: {  	v7 =	vadd.f32 v22, v7;
	v6 =	vadd.f32 v15, v6;
	v5 =	vmax.f32 v5, v25;
	[tilespmem:$0x1E5D0] =	vst v0  }
0x2c0: {  	s29 =	sadd.s32 $0x1, s29;
	v59 =	vmul.f32 $3.125000000e-02, v55;
	v13 =	vadd.f32 v25, v48;
	[tilespmem:$0x1E790] =	vst v5;
	v3 =	vmax.f32 v3, v50  }
0x2c1: {  	s0 =	sadd.s32 s5, s30;
	p1 =	sne.s32 s29, $0x27;
	v7 =	vmul.f32 $3.125000000e-02, v7;
	v6 =	vadd.f32 v50, v6;
	[tilespmem:$0x1E7B0] =	vst v3  }
.Ltmp8:
0x2c2: {  	s31 =	sshll.u32 s0, $0x6;
	[tilespmem:$0x1E5C0] =	vst v59;
	v52 =	vmul.f32 $3.125000000e-02, v13;
	(pc) =	sbr.rel @p1 .LBB2_2-.Ltmp8, $4  }
0x2c3: {  	s0 =	sshll.u32 s0, $0x7;
	s1 =	sand.u32 $0x40, s31;
	[tilespmem:$0x1E580] =	vst v7;
	v57 =	vmul.f32 $3.125000000e-02, v6  }
0x2c4: {  	s0 =	sand.u32 $0xFFF00, s0;
	s1 =	sadd.s32 s2, s1;
	[tilespmem:$0x1E590] =	vst v52  }
0x2c5: {  	s0 =	sadd.s32 s0, s1;
	[tilespmem:$0x1E5B0] =	vst v57  }
0x2c6: {  	[hbm4b:s0+s21] =	stream.strided.scatter [tilespmem:s24], [sflag:$0x4], $0x400, s22, s21, $0x38;
	[tilespmem:$0x1E800] =	vst v63  }
0x2c7: {  	_ =	swait.ge [sflag:s20], $0x4000  }
0x2c8: {  	[sflag:s20] =	ssyncset.done $0x0  }
0x2c9: {  	[sflag:s20] =	ssyncadd.s32 $0xFFFFC000  }
0x2ca: {  	_ =	swait.ge [sflag:s25], $0x400  }
0x2cb: {  	[sflag:s25] =	ssyncset.done $0x0  }
0x2cc: {  	s1 =	simm.s32 $0x0;
	[sflag:s25] =	ssyncadd.s32 $0xFFFFFC00  }
0x2cd: {  	v0 =	vld [tilespmem:s1+$0x161A0]  }
0x2ce: {  	v8 =	vld [tilespmem:s1+$0x16140]  }
0x2cf: {  	v30 =	vld [tilespmem:s1+$0x161F0]  }
0x2d0: {  	v1 =	vld [tilespmem:s1+$0x16120]  }
0x2d1: {  	v9 =	vld [tilespmem:s1+$0x160C0]  }
0x2d2: {  	v10 =	vld [tilespmem:s1+$0x160F0]  }
0x2d3: {  	v11 =	vld [tilespmem:s1+$0x160A0]  }
0x2d4: {  	v4 =	vld [tilespmem:s1+$0x160E0]  }
0x2d5: {  	v12 =	vld [tilespmem:s1+$0x160D0]  }
0x2d6: {  	v3 =	vld [tilespmem:s1+$0x160B0]  }
0x2d7: {  	v13 =	vld [tilespmem:s1+$0x16060]  }
0x2d8: {  	v7 =	vld [tilespmem:s1+$0x16080]  }
0x2d9: {  	v14 =	vld [tilespmem:s1+$0x16160]  }
0x2da: {  	v15 =	vld [tilespmem:s1+$0x16070]  }
0x2db: {  	v19 =	vld [tilespmem:s1+$0x16050]  }
0x2dc: {  	v5 =	vld [tilespmem:s1+$0x16090]  }
0x2dd: {  	v16 =	vld [tilespmem:s1+$0x16040]  }
0x2de: {  	v6 =	vimm.f32 $0.0e+00;
	v17 =	vimm.f32 $-Inf;
	v21 =	vld [tilespmem:s1+$0x16020]  }
0x2df: {  	v33 =	vld [tilespmem:s1+$0x16170];
	v18 =	vadd.f32 v13, v6;
	v13 =	vmax.f32 v17, v13  }
0x2e0: {  	v34 =	vld [tilespmem:s1+$0x161E0];
	v22 =	vadd.f32 v15, v6;
	v32 =	vmax.f32 v17, v19;
	v20 =	vmax.f32 v13, v4  }
0x2e1: {  	v13 =	vld [tilespmem:s1+$0x16030];
	v18 =	vadd.f32 v4, v18;
	v4 =	vmax.f32 v17, v15;
	v25 =	vmax.f32 v20, v14  }
0x2e2: {  	v15 =	vld [tilespmem:s1+$0x16010];
	v20 =	vmax.f32 v17, v16;
	v28 =	vadd.f32 v10, v22;
	v26 =	vmax.f32 v4, v10  }
0x2e3: {  	v2 =	vld [tilespmem:s1+$0x161D0];
	v10 =	vadd.f32 v16, v6;
	v16 =	vadd.f32 v21, v6;
	v20 =	vmax.f32 v20, v9  }
0x2e4: {  	v31 =	vld [tilespmem:s1+$0x16000];
	v29 =	vadd.f32 v14, v18;
	v14 =	vadd.f32 v19, v6;
	v19 =	vmax.f32 v17, v21  }
0x2e5: {  	v4 =	vld [tilespmem:s1+$0x16150];
	v63 =	vmax.f32 v26, v33;
	v9 =	vadd.f32 v9, v10;
	v22 =	vadd.f32 v11, v16  }
0x2e6: {  	v21 =	vld [tilespmem:s1+$0x16100];
	v16 =	vmax.f32 v19, v11;
	v10 =	vmax.f32 v20, v8;
	v11 =	vmax.f32 v25, v34  }
0x2e7: {  	v26 =	vld [tilespmem:s1+$0x16110];
	v18 =	vmax.f32 v17, v13;
	v14 =	vadd.f32 v12, v14;
	v27 =	vadd.f32 v15, v6  }
0x2e8: {  	v24 =	vmax.f32 v17, v15;
	v20 =	vadd.f32 v8, v9;
	v19 =	vadd.f32 v1, v22;
	v22 =	vld [tilespmem:s1+$0x16180]  }
0x2e9: {  	v8 =	vmax.f32 v17, v31;
	v9 =	vadd.f32 v33, v28;
	v17 =	vld [tilespmem:s1+$0x161C0];
	v28 =	vadd.f32 v31, v6  }
0x2ea: {  	v25 =	vld [tilespmem:s1+$0x16190];
	v23 =	vadd.f32 v4, v14;
	v14 =	vmax.f32 v32, v12;
	v12 =	vadd.f32 v34, v29  }
0x2eb: {  	s0 =	simm.s32 $0x800;
	v15 =	vld [tilespmem:s1+$0x16130];
	v29 =	vmax.f32 v8, v7;
	v8 =	vmax.f32 v63, v30;
	v9 =	vadd.f32 v30, v9  }
.LBB2_20:
0x2ec: {  	p1 =	sne.s32 s0, $0x3800;
	v27 =	vadd.f32 v5, v27;
	v18 =	vmax.f32 v18, v3;
	v29 =	vmax.f32 v29, v21;
	v30 =	vld [tilespmem:s1+$0x161B0];
	s1 =	sshra.s32 s0, $0x2;
	s0 =	sadd.s32 $0x800, s0  }
0x2ed: {  	v6 =	vadd.f32 v13, v6;
	v23 =	vadd.f32 v2, v23;
	v31 =	vld [tilespmem:s1+$0x161A0];
	v29 =	vmax.f32 v29, v22  }
0x2ee: {  	v7 =	vadd.f32 v7, v28;
	v5 =	vmax.f32 v24, v5;
	v32 =	vld [tilespmem:s1+$0x16140];
	v20 =	vadd.f32 v17, v20  }
0x2ef: {  	v3 =	vadd.f32 v3, v6;
	v33 =	vld [tilespmem:s1+$0x161F0];
	v6 =	vadd.f32 v26, v27;
	v5 =	vmax.f32 v5, v26  }
0x2f0: {  	v13 =	vmax.f32 v16, v1;
	v7 =	vadd.f32 v21, v7;
	v1 =	vld [tilespmem:s1+$0x16120];
	v24 =	vmax.f32 v5, v25  }
0x2f1: {  	v3 =	vadd.f32 v15, v3;
	v5 =	vmax.f32 v18, v15;
	v16 =	vld [tilespmem:s1+$0x160C0];
	v15 =	vadd.f32 v25, v6  }
0x2f2: {  	v21 =	vmax.f32 v13, v0;
	v25 =	vadd.f32 v22, v7;
	v22 =	vmax.f32 v5, v30;
	v18 =	vld [tilespmem:s1+$0x160F0]  }
0x2f3: {  	v4 =	vmax.f32 v14, v4;
	v14 =	vadd.f32 v0, v19;
	v10 =	vmax.f32 v10, v17;
	v0 =	vmovc v31;
	v26 =	vld [tilespmem:s1+$0x160A0]  }
0x2f4: {  	v17 =	vmax.f32 v4, v2;
	v6 =	vadd.f32 v30, v3;
	v13 =	vld [tilespmem:s1+$0x160E0]  }
0x2f5: {  	v28 =	vld [tilespmem:s1+$0x160D0]  }
0x2f6: {  	v3 =	vld [tilespmem:s1+$0x160B0]  }
0x2f7: {  	v2 =	vld [tilespmem:s1+$0x16060]  }
0x2f8: {  	v7 =	vld [tilespmem:s1+$0x16080]  }
0x2f9: {  	v19 =	vld [tilespmem:s1+$0x16160]  }
0x2fa: {  	v5 =	vld [tilespmem:s1+$0x16090]  }
0x2fb: {  	v4 =	vld [tilespmem:s1+$0x16070]  }
0x2fc: {  	v12 =	vadd.f32 v2, v12;
	v11 =	vmax.f32 v11, v2;
	v2 =	vld [tilespmem:s1+$0x161D0]  }
0x2fd: {  	v27 =	vld [tilespmem:s1+$0x16040];
	v11 =	vmax.f32 v11, v13  }
0x2fe: {  	v30 =	vld [tilespmem:s1+$0x16050];
	v12 =	vadd.f32 v13, v12;
	v11 =	vmax.f32 v11, v19  }
0x2ff: {  	v31 =	vld [tilespmem:s1+$0x16020]  }
0x300: {  	v13 =	vld [tilespmem:s1+$0x16030];
	v9 =	vadd.f32 v4, v9;
	v4 =	vmax.f32 v8, v4  }
0x301: {  	v8 =	vmax.f32 v4, v18;
	v4 =	vld [tilespmem:s1+$0x16150]  }
0x302: {  	v12 =	vadd.f32 v19, v12;
	v34 =	vld [tilespmem:s1+$0x16010];
	v10 =	vmax.f32 v10, v27;
	v9 =	vadd.f32 v18, v9  }
0x303: {  	v19 =	vadd.f32 v27, v20;
	v35 =	vld [tilespmem:s1+$0x16000];
	v20 =	vadd.f32 v30, v23;
	v17 =	vmax.f32 v17, v30  }
0x304: {  	v10 =	vmax.f32 v10, v16;
	v14 =	vadd.f32 v31, v14;
	v21 =	vmax.f32 v21, v31;
	v30 =	vld [tilespmem:s1+$0x16170]  }
0x305: {  	v19 =	vadd.f32 v16, v19;
	v18 =	vmax.f32 v22, v13;
	v22 =	vadd.f32 v28, v20;
	v31 =	vld [tilespmem:s1+$0x161E0]  }
0x306: {  	v10 =	vmax.f32 v10, v32;
	v16 =	vmax.f32 v21, v26;
	v14 =	vadd.f32 v26, v14;
	v21 =	vld [tilespmem:s1+$0x16100]  }
.Ltmp9:
0x307: {  	v20 =	vadd.f32 v32, v19;
	v27 =	vadd.f32 v34, v15;
	v24 =	vmax.f32 v24, v34;
	v15 =	vld [tilespmem:s1+$0x16130];
	(pc) =	sbr.rel @p1 .LBB2_20-.Ltmp9, $4  }
0x308: {  	v23 =	vadd.f32 v4, v22;
	v29 =	vmax.f32 v29, v35;
	v19 =	vadd.f32 v1, v14;
	v22 =	vld [tilespmem:s1+$0x16180]  }
0x309: {  	v14 =	vmax.f32 v17, v28;
	v9 =	vadd.f32 v30, v9;
	v8 =	vmax.f32 v8, v30;
	v17 =	vld [tilespmem:s1+$0x161C0]  }
0x30a: {  	v28 =	vadd.f32 v35, v25;
	v26 =	vld [tilespmem:s1+$0x16110];
	v12 =	vadd.f32 v31, v12;
	v11 =	vmax.f32 v11, v31  }
0x30b: {  	v29 =	vmax.f32 v29, v7;
	v8 =	vmax.f32 v8, v33;
	v25 =	vld [tilespmem:s1+$0x16190];
	v9 =	vadd.f32 v33, v9  }
0x30c: {  	_ = 	snop  }
0x30d: {  	v7 =	vadd.f32 v7, v28;
	v27 =	vadd.f32 v5, v27;
	v1 =	vmax.f32 v16, v1  }
0x30e: {  	v6 =	vadd.f32 v13, v6;
	v19 =	vadd.f32 v0, v19;
	v0 =	vmax.f32 v1, v0  }
0x30f: {  	v7 =	vadd.f32 v21, v7;
	v13 =	vadd.f32 v26, v27;
	v27 =	vld [tilespmem:s1+$0x161B0];
	[tilespmem:$0x1E220] =	vst v0  }
0x310: {  	v5 =	vmax.f32 v24, v5;
	v21 =	vmax.f32 v29, v21;
	v0 =	vadd.f32 v2, v23;
	[tilespmem:$0x1E260] =	vst v11  }
0x311: {  	v21 =	vmax.f32 v21, v22;
	v5 =	vmax.f32 v5, v26;
	[tilespmem:$0x1E270] =	vst v8;
	v7 =	vadd.f32 v22, v7  }
0x312: {  	v6 =	vadd.f32 v3, v6;
	[tilespmem:$0x1E200] =	vst v21;
	v5 =	vmax.f32 v5, v25;
	v0 =	vmul.f32 $3.125000000e-02, v0  }
0x313: {  	v3 =	vmax.f32 v18, v3;
	[tilespmem:$0x1E210] =	vst v5;
	v7 =	vmul.f32 $3.125000000e-02, v7  }
0x314: {  	v3 =	vmax.f32 v3, v15;
	v6 =	vadd.f32 v15, v6;
	v13 =	vadd.f32 v25, v13;
	[tilespmem:$0x1E050] =	vst v0  }
0x315: {  	v0 =	vmul.f32 $3.125000000e-02, v12;
	[tilespmem:$0x1E000] =	vst v7;
	v3 =	vmax.f32 v3, v27  }
0x316: {  	v7 =	vmul.f32 $3.125000000e-02, v13;
	v6 =	vadd.f32 v27, v6;
	[tilespmem:$0x1E230] =	vst v3  }
0x317: {  	[tilespmem:$0x1E060] =	vst v0  }
0x318: {  	v5 =	vadd.f32 v17, v20;
	v3 =	vmax.f32 v10, v17;
	[tilespmem:$0x1E010] =	vst v7;
	v1 =	vmul.f32 $3.125000000e-02, v6  }
0x319: {  	v0 =	vmul.f32 $3.125000000e-02, v9;
	[tilespmem:$0x1E240] =	vst v3  }
0x31a: {  	[tilespmem:$0x1E030] =	vst v1;
	v1 =	vmul.f32 $3.125000000e-02, v5  }
0x31b: {  	v7 =	vmul.f32 $3.125000000e-02, v19;
	[tilespmem:$0x1E070] =	vst v0  }
0x31c: {  	[tilespmem:$0x1E040] =	vst v1;
	v1 =	vmax.f32 v14, v4  }
0x31d: {  	[tilespmem:$0x1E020] =	vst v7;
	v1 =	vmax.f32 v1, v2  }
0x31e: {  	s1 =	simm.s32 $0x0;
	[tilespmem:$0x1E250] =	vst v1  }
0x31f: {  	v0 =	vld [tilespmem:s1+$0x171A0]  }
0x320: {  	v8 =	vld [tilespmem:s1+$0x17140]  }
0x321: {  	v30 =	vld [tilespmem:s1+$0x171F0]  }
0x322: {  	v1 =	vld [tilespmem:s1+$0x17120]  }
0x323: {  	v9 =	vld [tilespmem:s1+$0x170C0]  }
0x324: {  	v10 =	vld [tilespmem:s1+$0x170F0]  }
0x325: {  	v11 =	vld [tilespmem:s1+$0x170A0]  }
0x326: {  	v4 =	vld [tilespmem:s1+$0x170E0]  }
0x327: {  	v12 =	vld [tilespmem:s1+$0x170D0]  }
0x328: {  	v3 =	vld [tilespmem:s1+$0x170B0]  }
0x329: {  	v13 =	vld [tilespmem:s1+$0x17060]  }
0x32a: {  	v7 =	vld [tilespmem:s1+$0x17080]  }
0x32b: {  	v14 =	vld [tilespmem:s1+$0x17160]  }
0x32c: {  	v15 =	vld [tilespmem:s1+$0x17070]  }
0x32d: {  	v19 =	vld [tilespmem:s1+$0x17050]  }
0x32e: {  	v5 =	vld [tilespmem:s1+$0x17090]  }
0x32f: {  	v16 =	vld [tilespmem:s1+$0x17040]  }
0x330: {  	v17 =	vimm.f32 $-Inf;
	v6 =	vimm.f32 $0.0e+00;
	v21 =	vld [tilespmem:s1+$0x17020]  }
0x331: {  	v33 =	vld [tilespmem:s1+$0x17170];
	v18 =	vadd.f32 v13, v6;
	v13 =	vmax.f32 v17, v13  }
0x332: {  	v34 =	vld [tilespmem:s1+$0x171E0];
	v22 =	vadd.f32 v15, v6;
	v32 =	vmax.f32 v17, v19;
	v20 =	vmax.f32 v13, v4  }
0x333: {  	v13 =	vld [tilespmem:s1+$0x17030];
	v18 =	vadd.f32 v4, v18;
	v4 =	vmax.f32 v17, v15;
	v25 =	vmax.f32 v20, v14  }
0x334: {  	v15 =	vld [tilespmem:s1+$0x17010];
	v20 =	vmax.f32 v17, v16;
	v28 =	vadd.f32 v10, v22;
	v26 =	vmax.f32 v4, v10  }
0x335: {  	v2 =	vld [tilespmem:s1+$0x171D0];
	v10 =	vadd.f32 v16, v6;
	v16 =	vadd.f32 v21, v6;
	v20 =	vmax.f32 v20, v9  }
0x336: {  	v31 =	vld [tilespmem:s1+$0x17000];
	v29 =	vadd.f32 v14, v18;
	v14 =	vadd.f32 v19, v6;
	v19 =	vmax.f32 v17, v21  }
0x337: {  	v4 =	vld [tilespmem:s1+$0x17150];
	v63 =	vmax.f32 v26, v33;
	v9 =	vadd.f32 v9, v10;
	v22 =	vadd.f32 v11, v16  }
0x338: {  	v21 =	vld [tilespmem:s1+$0x17100];
	v16 =	vmax.f32 v19, v11;
	v10 =	vmax.f32 v20, v8;
	v11 =	vmax.f32 v25, v34  }
0x339: {  	v26 =	vld [tilespmem:s1+$0x17110];
	v18 =	vmax.f32 v17, v13;
	v14 =	vadd.f32 v12, v14;
	v27 =	vadd.f32 v15, v6  }
0x33a: {  	v24 =	vmax.f32 v17, v15;
	v20 =	vadd.f32 v8, v9;
	v19 =	vadd.f32 v1, v22;
	v22 =	vld [tilespmem:s1+$0x17180]  }
0x33b: {  	v8 =	vmax.f32 v17, v31;
	v9 =	vadd.f32 v33, v28;
	v17 =	vld [tilespmem:s1+$0x171C0];
	v28 =	vadd.f32 v31, v6  }
0x33c: {  	v25 =	vld [tilespmem:s1+$0x17190];
	v23 =	vadd.f32 v4, v14;
	v14 =	vmax.f32 v32, v12;
	v12 =	vadd.f32 v34, v29  }
0x33d: {  	s0 =	simm.s32 $0x800;
	v15 =	vld [tilespmem:s1+$0x17130];
	v29 =	vmax.f32 v8, v7;
	v8 =	vmax.f32 v63, v30;
	v9 =	vadd.f32 v30, v9  }
.LBB2_22:
0x33e: {  	p1 =	sne.s32 s0, $0x3800;
	v27 =	vadd.f32 v5, v27;
	v18 =	vmax.f32 v18, v3;
	v29 =	vmax.f32 v29, v21;
	v30 =	vld [tilespmem:s1+$0x171B0];
	s1 =	sshra.s32 s0, $0x2;
	s0 =	sadd.s32 $0x800, s0  }
0x33f: {  	v6 =	vadd.f32 v13, v6;
	v23 =	vadd.f32 v2, v23;
	v31 =	vld [tilespmem:s1+$0x171A0];
	v29 =	vmax.f32 v29, v22  }
0x340: {  	v7 =	vadd.f32 v7, v28;
	v5 =	vmax.f32 v24, v5;
	v32 =	vld [tilespmem:s1+$0x17140];
	v20 =	vadd.f32 v17, v20  }
0x341: {  	v3 =	vadd.f32 v3, v6;
	v33 =	vld [tilespmem:s1+$0x171F0];
	v6 =	vadd.f32 v26, v27;
	v5 =	vmax.f32 v5, v26  }
0x342: {  	v13 =	vmax.f32 v16, v1;
	v7 =	vadd.f32 v21, v7;
	v1 =	vld [tilespmem:s1+$0x17120];
	v24 =	vmax.f32 v5, v25  }
0x343: {  	v3 =	vadd.f32 v15, v3;
	v5 =	vmax.f32 v18, v15;
	v16 =	vld [tilespmem:s1+$0x170C0];
	v15 =	vadd.f32 v25, v6  }
0x344: {  	v21 =	vmax.f32 v13, v0;
	v25 =	vadd.f32 v22, v7;
	v22 =	vmax.f32 v5, v30;
	v18 =	vld [tilespmem:s1+$0x170F0]  }
0x345: {  	v4 =	vmax.f32 v14, v4;
	v14 =	vadd.f32 v0, v19;
	v10 =	vmax.f32 v10, v17;
	v0 =	vmovc v31;
	v26 =	vld [tilespmem:s1+$0x170A0]  }
0x346: {  	v17 =	vmax.f32 v4, v2;
	v6 =	vadd.f32 v30, v3;
	v13 =	vld [tilespmem:s1+$0x170E0]  }
0x347: {  	v28 =	vld [tilespmem:s1+$0x170D0]  }
0x348: {  	v3 =	vld [tilespmem:s1+$0x170B0]  }
0x349: {  	v2 =	vld [tilespmem:s1+$0x17060]  }
0x34a: {  	v7 =	vld [tilespmem:s1+$0x17080]  }
0x34b: {  	v19 =	vld [tilespmem:s1+$0x17160]  }
0x34c: {  	v5 =	vld [tilespmem:s1+$0x17090]  }
0x34d: {  	v4 =	vld [tilespmem:s1+$0x17070]  }
0x34e: {  	v12 =	vadd.f32 v2, v12;
	v11 =	vmax.f32 v11, v2;
	v2 =	vld [tilespmem:s1+$0x171D0]  }
0x34f: {  	v27 =	vld [tilespmem:s1+$0x17040];
	v11 =	vmax.f32 v11, v13  }
0x350: {  	v30 =	vld [tilespmem:s1+$0x17050];
	v12 =	vadd.f32 v13, v12;
	v11 =	vmax.f32 v11, v19  }
0x351: {  	v31 =	vld [tilespmem:s1+$0x17020]  }
0x352: {  	v13 =	vld [tilespmem:s1+$0x17030];
	v9 =	vadd.f32 v4, v9;
	v4 =	vmax.f32 v8, v4  }
0x353: {  	v8 =	vmax.f32 v4, v18;
	v4 =	vld [tilespmem:s1+$0x17150]  }
0x354: {  	v12 =	vadd.f32 v19, v12;
	v34 =	vld [tilespmem:s1+$0x17010];
	v10 =	vmax.f32 v10, v27;
	v9 =	vadd.f32 v18, v9  }
0x355: {  	v19 =	vadd.f32 v27, v20;
	v35 =	vld [tilespmem:s1+$0x17000];
	v20 =	vadd.f32 v30, v23;
	v17 =	vmax.f32 v17, v30  }
0x356: {  	v10 =	vmax.f32 v10, v16;
	v14 =	vadd.f32 v31, v14;
	v21 =	vmax.f32 v21, v31;
	v30 =	vld [tilespmem:s1+$0x17170]  }
0x357: {  	v19 =	vadd.f32 v16, v19;
	v18 =	vmax.f32 v22, v13;
	v22 =	vadd.f32 v28, v20;
	v31 =	vld [tilespmem:s1+$0x171E0]  }
0x358: {  	v10 =	vmax.f32 v10, v32;
	v16 =	vmax.f32 v21, v26;
	v14 =	vadd.f32 v26, v14;
	v21 =	vld [tilespmem:s1+$0x17100]  }
.Ltmp10:
0x359: {  	v20 =	vadd.f32 v32, v19;
	v27 =	vadd.f32 v34, v15;
	v24 =	vmax.f32 v24, v34;
	v15 =	vld [tilespmem:s1+$0x17130];
	(pc) =	sbr.rel @p1 .LBB2_22-.Ltmp10, $4  }
0x35a: {  	v23 =	vadd.f32 v4, v22;
	v29 =	vmax.f32 v29, v35;
	v19 =	vadd.f32 v1, v14;
	v22 =	vld [tilespmem:s1+$0x17180]  }
0x35b: {  	v14 =	vmax.f32 v17, v28;
	v9 =	vadd.f32 v30, v9;
	v8 =	vmax.f32 v8, v30;
	v17 =	vld [tilespmem:s1+$0x171C0]  }
0x35c: {  	v28 =	vadd.f32 v35, v25;
	v26 =	vld [tilespmem:s1+$0x17110];
	v12 =	vadd.f32 v31, v12;
	v11 =	vmax.f32 v11, v31  }
0x35d: {  	v29 =	vmax.f32 v29, v7;
	v8 =	vmax.f32 v8, v33;
	v25 =	vld [tilespmem:s1+$0x17190];
	v9 =	vadd.f32 v33, v9  }
0x35e: {  	_ = 	snop  }
0x35f: {  	v7 =	vadd.f32 v7, v28;
	v27 =	vadd.f32 v5, v27;
	v1 =	vmax.f32 v16, v1  }
0x360: {  	v6 =	vadd.f32 v13, v6;
	v19 =	vadd.f32 v0, v19;
	v0 =	vmax.f32 v1, v0  }
0x361: {  	v7 =	vadd.f32 v21, v7;
	v13 =	vadd.f32 v26, v27;
	v27 =	vld [tilespmem:s1+$0x171B0];
	[tilespmem:$0x1E2A0] =	vst v0  }
0x362: {  	v5 =	vmax.f32 v24, v5;
	v21 =	vmax.f32 v29, v21;
	v0 =	vadd.f32 v2, v23;
	[tilespmem:$0x1E2E0] =	vst v11  }
0x363: {  	v21 =	vmax.f32 v21, v22;
	v5 =	vmax.f32 v5, v26;
	[tilespmem:$0x1E2F0] =	vst v8;
	v7 =	vadd.f32 v22, v7  }
0x364: {  	v6 =	vadd.f32 v3, v6;
	[tilespmem:$0x1E280] =	vst v21;
	v5 =	vmax.f32 v5, v25;
	v0 =	vmul.f32 $3.125000000e-02, v0  }
0x365: {  	v3 =	vmax.f32 v18, v3;
	[tilespmem:$0x1E290] =	vst v5;
	v7 =	vmul.f32 $3.125000000e-02, v7  }
0x366: {  	v3 =	vmax.f32 v3, v15;
	v6 =	vadd.f32 v15, v6;
	v13 =	vadd.f32 v25, v13;
	[tilespmem:$0x1E0D0] =	vst v0  }
0x367: {  	v0 =	vmul.f32 $3.125000000e-02, v12;
	[tilespmem:$0x1E080] =	vst v7;
	v3 =	vmax.f32 v3, v27  }
0x368: {  	v7 =	vmul.f32 $3.125000000e-02, v13;
	v6 =	vadd.f32 v27, v6;
	[tilespmem:$0x1E2B0] =	vst v3  }
0x369: {  	[tilespmem:$0x1E0E0] =	vst v0  }
0x36a: {  	v5 =	vadd.f32 v17, v20;
	v3 =	vmax.f32 v10, v17;
	[tilespmem:$0x1E090] =	vst v7;
	v1 =	vmul.f32 $3.125000000e-02, v6  }
0x36b: {  	v0 =	vmul.f32 $3.125000000e-02, v9;
	[tilespmem:$0x1E2C0] =	vst v3  }
0x36c: {  	[tilespmem:$0x1E0B0] =	vst v1;
	v1 =	vmul.f32 $3.125000000e-02, v5  }
0x36d: {  	v7 =	vmul.f32 $3.125000000e-02, v19;
	[tilespmem:$0x1E0F0] =	vst v0  }
0x36e: {  	[tilespmem:$0x1E0C0] =	vst v1;
	v1 =	vmax.f32 v14, v4  }
0x36f: {  	[tilespmem:$0x1E0A0] =	vst v7;
	v1 =	vmax.f32 v1, v2  }
0x370: {  	s1 =	simm.s32 $0x0;
	[tilespmem:$0x1E2D0] =	vst v1  }
0x371: {  	v0 =	vld [tilespmem:s1+$0x181A0]  }
0x372: {  	v8 =	vld [tilespmem:s1+$0x18140]  }
0x373: {  	v30 =	vld [tilespmem:s1+$0x181F0]  }
0x374: {  	v1 =	vld [tilespmem:s1+$0x18120]  }
0x375: {  	v9 =	vld [tilespmem:s1+$0x180C0]  }
0x376: {  	v10 =	vld [tilespmem:s1+$0x180F0]  }
0x377: {  	v11 =	vld [tilespmem:s1+$0x180A0]  }
0x378: {  	v4 =	vld [tilespmem:s1+$0x180E0]  }
0x379: {  	v12 =	vld [tilespmem:s1+$0x180D0]  }
0x37a: {  	v3 =	vld [tilespmem:s1+$0x180B0]  }
0x37b: {  	v13 =	vld [tilespmem:s1+$0x18060]  }
0x37c: {  	v7 =	vld [tilespmem:s1+$0x18080]  }
0x37d: {  	v14 =	vld [tilespmem:s1+$0x18160]  }
0x37e: {  	v15 =	vld [tilespmem:s1+$0x18070]  }
0x37f: {  	v19 =	vld [tilespmem:s1+$0x18050]  }
0x380: {  	v5 =	vld [tilespmem:s1+$0x18090]  }
0x381: {  	v16 =	vld [tilespmem:s1+$0x18040]  }
0x382: {  	v17 =	vimm.f32 $-Inf;
	v6 =	vimm.f32 $0.0e+00;
	v21 =	vld [tilespmem:s1+$0x18020]  }
0x383: {  	v33 =	vld [tilespmem:s1+$0x18170];
	v18 =	vadd.f32 v13, v6;
	v13 =	vmax.f32 v17, v13  }
0x384: {  	v34 =	vld [tilespmem:s1+$0x181E0];
	v22 =	vadd.f32 v15, v6;
	v32 =	vmax.f32 v17, v19;
	v20 =	vmax.f32 v13, v4  }
0x385: {  	v13 =	vld [tilespmem:s1+$0x18030];
	v18 =	vadd.f32 v4, v18;
	v4 =	vmax.f32 v17, v15;
	v25 =	vmax.f32 v20, v14  }
0x386: {  	v15 =	vld [tilespmem:s1+$0x18010];
	v20 =	vmax.f32 v17, v16;
	v28 =	vadd.f32 v10, v22;
	v26 =	vmax.f32 v4, v10  }
0x387: {  	v2 =	vld [tilespmem:s1+$0x181D0];
	v10 =	vadd.f32 v16, v6;
	v16 =	vadd.f32 v21, v6;
	v20 =	vmax.f32 v20, v9  }
0x388: {  	v31 =	vld [tilespmem:s1+$0x18000];
	v29 =	vadd.f32 v14, v18;
	v14 =	vadd.f32 v19, v6;
	v19 =	vmax.f32 v17, v21  }
0x389: {  	v4 =	vld [tilespmem:s1+$0x18150];
	v63 =	vmax.f32 v26, v33;
	v9 =	vadd.f32 v9, v10;
	v22 =	vadd.f32 v11, v16  }
0x38a: {  	v21 =	vld [tilespmem:s1+$0x18100];
	v16 =	vmax.f32 v19, v11;
	v10 =	vmax.f32 v20, v8;
	v11 =	vmax.f32 v25, v34  }
0x38b: {  	v26 =	vld [tilespmem:s1+$0x18110];
	v18 =	vmax.f32 v17, v13;
	v14 =	vadd.f32 v12, v14;
	v27 =	vadd.f32 v15, v6  }
0x38c: {  	v24 =	vmax.f32 v17, v15;
	v20 =	vadd.f32 v8, v9;
	v19 =	vadd.f32 v1, v22;
	v22 =	vld [tilespmem:s1+$0x18180]  }
0x38d: {  	v8 =	vmax.f32 v17, v31;
	v9 =	vadd.f32 v33, v28;
	v17 =	vld [tilespmem:s1+$0x181C0];
	v28 =	vadd.f32 v31, v6  }
0x38e: {  	v25 =	vld [tilespmem:s1+$0x18190];
	v23 =	vadd.f32 v4, v14;
	v14 =	vmax.f32 v32, v12;
	v12 =	vadd.f32 v34, v29  }
0x38f: {  	s0 =	simm.s32 $0x800;
	v15 =	vld [tilespmem:s1+$0x18130];
	v29 =	vmax.f32 v8, v7;
	v8 =	vmax.f32 v63, v30;
	v9 =	vadd.f32 v30, v9  }
.LBB2_24:
0x390: {  	p1 =	sne.s32 s0, $0x3800;
	v27 =	vadd.f32 v5, v27;
	v18 =	vmax.f32 v18, v3;
	v29 =	vmax.f32 v29, v21;
	v30 =	vld [tilespmem:s1+$0x181B0];
	s1 =	sshra.s32 s0, $0x2;
	s0 =	sadd.s32 $0x800, s0  }
0x391: {  	v6 =	vadd.f32 v13, v6;
	v23 =	vadd.f32 v2, v23;
	v31 =	vld [tilespmem:s1+$0x181A0];
	v29 =	vmax.f32 v29, v22  }
0x392: {  	v7 =	vadd.f32 v7, v28;
	v5 =	vmax.f32 v24, v5;
	v32 =	vld [tilespmem:s1+$0x18140];
	v20 =	vadd.f32 v17, v20  }
0x393: {  	v3 =	vadd.f32 v3, v6;
	v33 =	vld [tilespmem:s1+$0x181F0];
	v6 =	vadd.f32 v26, v27;
	v5 =	vmax.f32 v5, v26  }
0x394: {  	v13 =	vmax.f32 v16, v1;
	v7 =	vadd.f32 v21, v7;
	v1 =	vld [tilespmem:s1+$0x18120];
	v24 =	vmax.f32 v5, v25  }
0x395: {  	v3 =	vadd.f32 v15, v3;
	v5 =	vmax.f32 v18, v15;
	v16 =	vld [tilespmem:s1+$0x180C0];
	v15 =	vadd.f32 v25, v6  }
0x396: {  	v21 =	vmax.f32 v13, v0;
	v25 =	vadd.f32 v22, v7;
	v22 =	vmax.f32 v5, v30;
	v18 =	vld [tilespmem:s1+$0x180F0]  }
0x397: {  	v4 =	vmax.f32 v14, v4;
	v14 =	vadd.f32 v0, v19;
	v10 =	vmax.f32 v10, v17;
	v0 =	vmovc v31;
	v26 =	vld [tilespmem:s1+$0x180A0]  }
0x398: {  	v17 =	vmax.f32 v4, v2;
	v6 =	vadd.f32 v30, v3;
	v13 =	vld [tilespmem:s1+$0x180E0]  }
0x399: {  	v28 =	vld [tilespmem:s1+$0x180D0]  }
0x39a: {  	v3 =	vld [tilespmem:s1+$0x180B0]  }
0x39b: {  	v2 =	vld [tilespmem:s1+$0x18060]  }
0x39c: {  	v7 =	vld [tilespmem:s1+$0x18080]  }
0x39d: {  	v19 =	vld [tilespmem:s1+$0x18160]  }
0x39e: {  	v5 =	vld [tilespmem:s1+$0x18090]  }
0x39f: {  	v4 =	vld [tilespmem:s1+$0x18070]  }
0x3a0: {  	v12 =	vadd.f32 v2, v12;
	v11 =	vmax.f32 v11, v2;
	v2 =	vld [tilespmem:s1+$0x181D0]  }
0x3a1: {  	v27 =	vld [tilespmem:s1+$0x18040];
	v11 =	vmax.f32 v11, v13  }
0x3a2: {  	v30 =	vld [tilespmem:s1+$0x18050];
	v12 =	vadd.f32 v13, v12;
	v11 =	vmax.f32 v11, v19  }
0x3a3: {  	v31 =	vld [tilespmem:s1+$0x18020]  }
0x3a4: {  	v13 =	vld [tilespmem:s1+$0x18030];
	v9 =	vadd.f32 v4, v9;
	v4 =	vmax.f32 v8, v4  }
0x3a5: {  	v8 =	vmax.f32 v4, v18;
	v4 =	vld [tilespmem:s1+$0x18150]  }
0x3a6: {  	v12 =	vadd.f32 v19, v12;
	v34 =	vld [tilespmem:s1+$0x18010];
	v10 =	vmax.f32 v10, v27;
	v9 =	vadd.f32 v18, v9  }
0x3a7: {  	v19 =	vadd.f32 v27, v20;
	v35 =	vld [tilespmem:s1+$0x18000];
	v20 =	vadd.f32 v30, v23;
	v17 =	vmax.f32 v17, v30  }
0x3a8: {  	v10 =	vmax.f32 v10, v16;
	v14 =	vadd.f32 v31, v14;
	v21 =	vmax.f32 v21, v31;
	v30 =	vld [tilespmem:s1+$0x18170]  }
0x3a9: {  	v19 =	vadd.f32 v16, v19;
	v18 =	vmax.f32 v22, v13;
	v22 =	vadd.f32 v28, v20;
	v31 =	vld [tilespmem:s1+$0x181E0]  }
0x3aa: {  	v10 =	vmax.f32 v10, v32;
	v16 =	vmax.f32 v21, v26;
	v14 =	vadd.f32 v26, v14;
	v21 =	vld [tilespmem:s1+$0x18100]  }
.Ltmp11:
0x3ab: {  	v20 =	vadd.f32 v32, v19;
	v27 =	vadd.f32 v34, v15;
	v24 =	vmax.f32 v24, v34;
	v15 =	vld [tilespmem:s1+$0x18130];
	(pc) =	sbr.rel @p1 .LBB2_24-.Ltmp11, $4  }
0x3ac: {  	v23 =	vadd.f32 v4, v22;
	v29 =	vmax.f32 v29, v35;
	v19 =	vadd.f32 v1, v14;
	v22 =	vld [tilespmem:s1+$0x18180]  }
0x3ad: {  	v14 =	vmax.f32 v17, v28;
	v9 =	vadd.f32 v30, v9;
	v8 =	vmax.f32 v8, v30;
	v17 =	vld [tilespmem:s1+$0x181C0]  }
0x3ae: {  	v28 =	vadd.f32 v35, v25;
	v26 =	vld [tilespmem:s1+$0x18110];
	v12 =	vadd.f32 v31, v12;
	v11 =	vmax.f32 v11, v31  }
0x3af: {  	v29 =	vmax.f32 v29, v7;
	v8 =	vmax.f32 v8, v33;
	v25 =	vld [tilespmem:s1+$0x18190];
	v9 =	vadd.f32 v33, v9  }
0x3b0: {  	_ = 	snop  }
0x3b1: {  	v7 =	vadd.f32 v7, v28;
	v27 =	vadd.f32 v5, v27;
	v1 =	vmax.f32 v16, v1  }
0x3b2: {  	v6 =	vadd.f32 v13, v6;
	v19 =	vadd.f32 v0, v19;
	v0 =	vmax.f32 v1, v0  }
0x3b3: {  	v7 =	vadd.f32 v21, v7;
	v13 =	vadd.f32 v26, v27;
	v27 =	vld [tilespmem:s1+$0x181B0];
	[tilespmem:$0x1E320] =	vst v0  }
0x3b4: {  	v5 =	vmax.f32 v24, v5;
	v21 =	vmax.f32 v29, v21;
	v0 =	vadd.f32 v2, v23;
	[tilespmem:$0x1E360] =	vst v11  }
0x3b5: {  	v21 =	vmax.f32 v21, v22;
	v5 =	vmax.f32 v5, v26;
	[tilespmem:$0x1E370] =	vst v8;
	v7 =	vadd.f32 v22, v7  }
0x3b6: {  	v6 =	vadd.f32 v3, v6;
	[tilespmem:$0x1E300] =	vst v21;
	v5 =	vmax.f32 v5, v25;
	v0 =	vmul.f32 $3.125000000e-02, v0  }
0x3b7: {  	v3 =	vmax.f32 v18, v3;
	[tilespmem:$0x1E310] =	vst v5;
	v7 =	vmul.f32 $3.125000000e-02, v7  }
0x3b8: {  	v3 =	vmax.f32 v3, v15;
	v6 =	vadd.f32 v15, v6;
	v13 =	vadd.f32 v25, v13;
	[tilespmem:$0x1E150] =	vst v0  }
0x3b9: {  	v0 =	vmul.f32 $3.125000000e-02, v12;
	[tilespmem:$0x1E100] =	vst v7;
	v3 =	vmax.f32 v3, v27  }
0x3ba: {  	v7 =	vmul.f32 $3.125000000e-02, v13;
	v6 =	vadd.f32 v27, v6;
	[tilespmem:$0x1E330] =	vst v3  }
0x3bb: {  	[tilespmem:$0x1E160] =	vst v0  }
0x3bc: {  	v5 =	vadd.f32 v17, v20;
	v3 =	vmax.f32 v10, v17;
	[tilespmem:$0x1E110] =	vst v7;
	v1 =	vmul.f32 $3.125000000e-02, v6  }
0x3bd: {  	v0 =	vmul.f32 $3.125000000e-02, v9;
	[tilespmem:$0x1E340] =	vst v3  }
0x3be: {  	[tilespmem:$0x1E130] =	vst v1;
	v1 =	vmul.f32 $3.125000000e-02, v5  }
0x3bf: {  	v7 =	vmul.f32 $3.125000000e-02, v19;
	[tilespmem:$0x1E170] =	vst v0  }
0x3c0: {  	[tilespmem:$0x1E140] =	vst v1;
	v1 =	vmax.f32 v14, v4  }
0x3c1: {  	[tilespmem:$0x1E120] =	vst v7;
	v1 =	vmax.f32 v1, v2  }
0x3c2: {  	s1 =	simm.s32 $0x0;
	[tilespmem:$0x1E350] =	vst v1  }
0x3c3: {  	v0 =	vld [tilespmem:s1+$0x191A0]  }
0x3c4: {  	v8 =	vld [tilespmem:s1+$0x19140]  }
0x3c5: {  	v30 =	vld [tilespmem:s1+$0x191F0]  }
0x3c6: {  	v1 =	vld [tilespmem:s1+$0x19120]  }
0x3c7: {  	v9 =	vld [tilespmem:s1+$0x190C0]  }
0x3c8: {  	v10 =	vld [tilespmem:s1+$0x190F0]  }
0x3c9: {  	v11 =	vld [tilespmem:s1+$0x190A0]  }
0x3ca: {  	v4 =	vld [tilespmem:s1+$0x190E0]  }
0x3cb: {  	v12 =	vld [tilespmem:s1+$0x190D0]  }
0x3cc: {  	v3 =	vld [tilespmem:s1+$0x190B0]  }
0x3cd: {  	v13 =	vld [tilespmem:s1+$0x19060]  }
0x3ce: {  	v7 =	vld [tilespmem:s1+$0x19080]  }
0x3cf: {  	v14 =	vld [tilespmem:s1+$0x19160]  }
0x3d0: {  	v15 =	vld [tilespmem:s1+$0x19070]  }
0x3d1: {  	v19 =	vld [tilespmem:s1+$0x19050]  }
0x3d2: {  	v5 =	vld [tilespmem:s1+$0x19090]  }
0x3d3: {  	v16 =	vld [tilespmem:s1+$0x19040]  }
0x3d4: {  	v17 =	vimm.f32 $-Inf;
	v6 =	vimm.f32 $0.0e+00;
	v21 =	vld [tilespmem:s1+$0x19020]  }
0x3d5: {  	v33 =	vld [tilespmem:s1+$0x19170];
	v18 =	vadd.f32 v13, v6;
	v13 =	vmax.f32 v17, v13  }
0x3d6: {  	v34 =	vld [tilespmem:s1+$0x191E0];
	v22 =	vadd.f32 v15, v6;
	v32 =	vmax.f32 v17, v19;
	v20 =	vmax.f32 v13, v4  }
0x3d7: {  	v13 =	vld [tilespmem:s1+$0x19030];
	v18 =	vadd.f32 v4, v18;
	v4 =	vmax.f32 v17, v15;
	v25 =	vmax.f32 v20, v14  }
0x3d8: {  	v15 =	vld [tilespmem:s1+$0x19010];
	v20 =	vmax.f32 v17, v16;
	v28 =	vadd.f32 v10, v22;
	v26 =	vmax.f32 v4, v10  }
0x3d9: {  	v2 =	vld [tilespmem:s1+$0x191D0];
	v10 =	vadd.f32 v16, v6;
	v16 =	vadd.f32 v21, v6;
	v20 =	vmax.f32 v20, v9  }
0x3da: {  	v31 =	vld [tilespmem:s1+$0x19000];
	v29 =	vadd.f32 v14, v18;
	v14 =	vadd.f32 v19, v6;
	v19 =	vmax.f32 v17, v21  }
0x3db: {  	v4 =	vld [tilespmem:s1+$0x19150];
	v63 =	vmax.f32 v26, v33;
	v9 =	vadd.f32 v9, v10;
	v22 =	vadd.f32 v11, v16  }
0x3dc: {  	v21 =	vld [tilespmem:s1+$0x19100];
	v16 =	vmax.f32 v19, v11;
	v10 =	vmax.f32 v20, v8;
	v11 =	vmax.f32 v25, v34  }
0x3dd: {  	v26 =	vld [tilespmem:s1+$0x19110];
	v18 =	vmax.f32 v17, v13;
	v14 =	vadd.f32 v12, v14;
	v27 =	vadd.f32 v15, v6  }
0x3de: {  	v24 =	vmax.f32 v17, v15;
	v20 =	vadd.f32 v8, v9;
	v19 =	vadd.f32 v1, v22;
	v22 =	vld [tilespmem:s1+$0x19180]  }
0x3df: {  	v8 =	vmax.f32 v17, v31;
	v9 =	vadd.f32 v33, v28;
	v17 =	vld [tilespmem:s1+$0x191C0];
	v28 =	vadd.f32 v31, v6  }
0x3e0: {  	v25 =	vld [tilespmem:s1+$0x19190];
	v23 =	vadd.f32 v4, v14;
	v14 =	vmax.f32 v32, v12;
	v12 =	vadd.f32 v34, v29  }
0x3e1: {  	s0 =	simm.s32 $0x800;
	v15 =	vld [tilespmem:s1+$0x19130];
	v29 =	vmax.f32 v8, v7;
	v8 =	vmax.f32 v63, v30;
	v9 =	vadd.f32 v30, v9  }
.LBB2_26:
0x3e2: {  	p1 =	sne.s32 s0, $0x3800;
	v27 =	vadd.f32 v5, v27;
	v18 =	vmax.f32 v18, v3;
	v29 =	vmax.f32 v29, v21;
	v30 =	vld [tilespmem:s1+$0x191B0];
	s1 =	sshra.s32 s0, $0x2;
	s0 =	sadd.s32 $0x800, s0  }
0x3e3: {  	v6 =	vadd.f32 v13, v6;
	v23 =	vadd.f32 v2, v23;
	v31 =	vld [tilespmem:s1+$0x191A0];
	v29 =	vmax.f32 v29, v22  }
0x3e4: {  	v7 =	vadd.f32 v7, v28;
	v5 =	vmax.f32 v24, v5;
	v32 =	vld [tilespmem:s1+$0x19140];
	v20 =	vadd.f32 v17, v20  }
0x3e5: {  	v3 =	vadd.f32 v3, v6;
	v33 =	vld [tilespmem:s1+$0x191F0];
	v6 =	vadd.f32 v26, v27;
	v5 =	vmax.f32 v5, v26  }
0x3e6: {  	v13 =	vmax.f32 v16, v1;
	v7 =	vadd.f32 v21, v7;
	v1 =	vld [tilespmem:s1+$0x19120];
	v24 =	vmax.f32 v5, v25  }
0x3e7: {  	v3 =	vadd.f32 v15, v3;
	v5 =	vmax.f32 v18, v15;
	v16 =	vld [tilespmem:s1+$0x190C0];
	v15 =	vadd.f32 v25, v6  }
0x3e8: {  	v21 =	vmax.f32 v13, v0;
	v25 =	vadd.f32 v22, v7;
	v22 =	vmax.f32 v5, v30;
	v18 =	vld [tilespmem:s1+$0x190F0]  }
0x3e9: {  	v4 =	vmax.f32 v14, v4;
	v14 =	vadd.f32 v0, v19;
	v10 =	vmax.f32 v10, v17;
	v0 =	vmovc v31;
	v26 =	vld [tilespmem:s1+$0x190A0]  }
0x3ea: {  	v17 =	vmax.f32 v4, v2;
	v6 =	vadd.f32 v30, v3;
	v13 =	vld [tilespmem:s1+$0x190E0]  }
0x3eb: {  	v28 =	vld [tilespmem:s1+$0x190D0]  }
0x3ec: {  	v3 =	vld [tilespmem:s1+$0x190B0]  }
0x3ed: {  	v2 =	vld [tilespmem:s1+$0x19060]  }
0x3ee: {  	v7 =	vld [tilespmem:s1+$0x19080]  }
0x3ef: {  	v19 =	vld [tilespmem:s1+$0x19160]  }
0x3f0: {  	v5 =	vld [tilespmem:s1+$0x19090]  }
0x3f1: {  	v4 =	vld [tilespmem:s1+$0x19070]  }
0x3f2: {  	v12 =	vadd.f32 v2, v12;
	v11 =	vmax.f32 v11, v2;
	v2 =	vld [tilespmem:s1+$0x191D0]  }
0x3f3: {  	v27 =	vld [tilespmem:s1+$0x19040];
	v11 =	vmax.f32 v11, v13  }
0x3f4: {  	v30 =	vld [tilespmem:s1+$0x19050];
	v12 =	vadd.f32 v13, v12;
	v11 =	vmax.f32 v11, v19  }
0x3f5: {  	v31 =	vld [tilespmem:s1+$0x19020]  }
0x3f6: {  	v13 =	vld [tilespmem:s1+$0x19030];
	v9 =	vadd.f32 v4, v9;
	v4 =	vmax.f32 v8, v4  }
0x3f7: {  	v8 =	vmax.f32 v4, v18;
	v4 =	vld [tilespmem:s1+$0x19150]  }
0x3f8: {  	v12 =	vadd.f32 v19, v12;
	v34 =	vld [tilespmem:s1+$0x19010];
	v10 =	vmax.f32 v10, v27;
	v9 =	vadd.f32 v18, v9  }
0x3f9: {  	v19 =	vadd.f32 v27, v20;
	v35 =	vld [tilespmem:s1+$0x19000];
	v20 =	vadd.f32 v30, v23;
	v17 =	vmax.f32 v17, v30  }
0x3fa: {  	v10 =	vmax.f32 v10, v16;
	v14 =	vadd.f32 v31, v14;
	v21 =	vmax.f32 v21, v31;
	v30 =	vld [tilespmem:s1+$0x19170]  }
0x3fb: {  	v19 =	vadd.f32 v16, v19;
	v18 =	vmax.f32 v22, v13;
	v22 =	vadd.f32 v28, v20;
	v31 =	vld [tilespmem:s1+$0x191E0]  }
0x3fc: {  	v10 =	vmax.f32 v10, v32;
	v16 =	vmax.f32 v21, v26;
	v14 =	vadd.f32 v26, v14;
	v21 =	vld [tilespmem:s1+$0x19100]  }
.Ltmp12:
0x3fd: {  	v20 =	vadd.f32 v32, v19;
	v27 =	vadd.f32 v34, v15;
	v24 =	vmax.f32 v24, v34;
	v15 =	vld [tilespmem:s1+$0x19130];
	(pc) =	sbr.rel @p1 .LBB2_26-.Ltmp12, $4  }
0x3fe: {  	v23 =	vadd.f32 v4, v22;
	v29 =	vmax.f32 v29, v35;
	v19 =	vadd.f32 v1, v14;
	v22 =	vld [tilespmem:s1+$0x19180]  }
0x3ff: {  	v14 =	vmax.f32 v17, v28;
	v9 =	vadd.f32 v30, v9;
	v8 =	vmax.f32 v8, v30;
	v17 =	vld [tilespmem:s1+$0x191C0]  }
0x400: {  	v28 =	vadd.f32 v35, v25;
	v26 =	vld [tilespmem:s1+$0x19110];
	v12 =	vadd.f32 v31, v12;
	v11 =	vmax.f32 v11, v31  }
0x401: {  	v29 =	vmax.f32 v29, v7;
	v8 =	vmax.f32 v8, v33;
	v25 =	vld [tilespmem:s1+$0x19190];
	v9 =	vadd.f32 v33, v9  }
0x402: {  	v50 =	vld [tilespmem:s1+$0x191B0];
	v1 =	vmax.f32 v16, v1;
	[tilespmem:$0x1E3E0] =	vst v11  }
0x403: {  	v61 =	vmax.f32 v14, v4;
	[tilespmem:$0x1E3F0] =	vst v8;
	v56 =	vmax.f32 v1, v0  }
0x404: {  	v7 =	vadd.f32 v7, v28;
	v62 =	vmul.f32 $3.125000000e-02, v12;
	v1 =	vmax.f32 v61, v2;
	[tilespmem:$0x1E3A0] =	vst v56  }
0x405: {  	v27 =	vadd.f32 v5, v27;
	v6 =	vadd.f32 v13, v6;
	v49 =	vmax.f32 v29, v21;
	[tilespmem:$0x1E3D0] =	vst v1  }
0x406: {  	v19 =	vadd.f32 v0, v19;
	v7 =	vadd.f32 v21, v7;
	v21 =	vmax.f32 v49, v22;
	[tilespmem:$0x1E1E0] =	vst v62  }
0x407: {  	v58 =	vadd.f32 v2, v23;
	v63 =	vmul.f32 $3.125000000e-02, v9;
	v60 =	vmax.f32 v10, v17;
	[tilespmem:$0x1E380] =	vst v21  }
0x408: {  	v51 =	vmax.f32 v24, v5;
	v54 =	vmax.f32 v18, v3;
	v53 =	vmul.f32 $3.125000000e-02, v19;
	[tilespmem:$0x1E3C0] =	vst v60  }
0x409: {  	v6 =	vadd.f32 v3, v6;
	v55 =	vadd.f32 v17, v20;
	v0 =	vmul.f32 $3.125000000e-02, v58;
	[tilespmem:$0x1E1F0] =	vst v63  }
0x40a: {  	v3 =	vmax.f32 v54, v15;
	v48 =	vadd.f32 v26, v27;
	v5 =	vmax.f32 v51, v26;
	[tilespmem:$0x1E1A0] =	vst v53  }
0x40b: {  	v7 =	vadd.f32 v22, v7;
	v6 =	vadd.f32 v15, v6;
	v5 =	vmax.f32 v5, v25;
	[tilespmem:$0x1E1D0] =	vst v0  }
0x40c: {  	v59 =	vmul.f32 $3.125000000e-02, v55;
	v13 =	vadd.f32 v25, v48;
	[tilespmem:$0x1E390] =	vst v5;
	v3 =	vmax.f32 v3, v50  }
0x40d: {  	v7 =	vmul.f32 $3.125000000e-02, v7;
	v6 =	vadd.f32 v50, v6;
	[tilespmem:$0x1E3B0] =	vst v3  }
0x40e: {  	[tilespmem:$0x1E1C0] =	vst v59;
	v52 =	vmul.f32 $3.125000000e-02, v13  }
0x40f: {  	[tilespmem:$0x1E180] =	vst v7;
	v57 =	vmul.f32 $3.125000000e-02, v6  }
0x410: {  	[tilespmem:$0x1E190] =	vst v52  }
0x411: {  	s28 =	sadd.s32 $0x1, s28;
	[tilespmem:$0x1E1B0] =	vst v57  }
0x412: {  	[hbm4b:s10+s21] =	stream.strided.scatter [tilespmem:s23], [sflag:$0x3], $0x400, s22, s21, $0x38;
	[tilespmem:$0x1E800] =	vst v63  }
0x413: {  	p1 =	sne.s32 s28, s11;
	_ =	swait.ge [sflag:s25], $0x400  }
.Ltmp13:
0x414: {  	[sflag:s25] =	ssyncset.done $0x0;
	(pc) =	sbr.rel @p1 .LBB2_1-.Ltmp13, $4  }
0x415: {  	[sflag:s25] =	ssyncadd.s32 $0xFFFFFC00  }
0x416: {  	_ =	swait.ge [sflag:s26], $0x400  }
0x417: {  	[sflag:s26] =	ssyncset.done $0x0  }
0x418: {  	[sflag:s26] =	ssyncadd.s32 $0xFFFFFC00  }
0x419: {  	_ =	sfence.sel $0x180000  }
0x41a: {  	[bflag:$0x0] =	sbarrier.arrive $0xFFFF  }
0x41b: {  	_ =	strace $0x90000047  }
0x41c: {  	s0 =	stileid.u32;
	[bflag:$0x2] =	sbarrier.arrive $0xFFFF  }
0x41d: {  	p0 =	sne.s32 s0, $0x0;
	s0 =	rddreg [dreg:$0x4]  }
0x41e: {  	s0 =	sadd.s32 @!p0 $0x100000, s0  }
0x41f: {  	[sflag:s0] =	ssyncadd.tile.s32 @!p0 $0x1;
	_ =	shalt  }
.Lfunc_end2:
_tile_overlayer_lowered:
.L_overlay_start_2:
0x420: {  	(tag) =	ssettag $0x2  }
0x421: {  	s0 =	rddreg [dreg:$0x0];
	s2 =	stileid.u32  }
0x422: {  	s1 =	rddreg [dreg:$0x1];
	p0 =	sne.s32 s2, $0x0  }
0x423: {  	s3 =	rddreg [dreg:$0x2];
	[bflag:$0x3] =	sbarrier.arrive $0xFFFF;
	s2 =	simm.s32 @!p0 $0x1C05  }
0x424: {  	[timem:s3], [sflag:s2] =	dma.local @!p0 [hbm:s0], s1  }
0x425: {  	s0 =	simm.s32 @!p0 $0x5  }
0x426: {  	_ =	swait.ge @!p0 [sflag:s0], s1  }
0x427: {  	s1 =	ssub.s32 @!p0 $0x0, s1;
	[sflag:s0] =	ssyncset.done @!p0 $0x0  }
0x428: {  	[sflag:s0] =	ssyncadd.s32 @!p0 s1  }
0x429: {  	[bflag:$0x3] =	sbarrier.arrive $0xFFFF  }
0x42a: {  	_ =	shalt  }

</sc_bundles>
